<compile_context>
chip_gen: v7x
topology: tpu7x:2x2x1
jax: 0.10.2.dev20260603
libtpu: 0.0.44.dev20260713+nightly
codegen_flags: <defaults>
</compile_context>

<pallas_src>
import functools

import jax
import jax.numpy as jnp
from jax import lax
from jax.experimental import pallas as pl
from jax.experimental.pallas import tpu as pltpu
from jax.experimental.pallas import tpu_sc as plsc

N_BINS = 64
NC, NS, L = 2, 16, 16
NW = NC * NS


def _sc_hist_t(xt, params, B, C):
    rows_per_w = B // NW
    chunk = 128
    n_chunks = rows_per_w // chunk
    table_len = C * N_BINS

    mesh = plsc.VectorSubcoreMesh(
        core_axis_name="c", subcore_axis_name="s", num_cores=NC,
        num_subcores=NS)

    @functools.partial(
        pl.kernel,
        out_type=jax.ShapeDtypeStruct((NW, table_len), jnp.float32),
        mesh=mesh,
        scratch_types=[
            pltpu.VMEM((C, chunk), jnp.float32),
            pltpu.VMEM((C, chunk), jnp.float32),
            pltpu.VMEM((3 * C * L,), jnp.float32),
            pltpu.VMEM((table_len,), jnp.float32),
            pltpu.SemaphoreType.DMA,
            pltpu.SemaphoreType.DMA,
        ],
        compiler_params=pltpu.CompilerParams(needs_layout_passes=False),
    )
    def hist_kernel(xt_hbm, p_hbm, out_hbm, x_buf0, x_buf1, pbuf, table,
                    sem0, sem1):
        wid = lax.axis_index("s") * NC + lax.axis_index("c")
        base_b = wid * rows_per_w
        bufs = (x_buf0, x_buf1)
        sems = (sem0, sem1)

        copies = [None] * n_chunks
        copies[0] = pltpu.async_copy(
            xt_hbm.at[:, pl.ds(base_b, chunk)], x_buf0, sem0)

        pltpu.sync_copy(p_hbm, pbuf)

        zeros = jnp.zeros((L,), jnp.float32)

        @plsc.parallel_loop(0, table_len // L, unroll=8)
        def zero_body(i):
            table[pl.ds(pl.multiple_of(i * L, L), L)] = zeros

        ones = jnp.ones((L,), jnp.float32)

        for k in range(n_chunks):
            if k + 1 < n_chunks:
                copies[k + 1] = pltpu.async_copy(
                    xt_hbm.at[:, pl.ds(base_b + (k + 1) * chunk, chunk)],
                    bufs[(k + 1) % 2], sems[(k + 1) % 2])
            copies[k].wait()
            x_buf = bufs[k % 2]

            @plsc.parallel_loop(0, C, unroll=2)
            def col_body(c):
                co = pl.multiple_of(c * L, L)
                av = pbuf[pl.ds(co, L)]
                bv = pbuf[pl.ds(C * L + co, L)]
                sv = pbuf[pl.ds(2 * C * L + co, L)]
                base = jnp.full((L,), c, jnp.int32) * N_BINS
                for i in range(chunk // L):
                    xv = x_buf[c, pl.ds(i * L, L)]
                    u = (xv - av) * sv
                    cl = jnp.minimum(jnp.maximum(u, 0.0), float(N_BINS - 1))
                    idx = cl.astype(jnp.int32) + base
                    valid = (xv >= av) & (xv <= bv)
                    plsc.addupdate_scatter(table, [idx], ones, mask=valid)

        pltpu.sync_copy(table, out_hbm.at[wid])

    return hist_kernel(xt, params)


def _sc_hist(x2d, ab, B, C):
    rows_per_w = B // NW
    n_chunks = 4
    chunk = rows_per_w // n_chunks
    n_groups = (C + L - 1) // L
    table_len = C * N_BINS

    mesh = plsc.VectorSubcoreMesh(
        core_axis_name="c", subcore_axis_name="s", num_cores=NC,
        num_subcores=NS)

    @functools.partial(
        pl.kernel,
        out_type=jax.ShapeDtypeStruct((NW, table_len), jnp.float32),
        mesh=mesh,
        scratch_types=[
            pltpu.VMEM((chunk, C), jnp.float32),
            pltpu.VMEM((chunk, C), jnp.float32),
            pltpu.VMEM((2 * C,), jnp.float32),
            pltpu.VMEM((table_len,), jnp.float32),
            pltpu.SemaphoreType.DMA,
            pltpu.SemaphoreType.DMA,
        ],
        compiler_params=pltpu.CompilerParams(needs_layout_passes=False),
    )
    def hist_kernel(x_hbm, ab_hbm, out_hbm, x_buf0, x_buf1, ab_buf, table,
                    sem0, sem1):
        wid = lax.axis_index("s") * NC + lax.axis_index("c")
        base_row = wid * rows_per_w
        bufs = (x_buf0, x_buf1)
        sems = (sem0, sem1)

        copies = [None] * n_chunks
        copies[0] = pltpu.async_copy(
            x_hbm.at[pl.ds(base_row, chunk), :], x_buf0, sem0)

        pltpu.sync_copy(ab_hbm, ab_buf)

        zeros = jnp.zeros((L,), jnp.float32)

        @plsc.parallel_loop(0, table_len // L, unroll=8)
        def zero_body(i):
            table[pl.ds(pl.multiple_of(i * L, L), L)] = zeros

        lane = lax.iota(jnp.int32, L)
        ones = jnp.ones((L,), jnp.float32)

        for k in range(n_chunks):
            if k + 1 < n_chunks:
                copies[k + 1] = pltpu.async_copy(
                    x_hbm.at[pl.ds(base_row + (k + 1) * chunk, chunk), :],
                    bufs[(k + 1) % 2], sems[(k + 1) % 2])
            copies[k].wait()
            x_buf = bufs[k % 2]

            for g in range(n_groups):
                off = C - L if g == n_groups - 1 else g * L
                full = (g + 1) * L <= C
                av = ab_buf[pl.ds(off, L)]
                bv = ab_buf[pl.ds(C + off, L)]
                sv = float(N_BINS) / (bv - av)
                base = (lane + off) * N_BINS
                gmask = None if full else lane >= (g * L - off)

                @plsc.parallel_loop(0, chunk, unroll=8)
                def row_body(r):
                    xv = x_buf[r, pl.ds(off, L)]
                    u = (xv - av) * sv
                    cl = jnp.minimum(jnp.maximum(u, 0.0), float(N_BINS - 1))
                    idx = cl.astype(jnp.int32) + base
                    valid = (xv >= av) & (xv <= bv)
                    if gmask is not None:
                        valid = valid & gmask
                    plsc.addupdate_scatter(table, [idx], ones, mask=valid)

        pltpu.sync_copy(table, out_hbm.at[wid])

    return hist_kernel(x2d, ab)


def _tc_loss(tables3, dens3, B, n_entries):
    def loss_body(tabs_ref, dens_ref, out_ref):
        counts = jnp.sum(tabs_ref[...], axis=0)
        diff = jnp.abs(counts * (1.0 / B) - dens_ref[...])
        out_ref[0, 0] = jnp.sum(diff) * (1.0 / n_entries)

    out = pl.pallas_call(
        loss_body,
        out_shape=jax.ShapeDtypeStruct((1, 1), jnp.float32),
        out_specs=pl.BlockSpec(memory_space=pltpu.SMEM),
    )(tables3, dens3)
    return out[0, 0]


def kernel(x_fake, densities, bin_min, bin_max):
    B, T, D = x_fake.shape
    C = T * D
    pvals = jnp.stack(
        [bin_min, bin_max, jnp.float32(N_BINS) / (bin_max - bin_min)])
    params = jnp.broadcast_to(pvals[:, :, None], (3, C, L)).reshape(3 * C * L)
    n_split = 2
    part = B // n_split
    tabs = [
        _sc_hist_t(
            x_fake[i * part:(i + 1) * part].reshape(part, C).T, params,
            part, C)
        for i in range(n_split)
    ]
    tables3 = jnp.concatenate(tabs).reshape(
        n_split * NW, C * N_BINS // 128, 128)
    dens3 = densities.reshape(C * N_BINS // 128, 128)
    return _tc_loss(tables3, dens3, B, C * N_BINS)

# --- scband reference (transcript-rebuilt; emitter-appended) ---
"""Pipeline reference for scband-histo-loss-63806034149742 (READ-ONLY COPY).

The authoritative reference and input builder live on the scoring server;
editing this copy changes nothing except your own understanding.
"""

import jax, jax.numpy as jnp
import numpy as np

N_BINS = 64


def _hist_counts(x_cols, a, b, n_bins):
    # x_cols: [B, C]; a, b: [C] fixed per-column ranges (torch.histc semantics:
    # elements outside [a, b] are ignored; element == b falls in the last bin).
    width = b - a
    idx = jnp.floor((x_cols - a[None, :]) / width[None, :] * n_bins)
    idx = jnp.clip(idx, 0, n_bins - 1).astype(jnp.int32)
    valid = ((x_cols >= a[None, :]) & (x_cols <= b[None, :])).astype(jnp.float32)
    C = x_cols.shape[1]
    flat_idx = (idx + jnp.arange(C, dtype=jnp.int32)[None, :] * n_bins).reshape(-1)
    counts = jnp.zeros((C * n_bins,), jnp.float32).at[flat_idx].add(valid.reshape(-1))
    return counts.reshape(C, n_bins)


def setup_inputs(seed: int = 0) -> dict:
    key = jax.random.key(seed)
    k1, k2 = jax.random.split(key)
    B, T, D = 16384, 20, 10
    # x_real is the init-time tensor used to build the target histograms.
    x_real = jax.random.normal(k1, (B, T, D), dtype=jnp.float32)
    cols_real = x_real.reshape(B, T * D)
    a = jnp.min(cols_real, axis=0)
    b = jnp.max(cols_real, axis=0)
    b = jnp.where(b == a, b + 1e-05, b)
    counts_real = _hist_counts(cols_real, a, b, N_BINS)
    densities = counts_real / float(B)  # normalize=True path: count / (shape[0]*shape[1]) with x_ti reshaped (-1,1)
    x_fake = jax.random.normal(k2, (B, T, D), dtype=jnp.float32)
    return {"x_fake": x_fake, "densities": densities, "bin_min": a, "bin_max": b}


def reference(x_fake, densities, bin_min, bin_max):
    B, T, D = x_fake.shape
    cols = x_fake.reshape(B, T * D)
    counts = _hist_counts(cols, bin_min, bin_max, N_BINS)
    d_fake = counts / float(B)
    abs_metric = jnp.abs(d_fake - densities)          # [T*D, n_bins]
    loss_componentwise = jnp.mean(abs_metric, axis=1)  # torch.mean(abs_metric, 0) per (i,t) column
    return 1.0 * jnp.mean(loss_componentwise)          # reg * loss_componentwise.mean()

if __name__ == "__main__":
    import jax
    _d = setup_inputs()
    print(jax.jit(kernel)(*tuple(_d.values())))

</pallas_src>

<mosaic_0001>
#map = affine_map<(d0, d1) -> (0, 0)>
#map1 = affine_map<(d0, d1) -> (0)>
module attributes {stable_mosaic.version = 14 : i64} {
  func.func @hist_kernel(%arg0: i32, %arg1: i32, %arg2: memref<200x8192xf32, #tpu.memory_space<hbm>>, %arg3: memref<9600xf32, #tpu.memory_space<hbm>>, %arg4: memref<32x12800xf32, #tpu.memory_space<hbm>>, %arg5: memref<200x128xf32, #tpu.memory_space<vmem>>, %arg6: memref<200x128xf32, #tpu.memory_space<vmem>>, %arg7: memref<9600xf32, #tpu.memory_space<vmem>>, %arg8: memref<12800xf32, #tpu.memory_space<vmem>>, %arg9: memref<!tpu.dma_semaphore, #tpu.memory_space<semaphore_mem>>, %arg10: memref<!tpu.dma_semaphore, #tpu.memory_space<semaphore_mem>>) attributes {dimension_semantics = [#tpu.dimension_semantics<core_parallel>, #tpu.dimension_semantics<subcore_parallel>], iteration_bounds = array<i64: 2, 16>, scalar_prefetch = 0 : i64, scratch_operands = 6 : i64, tpu.core_type = #tpu.core_type<sc_vector_subcore>, window_params = [{transform_indices = #map}, {transform_indices = #map1}, {transform_indices = #map}]} {
    %mul3A = arith.constant 2 : i32
    %mul3A_0 = arith.muli %arg1, %mul3A : i32
    %add3A = arith.addi %mul3A_0, %arg0 : i32
    %mul3A_1 = arith.constant 256 : i32
    %mul3A_2 = arith.muli %add3A, %mul3A_1 : i32
    %dma_start3A = arith.constant 0 : i32
    %dma_start3A_3 = tpu.memref_slice %arg2[%dma_start3A, %mul3A_2] : memref<200x8192xf32, #tpu.memory_space<hbm>> -> memref<200x128xf32, #tpu.memory_space<hbm>>
    %dma_start3A_4 = arith.constant 0 : i32
    %dma_start3A_5 = tpu.memref_slice %arg2[%dma_start3A_4, %mul3A_2] : memref<200x8192xf32, #tpu.memory_space<hbm>> -> memref<200x128xf32, #tpu.memory_space<hbm>>
    tpu.enqueue_dma source(%dma_start3A_5 : memref<200x128xf32, #tpu.memory_space<hbm>>) target(%arg5 : memref<200x128xf32, #tpu.memory_space<vmem>>) target_semaphore(%arg9 : memref<!tpu.dma_semaphore, #tpu.memory_space<semaphore_mem>>)
    "tpu.region"() ({
      %run_scoped3A = tpu.sem_alloc : memref<!tpu.dma_semaphore, #tpu.memory_space<semaphore_mem>>
      tpu.enqueue_dma source(%arg3 : memref<9600xf32, #tpu.memory_space<hbm>>) target(%arg7 : memref<9600xf32, #tpu.memory_space<vmem>>) target_semaphore(%run_scoped3A : memref<!tpu.dma_semaphore, #tpu.memory_space<semaphore_mem>>)
      tpu.wait_dma2 semaphore(%run_scoped3A : memref<!tpu.dma_semaphore, #tpu.memory_space<semaphore_mem>>) src(%arg3 : memref<9600xf32, #tpu.memory_space<hbm>>) dst(%arg7 : memref<9600xf32, #tpu.memory_space<vmem>>)
      tpu.yield
    }) : () -> ()
    %broadcast_in_dim3A = arith.constant 0.000000e+00 : f32
    %broadcast_in_dim3A_6 = vector.broadcast %broadcast_in_dim3A : f32 to vector<16xf32>
    %parallel_loop3A = arith.constant 0 : i32
    %parallel_loop3A_7 = arith.constant 800 : i32
    %parallel_loop3A_8 = arith.constant 1 : i32
    scf.for %parallel_loop3A_30 = %parallel_loop3A to %parallel_loop3A_7 step %parallel_loop3A_8  : i32 {
      %parallel_loop3A_31 = arith.constant 16 : i32
      %parallel_loop3A_32 = arith.muli %parallel_loop3A_30, %parallel_loop3A_31 : i32
      %parallel_loop3A_33 = tpu.assume_multiple %parallel_loop3A_32, 16 : i32
      %parallel_loop3A_34 = arith.index_cast %parallel_loop3A_33 : i32 to index
      %parallel_loop3A_35 = tpu.vector_load %arg8[%parallel_loop3A_34] {strides = array<i32>} : memref<12800xf32, #tpu.memory_space<vmem>>, vector<16xf32>,
      tpu.vector_store %arg8[%parallel_loop3A_34], %broadcast_in_dim3A_6 {strides = array<i32>} : memref<12800xf32, #tpu.memory_space<vmem>>, vector<16xf32>,
    } {sc.loop_unroll_factor = 8 : i64, sc.parallel_access}
    %broadcast_in_dim3A_9 = arith.constant 1.000000e+00 : f32
    %broadcast_in_dim3A_10 = vector.broadcast %broadcast_in_dim3A_9 : f32 to vector<16xf32>
    %add3A_11 = arith.constant 128 : i32
    %add3A_12 = arith.addi %mul3A_2, %add3A_11 : i32
    %dma_start3A_13 = arith.constant 0 : i32
    %dma_start3A_14 = tpu.memref_slice %arg2[%dma_start3A_13, %add3A_12] : memref<200x8192xf32, #tpu.memory_space<hbm>> -> memref<200x128xf32, #tpu.memory_space<hbm>>
    %dma_start3A_15 = arith.constant 0 : i32
    %dma_start3A_16 = tpu.memref_slice %arg2[%dma_start3A_15, %add3A_12] : memref<200x8192xf32, #tpu.memory_space<hbm>> -> memref<200x128xf32, #tpu.memory_space<hbm>>
    tpu.enqueue_dma source(%dma_start3A_16 : memref<200x128xf32, #tpu.memory_space<hbm>>) target(%arg6 : memref<200x128xf32, #tpu.memory_space<vmem>>) target_semaphore(%arg10 : memref<!tpu.dma_semaphore, #tpu.memory_space<semaphore_mem>>)
    %dma_wait3A = arith.constant 0 : i32
    %dma_wait3A_17 = tpu.memref_slice %arg2[%dma_wait3A, %mul3A_2] : memref<200x8192xf32, #tpu.memory_space<hbm>> -> memref<200x128xf32, #tpu.memory_space<hbm>>
    %dma_wait3A_18 = arith.constant 0 : i32
    %dma_wait3A_19 = tpu.memref_slice %arg2[%dma_wait3A_18, %mul3A_2] : memref<200x8192xf32, #tpu.memory_space<hbm>> -> memref<200x128xf32, #tpu.memory_space<hbm>>
    tpu.wait_dma2 semaphore(%arg9 : memref<!tpu.dma_semaphore, #tpu.memory_space<semaphore_mem>>) src(%dma_wait3A_19 : memref<200x128xf32, #tpu.memory_space<hbm>>) dst(%arg5 : memref<200x128xf32, #tpu.memory_space<vmem>>)
    %parallel_loop3A_20 = arith.constant 0 : i32
    %parallel_loop3A_21 = arith.constant 200 : i32
    %parallel_loop3A_22 = arith.constant 1 : i32
    scf.for %parallel_loop3A_30 = %parallel_loop3A_20 to %parallel_loop3A_21 step %parallel_loop3A_22  : i32 {
      %parallel_loop3A_31 = arith.constant 16 : i32
      %parallel_loop3A_32 = arith.muli %parallel_loop3A_30, %parallel_loop3A_31 : i32
      %parallel_loop3A_33 = tpu.assume_multiple %parallel_loop3A_32, 16 : i32
      %parallel_loop3A_34 = arith.index_cast %parallel_loop3A_33 : i32 to index
      %parallel_loop3A_35 = tpu.vector_load %arg7[%parallel_loop3A_34] {strides = array<i32>} : memref<9600xf32, #tpu.memory_space<vmem>>, vector<16xf32>,
      %parallel_loop3A_36 = arith.constant 3200 : i32
      %parallel_loop3A_37 = arith.addi %parallel_loop3A_36, %parallel_loop3A_33 : i32
      %parallel_loop3A_38 = arith.index_cast %parallel_loop3A_37 : i32 to index
      %parallel_loop3A_39 = tpu.vector_load %arg7[%parallel_loop3A_38] {strides = array<i32>} : memref<9600xf32, #tpu.memory_space<vmem>>, vector<16xf32>,
      %parallel_loop3A_40 = arith.constant 6400 : i32
      %parallel_loop3A_41 = arith.addi %parallel_loop3A_40, %parallel_loop3A_33 : i32
      %parallel_loop3A_42 = arith.index_cast %parallel_loop3A_41 : i32 to index
      %parallel_loop3A_43 = tpu.vector_load %arg7[%parallel_loop3A_42] {strides = array<i32>} : memref<9600xf32, #tpu.memory_space<vmem>>, vector<16xf32>,
      %parallel_loop3A_44 = vector.broadcast %parallel_loop3A_30 : i32 to vector<16xi32>
      %parallel_loop3A_45 = arith.constant 64 : i32
      %parallel_loop3A_46 = vector.broadcast %parallel_loop3A_45 : i32 to vector<16xi32>
      %parallel_loop3A_47 = arith.muli %parallel_loop3A_44, %parallel_loop3A_46 : vector<16xi32>
      %parallel_loop3A_48 = arith.index_cast %parallel_loop3A_30 : i32 to index
      %parallel_loop3A_49 = arith.constant 0 : index
      %parallel_loop3A_50 = tpu.vector_load %arg5[%parallel_loop3A_48, %parallel_loop3A_49] {strides = array<i32>} : memref<200x128xf32, #tpu.memory_space<vmem>>, vector<16xf32>,
      %parallel_loop3A_51 = arith.subf %parallel_loop3A_50, %parallel_loop3A_35 : vector<16xf32>
      %parallel_loop3A_52 = arith.mulf %parallel_loop3A_51, %parallel_loop3A_43 : vector<16xf32>
      %parallel_loop3A_53 = arith.constant 0.000000e+00 : f32
      %parallel_loop3A_54 = vector.broadcast %parallel_loop3A_53 : f32 to vector<16xf32>
      %parallel_loop3A_55 = arith.maximumf %parallel_loop3A_52, %parallel_loop3A_54 : vector<16xf32>
      %parallel_loop3A_56 = arith.constant 6.300000e+01 : f32
      %parallel_loop3A_57 = vector.broadcast %parallel_loop3A_56 : f32 to vector<16xf32>
      %parallel_loop3A_58 = arith.minimumf %parallel_loop3A_55, %parallel_loop3A_57 : vector<16xf32>
      %parallel_loop3A_59 = arith.fptosi %parallel_loop3A_58 : vector<16xf32> to vector<16xi32>
      %parallel_loop3A_60 = arith.addi %parallel_loop3A_59, %parallel_loop3A_47 : vector<16xi32>
      %parallel_loop3A_61 = arith.cmpf oge, %parallel_loop3A_50, %parallel_loop3A_35 : vector<16xf32>
      %parallel_loop3A_62 = arith.cmpf ole, %parallel_loop3A_50, %parallel_loop3A_39 : vector<16xf32>
      %parallel_loop3A_63 = arith.andi %parallel_loop3A_61, %parallel_loop3A_62 : vector<16xi1>
      tpu.vector_store_idx %arg8[%parallel_loop3A_60], %broadcast_in_dim3A_10 masked %parallel_loop3A_63 {add = true} : memref<12800xf32, #tpu.memory_space<vmem>>[vector<16xi32>], vector<16xf32>, vector<16xi1>
      %parallel_loop3A_64 = arith.index_cast %parallel_loop3A_30 : i32 to index
      %parallel_loop3A_65 = arith.constant 16 : index
      %parallel_loop3A_66 = tpu.vector_load %arg5[%parallel_loop3A_64, %parallel_loop3A_65] {strides = array<i32>} : memref<200x128xf32, #tpu.memory_space<vmem>>, vector<16xf32>,
      %parallel_loop3A_67 = arith.subf %parallel_loop3A_66, %parallel_loop3A_35 : vector<16xf32>
      %parallel_loop3A_68 = arith.mulf %parallel_loop3A_67, %parallel_loop3A_43 : vector<16xf32>
      %parallel_loop3A_69 = arith.constant 0.000000e+00 : f32
      %parallel_loop3A_70 = vector.broadcast %parallel_loop3A_69 : f32 to vector<16xf32>
      %parallel_loop3A_71 = arith.maximumf %parallel_loop3A_68, %parallel_loop3A_70 : vector<16xf32>
      %parallel_loop3A_72 = arith.constant 6.300000e+01 : f32
      %parallel_loop3A_73 = vector.broadcast %parallel_loop3A_72 : f32 to vector<16xf32>
      %parallel_loop3A_74 = arith.minimumf %parallel_loop3A_71, %parallel_loop3A_73 : vector<16xf32>
      %parallel_loop3A_75 = arith.fptosi %parallel_loop3A_74 : vector<16xf32> to vector<16xi32>
      %parallel_loop3A_76 = arith.addi %parallel_loop3A_75, %parallel_loop3A_47 : vector<16xi32>
      %parallel_loop3A_77 = arith.cmpf oge, %parallel_loop3A_66, %parallel_loop3A_35 : vector<16xf32>
      %parallel_loop3A_78 = arith.cmpf ole, %parallel_loop3A_66, %parallel_loop3A_39 : vector<16xf32>
      %parallel_loop3A_79 = arith.andi %parallel_loop3A_77, %parallel_loop3A_78 : vector<16xi1>
      tpu.vector_store_idx %arg8[%parallel_loop3A_76], %broadcast_in_dim3A_10 masked %parallel_loop3A_79 {add = true} : memref<12800xf32, #tpu.memory_space<vmem>>[vector<16xi32>], vector<16xf32>, vector<16xi1>
      %parallel_loop3A_80 = arith.index_cast %parallel_loop3A_30 : i32 to index
      %parallel_loop3A_81 = arith.constant 32 : index
      %parallel_loop3A_82 = tpu.vector_load %arg5[%parallel_loop3A_80, %parallel_loop3A_81] {strides = array<i32>} : memref<200x128xf32, #tpu.memory_space<vmem>>, vector<16xf32>,
      %parallel_loop3A_83 = arith.subf %parallel_loop3A_82, %parallel_loop3A_35 : vector<16xf32>
      %parallel_loop3A_84 = arith.mulf %parallel_loop3A_83, %parallel_loop3A_43 : vector<16xf32>
      %parallel_loop3A_85 = arith.constant 0.000000e+00 : f32
      %parallel_loop3A_86 = vector.broadcast %parallel_loop3A_85 : f32 to vector<16xf32>
      %parallel_loop3A_87 = arith.maximumf %parallel_loop3A_84, %parallel_loop3A_86 : vector<16xf32>
      %parallel_loop3A_88 = arith.constant 6.300000e+01 : f32
      %parallel_loop3A_89 = vector.broadcast %parallel_loop3A_88 : f32 to vector<16xf32>
      %parallel_loop3A_90 = arith.minimumf %parallel_loop3A_87, %parallel_loop3A_89 : vector<16xf32>
      %parallel_loop3A_91 = arith.fptosi %parallel_loop3A_90 : vector<16xf32> to vector<16xi32>
      %parallel_loop3A_92 = arith.addi %parallel_loop3A_91, %parallel_loop3A_47 : vector<16xi32>
      %parallel_loop3A_93 = arith.cmpf oge, %parallel_loop3A_82, %parallel_loop3A_35 : vector<16xf32>
      %parallel_loop3A_94 = arith.cmpf ole, %parallel_loop3A_82, %parallel_loop3A_39 : vector<16xf32>
      %parallel_loop3A_95 = arith.andi %parallel_loop3A_93, %parallel_loop3A_94 : vector<16xi1>
      tpu.vector_store_idx %arg8[%parallel_loop3A_92], %broadcast_in_dim3A_10 masked %parallel_loop3A_95 {add = true} : memref<12800xf32, #tpu.memory_space<vmem>>[vector<16xi32>], vector<16xf32>, vector<16xi1>
      %parallel_loop3A_96 = arith.index_cast %parallel_loop3A_30 : i32 to index
      %parallel_loop3A_97 = arith.constant 48 : index
      %parallel_loop3A_98 = tpu.vector_load %arg5[%parallel_loop3A_96, %parallel_loop3A_97] {strides = array<i32>} : memref<200x128xf32, #tpu.memory_space<vmem>>, vector<16xf32>,
      %parallel_loop3A_99 = arith.subf %parallel_loop3A_98, %parallel_loop3A_35 : vector<16xf32>
      %parallel_loop3A_100 = arith.mulf %parallel_loop3A_99, %parallel_loop3A_43 : vector<16xf32>
      %parallel_loop3A_101 = arith.constant 0.000000e+00 : f32
      %parallel_loop3A_102 = vector.broadcast %parallel_loop3A_101 : f32 to vector<16xf32>
      %parallel_loop3A_103 = arith.maximumf %parallel_loop3A_100, %parallel_loop3A_102 : vector<16xf32>
      %parallel_loop3A_104 = arith.constant 6.300000e+01 : f32
      %parallel_loop3A_105 = vector.broadcast %parallel_loop3A_104 : f32 to vector<16xf32>
      %parallel_loop3A_106 = arith.minimumf %parallel_loop3A_103, %parallel_loop3A_105 : vector<16xf32>
      %parallel_loop3A_107 = arith.fptosi %parallel_loop3A_106 : vector<16xf32> to vector<16xi32>
      %parallel_loop3A_108 = arith.addi %parallel_loop3A_107, %parallel_loop3A_47 : vector<16xi32>
      %parallel_loop3A_109 = arith.cmpf oge, %parallel_loop3A_98, %parallel_loop3A_35 : vector<16xf32>
      %parallel_loop3A_110 = arith.cmpf ole, %parallel_loop3A_98, %parallel_loop3A_39 : vector<16xf32>
      %parallel_loop3A_111 = arith.andi %parallel_loop3A_109, %parallel_loop3A_110 : vector<16xi1>
      tpu.vector_store_idx %arg8[%parallel_loop3A_108], %broadcast_in_dim3A_10 masked %parallel_loop3A_111 {add = true} : memref<12800xf32, #tpu.memory_space<vmem>>[vector<16xi32>], vector<16xf32>, vector<16xi1>
      %parallel_loop3A_112 = arith.index_cast %parallel_loop3A_30 : i32 to index
      %parallel_loop3A_113 = arith.constant 64 : index
      %parallel_loop3A_114 = tpu.vector_load %arg5[%parallel_loop3A_112, %parallel_loop3A_113] {strides = array<i32>} : memref<200x128xf32, #tpu.memory_space<vmem>>, vector<16xf32>,
      %parallel_loop3A_115 = arith.subf %parallel_loop3A_114, %parallel_loop3A_35 : vector<16xf32>
      %parallel_loop3A_116 = arith.mulf %parallel_loop3A_115, %parallel_loop3A_43 : vector<16xf32>
      %parallel_loop3A_117 = arith.constant 0.000000e+00 : f32
      %parallel_loop3A_118 = vector.broadcast %parallel_loop3A_117 : f32 to vector<16xf32>
      %parallel_loop3A_119 = arith.maximumf %parallel_loop3A_116, %parallel_loop3A_118 : vector<16xf32>
      %parallel_loop3A_120 = arith.constant 6.300000e+01 : f32
      %parallel_loop3A_121 = vector.broadcast %parallel_loop3A_120 : f32 to vector<16xf32>
      %parallel_loop3A_122 = arith.minimumf %parallel_loop3A_119, %parallel_loop3A_121 : vector<16xf32>
      %parallel_loop3A_123 = arith.fptosi %parallel_loop3A_122 : vector<16xf32> to vector<16xi32>
      %parallel_loop3A_124 = arith.addi %parallel_loop3A_123, %parallel_loop3A_47 : vector<16xi32>
      %parallel_loop3A_125 = arith.cmpf oge, %parallel_loop3A_114, %parallel_loop3A_35 : vector<16xf32>
      %parallel_loop3A_126 = arith.cmpf ole, %parallel_loop3A_114, %parallel_loop3A_39 : vector<16xf32>
      %parallel_loop3A_127 = arith.andi %parallel_loop3A_125, %parallel_loop3A_126 : vector<16xi1>
      tpu.vector_store_idx %arg8[%parallel_loop3A_124], %broadcast_in_dim3A_10 masked %parallel_loop3A_127 {add = true} : memref<12800xf32, #tpu.memory_space<vmem>>[vector<16xi32>], vector<16xf32>, vector<16xi1>
      %parallel_loop3A_128 = arith.index_cast %parallel_loop3A_30 : i32 to index
      %parallel_loop3A_129 = arith.constant 80 : index
      %parallel_loop3A_130 = tpu.vector_load %arg5[%parallel_loop3A_128, %parallel_loop3A_129] {strides = array<i32>} : memref<200x128xf32, #tpu.memory_space<vmem>>, vector<16xf32>,
      %parallel_loop3A_131 = arith.subf %parallel_loop3A_130, %parallel_loop3A_35 : vector<16xf32>
      %parallel_loop3A_132 = arith.mulf %parallel_loop3A_131, %parallel_loop3A_43 : vector<16xf32>
      %parallel_loop3A_133 = arith.constant 0.000000e+00 : f32
      %parallel_loop3A_134 = vector.broadcast %parallel_loop3A_133 : f32 to vector<16xf32>
      %parallel_loop3A_135 = arith.maximumf %parallel_loop3A_132, %parallel_loop3A_134 : vector<16xf32>
      %parallel_loop3A_136 = arith.constant 6.300000e+01 : f32
      %parallel_loop3A_137 = vector.broadcast %parallel_loop3A_136 : f32 to vector<16xf32>
      %parallel_loop3A_138 = arith.minimumf %parallel_loop3A_135, %parallel_loop3A_137 : vector<16xf32>
      %parallel_loop3A_139 = arith.fptosi %parallel_loop3A_138 : vector<16xf32> to vector<16xi32>
      %parallel_loop3A_140 = arith.addi %parallel_loop3A_139, %parallel_loop3A_47 : vector<16xi32>
      %parallel_loop3A_141 = arith.cmpf oge, %parallel_loop3A_130, %parallel_loop3A_35 : vector<16xf32>
      %parallel_loop3A_142 = arith.cmpf ole, %parallel_loop3A_130, %parallel_loop3A_39 : vector<16xf32>
      %parallel_loop3A_143 = arith.andi %parallel_loop3A_141, %parallel_loop3A_142 : vector<16xi1>
      tpu.vector_store_idx %arg8[%parallel_loop3A_140], %broadcast_in_dim3A_10 masked %parallel_loop3A_143 {add = true} : memref<12800xf32, #tpu.memory_space<vmem>>[vector<16xi32>], vector<16xf32>, vector<16xi1>
      %parallel_loop3A_144 = arith.index_cast %parallel_loop3A_30 : i32 to index
      %parallel_loop3A_145 = arith.constant 96 : index
      %parallel_loop3A_146 = tpu.vector_load %arg5[%parallel_loop3A_144, %parallel_loop3A_145] {strides = array<i32>} : memref<200x128xf32, #tpu.memory_space<vmem>>, vector<16xf32>,
      %parallel_loop3A_147 = arith.subf %parallel_loop3A_146, %parallel_loop3A_35 : vector<16xf32>
      %parallel_loop3A_148 = arith.mulf %parallel_loop3A_147, %parallel_loop3A_43 : vector<16xf32>
      %parallel_loop3A_149 = arith.constant 0.000000e+00 : f32
      %parallel_loop3A_150 = vector.broadcast %parallel_loop3A_149 : f32 to vector<16xf32>
      %parallel_loop3A_151 = arith.maximumf %parallel_loop3A_148, %parallel_loop3A_150 : vector<16xf32>
      %parallel_loop3A_152 = arith.constant 6.300000e+01 : f32
      %parallel_loop3A_153 = vector.broadcast %parallel_loop3A_152 : f32 to vector<16xf32>
      %parallel_loop3A_154 = arith.minimumf %parallel_loop3A_151, %parallel_loop3A_153 : vector<16xf32>
      %parallel_loop3A_155 = arith.fptosi %parallel_loop3A_154 : vector<16xf32> to vector<16xi32>
      %parallel_loop3A_156 = arith.addi %parallel_loop3A_155, %parallel_loop3A_47 : vector<16xi32>
      %parallel_loop3A_157 = arith.cmpf oge, %parallel_loop3A_146, %parallel_loop3A_35 : vector<16xf32>
      %parallel_loop3A_158 = arith.cmpf ole, %parallel_loop3A_146, %parallel_loop3A_39 : vector<16xf32>
      %parallel_loop3A_159 = arith.andi %parallel_loop3A_157, %parallel_loop3A_158 : vector<16xi1>
      tpu.vector_store_idx %arg8[%parallel_loop3A_156], %broadcast_in_dim3A_10 masked %parallel_loop3A_159 {add = true} : memref<12800xf32, #tpu.memory_space<vmem>>[vector<16xi32>], vector<16xf32>, vector<16xi1>
      %parallel_loop3A_160 = arith.index_cast %parallel_loop3A_30 : i32 to index
      %parallel_loop3A_161 = arith.constant 112 : index
      %parallel_loop3A_162 = tpu.vector_load %arg5[%parallel_loop3A_160, %parallel_loop3A_161] {strides = array<i32>} : memref<200x128xf32, #tpu.memory_space<vmem>>, vector<16xf32>,
      %parallel_loop3A_163 = arith.subf %parallel_loop3A_162, %parallel_loop3A_35 : vector<16xf32>
      %parallel_loop3A_164 = arith.mulf %parallel_loop3A_163, %parallel_loop3A_43 : vector<16xf32>
      %parallel_loop3A_165 = arith.constant 0.000000e+00 : f32
      %parallel_loop3A_166 = vector.broadcast %parallel_loop3A_165 : f32 to vector<16xf32>
      %parallel_loop3A_167 = arith.maximumf %parallel_loop3A_164, %parallel_loop3A_166 : vector<16xf32>
      %parallel_loop3A_168 = arith.constant 6.300000e+01 : f32
      %parallel_loop3A_169 = vector.broadcast %parallel_loop3A_168 : f32 to vector<16xf32>
      %parallel_loop3A_170 = arith.minimumf %parallel_loop3A_167, %parallel_loop3A_169 : vector<16xf32>
      %parallel_loop3A_171 = arith.fptosi %parallel_loop3A_170 : vector<16xf32> to vector<16xi32>
      %parallel_loop3A_172 = arith.addi %parallel_loop3A_171, %parallel_loop3A_47 : vector<16xi32>
      %parallel_loop3A_173 = arith.cmpf oge, %parallel_loop3A_162, %parallel_loop3A_35 : vector<16xf32>
      %parallel_loop3A_174 = arith.cmpf ole, %parallel_loop3A_162, %parallel_loop3A_39 : vector<16xf32>
      %parallel_loop3A_175 = arith.andi %parallel_loop3A_173, %parallel_loop3A_174 : vector<16xi1>
      tpu.vector_store_idx %arg8[%parallel_loop3A_172], %broadcast_in_dim3A_10 masked %parallel_loop3A_175 {add = true} : memref<12800xf32, #tpu.memory_space<vmem>>[vector<16xi32>], vector<16xf32>, vector<16xi1>
    } {sc.loop_unroll_factor = 2 : i64, sc.parallel_access}
    %dma_wait3A_23 = arith.constant 0 : i32
    %dma_wait3A_24 = tpu.memref_slice %arg2[%dma_wait3A_23, %add3A_12] : memref<200x8192xf32, #tpu.memory_space<hbm>> -> memref<200x128xf32, #tpu.memory_space<hbm>>
    %dma_wait3A_25 = arith.constant 0 : i32
    %dma_wait3A_26 = tpu.memref_slice %arg2[%dma_wait3A_25, %add3A_12] : memref<200x8192xf32, #tpu.memory_space<hbm>> -> memref<200x128xf32, #tpu.memory_space<hbm>>
    tpu.wait_dma2 semaphore(%arg10 : memref<!tpu.dma_semaphore, #tpu.memory_space<semaphore_mem>>) src(%dma_wait3A_26 : memref<200x128xf32, #tpu.memory_space<hbm>>) dst(%arg6 : memref<200x128xf32, #tpu.memory_space<vmem>>)
    %parallel_loop3A_27 = arith.constant 0 : i32
    %parallel_loop3A_28 = arith.constant 200 : i32
    %parallel_loop3A_29 = arith.constant 1 : i32
    scf.for %parallel_loop3A_30 = %parallel_loop3A_27 to %parallel_loop3A_28 step %parallel_loop3A_29  : i32 {
      %parallel_loop3A_31 = arith.constant 16 : i32
      %parallel_loop3A_32 = arith.muli %parallel_loop3A_30, %parallel_loop3A_31 : i32
      %parallel_loop3A_33 = tpu.assume_multiple %parallel_loop3A_32, 16 : i32
      %parallel_loop3A_34 = arith.index_cast %parallel_loop3A_33 : i32 to index
      %parallel_loop3A_35 = tpu.vector_load %arg7[%parallel_loop3A_34] {strides = array<i32>} : memref<9600xf32, #tpu.memory_space<vmem>>, vector<16xf32>,
      %parallel_loop3A_36 = arith.constant 3200 : i32
      %parallel_loop3A_37 = arith.addi %parallel_loop3A_36, %parallel_loop3A_33 : i32
      %parallel_loop3A_38 = arith.index_cast %parallel_loop3A_37 : i32 to index
      %parallel_loop3A_39 = tpu.vector_load %arg7[%parallel_loop3A_38] {strides = array<i32>} : memref<9600xf32, #tpu.memory_space<vmem>>, vector<16xf32>,
      %parallel_loop3A_40 = arith.constant 6400 : i32
      %parallel_loop3A_41 = arith.addi %parallel_loop3A_40, %parallel_loop3A_33 : i32
      %parallel_loop3A_42 = arith.index_cast %parallel_loop3A_41 : i32 to index
      %parallel_loop3A_43 = tpu.vector_load %arg7[%parallel_loop3A_42] {strides = array<i32>} : memref<9600xf32, #tpu.memory_space<vmem>>, vector<16xf32>,
      %parallel_loop3A_44 = vector.broadcast %parallel_loop3A_30 : i32 to vector<16xi32>
      %parallel_loop3A_45 = arith.constant 64 : i32
      %parallel_loop3A_46 = vector.broadcast %parallel_loop3A_45 : i32 to vector<16xi32>
      %parallel_loop3A_47 = arith.muli %parallel_loop3A_44, %parallel_loop3A_46 : vector<16xi32>
      %parallel_loop3A_48 = arith.index_cast %parallel_loop3A_30 : i32 to index
      %parallel_loop3A_49 = arith.constant 0 : index
      %parallel_loop3A_50 = tpu.vector_load %arg6[%parallel_loop3A_48, %parallel_loop3A_49] {strides = array<i32>} : memref<200x128xf32, #tpu.memory_space<vmem>>, vector<16xf32>,
      %parallel_loop3A_51 = arith.subf %parallel_loop3A_50, %parallel_loop3A_35 : vector<16xf32>
      %parallel_loop3A_52 = arith.mulf %parallel_loop3A_51, %parallel_loop3A_43 : vector<16xf32>
      %parallel_loop3A_53 = arith.constant 0.000000e+00 : f32
      %parallel_loop3A_54 = vector.broadcast %parallel_loop3A_53 : f32 to vector<16xf32>
      %parallel_loop3A_55 = arith.maximumf %parallel_loop3A_52, %parallel_loop3A_54 : vector<16xf32>
      %parallel_loop3A_56 = arith.constant 6.300000e+01 : f32
      %parallel_loop3A_57 = vector.broadcast %parallel_loop3A_56 : f32 to vector<16xf32>
      %parallel_loop3A_58 = arith.minimumf %parallel_loop3A_55, %parallel_loop3A_57 : vector<16xf32>
      %parallel_loop3A_59 = arith.fptosi %parallel_loop3A_58 : vector<16xf32> to vector<16xi32>
      %parallel_loop3A_60 = arith.addi %parallel_loop3A_59, %parallel_loop3A_47 : vector<16xi32>
      %parallel_loop3A_61 = arith.cmpf oge, %parallel_loop3A_50, %parallel_loop3A_35 : vector<16xf32>
      %parallel_loop3A_62 = arith.cmpf ole, %parallel_loop3A_50, %parallel_loop3A_39 : vector<16xf32>
      %parallel_loop3A_63 = arith.andi %parallel_loop3A_61, %parallel_loop3A_62 : vector<16xi1>
      tpu.vector_store_idx %arg8[%parallel_loop3A_60], %broadcast_in_dim3A_10 masked %parallel_loop3A_63 {add = true} : memref<12800xf32, #tpu.memory_space<vmem>>[vector<16xi32>], vector<16xf32>, vector<16xi1>
      %parallel_loop3A_64 = arith.index_cast %parallel_loop3A_30 : i32 to index
      %parallel_loop3A_65 = arith.constant 16 : index
      %parallel_loop3A_66 = tpu.vector_load %arg6[%parallel_loop3A_64, %parallel_loop3A_65] {strides = array<i32>} : memref<200x128xf32, #tpu.memory_space<vmem>>, vector<16xf32>,
      %parallel_loop3A_67 = arith.subf %parallel_loop3A_66, %parallel_loop3A_35 : vector<16xf32>
      %parallel_loop3A_68 = arith.mulf %parallel_loop3A_67, %parallel_loop3A_43 : vector<16xf32>
      %parallel_loop3A_69 = arith.constant 0.000000e+00 : f32
      %parallel_loop3A_70 = vector.broadcast %parallel_loop3A_69 : f32 to vector<16xf32>
      %parallel_loop3A_71 = arith.maximumf %parallel_loop3A_68, %parallel_loop3A_70 : vector<16xf32>
      %parallel_loop3A_72 = arith.constant 6.300000e+01 : f32
      %parallel_loop3A_73 = vector.broadcast %parallel_loop3A_72 : f32 to vector<16xf32>
      %parallel_loop3A_74 = arith.minimumf %parallel_loop3A_71, %parallel_loop3A_73 : vector<16xf32>
      %parallel_loop3A_75 = arith.fptosi %parallel_loop3A_74 : vector<16xf32> to vector<16xi32>
      %parallel_loop3A_76 = arith.addi %parallel_loop3A_75, %parallel_loop3A_47 : vector<16xi32>
      %parallel_loop3A_77 = arith.cmpf oge, %parallel_loop3A_66, %parallel_loop3A_35 : vector<16xf32>
      %parallel_loop3A_78 = arith.cmpf ole, %parallel_loop3A_66, %parallel_loop3A_39 : vector<16xf32>
      %parallel_loop3A_79 = arith.andi %parallel_loop3A_77, %parallel_loop3A_78 : vector<16xi1>
      tpu.vector_store_idx %arg8[%parallel_loop3A_76], %broadcast_in_dim3A_10 masked %parallel_loop3A_79 {add = true} : memref<12800xf32, #tpu.memory_space<vmem>>[vector<16xi32>], vector<16xf32>, vector<16xi1>
      %parallel_loop3A_80 = arith.index_cast %parallel_loop3A_30 : i32 to index
      %parallel_loop3A_81 = arith.constant 32 : index
      %parallel_loop3A_82 = tpu.vector_load %arg6[%parallel_loop3A_80, %parallel_loop3A_81] {strides = array<i32>} : memref<200x128xf32, #tpu.memory_space<vmem>>, vector<16xf32>,
      %parallel_loop3A_83 = arith.subf %parallel_loop3A_82, %parallel_loop3A_35 : vector<16xf32>
      %parallel_loop3A_84 = arith.mulf %parallel_loop3A_83, %parallel_loop3A_43 : vector<16xf32>
      %parallel_loop3A_85 = arith.constant 0.000000e+00 : f32
      %parallel_loop3A_86 = vector.broadcast %parallel_loop3A_85 : f32 to vector<16xf32>
      %parallel_loop3A_87 = arith.maximumf %parallel_loop3A_84, %parallel_loop3A_86 : vector<16xf32>
      %parallel_loop3A_88 = arith.constant 6.300000e+01 : f32
      %parallel_loop3A_89 = vector.broadcast %parallel_loop3A_88 : f32 to vector<16xf32>
      %parallel_loop3A_90 = arith.minimumf %parallel_loop3A_87, %parallel_loop3A_89 : vector<16xf32>
      %parallel_loop3A_91 = arith.fptosi %parallel_loop3A_90 : vector<16xf32> to vector<16xi32>
      %parallel_loop3A_92 = arith.addi %parallel_loop3A_91, %parallel_loop3A_47 : vector<16xi32>
      %parallel_loop3A_93 = arith.cmpf oge, %parallel_loop3A_82, %parallel_loop3A_35 : vector<16xf32>
      %parallel_loop3A_94 = arith.cmpf ole, %parallel_loop3A_82, %parallel_loop3A_39 : vector<16xf32>
      %parallel_loop3A_95 = arith.andi %parallel_loop3A_93, %parallel_loop3A_94 : vector<16xi1>
      tpu.vector_store_idx %arg8[%parallel_loop3A_92], %broadcast_in_dim3A_10 masked %parallel_loop3A_95 {add = true} : memref<12800xf32, #tpu.memory_space<vmem>>[vector<16xi32>], vector<16xf32>, vector<16xi1>
      %parallel_loop3A_96 = arith.index_cast %parallel_loop3A_30 : i32 to index
      %parallel_loop3A_97 = arith.constant 48 : index
      %parallel_loop3A_98 = tpu.vector_load %arg6[%parallel_loop3A_96, %parallel_loop3A_97] {strides = array<i32>} : memref<200x128xf32, #tpu.memory_space<vmem>>, vector<16xf32>,
      %parallel_loop3A_99 = arith.subf %parallel_loop3A_98, %parallel_loop3A_35 : vector<16xf32>
      %parallel_loop3A_100 = arith.mulf %parallel_loop3A_99, %parallel_loop3A_43 : vector<16xf32>
      %parallel_loop3A_101 = arith.constant 0.000000e+00 : f32
      %parallel_loop3A_102 = vector.broadcast %parallel_loop3A_101 : f32 to vector<16xf32>
      %parallel_loop3A_103 = arith.maximumf %parallel_loop3A_100, %parallel_loop3A_102 : vector<16xf32>
      %parallel_loop3A_104 = arith.constant 6.300000e+01 : f32
      %parallel_loop3A_105 = vector.broadcast %parallel_loop3A_104 : f32 to vector<16xf32>
      %parallel_loop3A_106 = arith.minimumf %parallel_loop3A_103, %parallel_loop3A_105 : vector<16xf32>
      %parallel_loop3A_107 = arith.fptosi %parallel_loop3A_106 : vector<16xf32> to vector<16xi32>
      %parallel_loop3A_108 = arith.addi %parallel_loop3A_107, %parallel_loop3A_47 : vector<16xi32>
      %parallel_loop3A_109 = arith.cmpf oge, %parallel_loop3A_98, %parallel_loop3A_35 : vector<16xf32>
      %parallel_loop3A_110 = arith.cmpf ole, %parallel_loop3A_98, %parallel_loop3A_39 : vector<16xf32>
      %parallel_loop3A_111 = arith.andi %parallel_loop3A_109, %parallel_loop3A_110 : vector<16xi1>
      tpu.vector_store_idx %arg8[%parallel_loop3A_108], %broadcast_in_dim3A_10 masked %parallel_loop3A_111 {add = true} : memref<12800xf32, #tpu.memory_space<vmem>>[vector<16xi32>], vector<16xf32>, vector<16xi1>
      %parallel_loop3A_112 = arith.index_cast %parallel_loop3A_30 : i32 to index
      %parallel_loop3A_113 = arith.constant 64 : index
      %parallel_loop3A_114 = tpu.vector_load %arg6[%parallel_loop3A_112, %parallel_loop3A_113] {strides = array<i32>} : memref<200x128xf32, #tpu.memory_space<vmem>>, vector<16xf32>,
      %parallel_loop3A_115 = arith.subf %parallel_loop3A_114, %parallel_loop3A_35 : vector<16xf32>
      %parallel_loop3A_116 = arith.mulf %parallel_loop3A_115, %parallel_loop3A_43 : vector<16xf32>
      %parallel_loop3A_117 = arith.constant 0.000000e+00 : f32
      %parallel_loop3A_118 = vector.broadcast %parallel_loop3A_117 : f32 to vector<16xf32>
      %parallel_loop3A_119 = arith.maximumf %parallel_loop3A_116, %parallel_loop3A_118 : vector<16xf32>
      %parallel_loop3A_120 = arith.constant 6.300000e+01 : f32
      %parallel_loop3A_121 = vector.broadcast %parallel_loop3A_120 : f32 to vector<16xf32>
      %parallel_loop3A_122 = arith.minimumf %parallel_loop3A_119, %parallel_loop3A_121 : vector<16xf32>
      %parallel_loop3A_123 = arith.fptosi %parallel_loop3A_122 : vector<16xf32> to vector<16xi32>
      %parallel_loop3A_124 = arith.addi %parallel_loop3A_123, %parallel_loop3A_47 : vector<16xi32>
      %parallel_loop3A_125 = arith.cmpf oge, %parallel_loop3A_114, %parallel_loop3A_35 : vector<16xf32>
      %parallel_loop3A_126 = arith.cmpf ole, %parallel_loop3A_114, %parallel_loop3A_39 : vector<16xf32>
      %parallel_loop3A_127 = arith.andi %parallel_loop3A_125, %parallel_loop3A_126 : vector<16xi1>
      tpu.vector_store_idx %arg8[%parallel_loop3A_124], %broadcast_in_dim3A_10 masked %parallel_loop3A_127 {add = true} : memref<12800xf32, #tpu.memory_space<vmem>>[vector<16xi32>], vector<16xf32>, vector<16xi1>
      %parallel_loop3A_128 = arith.index_cast %parallel_loop3A_30 : i32 to index
      %parallel_loop3A_129 = arith.constant 80 : index
      %parallel_loop3A_130 = tpu.vector_load %arg6[%parallel_loop3A_128, %parallel_loop3A_129] {strides = array<i32>} : memref<200x128xf32, #tpu.memory_space<vmem>>, vector<16xf32>,
      %parallel_loop3A_131 = arith.subf %parallel_loop3A_130, %parallel_loop3A_35 : vector<16xf32>
      %parallel_loop3A_132 = arith.mulf %parallel_loop3A_131, %parallel_loop3A_43 : vector<16xf32>
      %parallel_loop3A_133 = arith.constant 0.000000e+00 : f32
      %parallel_loop3A_134 = vector.broadcast %parallel_loop3A_133 : f32 to vector<16xf32>
      %parallel_loop3A_135 = arith.maximumf %parallel_loop3A_132, %parallel_loop3A_134 : vector<16xf32>
      %parallel_loop3A_136 = arith.constant 6.300000e+01 : f32
      %parallel_loop3A_137 = vector.broadcast %parallel_loop3A_136 : f32 to vector<16xf32>
      %parallel_loop3A_138 = arith.minimumf %parallel_loop3A_135, %parallel_loop3A_137 : vector<16xf32>
      %parallel_loop3A_139 = arith.fptosi %parallel_loop3A_138 : vector<16xf32> to vector<16xi32>
      %parallel_loop3A_140 = arith.addi %parallel_loop3A_139, %parallel_loop3A_47 : vector<16xi32>
      %parallel_loop3A_141 = arith.cmpf oge, %parallel_loop3A_130, %parallel_loop3A_35 : vector<16xf32>
      %parallel_loop3A_142 = arith.cmpf ole, %parallel_loop3A_130, %parallel_loop3A_39 : vector<16xf32>
      %parallel_loop3A_143 = arith.andi %parallel_loop3A_141, %parallel_loop3A_142 : vector<16xi1>
      tpu.vector_store_idx %arg8[%parallel_loop3A_140], %broadcast_in_dim3A_10 masked %parallel_loop3A_143 {add = true} : memref<12800xf32, #tpu.memory_space<vmem>>[vector<16xi32>], vector<16xf32>, vector<16xi1>
      %parallel_loop3A_144 = arith.index_cast %parallel_loop3A_30 : i32 to index
      %parallel_loop3A_145 = arith.constant 96 : index
      %parallel_loop3A_146 = tpu.vector_load %arg6[%parallel_loop3A_144, %parallel_loop3A_145] {strides = array<i32>} : memref<200x128xf32, #tpu.memory_space<vmem>>, vector<16xf32>,
      %parallel_loop3A_147 = arith.subf %parallel_loop3A_146, %parallel_loop3A_35 : vector<16xf32>
      %parallel_loop3A_148 = arith.mulf %parallel_loop3A_147, %parallel_loop3A_43 : vector<16xf32>
      %parallel_loop3A_149 = arith.constant 0.000000e+00 : f32
      %parallel_loop3A_150 = vector.broadcast %parallel_loop3A_149 : f32 to vector<16xf32>
      %parallel_loop3A_151 = arith.maximumf %parallel_loop3A_148, %parallel_loop3A_150 : vector<16xf32>
      %parallel_loop3A_152 = arith.constant 6.300000e+01 : f32
      %parallel_loop3A_153 = vector.broadcast %parallel_loop3A_152 : f32 to vector<16xf32>
      %parallel_loop3A_154 = arith.minimumf %parallel_loop3A_151, %parallel_loop3A_153 : vector<16xf32>
      %parallel_loop3A_155 = arith.fptosi %parallel_loop3A_154 : vector<16xf32> to vector<16xi32>
      %parallel_loop3A_156 = arith.addi %parallel_loop3A_155, %parallel_loop3A_47 : vector<16xi32>
      %parallel_loop3A_157 = arith.cmpf oge, %parallel_loop3A_146, %parallel_loop3A_35 : vector<16xf32>
      %parallel_loop3A_158 = arith.cmpf ole, %parallel_loop3A_146, %parallel_loop3A_39 : vector<16xf32>
      %parallel_loop3A_159 = arith.andi %parallel_loop3A_157, %parallel_loop3A_158 : vector<16xi1>
      tpu.vector_store_idx %arg8[%parallel_loop3A_156], %broadcast_in_dim3A_10 masked %parallel_loop3A_159 {add = true} : memref<12800xf32, #tpu.memory_space<vmem>>[vector<16xi32>], vector<16xf32>, vector<16xi1>
      %parallel_loop3A_160 = arith.index_cast %parallel_loop3A_30 : i32 to index
      %parallel_loop3A_161 = arith.constant 112 : index
      %parallel_loop3A_162 = tpu.vector_load %arg6[%parallel_loop3A_160, %parallel_loop3A_161] {strides = array<i32>} : memref<200x128xf32, #tpu.memory_space<vmem>>, vector<16xf32>,
      %parallel_loop3A_163 = arith.subf %parallel_loop3A_162, %parallel_loop3A_35 : vector<16xf32>
      %parallel_loop3A_164 = arith.mulf %parallel_loop3A_163, %parallel_loop3A_43 : vector<16xf32>
      %parallel_loop3A_165 = arith.constant 0.000000e+00 : f32
      %parallel_loop3A_166 = vector.broadcast %parallel_loop3A_165 : f32 to vector<16xf32>
      %parallel_loop3A_167 = arith.maximumf %parallel_loop3A_164, %parallel_loop3A_166 : vector<16xf32>
      %parallel_loop3A_168 = arith.constant 6.300000e+01 : f32
      %parallel_loop3A_169 = vector.broadcast %parallel_loop3A_168 : f32 to vector<16xf32>
      %parallel_loop3A_170 = arith.minimumf %parallel_loop3A_167, %parallel_loop3A_169 : vector<16xf32>
      %parallel_loop3A_171 = arith.fptosi %parallel_loop3A_170 : vector<16xf32> to vector<16xi32>
      %parallel_loop3A_172 = arith.addi %parallel_loop3A_171, %parallel_loop3A_47 : vector<16xi32>
      %parallel_loop3A_173 = arith.cmpf oge, %parallel_loop3A_162, %parallel_loop3A_35 : vector<16xf32>
      %parallel_loop3A_174 = arith.cmpf ole, %parallel_loop3A_162, %parallel_loop3A_39 : vector<16xf32>
      %parallel_loop3A_175 = arith.andi %parallel_loop3A_173, %parallel_loop3A_174 : vector<16xi1>
      tpu.vector_store_idx %arg8[%parallel_loop3A_172], %broadcast_in_dim3A_10 masked %parallel_loop3A_175 {add = true} : memref<12800xf32, #tpu.memory_space<vmem>>[vector<16xi32>], vector<16xf32>, vector<16xi1>
    } {sc.loop_unroll_factor = 2 : i64, sc.parallel_access}
    "tpu.region"() ({
      %run_scoped3A = tpu.sem_alloc : memref<!tpu.dma_semaphore, #tpu.memory_space<semaphore_mem>>
      %dma_start3A_30 = arith.constant 0 : i32
      %dma_start3A_31 = tpu.memref_slice %arg4[%add3A, %dma_start3A_30] : memref<32x12800xf32, #tpu.memory_space<hbm>> -> memref<1x12800xf32, #tpu.memory_space<hbm>>
      %dma_start3A_32 = tpu.memref_squeeze %dma_start3A_31 : memref<1x12800xf32, #tpu.memory_space<hbm>> -> memref<12800xf32, #tpu.memory_space<hbm>>
      %dma_start3A_33 = arith.constant 0 : i32
      %dma_start3A_34 = tpu.memref_slice %arg4[%add3A, %dma_start3A_33] : memref<32x12800xf32, #tpu.memory_space<hbm>> -> memref<1x12800xf32, #tpu.memory_space<hbm>>
      %dma_start3A_35 = tpu.memref_squeeze %dma_start3A_34 : memref<1x12800xf32, #tpu.memory_space<hbm>> -> memref<12800xf32, #tpu.memory_space<hbm>>
      tpu.enqueue_dma source(%arg8 : memref<12800xf32, #tpu.memory_space<vmem>>) target(%dma_start3A_35 : memref<12800xf32, #tpu.memory_space<hbm>>) target_semaphore(%run_scoped3A : memref<!tpu.dma_semaphore, #tpu.memory_space<semaphore_mem>>)
      %dma_wait3A_36 = arith.constant 0 : i32
      %dma_wait3A_37 = tpu.memref_slice %arg4[%add3A, %dma_wait3A_36] : memref<32x12800xf32, #tpu.memory_space<hbm>> -> memref<1x12800xf32, #tpu.memory_space<hbm>>
      %dma_wait3A_38 = tpu.memref_squeeze %dma_wait3A_37 : memref<1x12800xf32, #tpu.memory_space<hbm>> -> memref<12800xf32, #tpu.memory_space<hbm>>
      %dma_wait3A_39 = arith.constant 0 : i32
      %dma_wait3A_40 = tpu.memref_slice %arg4[%add3A, %dma_wait3A_39] : memref<32x12800xf32, #tpu.memory_space<hbm>> -> memref<1x12800xf32, #tpu.memory_space<hbm>>
      %dma_wait3A_41 = tpu.memref_squeeze %dma_wait3A_40 : memref<1x12800xf32, #tpu.memory_space<hbm>> -> memref<12800xf32, #tpu.memory_space<hbm>>
      tpu.wait_dma2 semaphore(%run_scoped3A : memref<!tpu.dma_semaphore, #tpu.memory_space<semaphore_mem>>) src(%arg8 : memref<12800xf32, #tpu.memory_space<vmem>>) dst(%dma_wait3A_41 : memref<12800xf32, #tpu.memory_space<hbm>>)
      tpu.yield
    }) : () -> ()
    return
  }
}

#map = affine_map<(d0, d1) -> (0, 0)>
#map1 = affine_map<(d0, d1) -> (0)>
module attributes {stable_mosaic.version = 14 : i64} {
  func.func @hist_kernel(%arg0: i32, %arg1: i32, %arg2: memref<200x8192xf32, #tpu.memory_space<hbm>>, %arg3: memref<9600xf32, #tpu.memory_space<hbm>>, %arg4: memref<32x12800xf32, #tpu.memory_space<hbm>>, %arg5: memref<200x128xf32, #tpu.memory_space<vmem>>, %arg6: memref<200x128xf32, #tpu.memory_space<vmem>>, %arg7: memref<9600xf32, #tpu.memory_space<vmem>>, %arg8: memref<12800xf32, #tpu.memory_space<vmem>>, %arg9: memref<!tpu.dma_semaphore, #tpu.memory_space<semaphore_mem>>, %arg10: memref<!tpu.dma_semaphore, #tpu.memory_space<semaphore_mem>>) attributes {dimension_semantics = [#tpu.dimension_semantics<core_parallel>, #tpu.dimension_semantics<subcore_parallel>], iteration_bounds = array<i64: 2, 16>, scalar_prefetch = 0 : i64, scratch_operands = 6 : i64, tpu.core_type = #tpu.core_type<sc_vector_subcore>, window_params = [{transform_indices = #map}, {transform_indices = #map1}, {transform_indices = #map}]} {
    %mul3A = arith.constant 2 : i32
    %mul3A_0 = arith.muli %arg1, %mul3A : i32
    %add3A = arith.addi %mul3A_0, %arg0 : i32
    %mul3A_1 = arith.constant 256 : i32
    %mul3A_2 = arith.muli %add3A, %mul3A_1 : i32
    %dma_start3A = arith.constant 0 : i32
    %dma_start3A_3 = tpu.memref_slice %arg2[%dma_start3A, %mul3A_2] : memref<200x8192xf32, #tpu.memory_space<hbm>> -> memref<200x128xf32, #tpu.memory_space<hbm>>
    %dma_start3A_4 = arith.constant 0 : i32
    %dma_start3A_5 = tpu.memref_slice %arg2[%dma_start3A_4, %mul3A_2] : memref<200x8192xf32, #tpu.memory_space<hbm>> -> memref<200x128xf32, #tpu.memory_space<hbm>>
    tpu.enqueue_dma source(%dma_start3A_5 : memref<200x128xf32, #tpu.memory_space<hbm>>) target(%arg5 : memref<200x128xf32, #tpu.memory_space<vmem>>) target_semaphore(%arg9 : memref<!tpu.dma_semaphore, #tpu.memory_space<semaphore_mem>>)
    "tpu.region"() ({
      %run_scoped3A = tpu.sem_alloc : memref<!tpu.dma_semaphore, #tpu.memory_space<semaphore_mem>>
      tpu.enqueue_dma source(%arg3 : memref<9600xf32, #tpu.memory_space<hbm>>) target(%arg7 : memref<9600xf32, #tpu.memory_space<vmem>>) target_semaphore(%run_scoped3A : memref<!tpu.dma_semaphore, #tpu.memory_space<semaphore_mem>>)
      tpu.wait_dma2 semaphore(%run_scoped3A : memref<!tpu.dma_semaphore, #tpu.memory_space<semaphore_mem>>) src(%arg3 : memref<9600xf32, #tpu.memory_space<hbm>>) dst(%arg7 : memref<9600xf32, #tpu.memory_space<vmem>>)
      tpu.yield
    }) : () -> ()
    %broadcast_in_dim3A = arith.constant 0.000000e+00 : f32
    %broadcast_in_dim3A_6 = vector.broadcast %broadcast_in_dim3A : f32 to vector<16xf32>
    %parallel_loop3A = arith.constant 0 : i32
    %parallel_loop3A_7 = arith.constant 800 : i32
    %parallel_loop3A_8 = arith.constant 1 : i32
    scf.for %parallel_loop3A_30 = %parallel_loop3A to %parallel_loop3A_7 step %parallel_loop3A_8  : i32 {
      %parallel_loop3A_31 = arith.constant 16 : i32
      %parallel_loop3A_32 = arith.muli %parallel_loop3A_30, %parallel_loop3A_31 : i32
      %parallel_loop3A_33 = tpu.assume_multiple %parallel_loop3A_32, 16 : i32
      %parallel_loop3A_34 = arith.index_cast %parallel_loop3A_33 : i32 to index
      %parallel_loop3A_35 = tpu.vector_load %arg8[%parallel_loop3A_34] {strides = array<i32>} : memref<12800xf32, #tpu.memory_space<vmem>>, vector<16xf32>,
      tpu.vector_store %arg8[%parallel_loop3A_34], %broadcast_in_dim3A_6 {strides = array<i32>} : memref<12800xf32, #tpu.memory_space<vmem>>, vector<16xf32>,
    } {sc.loop_unroll_factor = 8 : i64, sc.parallel_access}
    %broadcast_in_dim3A_9 = arith.constant 1.000000e+00 : f32
    %broadcast_in_dim3A_10 = vector.broadcast %broadcast_in_dim3A_9 : f32 to vector<16xf32>
    %add3A_11 = arith.constant 128 : i32
    %add3A_12 = arith.addi %mul3A_2, %add3A_11 : i32
    %dma_start3A_13 = arith.constant 0 : i32
    %dma_start3A_14 = tpu.memref_slice %arg2[%dma_start3A_13, %add3A_12] : memref<200x8192xf32, #tpu.memory_space<hbm>> -> memref<200x128xf32, #tpu.memory_space<hbm>>
    %dma_start3A_15 = arith.constant 0 : i32
    %dma_start3A_16 = tpu.memref_slice %arg2[%dma_start3A_15, %add3A_12] : memref<200x8192xf32, #tpu.memory_space<hbm>> -> memref<200x128xf32, #tpu.memory_space<hbm>>
    tpu.enqueue_dma source(%dma_start3A_16 : memref<200x128xf32, #tpu.memory_space<hbm>>) target(%arg6 : memref<200x128xf32, #tpu.memory_space<vmem>>) target_semaphore(%arg10 : memref<!tpu.dma_semaphore, #tpu.memory_space<semaphore_mem>>)
    %dma_wait3A = arith.constant 0 : i32
    %dma_wait3A_17 = tpu.memref_slice %arg2[%dma_wait3A, %mul3A_2] : memref<200x8192xf32, #tpu.memory_space<hbm>> -> memref<200x128xf32, #tpu.memory_space<hbm>>
    %dma_wait3A_18 = arith.constant 0 : i32
    %dma_wait3A_19 = tpu.memref_slice %arg2[%dma_wait3A_18, %mul3A_2] : memref<200x8192xf32, #tpu.memory_space<hbm>> -> memref<200x128xf32, #tpu.memory_space<hbm>>
    tpu.wait_dma2 semaphore(%arg9 : memref<!tpu.dma_semaphore, #tpu.memory_space<semaphore_mem>>) src(%dma_wait3A_19 : memref<200x128xf32, #tpu.memory_space<hbm>>) dst(%arg5 : memref<200x128xf32, #tpu.memory_space<vmem>>)
    %parallel_loop3A_20 = arith.constant 0 : i32
    %parallel_loop3A_21 = arith.constant 200 : i32
    %parallel_loop3A_22 = arith.constant 1 : i32
    scf.for %parallel_loop3A_30 = %parallel_loop3A_20 to %parallel_loop3A_21 step %parallel_loop3A_22  : i32 {
      %parallel_loop3A_31 = arith.constant 16 : i32
      %parallel_loop3A_32 = arith.muli %parallel_loop3A_30, %parallel_loop3A_31 : i32
      %parallel_loop3A_33 = tpu.assume_multiple %parallel_loop3A_32, 16 : i32
      %parallel_loop3A_34 = arith.index_cast %parallel_loop3A_33 : i32 to index
      %parallel_loop3A_35 = tpu.vector_load %arg7[%parallel_loop3A_34] {strides = array<i32>} : memref<9600xf32, #tpu.memory_space<vmem>>, vector<16xf32>,
      %parallel_loop3A_36 = arith.constant 3200 : i32
      %parallel_loop3A_37 = arith.addi %parallel_loop3A_36, %parallel_loop3A_33 : i32
      %parallel_loop3A_38 = arith.index_cast %parallel_loop3A_37 : i32 to index
      %parallel_loop3A_39 = tpu.vector_load %arg7[%parallel_loop3A_38] {strides = array<i32>} : memref<9600xf32, #tpu.memory_space<vmem>>, vector<16xf32>,
      %parallel_loop3A_40 = arith.constant 6400 : i32
      %parallel_loop3A_41 = arith.addi %parallel_loop3A_40, %parallel_loop3A_33 : i32
      %parallel_loop3A_42 = arith.index_cast %parallel_loop3A_41 : i32 to index
      %parallel_loop3A_43 = tpu.vector_load %arg7[%parallel_loop3A_42] {strides = array<i32>} : memref<9600xf32, #tpu.memory_space<vmem>>, vector<16xf32>,
      %parallel_loop3A_44 = vector.broadcast %parallel_loop3A_30 : i32 to vector<16xi32>
      %parallel_loop3A_45 = arith.constant 64 : i32
      %parallel_loop3A_46 = vector.broadcast %parallel_loop3A_45 : i32 to vector<16xi32>
      %parallel_loop3A_47 = arith.muli %parallel_loop3A_44, %parallel_loop3A_46 : vector<16xi32>
      %parallel_loop3A_48 = arith.index_cast %parallel_loop3A_30 : i32 to index
      %parallel_loop3A_49 = arith.constant 0 : index
      %parallel_loop3A_50 = tpu.vector_load %arg5[%parallel_loop3A_48, %parallel_loop3A_49] {strides = array<i32>} : memref<200x128xf32, #tpu.memory_space<vmem>>, vector<16xf32>,
      %parallel_loop3A_51 = arith.subf %parallel_loop3A_50, %parallel_loop3A_35 : vector<16xf32>
      %parallel_loop3A_52 = arith.mulf %parallel_loop3A_51, %parallel_loop3A_43 : vector<16xf32>
      %parallel_loop3A_53 = arith.constant 0.000000e+00 : f32
      %parallel_loop3A_54 = vector.broadcast %parallel_loop3A_53 : f32 to vector<16xf32>
      %parallel_loop3A_55 = arith.maximumf %parallel_loop3A_52, %parallel_loop3A_54 : vector<16xf32>
      %parallel_loop3A_56 = arith.constant 6.300000e+01 : f32
      %parallel_loop3A_57 = vector.broadcast %parallel_loop3A_56 : f32 to vector<16xf32>
      %parallel_loop3A_58 = arith.minimumf %parallel_loop3A_55, %parallel_loop3A_57 : vector<16xf32>
      %parallel_loop3A_59 = arith.fptosi %parallel_loop3A_58 : vector<16xf32> to vector<16xi32>
      %parallel_loop3A_60 = arith.addi %parallel_loop3A_59, %parallel_loop3A_47 : vector<16xi32>
      %parallel_loop3A_61 = arith.cmpf oge, %parallel_loop3A_50, %parallel_loop3A_35 : vector<16xf32>
      %parallel_loop3A_62 = arith.cmpf ole, %parallel_loop3A_50, %parallel_loop3A_39 : vector<16xf32>
      %parallel_loop3A_63 = arith.andi %parallel_loop3A_61, %parallel_loop3A_62 : vector<16xi1>
      tpu.vector_store_idx %arg8[%parallel_loop3A_60], %broadcast_in_dim3A_10 masked %parallel_loop3A_63 {add = true} : memref<12800xf32, #tpu.memory_space<vmem>>[vector<16xi32>], vector<16xf32>, vector<16xi1>
      %parallel_loop3A_64 = arith.index_cast %parallel_loop3A_30 : i32 to index
      %parallel_loop3A_65 = arith.constant 16 : index
      %parallel_loop3A_66 = tpu.vector_load %arg5[%parallel_loop3A_64, %parallel_loop3A_65] {strides = array<i32>} : memref<200x128xf32, #tpu.memory_space<vmem>>, vector<16xf32>,
      %parallel_loop3A_67 = arith.subf %parallel_loop3A_66, %parallel_loop3A_35 : vector<16xf32>
      %parallel_loop3A_68 = arith.mulf %parallel_loop3A_67, %parallel_loop3A_43 : vector<16xf32>
      %parallel_loop3A_69 = arith.constant 0.000000e+00 : f32
      %parallel_loop3A_70 = vector.broadcast %parallel_loop3A_69 : f32 to vector<16xf32>
      %parallel_loop3A_71 = arith.maximumf %parallel_loop3A_68, %parallel_loop3A_70 : vector<16xf32>
      %parallel_loop3A_72 = arith.constant 6.300000e+01 : f32
      %parallel_loop3A_73 = vector.broadcast %parallel_loop3A_72 : f32 to vector<16xf32>
      %parallel_loop3A_74 = arith.minimumf %parallel_loop3A_71, %parallel_loop3A_73 : vector<16xf32>
      %parallel_loop3A_75 = arith.fptosi %parallel_loop3A_74 : vector<16xf32> to vector<16xi32>
      %parallel_loop3A_76 = arith.addi %parallel_loop3A_75, %parallel_loop3A_47 : vector<16xi32>
      %parallel_loop3A_77 = arith.cmpf oge, %parallel_loop3A_66, %parallel_loop3A_35 : vector<16xf32>
      %parallel_loop3A_78 = arith.cmpf ole, %parallel_loop3A_66, %parallel_loop3A_39 : vector<16xf32>
      %parallel_loop3A_79 = arith.andi %parallel_loop3A_77, %parallel_loop3A_78 : vector<16xi1>
      tpu.vector_store_idx %arg8[%parallel_loop3A_76], %broadcast_in_dim3A_10 masked %parallel_loop3A_79 {add = true} : memref<12800xf32, #tpu.memory_space<vmem>>[vector<16xi32>], vector<16xf32>, vector<16xi1>
      %parallel_loop3A_80 = arith.index_cast %parallel_loop3A_30 : i32 to index
      %parallel_loop3A_81 = arith.constant 32 : index
      %parallel_loop3A_82 = tpu.vector_load %arg5[%parallel_loop3A_80, %parallel_loop3A_81] {strides = array<i32>} : memref<200x128xf32, #tpu.memory_space<vmem>>, vector<16xf32>,
      %parallel_loop3A_83 = arith.subf %parallel_loop3A_82, %parallel_loop3A_35 : vector<16xf32>
      %parallel_loop3A_84 = arith.mulf %parallel_loop3A_83, %parallel_loop3A_43 : vector<16xf32>
      %parallel_loop3A_85 = arith.constant 0.000000e+00 : f32
      %parallel_loop3A_86 = vector.broadcast %parallel_loop3A_85 : f32 to vector<16xf32>
      %parallel_loop3A_87 = arith.maximumf %parallel_loop3A_84, %parallel_loop3A_86 : vector<16xf32>
      %parallel_loop3A_88 = arith.constant 6.300000e+01 : f32
      %parallel_loop3A_89 = vector.broadcast %parallel_loop3A_88 : f32 to vector<16xf32>
      %parallel_loop3A_90 = arith.minimumf %parallel_loop3A_87, %parallel_loop3A_89 : vector<16xf32>
      %parallel_loop3A_91 = arith.fptosi %parallel_loop3A_90 : vector<16xf32> to vector<16xi32>
      %parallel_loop3A_92 = arith.addi %parallel_loop3A_91, %parallel_loop3A_47 : vector<16xi32>
      %parallel_loop3A_93 = arith.cmpf oge, %parallel_loop3A_82, %parallel_loop3A_35 : vector<16xf32>
      %parallel_loop3A_94 = arith.cmpf ole, %parallel_loop3A_82, %parallel_loop3A_39 : vector<16xf32>
      %parallel_loop3A_95 = arith.andi %parallel_loop3A_93, %parallel_loop3A_94 : vector<16xi1>
      tpu.vector_store_idx %arg8[%parallel_loop3A_92], %broadcast_in_dim3A_10 masked %parallel_loop3A_95 {add = true} : memref<12800xf32, #tpu.memory_space<vmem>>[vector<16xi32>], vector<16xf32>, vector<16xi1>
      %parallel_loop3A_96 = arith.index_cast %parallel_loop3A_30 : i32 to index
      %parallel_loop3A_97 = arith.constant 48 : index
      %parallel_loop3A_98 = tpu.vector_load %arg5[%parallel_loop3A_96, %parallel_loop3A_97] {strides = array<i32>} : memref<200x128xf32, #tpu.memory_space<vmem>>, vector<16xf32>,
      %parallel_loop3A_99 = arith.subf %parallel_loop3A_98, %parallel_loop3A_35 : vector<16xf32>
      %parallel_loop3A_100 = arith.mulf %parallel_loop3A_99, %parallel_loop3A_43 : vector<16xf32>
      %parallel_loop3A_101 = arith.constant 0.000000e+00 : f32
      %parallel_loop3A_102 = vector.broadcast %parallel_loop3A_101 : f32 to vector<16xf32>
      %parallel_loop3A_103 = arith.maximumf %parallel_loop3A_100, %parallel_loop3A_102 : vector<16xf32>
      %parallel_loop3A_104 = arith.constant 6.300000e+01 : f32
      %parallel_loop3A_105 = vector.broadcast %parallel_loop3A_104 : f32 to vector<16xf32>
      %parallel_loop3A_106 = arith.minimumf %parallel_loop3A_103, %parallel_loop3A_105 : vector<16xf32>
      %parallel_loop3A_107 = arith.fptosi %parallel_loop3A_106 : vector<16xf32> to vector<16xi32>
      %parallel_loop3A_108 = arith.addi %parallel_loop3A_107, %parallel_loop3A_47 : vector<16xi32>
      %parallel_loop3A_109 = arith.cmpf oge, %parallel_loop3A_98, %parallel_loop3A_35 : vector<16xf32>
      %parallel_loop3A_110 = arith.cmpf ole, %parallel_loop3A_98, %parallel_loop3A_39 : vector<16xf32>
      %parallel_loop3A_111 = arith.andi %parallel_loop3A_109, %parallel_loop3A_110 : vector<16xi1>
      tpu.vector_store_idx %arg8[%parallel_loop3A_108], %broadcast_in_dim3A_10 masked %parallel_loop3A_111 {add = true} : memref<12800xf32, #tpu.memory_space<vmem>>[vector<16xi32>], vector<16xf32>, vector<16xi1>
      %parallel_loop3A_112 = arith.index_cast %parallel_loop3A_30 : i32 to index
      %parallel_loop3A_113 = arith.constant 64 : index
      %parallel_loop3A_114 = tpu.vector_load %arg5[%parallel_loop3A_112, %parallel_loop3A_113] {strides = array<i32>} : memref<200x128xf32, #tpu.memory_space<vmem>>, vector<16xf32>,
      %parallel_loop3A_115 = arith.subf %parallel_loop3A_114, %parallel_loop3A_35 : vector<16xf32>
      %parallel_loop3A_116 = arith.mulf %parallel_loop3A_115, %parallel_loop3A_43 : vector<16xf32>
      %parallel_loop3A_117 = arith.constant 0.000000e+00 : f32
      %parallel_loop3A_118 = vector.broadcast %parallel_loop3A_117 : f32 to vector<16xf32>
      %parallel_loop3A_119 = arith.maximumf %parallel_loop3A_116, %parallel_loop3A_118 : vector<16xf32>
      %parallel_loop3A_120 = arith.constant 6.300000e+01 : f32
      %parallel_loop3A_121 = vector.broadcast %parallel_loop3A_120 : f32 to vector<16xf32>
      %parallel_loop3A_122 = arith.minimumf %parallel_loop3A_119, %parallel_loop3A_121 : vector<16xf32>
      %parallel_loop3A_123 = arith.fptosi %parallel_loop3A_122 : vector<16xf32> to vector<16xi32>
      %parallel_loop3A_124 = arith.addi %parallel_loop3A_123, %parallel_loop3A_47 : vector<16xi32>
      %parallel_loop3A_125 = arith.cmpf oge, %parallel_loop3A_114, %parallel_loop3A_35 : vector<16xf32>
      %parallel_loop3A_126 = arith.cmpf ole, %parallel_loop3A_114, %parallel_loop3A_39 : vector<16xf32>
      %parallel_loop3A_127 = arith.andi %parallel_loop3A_125, %parallel_loop3A_126 : vector<16xi1>
      tpu.vector_store_idx %arg8[%parallel_loop3A_124], %broadcast_in_dim3A_10 masked %parallel_loop3A_127 {add = true} : memref<12800xf32, #tpu.memory_space<vmem>>[vector<16xi32>], vector<16xf32>, vector<16xi1>
      %parallel_loop3A_128 = arith.index_cast %parallel_loop3A_30 : i32 to index
      %parallel_loop3A_129 = arith.constant 80 : index
      %parallel_loop3A_130 = tpu.vector_load %arg5[%parallel_loop3A_128, %parallel_loop3A_129] {strides = array<i32>} : memref<200x128xf32, #tpu.memory_space<vmem>>, vector<16xf32>,
      %parallel_loop3A_131 = arith.subf %parallel_loop3A_130, %parallel_loop3A_35 : vector<16xf32>
      %parallel_loop3A_132 = arith.mulf %parallel_loop3A_131, %parallel_loop3A_43 : vector<16xf32>
      %parallel_loop3A_133 = arith.constant 0.000000e+00 : f32
      %parallel_loop3A_134 = vector.broadcast %parallel_loop3A_133 : f32 to vector<16xf32>
      %parallel_loop3A_135 = arith.maximumf %parallel_loop3A_132, %parallel_loop3A_134 : vector<16xf32>
      %parallel_loop3A_136 = arith.constant 6.300000e+01 : f32
      %parallel_loop3A_137 = vector.broadcast %parallel_loop3A_136 : f32 to vector<16xf32>
      %parallel_loop3A_138 = arith.minimumf %parallel_loop3A_135, %parallel_loop3A_137 : vector<16xf32>
      %parallel_loop3A_139 = arith.fptosi %parallel_loop3A_138 : vector<16xf32> to vector<16xi32>
      %parallel_loop3A_140 = arith.addi %parallel_loop3A_139, %parallel_loop3A_47 : vector<16xi32>
      %parallel_loop3A_141 = arith.cmpf oge, %parallel_loop3A_130, %parallel_loop3A_35 : vector<16xf32>
      %parallel_loop3A_142 = arith.cmpf ole, %parallel_loop3A_130, %parallel_loop3A_39 : vector<16xf32>
      %parallel_loop3A_143 = arith.andi %parallel_loop3A_141, %parallel_loop3A_142 : vector<16xi1>
      tpu.vector_store_idx %arg8[%parallel_loop3A_140], %broadcast_in_dim3A_10 masked %parallel_loop3A_143 {add = true} : memref<12800xf32, #tpu.memory_space<vmem>>[vector<16xi32>], vector<16xf32>, vector<16xi1>
      %parallel_loop3A_144 = arith.index_cast %parallel_loop3A_30 : i32 to index
      %parallel_loop3A_145 = arith.constant 96 : index
      %parallel_loop3A_146 = tpu.vector_load %arg5[%parallel_loop3A_144, %parallel_loop3A_145] {strides = array<i32>} : memref<200x128xf32, #tpu.memory_space<vmem>>, vector<16xf32>,
      %parallel_loop3A_147 = arith.subf %parallel_loop3A_146, %parallel_loop3A_35 : vector<16xf32>
      %parallel_loop3A_148 = arith.mulf %parallel_loop3A_147, %parallel_loop3A_43 : vector<16xf32>
      %parallel_loop3A_149 = arith.constant 0.000000e+00 : f32
      %parallel_loop3A_150 = vector.broadcast %parallel_loop3A_149 : f32 to vector<16xf32>
      %parallel_loop3A_151 = arith.maximumf %parallel_loop3A_148, %parallel_loop3A_150 : vector<16xf32>
      %parallel_loop3A_152 = arith.constant 6.300000e+01 : f32
      %parallel_loop3A_153 = vector.broadcast %parallel_loop3A_152 : f32 to vector<16xf32>
      %parallel_loop3A_154 = arith.minimumf %parallel_loop3A_151, %parallel_loop3A_153 : vector<16xf32>
      %parallel_loop3A_155 = arith.fptosi %parallel_loop3A_154 : vector<16xf32> to vector<16xi32>
      %parallel_loop3A_156 = arith.addi %parallel_loop3A_155, %parallel_loop3A_47 : vector<16xi32>
      %parallel_loop3A_157 = arith.cmpf oge, %parallel_loop3A_146, %parallel_loop3A_35 : vector<16xf32>
      %parallel_loop3A_158 = arith.cmpf ole, %parallel_loop3A_146, %parallel_loop3A_39 : vector<16xf32>
      %parallel_loop3A_159 = arith.andi %parallel_loop3A_157, %parallel_loop3A_158 : vector<16xi1>
      tpu.vector_store_idx %arg8[%parallel_loop3A_156], %broadcast_in_dim3A_10 masked %parallel_loop3A_159 {add = true} : memref<12800xf32, #tpu.memory_space<vmem>>[vector<16xi32>], vector<16xf32>, vector<16xi1>
      %parallel_loop3A_160 = arith.index_cast %parallel_loop3A_30 : i32 to index
      %parallel_loop3A_161 = arith.constant 112 : index
      %parallel_loop3A_162 = tpu.vector_load %arg5[%parallel_loop3A_160, %parallel_loop3A_161] {strides = array<i32>} : memref<200x128xf32, #tpu.memory_space<vmem>>, vector<16xf32>,
      %parallel_loop3A_163 = arith.subf %parallel_loop3A_162, %parallel_loop3A_35 : vector<16xf32>
      %parallel_loop3A_164 = arith.mulf %parallel_loop3A_163, %parallel_loop3A_43 : vector<16xf32>
      %parallel_loop3A_165 = arith.constant 0.000000e+00 : f32
      %parallel_loop3A_166 = vector.broadcast %parallel_loop3A_165 : f32 to vector<16xf32>
      %parallel_loop3A_167 = arith.maximumf %parallel_loop3A_164, %parallel_loop3A_166 : vector<16xf32>
      %parallel_loop3A_168 = arith.constant 6.300000e+01 : f32
      %parallel_loop3A_169 = vector.broadcast %parallel_loop3A_168 : f32 to vector<16xf32>
      %parallel_loop3A_170 = arith.minimumf %parallel_loop3A_167, %parallel_loop3A_169 : vector<16xf32>
      %parallel_loop3A_171 = arith.fptosi %parallel_loop3A_170 : vector<16xf32> to vector<16xi32>
      %parallel_loop3A_172 = arith.addi %parallel_loop3A_171, %parallel_loop3A_47 : vector<16xi32>
      %parallel_loop3A_173 = arith.cmpf oge, %parallel_loop3A_162, %parallel_loop3A_35 : vector<16xf32>
      %parallel_loop3A_174 = arith.cmpf ole, %parallel_loop3A_162, %parallel_loop3A_39 : vector<16xf32>
      %parallel_loop3A_175 = arith.andi %parallel_loop3A_173, %parallel_loop3A_174 : vector<16xi1>
      tpu.vector_store_idx %arg8[%parallel_loop3A_172], %broadcast_in_dim3A_10 masked %parallel_loop3A_175 {add = true} : memref<12800xf32, #tpu.memory_space<vmem>>[vector<16xi32>], vector<16xf32>, vector<16xi1>
    } {sc.loop_unroll_factor = 2 : i64, sc.parallel_access}
    %dma_wait3A_23 = arith.constant 0 : i32
    %dma_wait3A_24 = tpu.memref_slice %arg2[%dma_wait3A_23, %add3A_12] : memref<200x8192xf32, #tpu.memory_space<hbm>> -> memref<200x128xf32, #tpu.memory_space<hbm>>
    %dma_wait3A_25 = arith.constant 0 : i32
    %dma_wait3A_26 = tpu.memref_slice %arg2[%dma_wait3A_25, %add3A_12] : memref<200x8192xf32, #tpu.memory_space<hbm>> -> memref<200x128xf32, #tpu.memory_space<hbm>>
    tpu.wait_dma2 semaphore(%arg10 : memref<!tpu.dma_semaphore, #tpu.memory_space<semaphore_mem>>) src(%dma_wait3A_26 : memref<200x128xf32, #tpu.memory_space<hbm>>) dst(%arg6 : memref<200x128xf32, #tpu.memory_space<vmem>>)
    %parallel_loop3A_27 = arith.constant 0 : i32
    %parallel_loop3A_28 = arith.constant 200 : i32
    %parallel_loop3A_29 = arith.constant 1 : i32
    scf.for %parallel_loop3A_30 = %parallel_loop3A_27 to %parallel_loop3A_28 step %parallel_loop3A_29  : i32 {
      %parallel_loop3A_31 = arith.constant 16 : i32
      %parallel_loop3A_32 = arith.muli %parallel_loop3A_30, %parallel_loop3A_31 : i32
      %parallel_loop3A_33 = tpu.assume_multiple %parallel_loop3A_32, 16 : i32
      %parallel_loop3A_34 = arith.index_cast %parallel_loop3A_33 : i32 to index
      %parallel_loop3A_35 = tpu.vector_load %arg7[%parallel_loop3A_34] {strides = array<i32>} : memref<9600xf32, #tpu.memory_space<vmem>>, vector<16xf32>,
      %parallel_loop3A_36 = arith.constant 3200 : i32
      %parallel_loop3A_37 = arith.addi %parallel_loop3A_36, %parallel_loop3A_33 : i32
      %parallel_loop3A_38 = arith.index_cast %parallel_loop3A_37 : i32 to index
      %parallel_loop3A_39 = tpu.vector_load %arg7[%parallel_loop3A_38] {strides = array<i32>} : memref<9600xf32, #tpu.memory_space<vmem>>, vector<16xf32>,
      %parallel_loop3A_40 = arith.constant 6400 : i32
      %parallel_loop3A_41 = arith.addi %parallel_loop3A_40, %parallel_loop3A_33 : i32
      %parallel_loop3A_42 = arith.index_cast %parallel_loop3A_41 : i32 to index
      %parallel_loop3A_43 = tpu.vector_load %arg7[%parallel_loop3A_42] {strides = array<i32>} : memref<9600xf32, #tpu.memory_space<vmem>>, vector<16xf32>,
      %parallel_loop3A_44 = vector.broadcast %parallel_loop3A_30 : i32 to vector<16xi32>
      %parallel_loop3A_45 = arith.constant 64 : i32
      %parallel_loop3A_46 = vector.broadcast %parallel_loop3A_45 : i32 to vector<16xi32>
      %parallel_loop3A_47 = arith.muli %parallel_loop3A_44, %parallel_loop3A_46 : vector<16xi32>
      %parallel_loop3A_48 = arith.index_cast %parallel_loop3A_30 : i32 to index
      %parallel_loop3A_49 = arith.constant 0 : index
      %parallel_loop3A_50 = tpu.vector_load %arg6[%parallel_loop3A_48, %parallel_loop3A_49] {strides = array<i32>} : memref<200x128xf32, #tpu.memory_space<vmem>>, vector<16xf32>,
      %parallel_loop3A_51 = arith.subf %parallel_loop3A_50, %parallel_loop3A_35 : vector<16xf32>
      %parallel_loop3A_52 = arith.mulf %parallel_loop3A_51, %parallel_loop3A_43 : vector<16xf32>
      %parallel_loop3A_53 = arith.constant 0.000000e+00 : f32
      %parallel_loop3A_54 = vector.broadcast %parallel_loop3A_53 : f32 to vector<16xf32>
      %parallel_loop3A_55 = arith.maximumf %parallel_loop3A_52, %parallel_loop3A_54 : vector<16xf32>
      %parallel_loop3A_56 = arith.constant 6.300000e+01 : f32
      %parallel_loop3A_57 = vector.broadcast %parallel_loop3A_56 : f32 to vector<16xf32>
      %parallel_loop3A_58 = arith.minimumf %parallel_loop3A_55, %parallel_loop3A_57 : vector<16xf32>
      %parallel_loop3A_59 = arith.fptosi %parallel_loop3A_58 : vector<16xf32> to vector<16xi32>
      %parallel_loop3A_60 = arith.addi %parallel_loop3A_59, %parallel_loop3A_47 : vector<16xi32>
      %parallel_loop3A_61 = arith.cmpf oge, %parallel_loop3A_50, %parallel_loop3A_35 : vector<16xf32>
      %parallel_loop3A_62 = arith.cmpf ole, %parallel_loop3A_50, %parallel_loop3A_39 : vector<16xf32>
      %parallel_loop3A_63 = arith.andi %parallel_loop3A_61, %parallel_loop3A_62 : vector<16xi1>
      tpu.vector_store_idx %arg8[%parallel_loop3A_60], %broadcast_in_dim3A_10 masked %parallel_loop3A_63 {add = true} : memref<12800xf32, #tpu.memory_space<vmem>>[vector<16xi32>], vector<16xf32>, vector<16xi1>
      %parallel_loop3A_64 = arith.index_cast %parallel_loop3A_30 : i32 to index
      %parallel_loop3A_65 = arith.constant 16 : index
      %parallel_loop3A_66 = tpu.vector_load %arg6[%parallel_loop3A_64, %parallel_loop3A_65] {strides = array<i32>} : memref<200x128xf32, #tpu.memory_space<vmem>>, vector<16xf32>,
      %parallel_loop3A_67 = arith.subf %parallel_loop3A_66, %parallel_loop3A_35 : vector<16xf32>
      %parallel_loop3A_68 = arith.mulf %parallel_loop3A_67, %parallel_loop3A_43 : vector<16xf32>
      %parallel_loop3A_69 = arith.constant 0.000000e+00 : f32
      %parallel_loop3A_70 = vector.broadcast %parallel_loop3A_69 : f32 to vector<16xf32>
      %parallel_loop3A_71 = arith.maximumf %parallel_loop3A_68, %parallel_loop3A_70 : vector<16xf32>
      %parallel_loop3A_72 = arith.constant 6.300000e+01 : f32
      %parallel_loop3A_73 = vector.broadcast %parallel_loop3A_72 : f32 to vector<16xf32>
      %parallel_loop3A_74 = arith.minimumf %parallel_loop3A_71, %parallel_loop3A_73 : vector<16xf32>
      %parallel_loop3A_75 = arith.fptosi %parallel_loop3A_74 : vector<16xf32> to vector<16xi32>
      %parallel_loop3A_76 = arith.addi %parallel_loop3A_75, %parallel_loop3A_47 : vector<16xi32>
      %parallel_loop3A_77 = arith.cmpf oge, %parallel_loop3A_66, %parallel_loop3A_35 : vector<16xf32>
      %parallel_loop3A_78 = arith.cmpf ole, %parallel_loop3A_66, %parallel_loop3A_39 : vector<16xf32>
      %parallel_loop3A_79 = arith.andi %parallel_loop3A_77, %parallel_loop3A_78 : vector<16xi1>
      tpu.vector_store_idx %arg8[%parallel_loop3A_76], %broadcast_in_dim3A_10 masked %parallel_loop3A_79 {add = true} : memref<12800xf32, #tpu.memory_space<vmem>>[vector<16xi32>], vector<16xf32>, vector<16xi1>
      %parallel_loop3A_80 = arith.index_cast %parallel_loop3A_30 : i32 to index
      %parallel_loop3A_81 = arith.constant 32 : index
      %parallel_loop3A_82 = tpu.vector_load %arg6[%parallel_loop3A_80, %parallel_loop3A_81] {strides = array<i32>} : memref<200x128xf32, #tpu.memory_space<vmem>>, vector<16xf32>,
      %parallel_loop3A_83 = arith.subf %parallel_loop3A_82, %parallel_loop3A_35 : vector<16xf32>
      %parallel_loop3A_84 = arith.mulf %parallel_loop3A_83, %parallel_loop3A_43 : vector<16xf32>
      %parallel_loop3A_85 = arith.constant 0.000000e+00 : f32
      %parallel_loop3A_86 = vector.broadcast %parallel_loop3A_85 : f32 to vector<16xf32>
      %parallel_loop3A_87 = arith.maximumf %parallel_loop3A_84, %parallel_loop3A_86 : vector<16xf32>
      %parallel_loop3A_88 = arith.constant 6.300000e+01 : f32
      %parallel_loop3A_89 = vector.broadcast %parallel_loop3A_88 : f32 to vector<16xf32>
      %parallel_loop3A_90 = arith.minimumf %parallel_loop3A_87, %parallel_loop3A_89 : vector<16xf32>
      %parallel_loop3A_91 = arith.fptosi %parallel_loop3A_90 : vector<16xf32> to vector<16xi32>
      %parallel_loop3A_92 = arith.addi %parallel_loop3A_91, %parallel_loop3A_47 : vector<16xi32>
      %parallel_loop3A_93 = arith.cmpf oge, %parallel_loop3A_82, %parallel_loop3A_35 : vector<16xf32>
      %parallel_loop3A_94 = arith.cmpf ole, %parallel_loop3A_82, %parallel_loop3A_39 : vector<16xf32>
      %parallel_loop3A_95 = arith.andi %parallel_loop3A_93, %parallel_loop3A_94 : vector<16xi1>
      tpu.vector_store_idx %arg8[%parallel_loop3A_92], %broadcast_in_dim3A_10 masked %parallel_loop3A_95 {add = true} : memref<12800xf32, #tpu.memory_space<vmem>>[vector<16xi32>], vector<16xf32>, vector<16xi1>
      %parallel_loop3A_96 = arith.index_cast %parallel_loop3A_30 : i32 to index
      %parallel_loop3A_97 = arith.constant 48 : index
      %parallel_loop3A_98 = tpu.vector_load %arg6[%parallel_loop3A_96, %parallel_loop3A_97] {strides = array<i32>} : memref<200x128xf32, #tpu.memory_space<vmem>>, vector<16xf32>,
      %parallel_loop3A_99 = arith.subf %parallel_loop3A_98, %parallel_loop3A_35 : vector<16xf32>
      %parallel_loop3A_100 = arith.mulf %parallel_loop3A_99, %parallel_loop3A_43 : vector<16xf32>
      %parallel_loop3A_101 = arith.constant 0.000000e+00 : f32
      %parallel_loop3A_102 = vector.broadcast %parallel_loop3A_101 : f32 to vector<16xf32>
      %parallel_loop3A_103 = arith.maximumf %parallel_loop3A_100, %parallel_loop3A_102 : vector<16xf32>
      %parallel_loop3A_104 = arith.constant 6.300000e+01 : f32
      %parallel_loop3A_105 = vector.broadcast %parallel_loop3A_104 : f32 to vector<16xf32>
      %parallel_loop3A_106 = arith.minimumf %parallel_loop3A_103, %parallel_loop3A_105 : vector<16xf32>
      %parallel_loop3A_107 = arith.fptosi %parallel_loop3A_106 : vector<16xf32> to vector<16xi32>
      %parallel_loop3A_108 = arith.addi %parallel_loop3A_107, %parallel_loop3A_47 : vector<16xi32>
      %parallel_loop3A_109 = arith.cmpf oge, %parallel_loop3A_98, %parallel_loop3A_35 : vector<16xf32>
      %parallel_loop3A_110 = arith.cmpf ole, %parallel_loop3A_98, %parallel_loop3A_39 : vector<16xf32>
      %parallel_loop3A_111 = arith.andi %parallel_loop3A_109, %parallel_loop3A_110 : vector<16xi1>
      tpu.vector_store_idx %arg8[%parallel_loop3A_108], %broadcast_in_dim3A_10 masked %parallel_loop3A_111 {add = true} : memref<12800xf32, #tpu.memory_space<vmem>>[vector<16xi32>], vector<16xf32>, vector<16xi1>
      %parallel_loop3A_112 = arith.index_cast %parallel_loop3A_30 : i32 to index
      %parallel_loop3A_113 = arith.constant 64 : index
      %parallel_loop3A_114 = tpu.vector_load %arg6[%parallel_loop3A_112, %parallel_loop3A_113] {strides = array<i32>} : memref<200x128xf32, #tpu.memory_space<vmem>>, vector<16xf32>,
      %parallel_loop3A_115 = arith.subf %parallel_loop3A_114, %parallel_loop3A_35 : vector<16xf32>
      %parallel_loop3A_116 = arith.mulf %parallel_loop3A_115, %parallel_loop3A_43 : vector<16xf32>
      %parallel_loop3A_117 = arith.constant 0.000000e+00 : f32
      %parallel_loop3A_118 = vector.broadcast %parallel_loop3A_117 : f32 to vector<16xf32>
      %parallel_loop3A_119 = arith.maximumf %parallel_loop3A_116, %parallel_loop3A_118 : vector<16xf32>
      %parallel_loop3A_120 = arith.constant 6.300000e+01 : f32
      %parallel_loop3A_121 = vector.broadcast %parallel_loop3A_120 : f32 to vector<16xf32>
      %parallel_loop3A_122 = arith.minimumf %parallel_loop3A_119, %parallel_loop3A_121 : vector<16xf32>
      %parallel_loop3A_123 = arith.fptosi %parallel_loop3A_122 : vector<16xf32> to vector<16xi32>
      %parallel_loop3A_124 = arith.addi %parallel_loop3A_123, %parallel_loop3A_47 : vector<16xi32>
      %parallel_loop3A_125 = arith.cmpf oge, %parallel_loop3A_114, %parallel_loop3A_35 : vector<16xf32>
      %parallel_loop3A_126 = arith.cmpf ole, %parallel_loop3A_114, %parallel_loop3A_39 : vector<16xf32>
      %parallel_loop3A_127 = arith.andi %parallel_loop3A_125, %parallel_loop3A_126 : vector<16xi1>
      tpu.vector_store_idx %arg8[%parallel_loop3A_124], %broadcast_in_dim3A_10 masked %parallel_loop3A_127 {add = true} : memref<12800xf32, #tpu.memory_space<vmem>>[vector<16xi32>], vector<16xf32>, vector<16xi1>
      %parallel_loop3A_128 = arith.index_cast %parallel_loop3A_30 : i32 to index
      %parallel_loop3A_129 = arith.constant 80 : index
      %parallel_loop3A_130 = tpu.vector_load %arg6[%parallel_loop3A_128, %parallel_loop3A_129] {strides = array<i32>} : memref<200x128xf32, #tpu.memory_space<vmem>>, vector<16xf32>,
      %parallel_loop3A_131 = arith.subf %parallel_loop3A_130, %parallel_loop3A_35 : vector<16xf32>
      %parallel_loop3A_132 = arith.mulf %parallel_loop3A_131, %parallel_loop3A_43 : vector<16xf32>
      %parallel_loop3A_133 = arith.constant 0.000000e+00 : f32
      %parallel_loop3A_134 = vector.broadcast %parallel_loop3A_133 : f32 to vector<16xf32>
      %parallel_loop3A_135 = arith.maximumf %parallel_loop3A_132, %parallel_loop3A_134 : vector<16xf32>
      %parallel_loop3A_136 = arith.constant 6.300000e+01 : f32
      %parallel_loop3A_137 = vector.broadcast %parallel_loop3A_136 : f32 to vector<16xf32>
      %parallel_loop3A_138 = arith.minimumf %parallel_loop3A_135, %parallel_loop3A_137 : vector<16xf32>
      %parallel_loop3A_139 = arith.fptosi %parallel_loop3A_138 : vector<16xf32> to vector<16xi32>
      %parallel_loop3A_140 = arith.addi %parallel_loop3A_139, %parallel_loop3A_47 : vector<16xi32>
      %parallel_loop3A_141 = arith.cmpf oge, %parallel_loop3A_130, %parallel_loop3A_35 : vector<16xf32>
      %parallel_loop3A_142 = arith.cmpf ole, %parallel_loop3A_130, %parallel_loop3A_39 : vector<16xf32>
      %parallel_loop3A_143 = arith.andi %parallel_loop3A_141, %parallel_loop3A_142 : vector<16xi1>
      tpu.vector_store_idx %arg8[%parallel_loop3A_140], %broadcast_in_dim3A_10 masked %parallel_loop3A_143 {add = true} : memref<12800xf32, #tpu.memory_space<vmem>>[vector<16xi32>], vector<16xf32>, vector<16xi1>
      %parallel_loop3A_144 = arith.index_cast %parallel_loop3A_30 : i32 to index
      %parallel_loop3A_145 = arith.constant 96 : index
      %parallel_loop3A_146 = tpu.vector_load %arg6[%parallel_loop3A_144, %parallel_loop3A_145] {strides = array<i32>} : memref<200x128xf32, #tpu.memory_space<vmem>>, vector<16xf32>,
      %parallel_loop3A_147 = arith.subf %parallel_loop3A_146, %parallel_loop3A_35 : vector<16xf32>
      %parallel_loop3A_148 = arith.mulf %parallel_loop3A_147, %parallel_loop3A_43 : vector<16xf32>
      %parallel_loop3A_149 = arith.constant 0.000000e+00 : f32
      %parallel_loop3A_150 = vector.broadcast %parallel_loop3A_149 : f32 to vector<16xf32>
      %parallel_loop3A_151 = arith.maximumf %parallel_loop3A_148, %parallel_loop3A_150 : vector<16xf32>
      %parallel_loop3A_152 = arith.constant 6.300000e+01 : f32
      %parallel_loop3A_153 = vector.broadcast %parallel_loop3A_152 : f32 to vector<16xf32>
      %parallel_loop3A_154 = arith.minimumf %parallel_loop3A_151, %parallel_loop3A_153 : vector<16xf32>
      %parallel_loop3A_155 = arith.fptosi %parallel_loop3A_154 : vector<16xf32> to vector<16xi32>
      %parallel_loop3A_156 = arith.addi %parallel_loop3A_155, %parallel_loop3A_47 : vector<16xi32>
      %parallel_loop3A_157 = arith.cmpf oge, %parallel_loop3A_146, %parallel_loop3A_35 : vector<16xf32>
      %parallel_loop3A_158 = arith.cmpf ole, %parallel_loop3A_146, %parallel_loop3A_39 : vector<16xf32>
      %parallel_loop3A_159 = arith.andi %parallel_loop3A_157, %parallel_loop3A_158 : vector<16xi1>
      tpu.vector_store_idx %arg8[%parallel_loop3A_156], %broadcast_in_dim3A_10 masked %parallel_loop3A_159 {add = true} : memref<12800xf32, #tpu.memory_space<vmem>>[vector<16xi32>], vector<16xf32>, vector<16xi1>
      %parallel_loop3A_160 = arith.index_cast %parallel_loop3A_30 : i32 to index
      %parallel_loop3A_161 = arith.constant 112 : index
      %parallel_loop3A_162 = tpu.vector_load %arg6[%parallel_loop3A_160, %parallel_loop3A_161] {strides = array<i32>} : memref<200x128xf32, #tpu.memory_space<vmem>>, vector<16xf32>,
      %parallel_loop3A_163 = arith.subf %parallel_loop3A_162, %parallel_loop3A_35 : vector<16xf32>
      %parallel_loop3A_164 = arith.mulf %parallel_loop3A_163, %parallel_loop3A_43 : vector<16xf32>
      %parallel_loop3A_165 = arith.constant 0.000000e+00 : f32
      %parallel_loop3A_166 = vector.broadcast %parallel_loop3A_165 : f32 to vector<16xf32>
      %parallel_loop3A_167 = arith.maximumf %parallel_loop3A_164, %parallel_loop3A_166 : vector<16xf32>
      %parallel_loop3A_168 = arith.constant 6.300000e+01 : f32
      %parallel_loop3A_169 = vector.broadcast %parallel_loop3A_168 : f32 to vector<16xf32>
      %parallel_loop3A_170 = arith.minimumf %parallel_loop3A_167, %parallel_loop3A_169 : vector<16xf32>
      %parallel_loop3A_171 = arith.fptosi %parallel_loop3A_170 : vector<16xf32> to vector<16xi32>
      %parallel_loop3A_172 = arith.addi %parallel_loop3A_171, %parallel_loop3A_47 : vector<16xi32>
      %parallel_loop3A_173 = arith.cmpf oge, %parallel_loop3A_162, %parallel_loop3A_35 : vector<16xf32>
      %parallel_loop3A_174 = arith.cmpf ole, %parallel_loop3A_162, %parallel_loop3A_39 : vector<16xf32>
      %parallel_loop3A_175 = arith.andi %parallel_loop3A_173, %parallel_loop3A_174 : vector<16xi1>
      tpu.vector_store_idx %arg8[%parallel_loop3A_172], %broadcast_in_dim3A_10 masked %parallel_loop3A_175 {add = true} : memref<12800xf32, #tpu.memory_space<vmem>>[vector<16xi32>], vector<16xf32>, vector<16xi1>
    } {sc.loop_unroll_factor = 2 : i64, sc.parallel_access}
    "tpu.region"() ({
      %run_scoped3A = tpu.sem_alloc : memref<!tpu.dma_semaphore, #tpu.memory_space<semaphore_mem>>
      %dma_start3A_30 = arith.constant 0 : i32
      %dma_start3A_31 = tpu.memref_slice %arg4[%add3A, %dma_start3A_30] : memref<32x12800xf32, #tpu.memory_space<hbm>> -> memref<1x12800xf32, #tpu.memory_space<hbm>>
      %dma_start3A_32 = tpu.memref_squeeze %dma_start3A_31 : memref<1x12800xf32, #tpu.memory_space<hbm>> -> memref<12800xf32, #tpu.memory_space<hbm>>
      %dma_start3A_33 = arith.constant 0 : i32
      %dma_start3A_34 = tpu.memref_slice %arg4[%add3A, %dma_start3A_33] : memref<32x12800xf32, #tpu.memory_space<hbm>> -> memref<1x12800xf32, #tpu.memory_space<hbm>>
      %dma_start3A_35 = tpu.memref_squeeze %dma_start3A_34 : memref<1x12800xf32, #tpu.memory_space<hbm>> -> memref<12800xf32, #tpu.memory_space<hbm>>
      tpu.enqueue_dma source(%arg8 : memref<12800xf32, #tpu.memory_space<vmem>>) target(%dma_start3A_35 : memref<12800xf32, #tpu.memory_space<hbm>>) target_semaphore(%run_scoped3A : memref<!tpu.dma_semaphore, #tpu.memory_space<semaphore_mem>>)
      %dma_wait3A_36 = arith.constant 0 : i32
      %dma_wait3A_37 = tpu.memref_slice %arg4[%add3A, %dma_wait3A_36] : memref<32x12800xf32, #tpu.memory_space<hbm>> -> memref<1x12800xf32, #tpu.memory_space<hbm>>
      %dma_wait3A_38 = tpu.memref_squeeze %dma_wait3A_37 : memref<1x12800xf32, #tpu.memory_space<hbm>> -> memref<12800xf32, #tpu.memory_space<hbm>>
      %dma_wait3A_39 = arith.constant 0 : i32
      %dma_wait3A_40 = tpu.memref_slice %arg4[%add3A, %dma_wait3A_39] : memref<32x12800xf32, #tpu.memory_space<hbm>> -> memref<1x12800xf32, #tpu.memory_space<hbm>>
      %dma_wait3A_41 = tpu.memref_squeeze %dma_wait3A_40 : memref<1x12800xf32, #tpu.memory_space<hbm>> -> memref<12800xf32, #tpu.memory_space<hbm>>
      tpu.wait_dma2 semaphore(%run_scoped3A : memref<!tpu.dma_semaphore, #tpu.memory_space<semaphore_mem>>) src(%arg8 : memref<12800xf32, #tpu.memory_space<vmem>>) dst(%dma_wait3A_41 : memref<12800xf32, #tpu.memory_space<hbm>>)
      tpu.yield
    }) : () -> ()
    return
  }
}

module attributes {stable_mosaic.version = 14 : i64} {
  func.func @loss_body(%arg0: memref<64x100x128xf32, #tpu.memory_space<vmem>>, %arg1: memref<100x128xf32, #tpu.memory_space<vmem>>, %arg2: memref<1x1xf32, #tpu.memory_space<smem>>) attributes {dimension_semantics = [], scalar_prefetch = 0 : i64, scratch_operands = 0 : i64, tpu.core_type = #tpu.core_type<tc>} {
    %get3A = arith.constant 0 : index
    %get3A_0 = arith.constant 0 : index
    %get3A_1 = arith.constant 0 : index
    %get3A_2 = vector.load %arg0[%get3A, %get3A_0, %get3A_1] : memref<64x100x128xf32, #tpu.memory_space<vmem>>, vector<64x100x128xf32>
    %reduce_sum3A = arith.constant dense<0.000000e+00> : vector<100x128xf32>
    %reduce_sum3A_3 = vector.multi_reduction <add>, %get3A_2, %reduce_sum3A [0] : vector<64x100x128xf32> to vector<100x128xf32>
    %mul3A = arith.constant 6.10351563E-5 : f32
    %mul3A_4 = vector.broadcast %mul3A : f32 to vector<100x128xf32>
    %mul3A_5 = arith.mulf %reduce_sum3A_3, %mul3A_4 : vector<100x128xf32>
    %get3A_6 = arith.constant 0 : index
    %get3A_7 = arith.constant 0 : index
    %get3A_8 = vector.load %arg1[%get3A_6, %get3A_7] : memref<100x128xf32, #tpu.memory_space<vmem>>, vector<100x128xf32>
    %sub3A = arith.subf %mul3A_5, %get3A_8 : vector<100x128xf32>
    %abs3A = math.absf %sub3A : vector<100x128xf32>
    %reduce_sum3A_9 = vector.shape_cast %abs3A : vector<100x128xf32> to vector<1x100x128xf32>
    %reduce_sum3A_10 = arith.constant dense<0.000000e+00> : vector<1xf32>
    %reduce_sum3A_11 = vector.multi_reduction <add>, %reduce_sum3A_9, %reduce_sum3A_10 [1, 2] : vector<1x100x128xf32> to vector<1xf32>
    %reduce_sum3A_12 = vector.shape_cast %reduce_sum3A_11 : vector<1xf32> to vector<1x1x1xf32>
    %reduce_sum3A_13 = vector.extract %reduce_sum3A_12[0, 0, 0] : f32 from vector<1x1x1xf32>
    %mul3A_14 = arith.constant 7.812500e-05 : f32
    %mul3A_15 = arith.mulf %reduce_sum3A_13, %mul3A_14 : f32
    %swap3A = arith.constant 0 : index
    %swap3A_16 = arith.constant 0 : index
    %swap3A_17 = memref.load %arg2[%swap3A, %swap3A_16] : memref<1x1xf32, #tpu.memory_space<smem>>
    memref.store %mul3A_15, %arg2[%swap3A, %swap3A_16] : memref<1x1xf32, #tpu.memory_space<smem>>
    return
  }
}

</mosaic_0001>

<sc_bundles>
// kernel: kernel.5.cloned.1.call-start
scs
__scs_entry_jumppad:
0x0: {  	(pc) =	sbr.rel $0x88, $3  }
0x1: {  	(tag) =	ssettag $0x0;
	lr =	simm.s32 $0x1  }
0x2: {  	[smem:$0x3F9D] =	sst lr;
	_ =	strace $0xD0000000  }
0x3: {  	_ = 	snop  }
0x4: {  	_ = 	snop  }
0x5: {  	_ = 	snop  }
0x6: {  	_ = 	snop  }
0x7: {  	_ = 	snop  }
__scs_overlays_trampoline_lowered:
0x8: {  	[smem:$0x3FAC] =	sst s0  }
0x9: {  	[smem:$0x3FAD] =	sst s1  }
0xa: {  	[smem:$0x3FAE] =	sst s2  }
0xb: {  	[smem:$0x3FAF] =	sst s3  }
0xc: {  	[smem:$0x3FB0] =	sst s4  }
0xd: {  	[smem:$0x3FB1] =	sst s5  }
0xe: {  	[smem:$0x3FB2] =	sst s6  }
0xf: {  	[smem:$0x3FB3] =	sst s7  }
0x10: {  	[smem:$0x3FB4] =	sst s8  }
0x11: {  	[smem:$0x3FB5] =	sst s9;
	s0 =	simm.s32 @!p0 $0x0  }
0x12: {  	s1 =	sld [smem:$0x3F9B];
	s0 =	simm.s32 @p0 $0x1  }
0x13: {  	[smem:$0x3FB6] =	sst s0;
	s0 =	simm.s32 @!p1 $0x0  }
0x14: {  	s2 =	sld [smem:$0x3F9A];
	s0 =	simm.s32 @p1 $0x1  }
0x15: {  	[smem:$0x3FB7] =	sst s0;
	s0 =	simm.s32 @!p2 $0x0  }
0x16: {  	s3 =	sld [smem:$0x3FDB];
	s0 =	simm.s32 @p2 $0x1  }
0x17: {  	s4 =	simm.s32 $0x1BF5;
	[smem:$0x3FB9] =	sst s0  }
0x18: {  	s0 =	sld [smem:$0x3F9C];
	_ =	swait.ge [sflag:s4], $0x0  }
0x19: {  	s7 =	sld [smem:$0x3F9D]  }
0x1a: {  	s8 =	sadd.s32 $0xFFFFE003, lr  }
0x1b: {  	s9 =	sadd.s32 $0xFFFFFEF7, lr;
	s5 =	simm.s32 $0xFFFFFFFF;
	p2 =	slt.u32 s8, $0xFFFFF086  }
0x1c: {  	p1 =	slt.u32 s9, $0xF7A;
	s5 =	simm.s32 @!p2 $0x0  }
0x1d: {  	s5 =	simm.s32 @p1 $0x1;
	p0 =	seq.s32 s7, s2  }
0x1e: {  	s7 =	smul.u32 @!p0 $0xF7A, s2;
	p2 =	seq.s32 @!p0 s5, $0x0  }
0x1f: {  	s9 =	smul.u32 $0xF7A, s1;
	s8 =	simm.s32 @!p0 $0x1BF5;
	p2 =	por !p2, p0  }
0x20: {  	[sflag:s8] =	ssyncset.s32 @!p0 $0xFFFFF086;
	s6 =	sadd.s32 @!p0 s3, s7;
	s7 =	simm.s32 @!p0 $0x108  }
0x21: {  	s3 =	sadd.s32 s3, s9;
	s6 =	sadd.s32 @!p0 $0x88, s6;
	s7 =	simm.s32 @p2 $0x1082  }
0x22: {  	[simem:s7], [sflag:s8] =	dma.local @!p0 [hbm:s6], $0xF7A  }
0x23: {  	s9 =	sor.u32 $0xD0000000, s2;
	s6 =	simm.s32 $0x108;
	_ =	swait.ge @!p0 [sflag:s8], $0x0  }
0x24: {  	s3 =	sadd.s32 $0x88, s3;
	s6 =	simm.s32 @!p1 $0x1082;
	[sflag:s4] =	ssyncset.s32 $0xFFFFF086  }
0x25: {  	[simem:s6], [sflag:s4] =	dma.local [hbm:s3], $0xF7A  }
0x26: {  	[smem:$0x3F9D] =	sst s1;
	(tag) =	ssettag s2;
	_ =	strace s9  }
0x27: {  	s1 =	sld [smem:$0x3FAD]  }
0x28: {  	s2 =	sld [smem:$0x3FAE]  }
0x29: {  	s4 =	sld [smem:$0x3FB0]  }
0x2a: {  	p0 =	seq.s32 s5, $0x0;
	s5 =	sld [smem:$0x3FB1]  }
0x2b: {  	s6 =	sld [smem:$0x3FB2]  }
0x2c: {  	s7 =	sld [smem:$0x3FB3]  }
0x2d: {  	s3 =	simm.s32 $0x108;
	s8 =	sld [smem:$0x3FB4]  }
0x2e: {  	s3 =	simm.s32 @!p0 $0x1082;
	s9 =	sld [smem:$0x3FB5]  }
0x2f: {  	lr =	sadd.s32 s0, s3;
	s0 =	sld [smem:$0x3FAC]  }
0x30: {  	s3 =	sld [smem:$0x3FAF]  }
0x31: {  	[smem:$0x3FB8] =	sst s10  }
0x32: {  	s10 =	sld [smem:$0x3FB6];
	_ =	sdelay $0x3  }
0x33: {  	p0 =	seq.s32 s10, $0x1;
	s10 =	sld [smem:$0x3FB8];
	_ =	sdelay $0x3  }
0x34: {  	[smem:$0x3FB8] =	sst s10  }
0x35: {  	s10 =	sld [smem:$0x3FB7];
	_ =	sdelay $0x3  }
0x36: {  	p1 =	seq.s32 s10, $0x1;
	s10 =	sld [smem:$0x3FB8];
	_ =	sdelay $0x3  }
0x37: {  	[smem:$0x3FB8] =	sst s10  }
0x38: {  	s10 =	sld [smem:$0x3FB9]  }
0x39: {  	_ = 	snop;
	(pc) =	sbr.ind lr, $3  }
0x3a: {  	_ = 	snop  }
0x3b: {  	_ = 	snop  }
0x3c: {  	p2 =	seq.s32 s10, $0x1;
	s10 =	sld [smem:$0x3FB8]  }
0x3d: {  	_ =	shalt  }
0x3e: {  	_ =	shalt  }
0x3f: {  	_ =	shalt  }
0x40: {  	_ =	shalt  }
0x41: {  	_ =	shalt  }
0x42: {  	_ =	shalt  }
0x43: {  	_ =	shalt  }
0x44: {  	_ =	shalt  }
0x45: {  	_ =	shalt  }
0x46: {  	_ =	shalt  }
0x47: {  	_ =	shalt  }
0x48: {  	_ =	shalt  }
0x49: {  	_ =	shalt  }
0x4a: {  	_ =	shalt  }
0x4b: {  	_ =	shalt  }
0x4c: {  	_ =	shalt  }
0x4d: {  	_ =	shalt  }
0x4e: {  	_ =	shalt  }
0x4f: {  	_ =	shalt  }
0x50: {  	_ =	shalt  }
0x51: {  	_ =	shalt  }
0x52: {  	_ =	shalt  }
0x53: {  	_ =	shalt  }
0x54: {  	_ =	shalt  }
0x55: {  	_ =	shalt  }
0x56: {  	_ =	shalt  }
0x57: {  	_ =	shalt  }
0x58: {  	_ =	shalt  }
0x59: {  	_ =	shalt  }
0x5a: {  	_ =	shalt  }
0x5b: {  	_ =	shalt  }
0x5c: {  	_ =	shalt  }
0x5d: {  	_ =	shalt  }
0x5e: {  	_ =	shalt  }
0x5f: {  	_ =	shalt  }
0x60: {  	_ =	shalt  }
0x61: {  	_ =	shalt  }
0x62: {  	_ =	shalt  }
0x63: {  	_ =	shalt  }
0x64: {  	_ =	shalt  }
0x65: {  	_ =	shalt  }
0x66: {  	_ =	shalt  }
0x67: {  	_ =	shalt  }
0x68: {  	_ =	shalt  }
0x69: {  	_ =	shalt  }
0x6a: {  	_ =	shalt  }
0x6b: {  	_ =	shalt  }
0x6c: {  	_ =	shalt  }
0x6d: {  	_ =	shalt  }
0x6e: {  	_ =	shalt  }
0x6f: {  	_ =	shalt  }
0x70: {  	_ =	shalt  }
0x71: {  	_ =	shalt  }
0x72: {  	_ =	shalt  }
0x73: {  	_ =	shalt  }
0x74: {  	_ =	shalt  }
0x75: {  	_ =	shalt  }
0x76: {  	_ =	shalt  }
0x77: {  	_ =	shalt  }
0x78: {  	_ =	shalt  }
0x79: {  	_ =	shalt  }
0x7a: {  	_ =	shalt  }
0x7b: {  	_ =	shalt  }
0x7c: {  	_ =	shalt  }
0x7d: {  	_ =	shalt  }
0x7e: {  	_ =	shalt  }
0x7f: {  	_ =	shalt  }
0x80: {  	_ =	shalt  }
0x81: {  	_ =	shalt  }
0x82: {  	_ =	shalt  }
0x83: {  	_ =	shalt  }
0x84: {  	_ =	shalt  }
0x85: {  	_ =	shalt  }
0x86: {  	_ =	shalt  }
0x87: {  	_ =	shalt  }
.Lfunc_end0:
.L_simem_size_0:
called_computation_lowered:
.L_overlay_start_0:
0x88: {  	s2 =	sld [smem:$0x3FD9]  }
0x89: {  	s3 =	sld [smem:$0x3FFE];
	_ =	sdelay $0x1  }
0x8a: {  	s1 =	srdreg.scid  }
0x8b: {  	s0 =	sand.u32 $0x1, s1  }
0x8c: {  	s16 =	sshll.u32 s0, $0xA;
	s2 =	sadd.s32 s3, s2  }
0x8d: {  	s2 =	sadd.s32 s2, s16  }
0x8e: {  	[smem:$0x3FC4] =	sst s2  }
0x8f: {  	_ = 	snop  }
0x90: {  	(tm) =	ssettm $0x1  }
0x91: {  	s17 =	sld [smem:$0x3FFB];
	_ =	sdelay $0x3  }
0x92: {  	_ =	strace s17  }
0x93: {  	s2 =	sld [smem:$0x3FFC];
	_ =	sdelay $0x3  }
0x94: {  	_ =	strace s2  }
0x95: {  	s2 =	sld [smem:$0x3FFD];
	_ =	sdelay $0x3  }
0x96: {  	_ =	strace s2  }
0x97: {  	_ =	strace $0x8FFFFFFF  }
0x98: {  	s18 =	sld [smem:$0x3FDB];
	_ =	sdelay $0x1  }
0x99: {  	s19 =	simm.s32 $_scs_section_size  }
0x9a: {  	s4 =	simm.s32 $_size__tile_overlayer_lowered;
	s5 =	simm.s32 $_tile_overlayer_lowered  }
0x9b: {  	s22 =	simm.s32 $0x1BFF;
	s21 =	sshll.u32 s5, $0x1;
	s2 =	sadd.s32 s19, s18  }
0x9c: {  	s6 =	simm.s32 $0x0;
	s20 =	sshll.u32 s4, $0x1;
	s4 =	sadd.s32 s21, s2  }
0x9d: {  	[timem:s6], [sflag:s22] =	dma.local [hbm:s4], s20  }
0x9e: {  	_ =	swait.ge [sflag:s22], s20  }
0x9f: {  	s3 =	ssub.s32 $0x0, s20;
	[sflag:s22] =	ssyncset.done $0x0  }
0xa0: {  	[sflag:s22] =	ssyncadd.s32 s3;
	_ =	sdelay $0x1  }
0xa1: {  	s23 =	simm.s32 $0x1B8B  }
0xa2: {  	_ =	swait.ge [sflag:s23], $0x1  }
0xa3: {  	[sflag:s23] =	ssyncset.done $0x0  }
0xa4: {  	s25 =	simm.s32 $0x1B8E;
	s24 =	sld [smem:$0x3FFE];
	[sflag:s23] =	ssyncadd.s32 $0xFFFFFFFF  }
0xa5: {  	s26 =	simm.s32 $execute0_lowered;
	[smem:$0x3FD2] =	sst s25  }
0xa6: {  	s4 =	sshll.u32 s26, $0x1;
	_ =	strace $0x80000046;
	[dreg:$0x1] =	wrdreg $0xFFFFFFFF  }
0xa7: {  	s28 =	simm.s32 $_size_execute0_lowered;
	s2 =	sadd.s32 s2, s4;
	[dreg:$0x0] =	wrdreg $0x0  }
0xa8: {  	s4 =	sshll.u32 s28, $0x1;
	[dreg:$0x2] =	wrdreg s2  }
0xa9: {  	[dreg:$0x3] =	wrdreg s4  }
0xaa: {  	[dreg:$0x4] =	wrdreg $0xC0  }
0xab: {  	_ =	task [dreg:s6], $0x5FFFF  }
0xac: {  	[dreg:$0x1] =	wrdreg $0xFFFFFFFF  }
0xad: {  	[dreg:$0x0] =	wrdreg $0x60  }
0xae: {  	[dreg:$0x2] =	wrdreg s24  }
0xaf: {  	[dreg:$0x3] =	wrdreg $0x9  }
0xb0: {  	_ =	task.clear_ibuf [dreg:s6], $0x4FFFF;
	_ =	strace $0x90000046  }
0xb1: {  	s29 =	simm.s32 $0x9;
	_ =	strace $0x80000048  }
0xb2: {  	_ =	swait.ge [sflag:s29], $0x1  }
0xb3: {  	[sflag:s29] =	ssyncadd.s32 $0xFFFFFFFF  }
0xb4: {  	_ =	strace $0x90000048  }
0xb5: {  	_ =	sfence  }
0xb6: {  	s30 =	sld [smem:$0x0];
	_ =	sdelay $0x2  }
0xb7: {  	s31 =	sshll.u32 s1, $0xD;
	s1 =	sshrl.u32 s1, $0x2  }
0xb8: {  	s3 =	sand.u32 $0x4000, s31;
	s1 =	sadd.s32 s1, s30  }
0xb9: {  	s0 =	sor.u32 s3, s0;
	s1 =	sshll.u32 s1, $0x11  }
0xba: {  	s0 =	sor.u32 s1, s0  }
0xbb: {  	s0 =	sadd.s32 $0x8F2B, s0  }
0xbc: {  	[sflag:s0] =	ssyncadd.remote.s32 $0x1  }
0xbd: {  	_ =	sfence.sel $0xFFFF  }
0xbe: {  	[dreg:$0x0] =	wrdreg $0xFFFFFFFF;
	(pc) =	sbr.abs _section_cstart, $3  }
0xbf: {  	[dreg:$0x1] =	wrdreg $0xFFFFFFFF  }
0xc0: {  	_ =	task.clear_ibuf [dreg:s6], $0x2FFFF;
	_ =	strace $0x9FFFFFFF  }
0xc1: {  	(tm) =	ssettm $0x7FFFFFFF  }
tec
execute0_lowered:
.L_overlay_start_1:
0x0: {  	(tag) =	ssettag $0x1  }
0x1: {  	s0 =	srdreg.scid;
	s4 =	stileid.u32  }
0x2: {  	s1 =	rddreg [dreg:$0x0];
	s8 =	simm.s32 $0x400;
	s9 =	simm.s32 $0x10000  }
0x3: {  	s11 =	simm.s32 $0x3;
	s12 =	simm.s32 $0x6400;
	s13 =	simm.s32 $0x1  }
0x4: {  	s14 =	simm.s32 $0xED80;
	s15 =	simm.s32 $0x2;
	s16 =	simm.s32 $0x80  }
0x5: {  	s17 =	simm.s32 $0x0;
	s0 =	sand.u32 $0x1, s0;
	s2 =	sshll.u32 s4, $0x1  }
0x6: {  	s4 =	sshrl.u32 s4, $0x2;
	s3 =	sor.u32 s0, s2;
	s2 =	simm.s32 $0x0  }
0x7: {  	s4 =	smul.u32 $0x19000, s4;
	s0 =	ssub.s32 $0x2, s0;
	s5 =	sshll.u32 s3, $0x7  }
0x8: {  	[smem:$0x7FF] =	sst s2;
	s3 =	sshll.u32 s3, $0x8;
	s5 =	sand.u32 $0x380, s5  }
0x9: {  	s31 =	sshrl.u32 s0, $0x1;
	_ =	strace $0x80000047;
	s4 =	sor.u32 s4, s5  }
0xa: {  	s30 =	sadd.s32 s3, s1;
	s3 =	sadd.s32 $0x33000, s1;
	s4 =	sshrl.u32 s4, $0x3  }
0xb: {  	s0 =	ssub.s32 s0, s31;
	s5 =	sadd.s32 $0x1080, s30;
	s1 =	sadd.s32 s4, s1  }
0xc: {  	v0 =	vimm.f32 $0.0e+00;
	v1 =	vimm.f32 $1.000000000e+00;
	s7 =	smax.u32 s0, $0x1;
	s4 =	sadd.s32 $0x1000, s30;
	s6 =	sadd.s32 $0x33600, s1  }
.LBB2_1:
0xd: {  	[tilespmem:s2], [sflag:$0x1] =	stream.strided.gather [hbm4b:s4+s8], $0x6400, s9, s8, $0x38;
	[tilespmem:$0x11F80] =	vst v63  }
0xe: {  	s0 =	simm.s32 $0xC800  }
0xf: {  	[tilespmem:s0], [sflag:$0x3] =	stream.linear.gather [hbm4b:s3+s2], $0x2580, $0x38;
	[tilespmem:$0x11F80] =	vst v63  }
0x10: {  	_ =	swait.ge [sflag:s11], $0x2580  }
0x11: {  	[sflag:s11] =	ssyncset.done $0x0  }
0x12: {  	s0 =	simm.s32 $0xEDC0;
	[sflag:s11] =	ssyncadd.s32 $0xFFFFDA80  }
0x13: {  	[tilespmem:s0+$0xFFFFFFC0] =	vst v0  }
0x14: {  	[tilespmem:s0+$0x30] =	vst v0  }
0x15: {  	[tilespmem:s0+$0x20] =	vst v0  }
0x16: {  	[tilespmem:s0+$0x10] =	vst v0  }
0x17: {  	[tilespmem:s0+$0x0] =	vst v0  }
0x18: {  	[tilespmem:s0+$0xFFFFFFF0] =	vst v0  }
0x19: {  	s1 =	simm.s32 $0x0;
	[tilespmem:s0+$0xFFFFFFE0] =	vst v0  }
.LBB2_2:
0x1a: {  	s1 =	sadd.s32 $0x8, s1;
	[tilespmem:s0+$0xFFFFFFD0] =	vst v0;
	s0 =	sadd.s32 $0x80, s0  }
0x1b: {  	[tilespmem:s0+$0xFFFFFFC0] =	vst v0;
	p0 =	slt.u32 s1, $0x318  }
0x1c: {  	[tilespmem:s0+$0x30] =	vst v0  }
.Ltmp0:
0x1d: {  	[tilespmem:s0+$0x20] =	vst v0;
	(pc) =	sbr.rel @p0 .LBB2_2-.Ltmp0, $4  }
0x1e: {  	[tilespmem:s0+$0x10] =	vst v0  }
0x1f: {  	[tilespmem:s0+$0x0] =	vst v0  }
0x20: {  	[tilespmem:s0+$0xFFFFFFF0] =	vst v0  }
0x21: {  	[tilespmem:s0+$0xFFFFFFE0] =	vst v0  }
0x22: {  	[tilespmem:s0+$0xFFFFFFD0] =	vst v0  }
0x23: {  	[tilespmem:s12], [sflag:$0x2] =	stream.strided.gather [hbm4b:s5+s8], $0x6400, s9, s8, $0x38;
	[tilespmem:$0x11F80] =	vst v63  }
0x24: {  	_ =	swait.ge [sflag:s13], $0x6400  }
0x25: {  	[sflag:s13] =	ssyncset.done $0x0  }
0x26: {  	s22 =	simm.s32 $0xC810;
	[sflag:s13] =	ssyncadd.s32 $0xFFFF9C00  }
0x27: {  	s29 =	simm.s32 $0x80;
	v11 =	vld [tilespmem:s22+$0x0]  }
0x28: {  	s1 =	simm.s32 $0x10;
	v2 =	vld [tilespmem:s29+$0x0]  }
0x29: {  	s1 =	sand.u32 $0xFF0, s1  }
0x2a: {  	v13 =	vld [tilespmem:s1+$0xE100];
	_ =	sdelay $0x2  }
0x2b: {  	v3 =	vsub.f32 v2, v11;
	_ =	sdelay $0x1  }
0x2c: {  	v12 =	vld [tilespmem:s1+$0xD480];
	v3 =	vmul.f32 v3, v13;
	_ =	sdelay $0x1  }
0x2d: {  	v3 =	vmax.f32 v3, $0.0e+00  }
0x2e: {  	v3 =	vmin.f32 v3, $6.300000000e+01  }
0x2f: {  	v3 =	vtrunc.f32 v3  }
0x30: {  	vm0 =	vge.f32 v2, v11;
	vm1 =	vle.f32 v2, v12;
	v3 =	vcvt.f32.s32 v3  }
0x31: {  	s28 =	simm.s32 $0x40;
	vm0 =	vmand vm0, vm1  }
0x32: {  	v2 =	vadd.s32 s28, v3  }
0x33: {  	v18 =	vld [tilespmem:s22+$0xFFFFFFF0]  }
0x34: {  	s23 =	simm.s32 $0x0;
	v3 =	vld [tilespmem:s29+$0xFFFFFF80]  }
0x35: {  	s1 =	sand.u32 $0xFE0, s23  }
0x36: {  	v20 =	vld [tilespmem:s1+$0xE100]  }
0x37: {  	[tilespmem:v2+s14+$0x0] =	vst.idx.add.f32.msk vm0, v1  }
0x38: {  	v2 =	vld [tilespmem:s29+$0x10]  }
0x39: {  	v4 =	vsub.f32 v3, v18;
	_ =	sdelay $0x1  }
0x3a: {  	v17 =	vld [tilespmem:s1+$0xD480];
	v4 =	vmul.f32 v4, v20;
	_ =	sdelay $0x1  }
0x3b: {  	v4 =	vmax.f32 v4, $0.0e+00;
	v5 =	vsub.f32 v2, v11  }
0x3c: {  	v4 =	vmin.f32 v4, $6.300000000e+01  }
0x3d: {  	v4 =	vtrunc.f32 v4;
	v5 =	vmul.f32 v5, v13  }
0x3e: {  	vm0 =	vge.f32 v3, v18;
	vm1 =	vle.f32 v3, v17;
	v3 =	vcvt.f32.s32 v4  }
0x3f: {  	s18 =	simm.s32 $0x0;
	vm0 =	vmand vm0, vm1;
	v4 =	vmax.f32 v5, $0.0e+00  }
0x40: {  	v3 =	vadd.s32 s18, v3;
	v4 =	vmin.f32 v4, $6.300000000e+01  }
0x41: {  	v4 =	vtrunc.f32 v4  }
0x42: {  	vm1 =	vge.f32 v2, v11;
	vm2 =	vle.f32 v2, v12;
	v4 =	vcvt.f32.s32 v4  }
0x43: {  	vm1 =	vmand vm1, vm2  }
0x44: {  	v2 =	vadd.s32 s28, v4  }
0x45: {  	[tilespmem:v3+s14+$0x0] =	vst.idx.add.f32.msk vm0, v1  }
0x46: {  	v3 =	vld [tilespmem:s29+$0xFFFFFF90];
	_ =	sdelay $0x2  }
0x47: {  	[tilespmem:v2+s14+$0x0] =	vst.idx.add.f32.msk vm1, v1  }
0x48: {  	v2 =	vld [tilespmem:s29+$0x20]  }
0x49: {  	v4 =	vsub.f32 v3, v18;
	_ =	sdelay $0x1  }
0x4a: {  	v4 =	vmul.f32 v4, v20;
	_ =	sdelay $0x1  }
0x4b: {  	v4 =	vmax.f32 v4, $0.0e+00;
	v5 =	vsub.f32 v2, v11  }
0x4c: {  	v4 =	vmin.f32 v4, $6.300000000e+01  }
0x4d: {  	v4 =	vtrunc.f32 v4;
	v5 =	vmul.f32 v5, v13  }
0x4e: {  	vm0 =	vge.f32 v3, v18;
	vm1 =	vle.f32 v3, v17;
	v3 =	vcvt.f32.s32 v4  }
0x4f: {  	vm0 =	vmand vm0, vm1;
	v4 =	vmax.f32 v5, $0.0e+00  }
0x50: {  	s24 =	simm.s32 $0xC830;
	v3 =	vadd.s32 s18, v3;
	v4 =	vmin.f32 v4, $6.300000000e+01  }
0x51: {  	s20 =	simm.s32 $0x180;
	v19 =	vld [tilespmem:s24+$0x0];
	v4 =	vtrunc.f32 v4  }
0x52: {  	s25 =	simm.s32 $0x30;
	vm1 =	vge.f32 v2, v11;
	vm2 =	vle.f32 v2, v12;
	v2 =	vld [tilespmem:s20+$0x0];
	v4 =	vcvt.f32.s32 v4  }
0x53: {  	s1 =	sand.u32 $0xFF0, s25;
	vm1 =	vmand vm1, vm2  }
0x54: {  	v22 =	vld [tilespmem:s1+$0xE100];
	v4 =	vadd.s32 s28, v4  }
0x55: {  	[tilespmem:v3+s14+$0x0] =	vst.idx.add.f32.msk vm0, v1  }
0x56: {  	v5 =	vld [tilespmem:s29+$0xFFFFFFA0]  }
0x57: {  	v3 =	vsub.f32 v2, v19  }
0x58: {  	v21 =	vld [tilespmem:s1+$0xD480]  }
0x59: {  	[tilespmem:v4+s14+$0x0] =	vst.idx.add.f32.msk vm1, v1;
	v4 =	vmul.f32 v3, v22  }
0x5a: {  	v7 =	vld [tilespmem:s29+$0x30]  }
0x5b: {  	v6 =	vld [tilespmem:s20+$0xFFFFFF80];
	v8 =	vsub.f32 v5, v18;
	v4 =	vmax.f32 v4, $0.0e+00  }
0x5c: {  	s26 =	simm.s32 $0x20;
	v3 =	vld [tilespmem:s24+$0xFFFFFFF0];
	v9 =	vmin.f32 v4, $6.300000000e+01  }
0x5d: {  	s1 =	sand.u32 $0xFE0, s26;
	v8 =	vmul.f32 v8, v20;
	v9 =	vtrunc.f32 v9  }
0x5e: {  	vm0 =	vge.f32 v2, v19;
	vm1 =	vle.f32 v2, v21;
	v4 =	vld [tilespmem:s1+$0xE100];
	v9 =	vcvt.f32.s32 v9  }
0x5f: {  	s30 =	simm.s32 $0xC0;
	vm0 =	vmand vm0, vm1;
	v2 =	vmax.f32 v8, $0.0e+00;
	v8 =	vsub.f32 v7, v11  }
0x60: {  	v2 =	vmin.f32 v2, $6.300000000e+01;
	v9 =	vadd.s32 s30, v9  }
0x61: {  	v10 =	vsub.f32 v6, v3;
	v2 =	vtrunc.f32 v2;
	v8 =	vmul.f32 v8, v13  }
0x62: {  	vm2 =	vle.f32 v5, v17;
	vm1 =	vge.f32 v5, v18;
	v5 =	vcvt.f32.s32 v2  }
0x63: {  	vm1 =	vmand vm1, vm2;
	v2 =	vld [tilespmem:s1+$0xD480];
	v10 =	vmul.f32 v10, v4;
	v8 =	vmax.f32 v8, $0.0e+00  }
0x64: {  	v5 =	vadd.s32 s18, v5;
	v8 =	vmin.f32 v8, $6.300000000e+01  }
0x65: {  	vm2 =	vle.f32 v7, v12;
	v10 =	vmax.f32 v10, $0.0e+00;
	v8 =	vtrunc.f32 v8;
	[tilespmem:v9+s14+$0x0] =	vst.idx.add.f32.msk vm0, v1  }
0x66: {  	v10 =	vmin.f32 v10, $6.300000000e+01;
	vm0 =	vge.f32 v7, v11;
	v8 =	vcvt.f32.s32 v8;
	v7 =	vld [tilespmem:s20+$0x10]  }
0x67: {  	vm3 =	vge.f32 v6, v3;
	v9 =	vtrunc.f32 v10;
	vm0 =	vmand vm0, vm2  }
0x68: {  	vm2 =	vle.f32 v6, v2;
	v6 =	vcvt.f32.s32 v9;
	v8 =	vadd.s32 s28, v8  }
0x69: {  	s19 =	simm.s32 $0x80;
	vm2 =	vmand vm3, vm2;
	[tilespmem:v5+s14+$0x0] =	vst.idx.add.f32.msk vm1, v1  }
0x6a: {  	v5 =	vld [tilespmem:s29+$0xFFFFFFB0];
	v6 =	vadd.s32 s19, v6  }
0x6b: {  	v9 =	vsub.f32 v7, v19;
	_ =	sdelay $0x1  }
0x6c: {  	[tilespmem:v8+s14+$0x0] =	vst.idx.add.f32.msk vm0, v1;
	v8 =	vmul.f32 v9, v22  }
0x6d: {  	v9 =	vld [tilespmem:s29+$0x40]  }
0x6e: {  	v10 =	vsub.f32 v5, v18;
	[tilespmem:v6+s14+$0x0] =	vst.idx.add.f32.msk vm2, v1;
	v6 =	vmax.f32 v8, $0.0e+00  }
0x6f: {  	v6 =	vmin.f32 v6, $6.300000000e+01  }
0x70: {  	v8 =	vld [tilespmem:s20+$0xFFFFFF90];
	v10 =	vmul.f32 v10, v20;
	v6 =	vtrunc.f32 v6  }
0x71: {  	vm1 =	vle.f32 v7, v21;
	vm0 =	vge.f32 v7, v19;
	v6 =	vcvt.f32.s32 v6  }
0x72: {  	vm0 =	vmand vm0, vm1;
	v7 =	vmax.f32 v10, $0.0e+00;
	v10 =	vsub.f32 v9, v11  }
0x73: {  	v7 =	vmin.f32 v7, $6.300000000e+01;
	v6 =	vadd.s32 s30, v6  }
0x74: {  	vm2 =	vle.f32 v5, v17;
	v7 =	vtrunc.f32 v7;
	v10 =	vmul.f32 v10, v13  }
0x75: {  	vm1 =	vge.f32 v5, v18;
	v14 =	vsub.f32 v8, v3;
	v5 =	vcvt.f32.s32 v7  }
0x76: {  	vm1 =	vmand vm1, vm2;
	v10 =	vmax.f32 v10, $0.0e+00  }
0x77: {  	v7 =	vmul.f32 v14, v4;
	v5 =	vadd.s32 s18, v5;
	v10 =	vmin.f32 v10, $6.300000000e+01  }
0x78: {  	vm2 =	vle.f32 v9, v12;
	v10 =	vtrunc.f32 v10;
	[tilespmem:v6+s14+$0x0] =	vst.idx.add.f32.msk vm0, v1  }
0x79: {  	v7 =	vmax.f32 v7, $0.0e+00;
	vm0 =	vge.f32 v9, v11;
	v6 =	vcvt.f32.s32 v10;
	v9 =	vld [tilespmem:s20+$0x20]  }
0x7a: {  	v7 =	vmin.f32 v7, $6.300000000e+01;
	vm0 =	vmand vm0, vm2  }
0x7b: {  	v7 =	vtrunc.f32 v7;
	v6 =	vadd.s32 s28, v6  }
0x7c: {  	vm3 =	vle.f32 v8, v2;
	vm2 =	vge.f32 v8, v3;
	[tilespmem:v5+s14+$0x0] =	vst.idx.add.f32.msk vm1, v1;
	v5 =	vcvt.f32.s32 v7  }
0x7d: {  	vm1 =	vmand vm2, vm3;
	v7 =	vld [tilespmem:s29+$0xFFFFFFC0]  }
0x7e: {  	v5 =	vadd.s32 s19, v5;
	v8 =	vsub.f32 v9, v19;
	_ =	sdelay $0x1  }
0x7f: {  	[tilespmem:v6+s14+$0x0] =	vst.idx.add.f32.msk vm0, v1;
	v6 =	vmul.f32 v8, v22;
	_ =	sdelay $0x1  }
0x80: {  	v10 =	vsub.f32 v7, v18;
	v8 =	vld [tilespmem:s29+$0x50];
	v6 =	vmax.f32 v6, $0.0e+00  }
0x81: {  	[tilespmem:v5+s14+$0x0] =	vst.idx.add.f32.msk vm1, v1;
	v5 =	vmin.f32 v6, $6.300000000e+01  }
0x82: {  	v14 =	vld [tilespmem:s20+$0xFFFFFFA0];
	v6 =	vmul.f32 v10, v20;
	v5 =	vtrunc.f32 v5  }
0x83: {  	s21 =	simm.s32 $0x280;
	vm0 =	vge.f32 v9, v19;
	vm1 =	vle.f32 v9, v21;
	v10 =	vcvt.f32.s32 v5  }
0x84: {  	s10 =	simm.s32 $0xC850;
	v15 =	vld [tilespmem:s21+$0x0];
	vm1 =	vmand vm0, vm1;
	v6 =	vmax.f32 v6, $0.0e+00  }
0x85: {  	s22 =	simm.s32 $0x50;
	v5 =	vld [tilespmem:s10+$0x0];
	v9 =	vsub.f32 v8, v11;
	v6 =	vmin.f32 v6, $6.300000000e+01;
	v16 =	vadd.s32 s30, v10  }
0x86: {  	s1 =	sand.u32 $0xFF0, s22;
	vm2 =	vle.f32 v7, v17;
	vm0 =	vge.f32 v7, v18;
	v6 =	vtrunc.f32 v6  }
0x87: {  	v7 =	vsub.f32 v14, v3;
	v10 =	vld [tilespmem:s1+$0xE100];
	v9 =	vmul.f32 v9, v13;
	v6 =	vcvt.f32.s32 v6  }
0x88: {  	vm0 =	vmand vm0, vm2;
	vm3 =	vle.f32 v8, v12  }
0x89: {  	v9 =	vmax.f32 v9, $0.0e+00;
	v23 =	vadd.s32 s18, v6;
	v6 =	vmul.f32 v7, v4  }
0x8a: {  	vm2 =	vge.f32 v14, v3;
	v7 =	vmin.f32 v9, $6.300000000e+01;
	v9 =	vsub.f32 v15, v5;
	[tilespmem:v16+s14+$0x0] =	vst.idx.add.f32.msk vm1, v1  }
0x8b: {  	v7 =	vtrunc.f32 v7;
	vm1 =	vge.f32 v8, v11;
	v6 =	vmax.f32 v6, $0.0e+00;
	v8 =	vld [tilespmem:s1+$0xD480]  }
0x8c: {  	v7 =	vcvt.f32.s32 v7;
	v16 =	vld [tilespmem:s20+$0x30];
	v25 =	vmin.f32 v6, $6.300000000e+01;
	v9 =	vmul.f32 v9, v10  }
0x8d: {  	v24 =	vld [tilespmem:s21+$0xFFFFFF80];
	s23 =	simm.s32 $0x40;
	vm4 =	vle.f32 v14, v2;
	vm1 =	vmand vm1, vm3;
	v14 =	vtrunc.f32 v25  }
0x8e: {  	s24 =	sand.u32 $0xFE0, s23;
	v6 =	vld [tilespmem:s10+$0xFFFFFFF0];
	v25 =	vadd.s32 s28, v7;
	v14 =	vcvt.f32.s32 v14;
	v7 =	vmax.f32 v9, $0.0e+00  }
0x8f: {  	vm2 =	vmand vm2, vm4;
	v9 =	vld [tilespmem:s24+$0xE100];
	v26 =	vmin.f32 v7, $6.300000000e+01  }
0x90: {  	[tilespmem:v23+s14+$0x0] =	vst.idx.add.f32.msk vm0, v1;
	vm0 =	vge.f32 v15, v5;
	v14 =	vadd.s32 s19, v14;
	v26 =	vtrunc.f32 v26  }
0x91: {  	vm3 =	vle.f32 v15, v8;
	v27 =	vsub.f32 v16, v19;
	v23 =	vcvt.f32.s32 v26  }
0x92: {  	s23 =	simm.s32 $0x140;
	v7 =	vld [tilespmem:s24+$0xD480];
	vm0 =	vmand vm0, vm3  }
0x93: {  	v15 =	vsub.f32 v24, v6;
	v27 =	vmul.f32 v27, v22;
	[tilespmem:v25+s14+$0x0] =	vst.idx.add.f32.msk vm1, v1;
	v23 =	vadd.s32 s23, v23  }
0x94: {  	v25 =	vld [tilespmem:s29+$0x60]  }
0x95: {  	v15 =	vmul.f32 v15, v9;
	v27 =	vmax.f32 v27, $0.0e+00;
	[tilespmem:v14+s14+$0x0] =	vst.idx.add.f32.msk vm2, v1  }
0x96: {  	v14 =	vmin.f32 v27, $6.300000000e+01;
	v27 =	vld [tilespmem:s20+$0xFFFFFFB0]  }
0x97: {  	v26 =	vld [tilespmem:s29+$0xFFFFFFD0];
	vm1 =	vge.f32 v16, v19;
	v15 =	vmax.f32 v15, $0.0e+00;
	v14 =	vtrunc.f32 v14  }
0x98: {  	vm2 =	vle.f32 v16, v21;
	v15 =	vmin.f32 v15, $6.300000000e+01;
	v14 =	vcvt.f32.s32 v14;
	[tilespmem:v23+s14+$0x0] =	vst.idx.add.f32.msk vm0, v1  }
0x99: {  	v15 =	vtrunc.f32 v15;
	vm0 =	vmand vm1, vm2;
	v16 =	vsub.f32 v25, v11;
	v23 =	vld [tilespmem:s21+$0x10]  }
0x9a: {  	vm1 =	vge.f32 v24, v6;
	vm2 =	vle.f32 v24, v7;
	v14 =	vadd.s32 s30, v14  }
0x9b: {  	v15 =	vcvt.f32.s32 v15;
	v16 =	vmul.f32 v16, v13;
	v28 =	vsub.f32 v27, v3  }
0x9c: {  	s22 =	simm.s32 $0x100;
	v24 =	vsub.f32 v26, v18;
	vm1 =	vmand vm1, vm2;
	vm3 =	vge.f32 v25, v11  }
0x9d: {  	v15 =	vadd.s32 s22, v15;
	v16 =	vmax.f32 v16, $0.0e+00;
	v28 =	vmul.f32 v28, v4  }
0x9e: {  	v24 =	vmul.f32 v24, v20;
	v16 =	vmin.f32 v16, $6.300000000e+01;
	v29 =	vsub.f32 v23, v5  }
0x9f: {  	vm2 =	vge.f32 v27, v3;
	[tilespmem:v14+s14+$0x0] =	vst.idx.add.f32.msk vm0, v1;
	v14 =	vtrunc.f32 v16;
	v16 =	vmax.f32 v28, $0.0e+00  }
0xa0: {  	vm0 =	vle.f32 v27, v2;
	v27 =	vld [tilespmem:s20+$0x40];
	v16 =	vmin.f32 v16, $6.300000000e+01;
	v28 =	vmul.f32 v29, v10  }
0xa1: {  	vm4 =	vle.f32 v25, v12;
	v14 =	vcvt.f32.s32 v14;
	v16 =	vtrunc.f32 v16  }
0xa2: {  	[tilespmem:v15+s14+$0x0] =	vst.idx.add.f32.msk vm1, v1;
	vm1 =	vmand vm3, vm4;
	v15 =	vcvt.f32.s32 v16;
	v16 =	vmax.f32 v28, $0.0e+00  }
0xa3: {  	vm3 =	vle.f32 v23, v8;
	v25 =	vld [tilespmem:s21+$0xFFFFFF90];
	v14 =	vadd.s32 s28, v14;
	v16 =	vmin.f32 v16, $6.300000000e+01  }
0xa4: {  	vm0 =	vmand vm2, vm0;
	vm2 =	vge.f32 v23, v5;
	v16 =	vtrunc.f32 v16  }
0xa5: {  	v15 =	vadd.s32 s19, v15;
	v28 =	vsub.f32 v27, v19;
	v16 =	vcvt.f32.s32 v16  }
0xa6: {  	v24 =	vmax.f32 v24, $0.0e+00;
	vm2 =	vmand vm2, vm3  }
0xa7: {  	v24 =	vmin.f32 v24, $6.300000000e+01;
	v23 =	vmul.f32 v28, v22;
	v16 =	vadd.s32 s23, v16  }
0xa8: {  	v24 =	vtrunc.f32 v24;
	[tilespmem:v14+s14+$0x0] =	vst.idx.add.f32.msk vm1, v1;
	v14 =	vsub.f32 v25, v6  }
0xa9: {  	v24 =	vcvt.f32.s32 v24;
	vm3 =	vle.f32 v26, v17;
	v28 =	vld [tilespmem:s29+$0x70];
	v23 =	vmax.f32 v23, $0.0e+00  }
0xaa: {  	vm1 =	vge.f32 v26, v18;
	v14 =	vmul.f32 v14, v9;
	[tilespmem:v15+s14+$0x0] =	vst.idx.add.f32.msk vm0, v1;
	v23 =	vmin.f32 v23, $6.300000000e+01  }
0xab: {  	vm4 =	vle.f32 v27, v21;
	vm1 =	vmand vm1, vm3;
	v15 =	vtrunc.f32 v23;
	v23 =	vld [tilespmem:s20+$0xFFFFFFC0]  }
0xac: {  	vm0 =	vge.f32 v27, v19;
	v14 =	vmax.f32 v14, $0.0e+00;
	v15 =	vcvt.f32.s32 v15;
	[tilespmem:v16+s14+$0x0] =	vst.idx.add.f32.msk vm2, v1  }
0xad: {  	v24 =	vadd.s32 s18, v24;
	vm0 =	vmand vm0, vm4;
	v14 =	vmin.f32 v14, $6.300000000e+01;
	v16 =	vld [tilespmem:s21+$0x20]  }
0xae: {  	vm3 =	vle.f32 v25, v7;
	v14 =	vtrunc.f32 v14;
	v15 =	vadd.s32 s30, v15  }
0xaf: {  	vm2 =	vge.f32 v25, v6;
	v26 =	vsub.f32 v28, v11;
	v14 =	vcvt.f32.s32 v14  }
0xb0: {  	vm2 =	vmand vm2, vm3  }
0xb1: {  	v13 =	vmul.f32 v26, v13;
	v14 =	vadd.s32 s22, v14  }
0xb2: {  	[tilespmem:v24+s14+$0x0] =	vst.idx.add.f32.msk vm1, v1;
	v25 =	vsub.f32 v23, v3;
	v26 =	vsub.f32 v16, v5  }
0xb3: {  	vm1 =	vle.f32 v28, v12;
	vm3 =	vge.f32 v23, v3;
	v13 =	vmax.f32 v13, $0.0e+00;
	[tilespmem:v15+s14+$0x0] =	vst.idx.add.f32.msk vm0, v1  }
0xb4: {  	v13 =	vmin.f32 v13, $6.300000000e+01;
	v15 =	vmul.f32 v25, v4;
	v25 =	vld [tilespmem:s20+$0x50];
	v24 =	vmul.f32 v26, v10  }
0xb5: {  	vm4 =	vle.f32 v23, v2;
	v13 =	vtrunc.f32 v13;
	vm0 =	vge.f32 v28, v11;
	v26 =	vld [tilespmem:s29+$0xFFFFFFE0]  }
0xb6: {  	v23 =	vcvt.f32.s32 v13;
	v11 =	vmax.f32 v15, $0.0e+00;
	[tilespmem:v14+s14+$0x0] =	vst.idx.add.f32.msk vm2, v1;
	v13 =	vmax.f32 v24, $0.0e+00  }
0xb7: {  	vm2 =	vmand vm3, vm4;
	vm3 =	vge.f32 v16, v5;
	v14 =	vld [tilespmem:s21+$0xFFFFFFA0];
	v12 =	vmin.f32 v13, $6.300000000e+01  }
0xb8: {  	vm4 =	vle.f32 v16, v8;
	v11 =	vmin.f32 v11, $6.300000000e+01;
	v12 =	vtrunc.f32 v12  }
0xb9: {  	s24 =	simm.s32 $0x380;
	v15 =	vtrunc.f32 v11;
	v13 =	vsub.f32 v25, v19;
	v12 =	vcvt.f32.s32 v12  }
0xba: {  	s25 =	simm.s32 $0xC870;
	vm5 =	vmand vm3, vm4;
	v24 =	vld [tilespmem:s24+$0x0];
	v15 =	vcvt.f32.s32 v15  }
0xbb: {  	s26 =	simm.s32 $0x70;
	v11 =	vld [tilespmem:s25+$0x0];
	v16 =	vsub.f32 v26, v18;
	v13 =	vmul.f32 v13, v22;
	v27 =	vadd.s32 s23, v12  }
0xbc: {  	s1 =	sand.u32 $0xFF0, s26;
	v28 =	vld [tilespmem:s24+$0xFFFFFF80];
	vm3 =	vge.f32 v26, v18;
	vm4 =	vle.f32 v26, v17;
	v12 =	vsub.f32 v14, v6  }
0xbd: {  	s10 =	simm.s32 $0x60;
	vm6 =	vge.f32 v25, v19;
	v26 =	vmul.f32 v16, v20;
	v16 =	vld [tilespmem:s1+$0xE100];
	v13 =	vmax.f32 v13, $0.0e+00  }
0xbe: {  	s10 =	sand.u32 $0xFE0, s10;
	v29 =	vadd.s32 s19, v15;
	v15 =	vmul.f32 v12, v9;
	v12 =	vld [tilespmem:s25+$0xFFFFFFF0];
	v13 =	vmin.f32 v13, $6.300000000e+01  }
0xbf: {  	vm7 =	vle.f32 v25, v21;
	v25 =	vmax.f32 v26, $0.0e+00;
	v30 =	vtrunc.f32 v13;
	v13 =	vld [tilespmem:s10+$0xE100]  }
0xc0: {  	v26 =	vsub.f32 v24, v11;
	v15 =	vmax.f32 v15, $0.0e+00;
	v30 =	vcvt.f32.s32 v30;
	[tilespmem:v27+s14+$0x0] =	vst.idx.add.f32.msk vm5, v1  }
0xc1: {  	v25 =	vmin.f32 v25, $6.300000000e+01;
	vm5 =	vmand vm6, vm7;
	v31 =	vmin.f32 v15, $6.300000000e+01;
	v15 =	vld [tilespmem:s1+$0xD480]  }
0xc2: {  	vm6 =	vge.f32 v14, v6;
	v26 =	vmul.f32 v26, v16;
	v27 =	vld [tilespmem:s21+$0x30];
	v30 =	vadd.s32 s30, v30  }
0xc3: {  	vm7 =	vle.f32 v14, v7;
	v14 =	vtrunc.f32 v31;
	v31 =	vsub.f32 v28, v12  }
0xc4: {  	[tilespmem:v29+s14+$0x0] =	vst.idx.add.f32.msk vm2, v1;
	v25 =	vtrunc.f32 v25;
	v29 =	vcvt.f32.s32 v14;
	v26 =	vmax.f32 v26, $0.0e+00  }
0xc5: {  	vm6 =	vmand vm6, vm7;
	v14 =	vld [tilespmem:s10+$0xD480];
	v26 =	vmin.f32 v26, $6.300000000e+01;
	v31 =	vmul.f32 v31, v13  }
0xc6: {  	v29 =	vadd.s32 s22, v29;
	v26 =	vtrunc.f32 v26;
	vm7 =	vle.f32 v24, v15  }
0xc7: {  	v26 =	vcvt.f32.s32 v26;
	v32 =	vsub.f32 v27, v5;
	[tilespmem:v30+s14+$0x0] =	vst.idx.add.f32.msk vm5, v1;
	vm5 =	vge.f32 v24, v11  }
0xc8: {  	s26 =	simm.s32 $0x1C0;
	vm2 =	vmand vm3, vm4;
	v31 =	vmax.f32 v31, $0.0e+00;
	v30 =	vld [tilespmem:s20+$0xFFFFFFD0];
	vm3 =	vmand vm5, vm7  }
0xc9: {  	v24 =	vcvt.f32.s32 v25;
	v26 =	vadd.s32 s26, v26;
	v25 =	vld [tilespmem:s20+$0x60];
	v32 =	vmul.f32 v32, v10  }
0xca: {  	vm4 =	vge.f32 v28, v12;
	v31 =	vmin.f32 v31, $6.300000000e+01;
	vm5 =	vle.f32 v28, v14  }
0xcb: {  	v28 =	vtrunc.f32 v31;
	v24 =	vadd.s32 s18, v24;
	[tilespmem:v29+s14+$0x0] =	vst.idx.add.f32.msk vm6, v1;
	v29 =	vmax.f32 v32, $0.0e+00  }
0xcc: {  	vm5 =	vmand vm4, vm5;
	v28 =	vcvt.f32.s32 v28;
	v31 =	vld [tilespmem:s21+$0xFFFFFFB0];
	v29 =	vmin.f32 v29, $6.300000000e+01  }
0xcd: {  	vm4 =	vle.f32 v27, v8;
	v59 =	vsub.f32 v30, v3;
	v29 =	vtrunc.f32 v29  }
0xce: {  	s25 =	simm.s32 $0x180;
	v33 =	vsub.f32 v25, v19;
	v29 =	vcvt.f32.s32 v29;
	[tilespmem:v26+s14+$0x0] =	vst.idx.add.f32.msk vm3, v1;
	vm3 =	vge.f32 v27, v5  }
0xcf: {  	v63 =	vadd.s32 s28, v23;
	v26 =	vadd.s32 s25, v28;
	vm3 =	vmand vm3, vm4  }
0xd0: {  	v32 =	vmul.f32 v59, v4;
	v27 =	vmul.f32 v33, v22;
	v28 =	vld [tilespmem:s24+$0x10];
	v29 =	vadd.s32 s23, v29  }
0xd1: {  	vm4 =	vmand vm0, vm1;
	vm0 =	vge.f32 v30, v3;
	v60 =	vsub.f32 v31, v6  }
0xd2: {  	[tilespmem:v24+s14+$0x0] =	vst.idx.add.f32.msk vm2, v1;
	vm2 =	vge.f32 v31, v6;
	vm6 =	vle.f32 v31, v7;
	v27 =	vmax.f32 v27, $0.0e+00  }
0xd3: {  	vm1 =	vle.f32 v30, v2;
	vm6 =	vmand vm2, vm6;
	v24 =	vmin.f32 v27, $6.300000000e+01;
	v27 =	vld [tilespmem:s29+$0xFFFFFFF0]  }
0xd4: {  	v30 =	vmul.f32 v60, v9;
	v24 =	vtrunc.f32 v24;
	[tilespmem:v26+s14+$0x0] =	vst.idx.add.f32.msk vm5, v1;
	vm5 =	vle.f32 v25, v21  }
0xd5: {  	v24 =	vcvt.f32.s32 v24;
	v31 =	vsub.f32 v28, v11;
	[tilespmem:v29+s14+$0x0] =	vst.idx.add.f32.msk vm3, v1;
	vm3 =	vge.f32 v25, v19  }
0xd6: {  	v26 =	vmax.f32 v32, $0.0e+00;
	v25 =	vmax.f32 v30, $0.0e+00;
	vm5 =	vmand vm3, vm5;
	v29 =	vld [tilespmem:s21+$0x40]  }
0xd7: {  	v25 =	vmin.f32 v25, $6.300000000e+01;
	v30 =	vmul.f32 v31, v16;
	v24 =	vadd.s32 s30, v24;
	v31 =	vld [tilespmem:s24+$0xFFFFFF90]  }
0xd8: {  	v26 =	vmin.f32 v26, $6.300000000e+01;
	vm3 =	vmand vm0, vm1;
	v25 =	vtrunc.f32 v25  }
0xd9: {  	v61 =	vsub.f32 v27, v18;
	v25 =	vcvt.f32.s32 v25;
	v30 =	vmax.f32 v30, $0.0e+00  }
0xda: {  	vm0 =	vge.f32 v28, v11;
	vm1 =	vle.f32 v28, v15;
	v30 =	vmin.f32 v30, $6.300000000e+01  }
0xdb: {  	v20 =	vmul.f32 v61, v20;
	v25 =	vadd.s32 s22, v25;
	v30 =	vtrunc.f32 v30  }
0xdc: {  	v62 =	vsub.f32 v29, v5;
	[tilespmem:v24+s14+$0x0] =	vst.idx.add.f32.msk vm5, v1;
	vm5 =	vmand vm0, vm1;
	vm0 =	vge.f32 v31, v12  }
0xdd: {  	vm1 =	vle.f32 v31, v14;
	v24 =	vtrunc.f32 v26;
	v26 =	vcvt.f32.s32 v30  }
0xde: {  	v30 =	vsub.f32 v31, v12;
	v28 =	vld [tilespmem:s20+$0x70];
	v24 =	vcvt.f32.s32 v24;
	v31 =	vmul.f32 v62, v10  }
0xdf: {  	vm2 =	vmand vm0, vm1;
	vm0 =	vge.f32 v27, v18;
	v18 =	vadd.s32 s26, v26  }
0xe0: {  	v23 =	vadd.s32 s19, v24;
	v24 =	vmul.f32 v30, v13;
	[tilespmem:v25+s14+$0x0] =	vst.idx.add.f32.msk vm6, v1;
	v25 =	vmax.f32 v31, $0.0e+00  }
0xe1: {  	v20 =	vmax.f32 v20, $0.0e+00;
	vm7 =	vle.f32 v29, v8;
	v26 =	vld [tilespmem:s21+$0xFFFFFFC0];
	v25 =	vmin.f32 v25, $6.300000000e+01  }
0xe2: {  	vm1 =	vle.f32 v27, v17;
	v17 =	vmax.f32 v24, $0.0e+00;
	v24 =	vtrunc.f32 v25  }
0xe3: {  	vm6 =	vge.f32 v29, v5;
	v25 =	vsub.f32 v28, v19;
	v24 =	vcvt.f32.s32 v24  }
0xe4: {  	v20 =	vmin.f32 v20, $6.300000000e+01;
	v17 =	vmin.f32 v17, $6.300000000e+01;
	[tilespmem:v18+s14+$0x0] =	vst.idx.add.f32.msk vm5, v1;
	vm5 =	vmand vm6, vm7  }
0xe5: {  	v17 =	vtrunc.f32 v17;
	v18 =	vmul.f32 v25, v22;
	v22 =	vld [tilespmem:s24+$0x20];
	v24 =	vadd.s32 s23, v24  }
0xe6: {  	vm8 =	vle.f32 v28, v21;
	[tilespmem:v23+s14+$0x0] =	vst.idx.add.f32.msk vm3, v1;
	v17 =	vcvt.f32.s32 v17;
	v23 =	vsub.f32 v26, v6  }
0xe7: {  	v27 =	vld [tilespmem:s20+$0xFFFFFFE0];
	vm3 =	vge.f32 v26, v6;
	vm6 =	vle.f32 v26, v7;
	v18 =	vmax.f32 v18, $0.0e+00  }
0xe8: {  	v17 =	vadd.s32 s25, v17;
	v18 =	vmin.f32 v18, $6.300000000e+01;
	v23 =	vmul.f32 v23, v9  }
0xe9: {  	[tilespmem:v63+s14+$0x0] =	vst.idx.add.f32.msk vm4, v1;
	vm7 =	vge.f32 v28, v19;
	vm3 =	vmand vm3, vm6;
	v18 =	vtrunc.f32 v18  }
0xea: {  	v18 =	vcvt.f32.s32 v18;
	[tilespmem:v24+s14+$0x0] =	vst.idx.add.f32.msk vm5, v1;
	v19 =	vsub.f32 v22, v11;
	v21 =	vmax.f32 v23, $0.0e+00  }
0xeb: {  	vm5 =	vmand vm7, vm8;
	vm4 =	vge.f32 v22, v11;
	v21 =	vmin.f32 v21, $6.300000000e+01;
	v25 =	vld [tilespmem:s21+$0x50]  }
0xec: {  	v23 =	vsub.f32 v27, v3;
	v18 =	vadd.s32 s30, v18;
	v19 =	vmul.f32 v19, v16  }
0xed: {  	vm6 =	vle.f32 v27, v2;
	v21 =	vtrunc.f32 v21;
	[tilespmem:v17+s14+$0x0] =	vst.idx.add.f32.msk vm2, v1;
	vm2 =	vge.f32 v27, v3  }
0xee: {  	v17 =	vcvt.f32.s32 v21;
	v28 =	vld [tilespmem:s24+$0xFFFFFFA0];
	v21 =	vmul.f32 v23, v4;
	v19 =	vmax.f32 v19, $0.0e+00  }
0xef: {  	vm2 =	vmand vm2, vm6;
	v23 =	vtrunc.f32 v20;
	v19 =	vmin.f32 v19, $6.300000000e+01  }
0xf0: {  	v24 =	vadd.s32 s22, v17;
	v17 =	vtrunc.f32 v19;
	v19 =	vsub.f32 v25, v5  }
0xf1: {  	s31 =	simm.s32 $0x80;
	s28 =	simm.s32 $0x480;
	v20 =	vmax.f32 v21, $0.0e+00;
	[tilespmem:v18+s14+$0x0] =	vst.idx.add.f32.msk vm5, v1;
	v18 =	vcvt.f32.s32 v17;
	vm5 =	vle.f32 v22, v15  }
0xf2: {  	s0 =	sand.u32 $0xFE0, s31;
	v29 =	vld [tilespmem:s28+$0x0];
	s30 =	simm.s32 $0xC890;
	v26 =	vmin.f32 v20, $6.300000000e+01;
	vm4 =	vmand vm4, vm5;
	v27 =	vmul.f32 v19, v10  }
0xf3: {  	s1 =	simm.s32 $0xA;
	s10 =	simm.s32 $0x90;
	s29 =	simm.s32 $0x8;
	v17 =	vld [tilespmem:s30+$0x0];
	v31 =	vsub.f32 v28, v12;
	vm5 =	vge.f32 v28, v12;
	v30 =	vadd.s32 s26, v18  }
.LBB2_4:
0xf4: {  	p0 =	slt.u32 s1, $0xC6;
	v32 =	vld [tilespmem:s28+$0xFFFFFF80];
	s10 =	sand.u32 $0xFF0, s10;
	vm6 =	vle.f32 v28, v14;
	v19 =	vmax.f32 v27, $0.0e+00;
	v20 =	vtrunc.f32 v26  }
0xf5: {  	v18 =	vld [tilespmem:s10+$0xE100];
	v26 =	vmul.f32 v31, v13;
	vm5 =	vmand vm5, vm6;
	v19 =	vmin.f32 v19, $6.300000000e+01  }
0xf6: {  	vm0 =	vmand vm0, vm1;
	v20 =	vcvt.f32.s32 v20;
	v22 =	vld [tilespmem:s30+$0xFFFFFFF0];
	v19 =	vtrunc.f32 v19  }
0xf7: {  	vm1 =	vge.f32 v25, v5;
	vm6 =	vle.f32 v25, v8;
	v21 =	vld [tilespmem:s0+$0xE100];
	v19 =	vcvt.f32.s32 v19  }
0xf8: {  	v26 =	vmax.f32 v26, $0.0e+00;
	v25 =	vsub.f32 v29, v17;
	[tilespmem:v30+s14+$0x0] =	vst.idx.add.f32.msk vm4, v1;
	vm4 =	vmand vm1, vm6  }
0xf9: {  	v26 =	vmin.f32 v26, $6.300000000e+01;
	v30 =	vadd.s32 s19, v20;
	v27 =	vld [tilespmem:s24+$0x30];
	v28 =	vadd.s32 s23, v19  }
0xfa: {  	v26 =	vtrunc.f32 v26;
	v19 =	vld [tilespmem:s10+$0xD480];
	v25 =	vmul.f32 v25, v18  }
0xfb: {  	v26 =	vcvt.f32.s32 v26;
	v20 =	vld [tilespmem:s0+$0xD480];
	v31 =	vsub.f32 v32, v22;
	vm1 =	vge.f32 v32, v22  }
0xfc: {  	v23 =	vcvt.f32.s32 v23;
	v25 =	vmax.f32 v25, $0.0e+00;
	[tilespmem:v24+s14+$0x0] =	vst.idx.add.f32.msk vm3, v1  }
0xfd: {  	v26 =	vadd.s32 s25, v26;
	v24 =	vmul.f32 v31, v21;
	v25 =	vmin.f32 v25, $6.300000000e+01;
	v31 =	vld [tilespmem:s21+$0xFFFFFFD0]  }
0xfe: {  	v23 =	vadd.s32 s18, v23;
	s18 =	smov.u32 s19;
	s19 =	smov.u32 s22;
	s22 =	smov.u32 s25;
	v25 =	vtrunc.f32 v25;
	v33 =	vsub.f32 v27, v11;
	[tilespmem:v28+s14+$0x0] =	vst.idx.add.f32.msk vm4, v1  }
0xff: {  	s25 =	sshll.u32 s29, $0x6;
	vm3 =	vge.f32 v29, v17;
	s29 =	smov.u32 s1;
	v25 =	vcvt.f32.s32 v25;
	vm4 =	vle.f32 v29, v19;
	v28 =	vld [tilespmem:s21+$0x60]  }
0x100: {  	s0 =	sadd.s32 $0x40, s25;
	v24 =	vmax.f32 v24, $0.0e+00;
	vm4 =	vmand vm3, vm4;
	v29 =	vmul.f32 v33, v16;
	[tilespmem:v30+s14+$0x0] =	vst.idx.add.f32.msk vm2, v1  }
0x101: {  	v24 =	vmin.f32 v24, $6.300000000e+01;
	vm2 =	vle.f32 v32, v20;
	v25 =	vadd.s32 s0, v25;
	v30 =	vld [tilespmem:s20+$0xFFFFFFF0];
	s20 =	smov.u32 s21;
	s21 =	smov.u32 s24;
	s24 =	smov.u32 s28  }
0x102: {  	v24 =	vtrunc.f32 v24;
	vm3 =	vmand vm1, vm2;
	[tilespmem:v26+s14+$0x0] =	vst.idx.add.f32.msk vm5, v1;
	v26 =	vmax.f32 v29, $0.0e+00  }
0x103: {  	v24 =	vcvt.f32.s32 v24;
	v32 =	vsub.f32 v31, v6;
	v29 =	vld [tilespmem:s21+$0xFFFFFFB0];
	v26 =	vmin.f32 v26, $6.300000000e+01  }
0x104: {  	vm2 =	vge.f32 v31, v6;
	v26 =	vtrunc.f32 v26;
	v33 =	vsub.f32 v28, v5;
	[tilespmem:v23+s14+$0x0] =	vst.idx.add.f32.msk vm0, v1  }
0x105: {  	vm1 =	vle.f32 v27, v15;
	vm0 =	vge.f32 v27, v11;
	v23 =	vcvt.f32.s32 v26  }
0x106: {  	v24 =	vadd.s32 s25, v24;
	vm0 =	vmand vm0, vm1;
	[tilespmem:v25+s14+$0x0] =	vst.idx.add.f32.msk vm4, v1;
	v25 =	vmul.f32 v33, v10  }
0x107: {  	v27 =	vmul.f32 v32, v9;
	vm4 =	vle.f32 v31, v7;
	v26 =	vld [tilespmem:s28+$0x10];
	v23 =	vadd.s32 s26, v23  }
0x108: {  	v31 =	vsub.f32 v29, v12;
	vm1 =	vge.f32 v29, v12;
	v25 =	vmax.f32 v25, $0.0e+00  }
0x109: {  	v27 =	vmax.f32 v27, $0.0e+00;
	vm5 =	vle.f32 v29, v14;
	v25 =	vmin.f32 v25, $6.300000000e+01  }
0x10a: {  	vm1 =	vmand vm1, vm5;
	v29 =	vmul.f32 v31, v13;
	v25 =	vtrunc.f32 v25  }
0x10b: {  	vm5 =	vle.f32 v28, v8;
	[tilespmem:v24+s14+$0x0] =	vst.idx.add.f32.msk vm3, v1;
	v24 =	vcvt.f32.s32 v25;
	vm3 =	vge.f32 v28, v5  }
0x10c: {  	v25 =	vsub.f32 v26, v17;
	v28 =	vmax.f32 v29, $0.0e+00;
	[tilespmem:v23+s14+$0x0] =	vst.idx.add.f32.msk vm0, v1;
	vm5 =	vmand vm3, vm5  }
0x10d: {  	v27 =	vmin.f32 v27, $6.300000000e+01;
	v23 =	vmin.f32 v28, $6.300000000e+01;
	v28 =	vld [tilespmem:s21+$0x40];
	v24 =	vadd.s32 s23, v24  }
0x10e: {  	vm3 =	vmand vm2, vm4;
	v29 =	vld [tilespmem:s28+$0xFFFFFF90];
	v25 =	vmul.f32 v25, v18;
	v23 =	vtrunc.f32 v23  }
0x10f: {  	v27 =	vtrunc.f32 v27;
	v31 =	vsub.f32 v30, v3;
	v23 =	vcvt.f32.s32 v23  }
0x110: {  	v27 =	vcvt.f32.s32 v27;
	vm0 =	vge.f32 v30, v3;
	v3 =	vmovc v6;
	v6 =	vmovc v12;
	v25 =	vmax.f32 v25, $0.0e+00  }
0x111: {  	v31 =	vmul.f32 v31, v4;
	v12 =	vmovc v22;
	v4 =	vmovc v9;
	v25 =	vmin.f32 v25, $6.300000000e+01;
	v23 =	vadd.s32 s22, v23  }
0x112: {  	v27 =	vadd.s32 s19, v27;
	v9 =	vmovc v13;
	v22 =	vtrunc.f32 v25;
	v25 =	vsub.f32 v28, v11;
	[tilespmem:v24+s14+$0x0] =	vst.idx.add.f32.msk vm5, v1  }
0x113: {  	vm2 =	vge.f32 v26, v17;
	vm4 =	vle.f32 v26, v19;
	v13 =	vmovc v21;
	v22 =	vcvt.f32.s32 v22;
	v24 =	vld [tilespmem:s20+$0x70]  }
0x114: {  	vm4 =	vmand vm2, vm4;
	v21 =	vsub.f32 v29, v12;
	v25 =	vmul.f32 v25, v16  }
0x115: {  	vm2 =	vge.f32 v29, v12;
	vm5 =	vle.f32 v29, v20;
	v22 =	vadd.s32 s0, v22  }
0x116: {  	vm2 =	vmand vm2, vm5;
	v21 =	vmul.f32 v21, v13;
	[tilespmem:v23+s14+$0x0] =	vst.idx.add.f32.msk vm1, v1;
	v23 =	vmax.f32 v25, $0.0e+00  }
0x117: {  	v26 =	vmax.f32 v31, $0.0e+00;
	vm1 =	vle.f32 v30, v2;
	v2 =	vmovc v7;
	v7 =	vmovc v14;
	v25 =	vld [tilespmem:s21+$0xFFFFFFC0];
	v23 =	vmin.f32 v23, $6.300000000e+01  }
0x118: {  	v14 =	vmovc v20;
	v21 =	vmax.f32 v21, $0.0e+00;
	v23 =	vtrunc.f32 v23;
	[tilespmem:v27+s14+$0x0] =	vst.idx.add.f32.msk vm3, v1;
	v27 =	vsub.f32 v24, v5  }
0x119: {  	vm5 =	vle.f32 v28, v15;
	vm3 =	vge.f32 v28, v11;
	v20 =	vcvt.f32.s32 v23;
	v23 =	vld [tilespmem:s20+$0xFFFFFFE0]  }
0x11a: {  	v21 =	vmin.f32 v21, $6.300000000e+01;
	vm3 =	vmand vm3, vm5;
	[tilespmem:v22+s14+$0x0] =	vst.idx.add.f32.msk vm4, v1;
	v22 =	vmul.f32 v27, v10;
	v10 =	vmovc v16  }
0x11b: {  	v26 =	vmin.f32 v26, $6.300000000e+01;
	v21 =	vtrunc.f32 v21;
	v16 =	vmovc v18;
	v27 =	vld [tilespmem:s28+$0x20];
	v20 =	vadd.s32 s26, v20  }
0x11c: {  	v18 =	vcvt.f32.s32 v21;
	v21 =	vsub.f32 v25, v6;
	v22 =	vmax.f32 v22, $0.0e+00  }
0x11d: {  	vm4 =	vge.f32 v25, v6;
	vm5 =	vle.f32 v25, v7;
	v22 =	vmin.f32 v22, $6.300000000e+01  }
0x11e: {  	v18 =	vadd.s32 s25, v18;
	v21 =	vmul.f32 v21, v9;
	v22 =	vtrunc.f32 v22  }
0x11f: {  	vm6 =	vge.f32 v24, v5;
	vm7 =	vle.f32 v24, v8;
	v8 =	vmovc v15;
	v15 =	vmovc v19;
	v22 =	vcvt.f32.s32 v22  }
0x120: {  	v5 =	vmovc v11;
	vm6 =	vmand vm6, vm7;
	v19 =	vsub.f32 v27, v17;
	v21 =	vmax.f32 v21, $0.0e+00;
	[tilespmem:v20+s14+$0x0] =	vst.idx.add.f32.msk vm3, v1  }
0x121: {  	v11 =	vmovc v17;
	vm3 =	vmand vm4, vm5;
	v20 =	vmin.f32 v21, $6.300000000e+01;
	v25 =	vld [tilespmem:s21+$0x50];
	v21 =	vadd.s32 s23, v22;
	s23 =	smov.u32 s26;
	s26 =	smov.u32 s0  }
0x122: {  	v17 =	vmul.f32 v19, v16;
	v19 =	vtrunc.f32 v20;
	v20 =	vsub.f32 v23, v3  }
0x123: {  	vm4 =	vle.f32 v23, v2;
	[tilespmem:v18+s14+$0x0] =	vst.idx.add.f32.msk vm2, v1;
	v18 =	vcvt.f32.s32 v19;
	vm2 =	vge.f32 v23, v3  }
0x124: {  	v28 =	vld [tilespmem:s28+$0xFFFFFFA0];
	v17 =	vmax.f32 v17, $0.0e+00;
	v19 =	vmul.f32 v20, v4;
	vm2 =	vmand vm2, vm4  }
.Ltmp1:
0x125: {  	v23 =	vtrunc.f32 v26;
	v17 =	vmin.f32 v17, $6.300000000e+01;
	v24 =	vadd.s32 s22, v18;
	(pc) =	sbr.rel @p0 .LBB2_4-.Ltmp1, $4  }
0x126: {  	v17 =	vtrunc.f32 v17;
	v18 =	vsub.f32 v25, v5;
	v19 =	vmax.f32 v19, $0.0e+00;
	[tilespmem:v21+s14+$0x0] =	vst.idx.add.f32.msk vm6, v1  }
0x127: {  	s30 =	sadd.s32 $0x20, s30;
	vm5 =	vle.f32 v27, v15;
	vm4 =	vge.f32 v27, v11;
	v20 =	vcvt.f32.s32 v17  }
0x128: {  	s31 =	sadd.s32 $0x20, s31;
	s28 =	sadd.s32 $0x100, s28;
	vm4 =	vmand vm4, vm5;
	v26 =	vmin.f32 v19, $6.300000000e+01;
	v17 =	vld [tilespmem:s30+$0x0];
	v27 =	vmul.f32 v18, v10  }
0x129: {  	s10 =	sadd.s32 $0x10, s31;
	s1 =	sadd.s32 $0x2, s1;
	s0 =	sand.u32 $0xFE0, s31;
	v29 =	vld [tilespmem:s28+$0x0];
	v31 =	vsub.f32 v28, v12;
	vm5 =	vge.f32 v28, v12;
	v30 =	vadd.s32 s26, v20  }
0x12a: {  	s1 =	sand.u32 $0xFF0, s10  }
0x12b: {  	v22 =	vld [tilespmem:s1+$0xE100]  }
0x12c: {  	v32 =	vld [tilespmem:s28+$0xFFFFFF80]  }
0x12d: {  	v18 =	vld [tilespmem:s30+$0xFFFFFFF0]  }
0x12e: {  	v19 =	vsub.f32 v29, v17  }
0x12f: {  	v21 =	vld [tilespmem:s0+$0xE100]  }
0x130: {  	v20 =	vld [tilespmem:s1+$0xD480];
	v19 =	vmul.f32 v19, v22;
	_ =	sdelay $0x1  }
0x131: {  	v33 =	vsub.f32 v32, v18;
	v19 =	vmax.f32 v19, $0.0e+00  }
0x132: {  	v34 =	vmin.f32 v19, $6.300000000e+01  }
0x133: {  	v33 =	vmul.f32 v33, v21;
	v19 =	vld [tilespmem:s0+$0xD480];
	v34 =	vtrunc.f32 v34  }
0x134: {  	s29 =	sshll.u32 s29, $0x6;
	vm6 =	vge.f32 v29, v17;
	vm7 =	vle.f32 v29, v20;
	v34 =	vcvt.f32.s32 v34  }
0x135: {  	s30 =	sadd.s32 $0x40, s29;
	vm6 =	vmand vm6, vm7;
	v29 =	vmax.f32 v33, $0.0e+00  }
0x136: {  	v29 =	vmin.f32 v29, $6.300000000e+01;
	v63 =	vadd.s32 s30, v34  }
0x137: {  	v29 =	vtrunc.f32 v29  }
0x138: {  	vm7 =	vge.f32 v32, v18;
	v29 =	vcvt.f32.s32 v29;
	vm8 =	vle.f32 v32, v19  }
0x139: {  	vm7 =	vmand vm7, vm8  }
0x13a: {  	v29 =	vadd.s32 s29, v29  }
0x13b: {  	[tilespmem:v63+s14+$0x0] =	vst.idx.add.f32.msk vm6, v1  }
0x13c: {  	v36 =	vld [tilespmem:s28+$0x10];
	_ =	sdelay $0x2  }
0x13d: {  	[tilespmem:v29+s14+$0x0] =	vst.idx.add.f32.msk vm7, v1  }
0x13e: {  	v29 =	vld [tilespmem:s28+$0xFFFFFF90]  }
0x13f: {  	v37 =	vsub.f32 v36, v17;
	_ =	sdelay $0x1  }
0x140: {  	v33 =	vmul.f32 v37, v22;
	_ =	sdelay $0x1  }
0x141: {  	v38 =	vsub.f32 v29, v18;
	v33 =	vmax.f32 v33, $0.0e+00  }
0x142: {  	v33 =	vmin.f32 v33, $6.300000000e+01  }
0x143: {  	v34 =	vmul.f32 v38, v21;
	v33 =	vtrunc.f32 v33  }
0x144: {  	vm6 =	vge.f32 v36, v17;
	vm7 =	vle.f32 v36, v20;
	v33 =	vcvt.f32.s32 v33  }
0x145: {  	vm6 =	vmand vm6, vm7;
	v39 =	vmax.f32 v34, $0.0e+00  }
0x146: {  	v32 =	vmin.f32 v39, $6.300000000e+01;
	v33 =	vadd.s32 s30, v33  }
0x147: {  	v32 =	vtrunc.f32 v32  }
0x148: {  	vm7 =	vge.f32 v29, v18;
	vm13 =	vle.f32 v29, v19;
	v29 =	vcvt.f32.s32 v32  }
0x149: {  	vm7 =	vmand vm7, vm13  }
0x14a: {  	v29 =	vadd.s32 s29, v29  }
0x14b: {  	[tilespmem:v33+s14+$0x0] =	vst.idx.add.f32.msk vm6, v1  }
0x14c: {  	v40 =	vld [tilespmem:s28+$0x20];
	_ =	sdelay $0x2  }
0x14d: {  	[tilespmem:v29+s14+$0x0] =	vst.idx.add.f32.msk vm7, v1  }
0x14e: {  	v29 =	vmul.f32 v31, v13;
	v31 =	vld [tilespmem:s28+$0xFFFFFFA0]  }
0x14f: {  	v41 =	vsub.f32 v40, v17  }
0x150: {  	v29 =	vmax.f32 v29, $0.0e+00  }
0x151: {  	[tilespmem:v30+s14+$0x0] =	vst.idx.add.f32.msk vm4, v1;
	v29 =	vmin.f32 v29, $6.300000000e+01;
	v30 =	vmul.f32 v41, v22  }
0x152: {  	vm4 =	vle.f32 v28, v14;
	v28 =	vld [tilespmem:s24+$0x30];
	v29 =	vtrunc.f32 v29  }
0x153: {  	v29 =	vcvt.f32.s32 v29;
	v42 =	vsub.f32 v31, v18;
	v30 =	vmax.f32 v30, $0.0e+00  }
0x154: {  	vm4 =	vmand vm5, vm4;
	v30 =	vmin.f32 v30, $6.300000000e+01  }
0x155: {  	v29 =	vadd.s32 s25, v29;
	v33 =	vmul.f32 v42, v21;
	v30 =	vtrunc.f32 v30  }
0x156: {  	vm5 =	vge.f32 v40, v17;
	vm6 =	vle.f32 v40, v20;
	v30 =	vcvt.f32.s32 v30  }
0x157: {  	v43 =	vsub.f32 v28, v11;
	vm5 =	vmand vm5, vm6;
	v33 =	vmax.f32 v33, $0.0e+00  }
0x158: {  	v33 =	vmin.f32 v33, $6.300000000e+01;
	v30 =	vadd.s32 s30, v30  }
0x159: {  	v32 =	vmul.f32 v43, v16;
	v33 =	vtrunc.f32 v33  }
0x15a: {  	vm6 =	vle.f32 v31, v19;
	[tilespmem:v29+s14+$0x0] =	vst.idx.add.f32.msk vm4, v1;
	vm4 =	vge.f32 v31, v18;
	v29 =	vcvt.f32.s32 v33  }
0x15b: {  	v31 =	vmax.f32 v32, $0.0e+00;
	v44 =	vld [tilespmem:s24+$0xFFFFFFB0];
	vm4 =	vmand vm4, vm6  }
0x15c: {  	v31 =	vmin.f32 v31, $6.300000000e+01;
	v29 =	vadd.s32 s29, v29  }
0x15d: {  	v31 =	vtrunc.f32 v31;
	[tilespmem:v30+s14+$0x0] =	vst.idx.add.f32.msk vm5, v1  }
0x15e: {  	vm6 =	vle.f32 v28, v15;
	v30 =	vcvt.f32.s32 v31;
	vm5 =	vge.f32 v28, v11;
	v28 =	vld [tilespmem:s28+$0x30]  }
0x15f: {  	vm5 =	vmand vm5, vm6  }
0x160: {  	v31 =	vsub.f32 v44, v12;
	v30 =	vadd.s32 s26, v30  }
0x161: {  	[tilespmem:v29+s14+$0x0] =	vst.idx.add.f32.msk vm4, v1  }
0x162: {  	v29 =	vmul.f32 v31, v13;
	v31 =	vld [tilespmem:s28+$0xFFFFFFB0]  }
0x163: {  	v45 =	vsub.f32 v28, v17  }
0x164: {  	v29 =	vmax.f32 v29, $0.0e+00  }
0x165: {  	v29 =	vmin.f32 v29, $6.300000000e+01;
	[tilespmem:v30+s14+$0x0] =	vst.idx.add.f32.msk vm5, v1;
	v30 =	vmul.f32 v45, v22  }
0x166: {  	vm4 =	vge.f32 v44, v12;
	vm5 =	vle.f32 v44, v14;
	v29 =	vtrunc.f32 v29  }
0x167: {  	v46 =	vld [tilespmem:s24+$0x40];
	v29 =	vcvt.f32.s32 v29;
	v47 =	vsub.f32 v31, v18;
	v30 =	vmax.f32 v30, $0.0e+00  }
0x168: {  	vm4 =	vmand vm4, vm5;
	v30 =	vmin.f32 v30, $6.300000000e+01  }
0x169: {  	v29 =	vadd.s32 s25, v29;
	v33 =	vmul.f32 v47, v21;
	v30 =	vtrunc.f32 v30  }
0x16a: {  	vm6 =	vle.f32 v28, v20;
	vm5 =	vge.f32 v28, v17;
	v30 =	vcvt.f32.s32 v30  }
0x16b: {  	vm5 =	vmand vm5, vm6;
	v33 =	vmax.f32 v33, $0.0e+00  }
0x16c: {  	v28 =	vsub.f32 v46, v11;
	v33 =	vmin.f32 v33, $6.300000000e+01;
	v30 =	vadd.s32 s30, v30  }
0x16d: {  	v27 =	vmax.f32 v27, $0.0e+00;
	vm6 =	vle.f32 v31, v19;
	v33 =	vtrunc.f32 v33  }
0x16e: {  	v28 =	vmul.f32 v28, v16;
	[tilespmem:v29+s14+$0x0] =	vst.idx.add.f32.msk vm4, v1;
	vm4 =	vge.f32 v31, v18;
	v29 =	vcvt.f32.s32 v33  }
0x16f: {  	v27 =	vmin.f32 v27, $6.300000000e+01;
	v31 =	vld [tilespmem:s24+$0xFFFFFFC0];
	vm4 =	vmand vm4, vm6  }
0x170: {  	v27 =	vtrunc.f32 v27;
	v28 =	vmax.f32 v28, $0.0e+00;
	v29 =	vadd.s32 s29, v29  }
0x171: {  	v27 =	vcvt.f32.s32 v27;
	v28 =	vmin.f32 v28, $6.300000000e+01;
	[tilespmem:v30+s14+$0x0] =	vst.idx.add.f32.msk vm5, v1  }
0x172: {  	vm6 =	vle.f32 v25, v8;
	vm5 =	vge.f32 v25, v5;
	v25 =	vtrunc.f32 v28;
	v28 =	vld [tilespmem:s28+$0x40]  }
0x173: {  	v27 =	vadd.s32 s23, v27;
	vm7 =	vle.f32 v46, v15;
	vm5 =	vmand vm5, vm6  }
0x174: {  	v25 =	vcvt.f32.s32 v25;
	vm6 =	vge.f32 v46, v11;
	v30 =	vsub.f32 v31, v12  }
0x175: {  	vm6 =	vmand vm6, vm7;
	[tilespmem:v29+s14+$0x0] =	vst.idx.add.f32.msk vm4, v1  }
0x176: {  	v25 =	vadd.s32 s26, v25;
	v29 =	vmul.f32 v30, v13;
	v30 =	vld [tilespmem:s28+$0xFFFFFFC0]  }
0x177: {  	[tilespmem:v24+s14+$0x0] =	vst.idx.add.f32.msk vm3, v1;
	v24 =	vsub.f32 v28, v17  }
0x178: {  	v26 =	vtrunc.f32 v26;
	v48 =	vld [tilespmem:s21+$0xFFFFFFD0];
	v29 =	vmax.f32 v29, $0.0e+00  }
0x179: {  	v26 =	vcvt.f32.s32 v26;
	[tilespmem:v27+s14+$0x0] =	vst.idx.add.f32.msk vm5, v1;
	v27 =	vmin.f32 v29, $6.300000000e+01;
	v24 =	vmul.f32 v24, v22  }
0x17a: {  	vm3 =	vge.f32 v31, v12;
	vm4 =	vle.f32 v31, v14;
	v27 =	vtrunc.f32 v27  }
0x17b: {  	[tilespmem:v25+s14+$0x0] =	vst.idx.add.f32.msk vm6, v1;
	v25 =	vcvt.f32.s32 v27;
	v27 =	vsub.f32 v30, v18;
	v24 =	vmax.f32 v24, $0.0e+00  }
0x17c: {  	vm3 =	vmand vm3, vm4;
	vm4 =	vge.f32 v28, v17;
	v29 =	vld [tilespmem:s21+$0x60];
	v24 =	vmin.f32 v24, $6.300000000e+01  }
0x17d: {  	v31 =	vld [tilespmem:s24+$0x50];
	v25 =	vadd.s32 s25, v25;
	v27 =	vmul.f32 v27, v21;
	v24 =	vtrunc.f32 v24  }
0x17e: {  	vm5 =	vle.f32 v28, v20;
	v28 =	vsub.f32 v48, v6;
	v24 =	vcvt.f32.s32 v24  }
0x17f: {  	v26 =	vadd.s32 s19, v26;
	vm4 =	vmand vm4, vm5;
	v27 =	vmax.f32 v27, $0.0e+00  }
0x180: {  	v28 =	vmul.f32 v28, v9;
	v27 =	vmin.f32 v27, $6.300000000e+01;
	v24 =	vadd.s32 s30, v24  }
0x181: {  	vm5 =	vle.f32 v30, v19;
	v49 =	vsub.f32 v29, v5;
	v27 =	vtrunc.f32 v27  }
0x182: {  	v50 =	vsub.f32 v31, v11;
	[tilespmem:v25+s14+$0x0] =	vst.idx.add.f32.msk vm3, v1;
	vm3 =	vge.f32 v30, v18;
	v25 =	vcvt.f32.s32 v27  }
0x183: {  	vm6 =	vge.f32 v48, v6;
	v27 =	vmul.f32 v49, v10;
	vm3 =	vmand vm3, vm5  }
0x184: {  	v28 =	vmax.f32 v28, $0.0e+00;
	v51 =	vmul.f32 v50, v16;
	v30 =	vld [tilespmem:s24+$0xFFFFFFD0];
	v25 =	vadd.s32 s29, v25  }
0x185: {  	v28 =	vmin.f32 v28, $6.300000000e+01;
	vm5 =	vle.f32 v48, v7;
	v27 =	vmax.f32 v27, $0.0e+00;
	[tilespmem:v24+s14+$0x0] =	vst.idx.add.f32.msk vm4, v1  }
0x186: {  	v24 =	vmin.f32 v27, $6.300000000e+01;
	v27 =	vtrunc.f32 v28;
	v28 =	vmax.f32 v51, $0.0e+00;
	v52 =	vld [tilespmem:s28+$0x50]  }
0x187: {  	vm4 =	vmand vm6, vm5;
	vm5 =	vle.f32 v31, v15;
	vm6 =	vge.f32 v29, v5  }
0x188: {  	v24 =	vtrunc.f32 v24;
	v27 =	vcvt.f32.s32 v27;
	v28 =	vmin.f32 v28, $6.300000000e+01  }
0x189: {  	v24 =	vcvt.f32.s32 v24;
	v28 =	vtrunc.f32 v28;
	v53 =	vsub.f32 v30, v12;
	[tilespmem:v25+s14+$0x0] =	vst.idx.add.f32.msk vm3, v1  }
0x18a: {  	v27 =	vadd.s32 s22, v27;
	v28 =	vcvt.f32.s32 v28;
	vm3 =	vge.f32 v31, v11;
	v31 =	vld [tilespmem:s28+$0xFFFFFFD0]  }
0x18b: {  	v25 =	vmul.f32 v53, v13;
	vm3 =	vmand vm3, vm5;
	v54 =	vsub.f32 v52, v17  }
0x18c: {  	vm5 =	vle.f32 v29, v8;
	v24 =	vadd.s32 s23, v24;
	v28 =	vadd.s32 s26, v28  }
0x18d: {  	[tilespmem:v26+s14+$0x0] =	vst.idx.add.f32.msk vm2, v1;
	vm2 =	vmand vm6, vm5;
	v25 =	vmax.f32 v25, $0.0e+00;
	v26 =	vmul.f32 v54, v22  }
0x18e: {  	v29 =	vld [tilespmem:s20+$0xFFFFFFF0];
	vm5 =	vge.f32 v30, v12;
	vm6 =	vle.f32 v30, v14;
	v25 =	vmin.f32 v25, $6.300000000e+01  }
0x18f: {  	v25 =	vtrunc.f32 v25;
	[tilespmem:v27+s14+$0x0] =	vst.idx.add.f32.msk vm4, v1;
	v27 =	vsub.f32 v31, v18;
	v26 =	vmax.f32 v26, $0.0e+00  }
0x190: {  	vm4 =	vmand vm5, vm6;
	v25 =	vcvt.f32.s32 v25;
	v30 =	vld [tilespmem:s21+$0xFFFFFFE0];
	v26 =	vmin.f32 v26, $6.300000000e+01  }
0x191: {  	vm5 =	vle.f32 v52, v20;
	[tilespmem:v28+s14+$0x0] =	vst.idx.add.f32.msk vm3, v1;
	v27 =	vmul.f32 v27, v21;
	v26 =	vtrunc.f32 v26  }
0x192: {  	vm3 =	vge.f32 v52, v17;
	v25 =	vadd.s32 s25, v25;
	v28 =	vld [tilespmem:s24+$0x60];
	v26 =	vcvt.f32.s32 v26  }
0x193: {  	vm3 =	vmand vm3, vm5;
	v27 =	vmax.f32 v27, $0.0e+00  }
0x194: {  	v55 =	vsub.f32 v29, v3;
	v27 =	vmin.f32 v27, $6.300000000e+01;
	v26 =	vadd.s32 s30, v26  }
0x195: {  	vm0 =	vmand vm0, vm1;
	[tilespmem:v24+s14+$0x0] =	vst.idx.add.f32.msk vm2, v1;
	vm2 =	vge.f32 v31, v18;
	v27 =	vtrunc.f32 v27  }
0x196: {  	vm5 =	vle.f32 v31, v19;
	v4 =	vmul.f32 v55, v4;
	v24 =	vcvt.f32.s32 v27  }
0x197: {  	vm2 =	vmand vm2, vm5;
	v27 =	vsub.f32 v30, v6;
	v31 =	vsub.f32 v28, v11;
	[tilespmem:v25+s14+$0x0] =	vst.idx.add.f32.msk vm4, v1  }
0x198: {  	vm1 =	vge.f32 v29, v3;
	v3 =	vmax.f32 v4, $0.0e+00;
	v25 =	vld [tilespmem:s24+$0xFFFFFFE0];
	v24 =	vadd.s32 s29, v24  }
0x199: {  	v3 =	vmin.f32 v3, $6.300000000e+01;
	v27 =	vmul.f32 v27, v9;
	v31 =	vmul.f32 v31, v16;
	[tilespmem:v26+s14+$0x0] =	vst.idx.add.f32.msk vm3, v1  }
0x19a: {  	v23 =	vcvt.f32.s32 v23;
	v3 =	vtrunc.f32 v3;
	vm4 =	vle.f32 v30, v7;
	v4 =	vld [tilespmem:s28+$0x60]  }
0x19b: {  	vm3 =	vge.f32 v30, v6;
	v26 =	vld [tilespmem:s21+$0x70];
	v27 =	vmax.f32 v27, $0.0e+00;
	v30 =	vmax.f32 v31, $0.0e+00  }
0x19c: {  	vm3 =	vmand vm3, vm4;
	v27 =	vmin.f32 v27, $6.300000000e+01;
	v30 =	vmin.f32 v30, $6.300000000e+01  }
0x19d: {  	v27 =	vtrunc.f32 v27;
	v30 =	vtrunc.f32 v30;
	v31 =	vsub.f32 v25, v12;
	[tilespmem:v24+s14+$0x0] =	vst.idx.add.f32.msk vm2, v1  }
0x19e: {  	vm4 =	vle.f32 v28, v15;
	v24 =	vcvt.f32.s32 v27;
	v27 =	vcvt.f32.s32 v30;
	v30 =	vld [tilespmem:s28+$0xFFFFFFE0]  }
0x19f: {  	vm2 =	vge.f32 v28, v11;
	v28 =	vmul.f32 v31, v13;
	v31 =	vsub.f32 v4, v17  }
0x1a0: {  	vm2 =	vmand vm2, vm4;
	v56 =	vsub.f32 v26, v5;
	v24 =	vadd.s32 s22, v24  }
0x1a1: {  	v27 =	vadd.s32 s26, v27;
	v28 =	vmax.f32 v28, $0.0e+00;
	v31 =	vmul.f32 v31, v22  }
0x1a2: {  	vm5 =	vle.f32 v25, v14;
	v10 =	vmul.f32 v56, v10;
	v28 =	vmin.f32 v28, $6.300000000e+01  }
0x1a3: {  	v28 =	vtrunc.f32 v28;
	v57 =	vsub.f32 v30, v18;
	v31 =	vmax.f32 v31, $0.0e+00  }
0x1a4: {  	vm4 =	vge.f32 v25, v12;
	v25 =	vcvt.f32.s32 v28;
	v28 =	vmin.f32 v31, $6.300000000e+01  }
0x1a5: {  	v10 =	vmax.f32 v10, $0.0e+00;
	[tilespmem:v24+s14+$0x0] =	vst.idx.add.f32.msk vm3, v1;
	v24 =	vtrunc.f32 v28;
	v28 =	vmul.f32 v57, v21  }
0x1a6: {  	vm3 =	vmand vm4, vm5;
	[tilespmem:v27+s14+$0x0] =	vst.idx.add.f32.msk vm2, v1;
	vm2 =	vge.f32 v4, v17;
	vm4 =	vle.f32 v4, v20  }
0x1a7: {  	v25 =	vadd.s32 s25, v25;
	v24 =	vcvt.f32.s32 v24;
	v27 =	vmax.f32 v28, $0.0e+00  }
0x1a8: {  	v4 =	vld [tilespmem:s24+$0x70];
	vm2 =	vmand vm2, vm4;
	vm4 =	vle.f32 v29, v2;
	v27 =	vmin.f32 v27, $6.300000000e+01  }
0x1a9: {  	v2 =	vmin.f32 v10, $6.300000000e+01;
	v28 =	vld [tilespmem:s21+$0xFFFFFFF0];
	v24 =	vadd.s32 s30, v24;
	v10 =	vtrunc.f32 v27  }
0x1aa: {  	vm6 =	vle.f32 v30, v19;
	vm5 =	vge.f32 v30, v18;
	v10 =	vcvt.f32.s32 v10  }
0x1ab: {  	v3 =	vcvt.f32.s32 v3;
	vm5 =	vmand vm5, vm6  }
0x1ac: {  	v23 =	vadd.s32 s18, v23;
	v2 =	vtrunc.f32 v2;
	v10 =	vadd.s32 s29, v10  }
0x1ad: {  	v3 =	vadd.s32 s19, v3;
	v2 =	vcvt.f32.s32 v2;
	v27 =	vsub.f32 v4, v11;
	[tilespmem:v25+s14+$0x0] =	vst.idx.add.f32.msk vm3, v1  }
0x1ae: {  	vm1 =	vmand vm1, vm4;
	vm3 =	vge.f32 v26, v5;
	v5 =	vsub.f32 v28, v6;
	[tilespmem:v24+s14+$0x0] =	vst.idx.add.f32.msk vm2, v1  }
0x1af: {  	v2 =	vadd.s32 s23, v2;
	vm2 =	vle.f32 v26, v8;
	v8 =	vmul.f32 v27, v16;
	v16 =	vld [tilespmem:s28+$0x70]  }
0x1b0: {  	vm6 =	vle.f32 v4, v15;
	vm4 =	vge.f32 v28, v6;
	v5 =	vmul.f32 v5, v9;
	v9 =	vld [tilespmem:s24+$0xFFFFFFF0]  }
0x1b1: {  	vm2 =	vmand vm3, vm2;
	vm3 =	vge.f32 v4, v11;
	v8 =	vmax.f32 v8, $0.0e+00;
	[tilespmem:v10+s14+$0x0] =	vst.idx.add.f32.msk vm5, v1  }
0x1b2: {  	v5 =	vmax.f32 v5, $0.0e+00;
	v6 =	vmin.f32 v8, $6.300000000e+01;
	vm5 =	vle.f32 v28, v7;
	v7 =	vld [tilespmem:s28+$0xFFFFFFF0]  }
0x1b3: {  	vm3 =	vmand vm3, vm6;
	v5 =	vmin.f32 v5, $6.300000000e+01;
	v6 =	vtrunc.f32 v6  }
0x1b4: {  	v6 =	vcvt.f32.s32 v6;
	v4 =	vtrunc.f32 v5;
	vm4 =	vmand vm4, vm5  }
0x1b5: {  	v8 =	vsub.f32 v16, v17;
	v5 =	vsub.f32 v9, v12;
	v4 =	vcvt.f32.s32 v4  }
0x1b6: {  	vm5 =	vge.f32 v9, v12;
	vm6 =	vle.f32 v9, v14;
	vm7 =	vge.f32 v16, v17  }
0x1b7: {  	vm14 =	vle.f32 v16, v20;
	v8 =	vmul.f32 v8, v22;
	v10 =	vsub.f32 v7, v18  }
0x1b8: {  	v6 =	vadd.s32 s26, v6;
	vm7 =	vmand vm7, vm14;
	v5 =	vmul.f32 v5, v13  }
0x1b9: {  	vm5 =	vmand vm5, vm6;
	v8 =	vmax.f32 v8, $0.0e+00;
	v9 =	vmul.f32 v10, v21  }
0x1ba: {  	v4 =	vadd.s32 s22, v4;
	v5 =	vmax.f32 v5, $0.0e+00;
	v8 =	vmin.f32 v8, $6.300000000e+01  }
0x1bb: {  	v5 =	vmin.f32 v5, $6.300000000e+01;
	v8 =	vtrunc.f32 v8;
	v9 =	vmax.f32 v9, $0.0e+00  }
0x1bc: {  	v5 =	vtrunc.f32 v5;
	v8 =	vcvt.f32.s32 v8;
	v9 =	vmin.f32 v9, $6.300000000e+01  }
0x1bd: {  	[tilespmem:v23+s14+$0x0] =	vst.idx.add.f32.msk vm0, v1;
	vm0 =	vge.f32 v7, v18;
	v5 =	vcvt.f32.s32 v5;
	v9 =	vtrunc.f32 v9  }
0x1be: {  	vm6 =	vle.f32 v7, v19;
	v8 =	vadd.s32 s30, v8;
	v7 =	vcvt.f32.s32 v9  }
0x1bf: {  	[tilespmem:v2+s14+$0x0] =	vst.idx.add.f32.msk vm2, v1;
	vm0 =	vmand vm0, vm6;
	v2 =	vadd.s32 s25, v5  }
0x1c0: {  	[tilespmem:v3+s14+$0x0] =	vst.idx.add.f32.msk vm1, v1;
	v3 =	vadd.s32 s29, v7  }
0x1c1: {  	[tilespmem:v6+s14+$0x0] =	vst.idx.add.f32.msk vm3, v1  }
0x1c2: {  	[tilespmem:v4+s14+$0x0] =	vst.idx.add.f32.msk vm4, v1  }
0x1c3: {  	[tilespmem:v8+s14+$0x0] =	vst.idx.add.f32.msk vm7, v1  }
0x1c4: {  	[tilespmem:v2+s14+$0x0] =	vst.idx.add.f32.msk vm5, v1  }
0x1c5: {  	[tilespmem:v3+s14+$0x0] =	vst.idx.add.f32.msk vm0, v1  }
0x1c6: {  	_ =	swait.ge [sflag:s15], $0x6400  }
0x1c7: {  	[sflag:s15] =	ssyncset.done $0x0  }
0x1c8: {  	s10 =	simm.s32 $0xC810;
	[sflag:s15] =	ssyncadd.s32 $0xFFFF9C00  }
0x1c9: {  	s28 =	simm.s32 $0x6480;
	v11 =	vld [tilespmem:s10+$0x0]  }
0x1ca: {  	s18 =	simm.s32 $0x10;
	v2 =	vld [tilespmem:s28+$0x0]  }
0x1cb: {  	s1 =	sand.u32 $0xFF0, s18  }
0x1cc: {  	v13 =	vld [tilespmem:s1+$0xE100];
	_ =	sdelay $0x2  }
0x1cd: {  	v3 =	vsub.f32 v2, v11;
	_ =	sdelay $0x1  }
0x1ce: {  	v12 =	vld [tilespmem:s1+$0xD480];
	v3 =	vmul.f32 v3, v13;
	_ =	sdelay $0x1  }
0x1cf: {  	v3 =	vmax.f32 v3, $0.0e+00  }
0x1d0: {  	v3 =	vmin.f32 v3, $6.300000000e+01  }
0x1d1: {  	v3 =	vtrunc.f32 v3  }
0x1d2: {  	v4 =	vld [tilespmem:s28+$0xFFFFFF80];
	vm0 =	vge.f32 v2, v11;
	vm1 =	vle.f32 v2, v12;
	v3 =	vcvt.f32.s32 v3  }
0x1d3: {  	s19 =	simm.s32 $0x0;
	s24 =	simm.s32 $0x40;
	v18 =	vld [tilespmem:s10+$0xFFFFFFF0];
	vm0 =	vmand vm0, vm1  }
0x1d4: {  	s20 =	sand.u32 $0xFE0, s19;
	v2 =	vadd.s32 s24, v3  }
0x1d5: {  	v19 =	vld [tilespmem:s20+$0xE100];
	_ =	sdelay $0x2  }
0x1d6: {  	v17 =	vld [tilespmem:s20+$0xD480];
	v3 =	vsub.f32 v4, v18  }
0x1d7: {  	[tilespmem:v2+s14+$0x0] =	vst.idx.add.f32.msk vm0, v1  }
0x1d8: {  	v2 =	vmul.f32 v3, v19;
	v3 =	vld [tilespmem:s28+$0x10];
	_ =	sdelay $0x1  }
0x1d9: {  	v2 =	vmax.f32 v2, $0.0e+00  }
0x1da: {  	v2 =	vmin.f32 v2, $6.300000000e+01  }
0x1db: {  	vm1 =	vle.f32 v4, v17;
	v2 =	vtrunc.f32 v2  }
0x1dc: {  	vm0 =	vge.f32 v4, v18;
	v2 =	vcvt.f32.s32 v2;
	v4 =	vsub.f32 v3, v11  }
0x1dd: {  	s18 =	simm.s32 $0x0;
	vm0 =	vmand vm0, vm1  }
0x1de: {  	v2 =	vadd.s32 s18, v2;
	v4 =	vmul.f32 v4, v13;
	_ =	sdelay $0x1  }
0x1df: {  	v4 =	vmax.f32 v4, $0.0e+00  }
0x1e0: {  	v4 =	vmin.f32 v4, $6.300000000e+01  }
0x1e1: {  	v4 =	vtrunc.f32 v4  }
0x1e2: {  	vm1 =	vle.f32 v3, v12;
	[tilespmem:v2+s14+$0x0] =	vst.idx.add.f32.msk vm0, v1;
	vm0 =	vge.f32 v3, v11;
	v2 =	vcvt.f32.s32 v4  }
0x1e3: {  	v3 =	vld [tilespmem:s28+$0xFFFFFF90];
	vm0 =	vmand vm0, vm1  }
0x1e4: {  	v2 =	vadd.s32 s24, v2;
	_ =	sdelay $0x3  }
0x1e5: {  	v4 =	vsub.f32 v3, v18  }
0x1e6: {  	[tilespmem:v2+s14+$0x0] =	vst.idx.add.f32.msk vm0, v1  }
0x1e7: {  	v2 =	vmul.f32 v4, v19;
	v4 =	vld [tilespmem:s28+$0x20];
	_ =	sdelay $0x1  }
0x1e8: {  	v2 =	vmax.f32 v2, $0.0e+00  }
0x1e9: {  	v2 =	vmin.f32 v2, $6.300000000e+01  }
0x1ea: {  	vm1 =	vle.f32 v3, v17;
	v2 =	vtrunc.f32 v2  }
0x1eb: {  	vm0 =	vge.f32 v3, v18;
	v2 =	vcvt.f32.s32 v2;
	v3 =	vsub.f32 v4, v11  }
0x1ec: {  	vm0 =	vmand vm0, vm1  }
0x1ed: {  	v2 =	vadd.s32 s18, v2;
	v3 =	vmul.f32 v3, v13;
	_ =	sdelay $0x1  }
0x1ee: {  	v3 =	vmax.f32 v3, $0.0e+00  }
0x1ef: {  	v3 =	vmin.f32 v3, $6.300000000e+01  }
0x1f0: {  	v3 =	vtrunc.f32 v3  }
0x1f1: {  	s21 =	simm.s32 $0xC830;
	vm1 =	vle.f32 v4, v12;
	[tilespmem:v2+s14+$0x0] =	vst.idx.add.f32.msk vm0, v1;
	vm0 =	vge.f32 v4, v11;
	v2 =	vcvt.f32.s32 v3  }
0x1f2: {  	v20 =	vld [tilespmem:s21+$0x0];
	s20 =	simm.s32 $0x6580;
	vm0 =	vmand vm0, vm1  }
0x1f3: {  	s22 =	simm.s32 $0x30;
	v5 =	vld [tilespmem:s20+$0x0];
	v2 =	vadd.s32 s24, v2  }
0x1f4: {  	s1 =	sand.u32 $0xFF0, s22  }
0x1f5: {  	v22 =	vld [tilespmem:s1+$0xE100]  }
0x1f6: {  	v6 =	vld [tilespmem:s28+$0xFFFFFFA0]  }
0x1f7: {  	v21 =	vld [tilespmem:s1+$0xD480]  }
0x1f8: {  	v3 =	vsub.f32 v5, v20;
	[tilespmem:v2+s14+$0x0] =	vst.idx.add.f32.msk vm0, v1  }
0x1f9: {  	v7 =	vld [tilespmem:s28+$0x30]  }
0x1fa: {  	v3 =	vmul.f32 v3, v22  }
0x1fb: {  	v2 =	vsub.f32 v6, v18  }
0x1fc: {  	v8 =	vld [tilespmem:s20+$0xFFFFFF80];
	v4 =	vmax.f32 v3, $0.0e+00  }
0x1fd: {  	s23 =	simm.s32 $0x20;
	vm2 =	vle.f32 v5, v21;
	v3 =	vld [tilespmem:s21+$0xFFFFFFF0];
	v4 =	vmin.f32 v4, $6.300000000e+01;
	v2 =	vmul.f32 v2, v19  }
0x1fe: {  	s25 =	sand.u32 $0xFE0, s23;
	vm1 =	vge.f32 v5, v20;
	v9 =	vtrunc.f32 v4;
	v10 =	vsub.f32 v7, v11  }
0x1ff: {  	vm1 =	vmand vm1, vm2;
	v4 =	vld [tilespmem:s25+$0xE100];
	v9 =	vcvt.f32.s32 v9;
	v2 =	vmax.f32 v2, $0.0e+00  }
0x200: {  	s29 =	simm.s32 $0xC0;
	vm2 =	vle.f32 v6, v17;
	v2 =	vmin.f32 v2, $6.300000000e+01;
	v5 =	vmul.f32 v10, v13  }
0x201: {  	vm0 =	vge.f32 v6, v18;
	v6 =	vadd.s32 s29, v9;
	v2 =	vtrunc.f32 v2  }
0x202: {  	v9 =	vsub.f32 v8, v3;
	v10 =	vcvt.f32.s32 v2;
	v2 =	vmax.f32 v5, $0.0e+00  }
0x203: {  	vm0 =	vmand vm0, vm2;
	v5 =	vmin.f32 v2, $6.300000000e+01  }
0x204: {  	v9 =	vmul.f32 v9, v4;
	vm2 =	vge.f32 v7, v11;
	v2 =	vld [tilespmem:s25+$0xD480];
	v5 =	vtrunc.f32 v5  }
0x205: {  	vm3 =	vle.f32 v7, v12;
	v10 =	vadd.s32 s18, v10;
	v5 =	vcvt.f32.s32 v5  }
0x206: {  	v7 =	vmax.f32 v9, $0.0e+00;
	[tilespmem:v6+s14+$0x0] =	vst.idx.add.f32.msk vm1, v1;
	vm1 =	vmand vm2, vm3  }
0x207: {  	v6 =	vmin.f32 v7, $6.300000000e+01;
	v7 =	vld [tilespmem:s20+$0x10];
	v5 =	vadd.s32 s24, v5  }
0x208: {  	v6 =	vtrunc.f32 v6  }
0x209: {  	vm2 =	vge.f32 v8, v3;
	v6 =	vcvt.f32.s32 v6;
	vm3 =	vle.f32 v8, v2  }
0x20a: {  	s19 =	simm.s32 $0x80;
	[tilespmem:v10+s14+$0x0] =	vst.idx.add.f32.msk vm0, v1;
	vm2 =	vmand vm2, vm3  }
0x20b: {  	v6 =	vadd.s32 s19, v6;
	v8 =	vld [tilespmem:s28+$0xFFFFFFB0]  }
0x20c: {  	v9 =	vsub.f32 v7, v20;
	[tilespmem:v5+s14+$0x0] =	vst.idx.add.f32.msk vm1, v1  }
0x20d: {  	v5 =	vld [tilespmem:s28+$0x40]  }
0x20e: {  	v9 =	vmul.f32 v9, v22;
	_ =	sdelay $0x1  }
0x20f: {  	[tilespmem:v6+s14+$0x0] =	vst.idx.add.f32.msk vm2, v1;
	v6 =	vmax.f32 v9, $0.0e+00  }
0x210: {  	v10 =	vsub.f32 v8, v18;
	v9 =	vld [tilespmem:s20+$0xFFFFFF90];
	v6 =	vmin.f32 v6, $6.300000000e+01  }
0x211: {  	vm0 =	vge.f32 v7, v20;
	v6 =	vtrunc.f32 v6;
	v14 =	vsub.f32 v5, v11  }
0x212: {  	vm1 =	vle.f32 v7, v21;
	v10 =	vmul.f32 v10, v19;
	v6 =	vcvt.f32.s32 v6  }
0x213: {  	vm0 =	vmand vm0, vm1;
	v7 =	vmul.f32 v14, v13  }
0x214: {  	v10 =	vmax.f32 v10, $0.0e+00;
	v6 =	vadd.s32 s29, v6  }
0x215: {  	v10 =	vmin.f32 v10, $6.300000000e+01;
	v14 =	vsub.f32 v9, v3;
	v7 =	vmax.f32 v7, $0.0e+00  }
0x216: {  	vm1 =	vge.f32 v8, v18;
	v10 =	vtrunc.f32 v10;
	v7 =	vmin.f32 v7, $6.300000000e+01  }
0x217: {  	vm2 =	vge.f32 v5, v11;
	v14 =	vmul.f32 v14, v4;
	v7 =	vtrunc.f32 v7  }
0x218: {  	vm3 =	vle.f32 v5, v12;
	v5 =	vcvt.f32.s32 v10;
	v7 =	vcvt.f32.s32 v7  }
0x219: {  	v10 =	vmax.f32 v14, $0.0e+00;
	[tilespmem:v6+s14+$0x0] =	vst.idx.add.f32.msk vm0, v1;
	vm0 =	vmand vm2, vm3;
	vm2 =	vle.f32 v8, v17  }
0x21a: {  	v6 =	vmin.f32 v10, $6.300000000e+01;
	v8 =	vld [tilespmem:s20+$0x20];
	vm1 =	vmand vm1, vm2;
	v7 =	vadd.s32 s24, v7  }
0x21b: {  	v5 =	vadd.s32 s18, v5;
	v6 =	vtrunc.f32 v6  }
0x21c: {  	vm3 =	vle.f32 v9, v2;
	vm2 =	vge.f32 v9, v3;
	v6 =	vcvt.f32.s32 v6  }
0x21d: {  	vm2 =	vmand vm2, vm3  }
0x21e: {  	v6 =	vadd.s32 s19, v6  }
0x21f: {  	v9 =	vsub.f32 v8, v20;
	[tilespmem:v7+s14+$0x0] =	vst.idx.add.f32.msk vm0, v1  }
0x220: {  	[tilespmem:v5+s14+$0x0] =	vst.idx.add.f32.msk vm1, v1  }
0x221: {  	v7 =	vld [tilespmem:s28+$0x50];
	v5 =	vmul.f32 v9, v22  }
0x222: {  	v9 =	vld [tilespmem:s28+$0xFFFFFFC0]  }
0x223: {  	[tilespmem:v6+s14+$0x0] =	vst.idx.add.f32.msk vm2, v1;
	v5 =	vmax.f32 v5, $0.0e+00  }
0x224: {  	v14 =	vld [tilespmem:s20+$0xFFFFFFA0];
	v5 =	vmin.f32 v5, $6.300000000e+01  }
0x225: {  	s21 =	simm.s32 $0x6680;
	vm0 =	vge.f32 v8, v20;
	v5 =	vtrunc.f32 v5  }
0x226: {  	s26 =	simm.s32 $0xC850;
	v15 =	vld [tilespmem:s21+$0x0];
	vm1 =	vle.f32 v8, v21;
	v6 =	vsub.f32 v7, v11;
	v10 =	vcvt.f32.s32 v5  }
0x227: {  	s10 =	simm.s32 $0x50;
	vm0 =	vmand vm0, vm1;
	v8 =	vsub.f32 v9, v18;
	v5 =	vld [tilespmem:s26+$0x0]  }
0x228: {  	s1 =	sand.u32 $0xFF0, s10;
	vm1 =	vge.f32 v9, v18;
	v6 =	vmul.f32 v6, v13;
	v16 =	vadd.s32 s29, v10  }
0x229: {  	vm2 =	vle.f32 v9, v17;
	v8 =	vmul.f32 v8, v19;
	v10 =	vld [tilespmem:s1+$0xE100];
	v23 =	vsub.f32 v14, v3  }
0x22a: {  	vm3 =	vge.f32 v7, v11;
	vm4 =	vle.f32 v7, v12;
	v6 =	vmax.f32 v6, $0.0e+00  }
0x22b: {  	v8 =	vmax.f32 v8, $0.0e+00;
	v6 =	vmin.f32 v6, $6.300000000e+01;
	v9 =	vmul.f32 v23, v4  }
0x22c: {  	v7 =	vmin.f32 v8, $6.300000000e+01;
	v8 =	vsub.f32 v15, v5;
	v6 =	vtrunc.f32 v6  }
0x22d: {  	vm3 =	vmand vm3, vm4;
	v6 =	vcvt.f32.s32 v6;
	[tilespmem:v16+s14+$0x0] =	vst.idx.add.f32.msk vm0, v1  }
0x22e: {  	vm0 =	vmand vm1, vm2;
	v9 =	vmax.f32 v9, $0.0e+00;
	v8 =	vmul.f32 v8, v10;
	v16 =	vld [tilespmem:s20+$0x30]  }
0x22f: {  	v9 =	vmin.f32 v9, $6.300000000e+01;
	v24 =	vadd.s32 s24, v6;
	v6 =	vtrunc.f32 v7;
	v7 =	vld [tilespmem:s1+$0xD480]  }
0x230: {  	vm1 =	vge.f32 v14, v3;
	v9 =	vtrunc.f32 v9;
	v25 =	vcvt.f32.s32 v6  }
0x231: {  	s22 =	simm.s32 $0x40;
	v23 =	vld [tilespmem:s21+$0xFFFFFF80];
	vm2 =	vle.f32 v14, v2;
	v8 =	vmax.f32 v8, $0.0e+00;
	v14 =	vcvt.f32.s32 v9  }
0x232: {  	s23 =	sand.u32 $0xFE0, s22;
	vm1 =	vmand vm1, vm2;
	v6 =	vld [tilespmem:s26+$0xFFFFFFF0];
	v8 =	vmin.f32 v8, $6.300000000e+01;
	v25 =	vadd.s32 s18, v25  }
0x233: {  	vm2 =	vge.f32 v15, v5;
	v9 =	vld [tilespmem:s23+$0xE100];
	v8 =	vtrunc.f32 v8;
	v14 =	vadd.s32 s19, v14  }
0x234: {  	v26 =	vsub.f32 v16, v20;
	[tilespmem:v24+s14+$0x0] =	vst.idx.add.f32.msk vm3, v1;
	v24 =	vcvt.f32.s32 v8;
	vm3 =	vle.f32 v15, v7  }
0x235: {  	s22 =	simm.s32 $0x140;
	v8 =	vld [tilespmem:s23+$0xD480];
	vm2 =	vmand vm2, vm3  }
0x236: {  	v15 =	vld [tilespmem:s28+$0x60];
	v26 =	vmul.f32 v26, v22;
	v24 =	vadd.s32 s22, v24  }
0x237: {  	v27 =	vsub.f32 v23, v6;
	[tilespmem:v25+s14+$0x0] =	vst.idx.add.f32.msk vm0, v1  }
0x238: {  	v26 =	vmax.f32 v26, $0.0e+00;
	[tilespmem:v14+s14+$0x0] =	vst.idx.add.f32.msk vm1, v1  }
0x239: {  	vm3 =	vge.f32 v23, v6;
	v25 =	vmul.f32 v27, v9;
	v14 =	vmin.f32 v26, $6.300000000e+01;
	v26 =	vld [tilespmem:s20+$0xFFFFFFB0]  }
0x23a: {  	vm0 =	vge.f32 v16, v20;
	vm1 =	vle.f32 v16, v21;
	v28 =	vld [tilespmem:s28+$0xFFFFFFD0];
	v14 =	vtrunc.f32 v14  }
0x23b: {  	v25 =	vmax.f32 v25, $0.0e+00;
	v27 =	vsub.f32 v15, v11;
	v14 =	vcvt.f32.s32 v14;
	[tilespmem:v24+s14+$0x0] =	vst.idx.add.f32.msk vm2, v1  }
0x23c: {  	vm1 =	vmand vm0, vm1;
	vm0 =	vle.f32 v23, v8;
	v16 =	vmin.f32 v25, $6.300000000e+01;
	v24 =	vld [tilespmem:s21+$0x10]  }
0x23d: {  	v16 =	vtrunc.f32 v16;
	v23 =	vmul.f32 v27, v13;
	v14 =	vadd.s32 s29, v14  }
0x23e: {  	vm2 =	vmand vm3, vm0;
	vm3 =	vle.f32 v15, v12;
	v16 =	vcvt.f32.s32 v16  }
0x23f: {  	s23 =	simm.s32 $0x100;
	v25 =	vsub.f32 v26, v3;
	v27 =	vsub.f32 v28, v18;
	v23 =	vmax.f32 v23, $0.0e+00  }
0x240: {  	vm4 =	vle.f32 v26, v2;
	v16 =	vadd.s32 s23, v16;
	v23 =	vmin.f32 v23, $6.300000000e+01  }
0x241: {  	v25 =	vmul.f32 v25, v4;
	v23 =	vtrunc.f32 v23;
	v29 =	vsub.f32 v24, v5  }
0x242: {  	v27 =	vmul.f32 v27, v19;
	v23 =	vcvt.f32.s32 v23;
	[tilespmem:v14+s14+$0x0] =	vst.idx.add.f32.msk vm1, v1;
	vm1 =	vge.f32 v15, v11  }
0x243: {  	v14 =	vmax.f32 v25, $0.0e+00;
	v15 =	vld [tilespmem:s20+$0x40];
	vm1 =	vmand vm1, vm3;
	v25 =	vmul.f32 v29, v10  }
0x244: {  	v14 =	vmin.f32 v14, $6.300000000e+01;
	vm3 =	vge.f32 v26, v3;
	v23 =	vadd.s32 s24, v23  }
0x245: {  	v14 =	vtrunc.f32 v14;
	[tilespmem:v16+s14+$0x0] =	vst.idx.add.f32.msk vm2, v1;
	vm2 =	vmand vm3, vm4;
	v16 =	vmax.f32 v25, $0.0e+00  }
0x246: {  	vm3 =	vge.f32 v24, v5;
	v14 =	vcvt.f32.s32 v14;
	v26 =	vld [tilespmem:s21+$0xFFFFFF90];
	v16 =	vmin.f32 v16, $6.300000000e+01  }
0x247: {  	vm4 =	vle.f32 v24, v7;
	v25 =	vmax.f32 v27, $0.0e+00;
	v16 =	vtrunc.f32 v16  }
0x248: {  	v14 =	vadd.s32 s19, v14;
	v27 =	vsub.f32 v15, v20;
	v16 =	vcvt.f32.s32 v16  }
0x249: {  	vm0 =	vge.f32 v28, v18;
	v24 =	vmin.f32 v25, $6.300000000e+01;
	[tilespmem:v23+s14+$0x0] =	vst.idx.add.f32.msk vm1, v1;
	vm1 =	vmand vm3, vm4  }
0x24a: {  	v24 =	vtrunc.f32 v24;
	v23 =	vmul.f32 v27, v22;
	v16 =	vadd.s32 s22, v16  }
0x24b: {  	vm3 =	vle.f32 v28, v17;
	v24 =	vcvt.f32.s32 v24;
	v25 =	vld [tilespmem:s28+$0x70];
	v27 =	vsub.f32 v26, v6  }
0x24c: {  	vm0 =	vmand vm0, vm3;
	v23 =	vmax.f32 v23, $0.0e+00  }
0x24d: {  	v24 =	vadd.s32 s18, v24;
	v27 =	vmul.f32 v27, v9;
	[tilespmem:v14+s14+$0x0] =	vst.idx.add.f32.msk vm2, v1;
	v23 =	vmin.f32 v23, $6.300000000e+01  }
0x24e: {  	vm3 =	vle.f32 v15, v21;
	v14 =	vtrunc.f32 v23;
	v23 =	vld [tilespmem:s20+$0xFFFFFFC0]  }
0x24f: {  	vm2 =	vge.f32 v15, v20;
	v15 =	vmax.f32 v27, $0.0e+00;
	v14 =	vcvt.f32.s32 v14;
	[tilespmem:v16+s14+$0x0] =	vst.idx.add.f32.msk vm1, v1  }
0x250: {  	v27 =	vsub.f32 v25, v11;
	v15 =	vmin.f32 v15, $6.300000000e+01;
	vm1 =	vmand vm2, vm3;
	v16 =	vld [tilespmem:s21+$0x20]  }
0x251: {  	v15 =	vtrunc.f32 v15;
	vm2 =	vge.f32 v26, v6;
	v14 =	vadd.s32 s29, v14  }
0x252: {  	vm3 =	vle.f32 v26, v8;
	[tilespmem:v24+s14+$0x0] =	vst.idx.add.f32.msk vm0, v1;
	v13 =	vmul.f32 v27, v13;
	v15 =	vcvt.f32.s32 v15  }
0x253: {  	vm4 =	vle.f32 v25, v12;
	vm2 =	vmand vm2, vm3;
	v27 =	vld [tilespmem:s28+$0xFFFFFFE0];
	v24 =	vsub.f32 v23, v3  }
0x254: {  	vm3 =	vge.f32 v25, v11;
	v13 =	vmax.f32 v13, $0.0e+00;
	v15 =	vadd.s32 s23, v15  }
0x255: {  	v13 =	vmin.f32 v13, $6.300000000e+01;
	v24 =	vmul.f32 v24, v4;
	v26 =	vsub.f32 v16, v5  }
0x256: {  	vm4 =	vmand vm3, vm4;
	vm0 =	vge.f32 v23, v3;
	v13 =	vtrunc.f32 v13;
	[tilespmem:v14+s14+$0x0] =	vst.idx.add.f32.msk vm1, v1  }
0x257: {  	vm1 =	vle.f32 v23, v2;
	v14 =	vld [tilespmem:s20+$0x50];
	v11 =	vmax.f32 v24, $0.0e+00;
	v12 =	vmul.f32 v26, v10  }
0x258: {  	v13 =	vcvt.f32.s32 v13;
	v23 =	vsub.f32 v27, v18;
	v11 =	vmin.f32 v11, $6.300000000e+01  }
0x259: {  	vm3 =	vle.f32 v16, v7;
	[tilespmem:v15+s14+$0x0] =	vst.idx.add.f32.msk vm2, v1;
	v11 =	vtrunc.f32 v11;
	v12 =	vmax.f32 v12, $0.0e+00  }
0x25a: {  	v26 =	vadd.s32 s24, v13;
	v15 =	vld [tilespmem:s21+$0xFFFFFFA0];
	v13 =	vcvt.f32.s32 v11;
	v11 =	vmin.f32 v12, $6.300000000e+01  }
0x25b: {  	vm0 =	vmand vm0, vm1;
	vm2 =	vge.f32 v16, v5;
	v11 =	vtrunc.f32 v11  }
0x25c: {  	s24 =	simm.s32 $0x6780;
	v12 =	vmul.f32 v23, v19;
	v23 =	vsub.f32 v14, v20;
	v24 =	vcvt.f32.s32 v11  }
0x25d: {  	s0 =	simm.s32 $0xC870;
	vm1 =	vge.f32 v27, v18;
	vm3 =	vmand vm2, vm3;
	vm2 =	vle.f32 v27, v17;
	v27 =	vld [tilespmem:s24+$0xFFFFFF80]  }
0x25e: {  	v11 =	vld [tilespmem:s0+$0x0];
	v12 =	vmax.f32 v12, $0.0e+00;
	v16 =	vmul.f32 v23, v22;
	v24 =	vadd.s32 s22, v24  }
0x25f: {  	s25 =	simm.s32 $0x70;
	v23 =	vld [tilespmem:s24+$0x0];
	v12 =	vmin.f32 v12, $6.300000000e+01;
	v25 =	vsub.f32 v15, v6  }
0x260: {  	s1 =	sand.u32 $0xFF0, s25;
	s26 =	simm.s32 $0x60;
	v30 =	vtrunc.f32 v12;
	v12 =	vld [tilespmem:s0+$0xFFFFFFF0];
	v28 =	vmax.f32 v16, $0.0e+00  }
0x261: {  	s10 =	sand.u32 $0xFE0, s26;
	v29 =	vadd.s32 s19, v13;
	v16 =	vld [tilespmem:s1+$0xE100];
	v25 =	vmul.f32 v25, v9;
	v13 =	vmin.f32 v28, $6.300000000e+01  }
0x262: {  	vm6 =	vge.f32 v14, v20;
	vm7 =	vle.f32 v14, v21;
	v28 =	vtrunc.f32 v13;
	v13 =	vld [tilespmem:s10+$0xE100]  }
0x263: {  	vm5 =	vge.f32 v15, v6;
	v25 =	vmax.f32 v25, $0.0e+00;
	v28 =	vcvt.f32.s32 v28;
	[tilespmem:v24+s14+$0x0] =	vst.idx.add.f32.msk vm3, v1  }
0x264: {  	v14 =	vsub.f32 v23, v11;
	vm3 =	vmand vm6, vm7;
	vm6 =	vle.f32 v15, v8;
	v15 =	vld [tilespmem:s1+$0xD480]  }
0x265: {  	vm1 =	vmand vm1, vm2;
	v25 =	vmin.f32 v25, $6.300000000e+01;
	v24 =	vcvt.f32.s32 v30;
	v30 =	vld [tilespmem:s21+$0x30]  }
0x266: {  	v25 =	vtrunc.f32 v25;
	v28 =	vadd.s32 s29, v28;
	v31 =	vmul.f32 v14, v16  }
0x267: {  	[tilespmem:v29+s14+$0x0] =	vst.idx.add.f32.msk vm0, v1;
	v58 =	vsub.f32 v27, v12;
	vm0 =	vge.f32 v27, v12;
	v25 =	vcvt.f32.s32 v25  }
0x268: {  	vm2 =	vmand vm5, vm6;
	v14 =	vld [tilespmem:s10+$0xD480];
	v24 =	vadd.s32 s18, v24;
	v31 =	vmax.f32 v31, $0.0e+00  }
0x269: {  	v25 =	vadd.s32 s23, v25;
	v32 =	vmul.f32 v58, v13;
	v29 =	vmin.f32 v31, $6.300000000e+01  }
0x26a: {  	v31 =	vld [tilespmem:s20+$0xFFFFFFD0];
	v29 =	vtrunc.f32 v29;
	vm5 =	vle.f32 v23, v15;
	v59 =	vsub.f32 v30, v5  }
0x26b: {  	[tilespmem:v28+s14+$0x0] =	vst.idx.add.f32.msk vm3, v1;
	v28 =	vcvt.f32.s32 v29;
	vm3 =	vge.f32 v23, v11;
	v29 =	vmax.f32 v32, $0.0e+00  }
0x26c: {  	s26 =	simm.s32 $0x1C0;
	vm6 =	vle.f32 v30, v7;
	v23 =	vld [tilespmem:s20+$0x60];
	vm3 =	vmand vm3, vm5;
	v60 =	vmul.f32 v59, v10  }
0x26d: {  	v29 =	vmin.f32 v29, $6.300000000e+01;
	vm5 =	vle.f32 v27, v14;
	v27 =	vadd.s32 s26, v28  }
0x26e: {  	v28 =	vtrunc.f32 v29;
	vm0 =	vmand vm0, vm5;
	[tilespmem:v25+s14+$0x0] =	vst.idx.add.f32.msk vm2, v1;
	v25 =	vmax.f32 v60, $0.0e+00  }
0x26f: {  	vm5 =	vge.f32 v30, v5;
	v28 =	vcvt.f32.s32 v28;
	v29 =	vld [tilespmem:s21+$0xFFFFFFB0];
	v25 =	vmin.f32 v25, $6.300000000e+01  }
0x270: {  	s25 =	simm.s32 $0x180;
	v61 =	vsub.f32 v31, v3;
	vm2 =	vge.f32 v31, v3;
	v25 =	vtrunc.f32 v25  }
0x271: {  	v28 =	vadd.s32 s25, v28;
	v62 =	vsub.f32 v23, v20;
	v25 =	vcvt.f32.s32 v25  }
0x272: {  	v32 =	vmul.f32 v61, v4;
	vm7 =	vle.f32 v23, v21;
	[tilespmem:v27+s14+$0x0] =	vst.idx.add.f32.msk vm3, v1;
	vm3 =	vmand vm5, vm6  }
0x273: {  	vm5 =	vle.f32 v31, v2;
	v27 =	vmul.f32 v62, v22;
	v30 =	vld [tilespmem:s24+$0x10];
	v25 =	vadd.s32 s22, v25  }
0x274: {  	[tilespmem:v24+s14+$0x0] =	vst.idx.add.f32.msk vm1, v1;
	v24 =	vmax.f32 v32, $0.0e+00;
	v31 =	vsub.f32 v29, v6;
	vm6 =	vge.f32 v29, v6  }
0x275: {  	vm1 =	vle.f32 v29, v8;
	v24 =	vmin.f32 v24, $6.300000000e+01;
	v27 =	vmax.f32 v27, $0.0e+00  }
0x276: {  	vm1 =	vmand vm6, vm1;
	v31 =	vmul.f32 v31, v9;
	v27 =	vmin.f32 v27, $6.300000000e+01  }
0x277: {  	v29 =	vld [tilespmem:s28+$0xFFFFFFF0];
	vm6 =	vge.f32 v23, v20;
	v24 =	vtrunc.f32 v24;
	v27 =	vtrunc.f32 v27  }
0x278: {  	v27 =	vcvt.f32.s32 v27;
	v23 =	vsub.f32 v30, v11;
	[tilespmem:v25+s14+$0x0] =	vst.idx.add.f32.msk vm3, v1;
	v25 =	vmax.f32 v31, $0.0e+00  }
0x279: {  	v24 =	vcvt.f32.s32 v24;
	vm3 =	vmand vm6, vm7;
	v25 =	vmin.f32 v25, $6.300000000e+01;
	v31 =	vld [tilespmem:s21+$0x40]  }
0x27a: {  	[tilespmem:v28+s14+$0x0] =	vst.idx.add.f32.msk vm0, v1;
	v27 =	vadd.s32 s29, v27;
	v23 =	vmul.f32 v23, v16;
	v25 =	vtrunc.f32 v25  }
0x27b: {  	vm2 =	vmand vm2, vm5;
	v28 =	vld [tilespmem:s24+$0xFFFFFF90];
	v25 =	vcvt.f32.s32 v25  }
0x27c: {  	v24 =	vadd.s32 s19, v24;
	v63 =	vsub.f32 v29, v18;
	v23 =	vmax.f32 v23, $0.0e+00  }
0x27d: {  	vm0 =	vge.f32 v29, v18;
	v18 =	vmin.f32 v23, $6.300000000e+01;
	v23 =	vadd.s32 s23, v25  }
0x27e: {  	vm5 =	vle.f32 v30, v15;
	v18 =	vtrunc.f32 v18;
	v25 =	vsub.f32 v31, v5  }
0x27f: {  	v19 =	vmul.f32 v63, v19;
	[tilespmem:v27+s14+$0x0] =	vst.idx.add.f32.msk vm3, v1;
	v18 =	vcvt.f32.s32 v18;
	vm3 =	vge.f32 v30, v11  }
0x280: {  	vm6 =	vle.f32 v28, v14;
	v27 =	vld [tilespmem:s20+$0x70];
	vm3 =	vmand vm3, vm5;
	v25 =	vmul.f32 v25, v10  }
0x281: {  	v19 =	vmax.f32 v19, $0.0e+00;
	v30 =	vsub.f32 v28, v12;
	v18 =	vadd.s32 s26, v18  }
0x282: {  	vm7 =	vle.f32 v31, v7;
	vm5 =	vge.f32 v28, v12;
	[tilespmem:v23+s14+$0x0] =	vst.idx.add.f32.msk vm1, v1;
	v23 =	vmax.f32 v25, $0.0e+00  }
0x283: {  	v28 =	vmul.f32 v30, v13;
	vm5 =	vmand vm5, vm6;
	v23 =	vmin.f32 v23, $6.300000000e+01  }
0x284: {  	vm6 =	vge.f32 v31, v5;
	vm1 =	vle.f32 v29, v17;
	v25 =	vld [tilespmem:s21+$0xFFFFFFC0];
	v23 =	vtrunc.f32 v23  }
0x285: {  	[tilespmem:v24+s14+$0x0] =	vst.idx.add.f32.msk vm2, v1;
	v17 =	vmax.f32 v28, $0.0e+00;
	v28 =	vsub.f32 v27, v20;
	v23 =	vcvt.f32.s32 v23  }
0x286: {  	v19 =	vmin.f32 v19, $6.300000000e+01;
	v17 =	vmin.f32 v17, $6.300000000e+01;
	[tilespmem:v18+s14+$0x0] =	vst.idx.add.f32.msk vm3, v1;
	vm3 =	vmand vm6, vm7  }
0x287: {  	v17 =	vtrunc.f32 v17;
	v18 =	vmul.f32 v28, v22;
	v22 =	vld [tilespmem:s24+$0x20];
	v23 =	vadd.s32 s22, v23  }
0x288: {  	vm15 =	vle.f32 v27, v21;
	v17 =	vcvt.f32.s32 v17;
	vm7 =	vge.f32 v27, v20;
	v28 =	vld [tilespmem:s20+$0xFFFFFFE0]  }
0x289: {  	vm7 =	vmand vm7, vm15;
	v24 =	vsub.f32 v25, v6;
	v18 =	vmax.f32 v18, $0.0e+00  }
0x28a: {  	v17 =	vadd.s32 s25, v17;
	vm2 =	vge.f32 v25, v6;
	v18 =	vmin.f32 v18, $6.300000000e+01  }
0x28b: {  	[tilespmem:v26+s14+$0x0] =	vst.idx.add.f32.msk vm4, v1;
	vm6 =	vle.f32 v25, v8;
	v24 =	vmul.f32 v24, v9;
	v18 =	vtrunc.f32 v18  }
0x28c: {  	v18 =	vcvt.f32.s32 v18;
	v20 =	vsub.f32 v22, v11;
	vm4 =	vge.f32 v22, v11;
	[tilespmem:v23+s14+$0x0] =	vst.idx.add.f32.msk vm3, v1  }
0x28d: {  	v21 =	vmax.f32 v24, $0.0e+00;
	vm3 =	vmand vm2, vm6;
	v23 =	vsub.f32 v28, v3;
	v25 =	vld [tilespmem:s21+$0x50]  }
0x28e: {  	v21 =	vmin.f32 v21, $6.300000000e+01;
	v18 =	vadd.s32 s29, v18;
	v20 =	vmul.f32 v20, v16  }
0x28f: {  	[tilespmem:v17+s14+$0x0] =	vst.idx.add.f32.msk vm5, v1;
	vm2 =	vge.f32 v28, v3;
	vm5 =	vle.f32 v28, v2;
	v21 =	vtrunc.f32 v21  }
0x290: {  	v28 =	vld [tilespmem:s24+$0xFFFFFFA0];
	vm2 =	vmand vm2, vm5;
	v17 =	vcvt.f32.s32 v21;
	v20 =	vmax.f32 v20, $0.0e+00  }
0x291: {  	v21 =	vmul.f32 v23, v4;
	v23 =	vtrunc.f32 v19;
	v20 =	vmin.f32 v20, $6.300000000e+01  }
0x292: {  	v24 =	vadd.s32 s23, v17;
	v17 =	vtrunc.f32 v20;
	v19 =	vsub.f32 v25, v5  }
0x293: {  	s31 =	simm.s32 $0x80;
	s28 =	simm.s32 $0x6880;
	vm5 =	vle.f32 v22, v15;
	v20 =	vmax.f32 v21, $0.0e+00;
	[tilespmem:v18+s14+$0x0] =	vst.idx.add.f32.msk vm7, v1;
	v18 =	vcvt.f32.s32 v17  }
0x294: {  	s30 =	simm.s32 $0xC890;
	s0 =	sand.u32 $0xFE0, s31;
	v29 =	vld [tilespmem:s28+$0x0];
	vm4 =	vmand vm4, vm5;
	v26 =	vmin.f32 v20, $6.300000000e+01;
	v27 =	vmul.f32 v19, v10  }
0x295: {  	s1 =	simm.s32 $0xA;
	s10 =	simm.s32 $0x90;
	s29 =	simm.s32 $0x8;
	v17 =	vld [tilespmem:s30+$0x0];
	v31 =	vsub.f32 v28, v12;
	vm5 =	vge.f32 v28, v12;
	v30 =	vadd.s32 s26, v18  }
.LBB2_6:
0x296: {  	p0 =	slt.u32 s1, $0xC6;
	v32 =	vld [tilespmem:s28+$0xFFFFFF80];
	s10 =	sand.u32 $0xFF0, s10;
	vm6 =	vle.f32 v28, v14;
	v19 =	vmax.f32 v27, $0.0e+00;
	v20 =	vtrunc.f32 v26  }
0x297: {  	v18 =	vld [tilespmem:s10+$0xE100];
	v26 =	vmul.f32 v31, v13;
	vm5 =	vmand vm5, vm6;
	v19 =	vmin.f32 v19, $6.300000000e+01  }
0x298: {  	vm0 =	vmand vm0, vm1;
	v20 =	vcvt.f32.s32 v20;
	v22 =	vld [tilespmem:s30+$0xFFFFFFF0];
	v19 =	vtrunc.f32 v19  }
0x299: {  	vm1 =	vge.f32 v25, v5;
	vm6 =	vle.f32 v25, v7;
	v21 =	vld [tilespmem:s0+$0xE100];
	v19 =	vcvt.f32.s32 v19  }
0x29a: {  	v26 =	vmax.f32 v26, $0.0e+00;
	v25 =	vsub.f32 v29, v17;
	[tilespmem:v30+s14+$0x0] =	vst.idx.add.f32.msk vm4, v1;
	vm4 =	vmand vm1, vm6  }
0x29b: {  	v26 =	vmin.f32 v26, $6.300000000e+01;
	v30 =	vadd.s32 s19, v20;
	v27 =	vld [tilespmem:s24+$0x30];
	v28 =	vadd.s32 s22, v19  }
0x29c: {  	v26 =	vtrunc.f32 v26;
	v19 =	vld [tilespmem:s10+$0xD480];
	v25 =	vmul.f32 v25, v18  }
0x29d: {  	v26 =	vcvt.f32.s32 v26;
	v20 =	vld [tilespmem:s0+$0xD480];
	v31 =	vsub.f32 v32, v22;
	vm1 =	vge.f32 v32, v22  }
0x29e: {  	v23 =	vcvt.f32.s32 v23;
	v25 =	vmax.f32 v25, $0.0e+00;
	[tilespmem:v24+s14+$0x0] =	vst.idx.add.f32.msk vm3, v1  }
0x29f: {  	v26 =	vadd.s32 s25, v26;
	v24 =	vmul.f32 v31, v21;
	v25 =	vmin.f32 v25, $6.300000000e+01;
	v31 =	vld [tilespmem:s21+$0xFFFFFFD0]  }
0x2a0: {  	v23 =	vadd.s32 s18, v23;
	s18 =	smov.u32 s19;
	s19 =	smov.u32 s23;
	s23 =	smov.u32 s25;
	v25 =	vtrunc.f32 v25;
	v33 =	vsub.f32 v27, v11;
	[tilespmem:v28+s14+$0x0] =	vst.idx.add.f32.msk vm4, v1  }
0x2a1: {  	s25 =	sshll.u32 s29, $0x6;
	vm3 =	vge.f32 v29, v17;
	s29 =	smov.u32 s1;
	v25 =	vcvt.f32.s32 v25;
	vm4 =	vle.f32 v29, v19;
	v28 =	vld [tilespmem:s21+$0x60]  }
0x2a2: {  	s0 =	sadd.s32 $0x40, s25;
	v24 =	vmax.f32 v24, $0.0e+00;
	vm4 =	vmand vm3, vm4;
	v29 =	vmul.f32 v33, v16;
	[tilespmem:v30+s14+$0x0] =	vst.idx.add.f32.msk vm2, v1  }
0x2a3: {  	v24 =	vmin.f32 v24, $6.300000000e+01;
	vm2 =	vle.f32 v32, v20;
	v25 =	vadd.s32 s0, v25;
	v30 =	vld [tilespmem:s20+$0xFFFFFFF0];
	s20 =	smov.u32 s21;
	s21 =	smov.u32 s24;
	s24 =	smov.u32 s28  }
0x2a4: {  	v24 =	vtrunc.f32 v24;
	vm3 =	vmand vm1, vm2;
	[tilespmem:v26+s14+$0x0] =	vst.idx.add.f32.msk vm5, v1;
	v26 =	vmax.f32 v29, $0.0e+00  }
0x2a5: {  	v24 =	vcvt.f32.s32 v24;
	v32 =	vsub.f32 v31, v6;
	v29 =	vld [tilespmem:s21+$0xFFFFFFB0];
	v26 =	vmin.f32 v26, $6.300000000e+01  }
0x2a6: {  	vm2 =	vge.f32 v31, v6;
	v26 =	vtrunc.f32 v26;
	v33 =	vsub.f32 v28, v5;
	[tilespmem:v23+s14+$0x0] =	vst.idx.add.f32.msk vm0, v1  }
0x2a7: {  	vm1 =	vle.f32 v27, v15;
	vm0 =	vge.f32 v27, v11;
	v23 =	vcvt.f32.s32 v26  }
0x2a8: {  	v24 =	vadd.s32 s25, v24;
	vm0 =	vmand vm0, vm1;
	[tilespmem:v25+s14+$0x0] =	vst.idx.add.f32.msk vm4, v1;
	v25 =	vmul.f32 v33, v10  }
0x2a9: {  	v27 =	vmul.f32 v32, v9;
	vm4 =	vle.f32 v31, v8;
	v26 =	vld [tilespmem:s28+$0x10];
	v23 =	vadd.s32 s26, v23  }
0x2aa: {  	v31 =	vsub.f32 v29, v12;
	vm1 =	vge.f32 v29, v12;
	v25 =	vmax.f32 v25, $0.0e+00  }
0x2ab: {  	v27 =	vmax.f32 v27, $0.0e+00;
	vm5 =	vle.f32 v29, v14;
	v25 =	vmin.f32 v25, $6.300000000e+01  }
0x2ac: {  	vm1 =	vmand vm1, vm5;
	v29 =	vmul.f32 v31, v13;
	v25 =	vtrunc.f32 v25  }
0x2ad: {  	vm5 =	vle.f32 v28, v7;
	[tilespmem:v24+s14+$0x0] =	vst.idx.add.f32.msk vm3, v1;
	v24 =	vcvt.f32.s32 v25;
	vm3 =	vge.f32 v28, v5  }
0x2ae: {  	v25 =	vsub.f32 v26, v17;
	v28 =	vmax.f32 v29, $0.0e+00;
	[tilespmem:v23+s14+$0x0] =	vst.idx.add.f32.msk vm0, v1;
	vm5 =	vmand vm3, vm5  }
0x2af: {  	v27 =	vmin.f32 v27, $6.300000000e+01;
	v23 =	vmin.f32 v28, $6.300000000e+01;
	v28 =	vld [tilespmem:s21+$0x40];
	v24 =	vadd.s32 s22, v24  }
0x2b0: {  	vm3 =	vmand vm2, vm4;
	v29 =	vld [tilespmem:s28+$0xFFFFFF90];
	v25 =	vmul.f32 v25, v18;
	v23 =	vtrunc.f32 v23  }
0x2b1: {  	v27 =	vtrunc.f32 v27;
	v31 =	vsub.f32 v30, v3;
	v23 =	vcvt.f32.s32 v23  }
0x2b2: {  	v27 =	vcvt.f32.s32 v27;
	vm0 =	vge.f32 v30, v3;
	v3 =	vmovc v6;
	v6 =	vmovc v12;
	v25 =	vmax.f32 v25, $0.0e+00  }
0x2b3: {  	v31 =	vmul.f32 v31, v4;
	v12 =	vmovc v22;
	v4 =	vmovc v9;
	v25 =	vmin.f32 v25, $6.300000000e+01;
	v23 =	vadd.s32 s23, v23  }
0x2b4: {  	v27 =	vadd.s32 s19, v27;
	v9 =	vmovc v13;
	v22 =	vtrunc.f32 v25;
	v25 =	vsub.f32 v28, v11;
	[tilespmem:v24+s14+$0x0] =	vst.idx.add.f32.msk vm5, v1  }
0x2b5: {  	vm2 =	vge.f32 v26, v17;
	vm4 =	vle.f32 v26, v19;
	v13 =	vmovc v21;
	v22 =	vcvt.f32.s32 v22;
	v24 =	vld [tilespmem:s20+$0x70]  }
0x2b6: {  	vm4 =	vmand vm2, vm4;
	v21 =	vsub.f32 v29, v12;
	v25 =	vmul.f32 v25, v16  }
0x2b7: {  	vm2 =	vge.f32 v29, v12;
	vm5 =	vle.f32 v29, v20;
	v22 =	vadd.s32 s0, v22  }
0x2b8: {  	vm2 =	vmand vm2, vm5;
	v21 =	vmul.f32 v21, v13;
	[tilespmem:v23+s14+$0x0] =	vst.idx.add.f32.msk vm1, v1;
	v23 =	vmax.f32 v25, $0.0e+00  }
0x2b9: {  	v26 =	vmax.f32 v31, $0.0e+00;
	vm1 =	vle.f32 v30, v2;
	v2 =	vmovc v8;
	v8 =	vmovc v14;
	v25 =	vld [tilespmem:s21+$0xFFFFFFC0];
	v23 =	vmin.f32 v23, $6.300000000e+01  }
0x2ba: {  	v14 =	vmovc v20;
	v21 =	vmax.f32 v21, $0.0e+00;
	v23 =	vtrunc.f32 v23;
	[tilespmem:v27+s14+$0x0] =	vst.idx.add.f32.msk vm3, v1;
	v27 =	vsub.f32 v24, v5  }
0x2bb: {  	vm5 =	vle.f32 v28, v15;
	vm3 =	vge.f32 v28, v11;
	v20 =	vcvt.f32.s32 v23;
	v23 =	vld [tilespmem:s20+$0xFFFFFFE0]  }
0x2bc: {  	v21 =	vmin.f32 v21, $6.300000000e+01;
	vm3 =	vmand vm3, vm5;
	[tilespmem:v22+s14+$0x0] =	vst.idx.add.f32.msk vm4, v1;
	v22 =	vmul.f32 v27, v10;
	v10 =	vmovc v16  }
0x2bd: {  	v26 =	vmin.f32 v26, $6.300000000e+01;
	v21 =	vtrunc.f32 v21;
	v16 =	vmovc v18;
	v27 =	vld [tilespmem:s28+$0x20];
	v20 =	vadd.s32 s26, v20  }
0x2be: {  	v18 =	vcvt.f32.s32 v21;
	v21 =	vsub.f32 v25, v6;
	v22 =	vmax.f32 v22, $0.0e+00  }
0x2bf: {  	vm4 =	vge.f32 v25, v6;
	vm5 =	vle.f32 v25, v8;
	v22 =	vmin.f32 v22, $6.300000000e+01  }
0x2c0: {  	v18 =	vadd.s32 s25, v18;
	v21 =	vmul.f32 v21, v9;
	v22 =	vtrunc.f32 v22  }
0x2c1: {  	vm6 =	vge.f32 v24, v5;
	vm7 =	vle.f32 v24, v7;
	v7 =	vmovc v15;
	v15 =	vmovc v19;
	v22 =	vcvt.f32.s32 v22  }
0x2c2: {  	v5 =	vmovc v11;
	vm6 =	vmand vm6, vm7;
	v19 =	vsub.f32 v27, v17;
	v21 =	vmax.f32 v21, $0.0e+00;
	[tilespmem:v20+s14+$0x0] =	vst.idx.add.f32.msk vm3, v1  }
0x2c3: {  	v11 =	vmovc v17;
	vm3 =	vmand vm4, vm5;
	v20 =	vmin.f32 v21, $6.300000000e+01;
	v25 =	vld [tilespmem:s21+$0x50];
	v21 =	vadd.s32 s22, v22;
	s22 =	smov.u32 s26;
	s26 =	smov.u32 s0  }
0x2c4: {  	v17 =	vmul.f32 v19, v16;
	v19 =	vtrunc.f32 v20;
	v20 =	vsub.f32 v23, v3  }
0x2c5: {  	vm4 =	vle.f32 v23, v2;
	[tilespmem:v18+s14+$0x0] =	vst.idx.add.f32.msk vm2, v1;
	v18 =	vcvt.f32.s32 v19;
	vm2 =	vge.f32 v23, v3  }
0x2c6: {  	v28 =	vld [tilespmem:s28+$0xFFFFFFA0];
	v17 =	vmax.f32 v17, $0.0e+00;
	v19 =	vmul.f32 v20, v4;
	vm2 =	vmand vm2, vm4  }
.Ltmp2:
0x2c7: {  	v23 =	vtrunc.f32 v26;
	v17 =	vmin.f32 v17, $6.300000000e+01;
	v24 =	vadd.s32 s23, v18;
	(pc) =	sbr.rel @p0 .LBB2_6-.Ltmp2, $4  }
0x2c8: {  	v17 =	vtrunc.f32 v17;
	v18 =	vsub.f32 v25, v5;
	v19 =	vmax.f32 v19, $0.0e+00;
	[tilespmem:v21+s14+$0x0] =	vst.idx.add.f32.msk vm6, v1  }
0x2c9: {  	s30 =	sadd.s32 $0x20, s30;
	vm5 =	vle.f32 v27, v15;
	vm4 =	vge.f32 v27, v11;
	v20 =	vcvt.f32.s32 v17  }
0x2ca: {  	s31 =	sadd.s32 $0x20, s31;
	s28 =	sadd.s32 $0x100, s28;
	vm4 =	vmand vm4, vm5;
	v26 =	vmin.f32 v19, $6.300000000e+01;
	v17 =	vld [tilespmem:s30+$0x0];
	v27 =	vmul.f32 v18, v10  }
0x2cb: {  	s10 =	sadd.s32 $0x10, s31;
	s1 =	sadd.s32 $0x2, s1;
	s0 =	sand.u32 $0xFE0, s31;
	v29 =	vld [tilespmem:s28+$0x0];
	v31 =	vsub.f32 v28, v12;
	vm5 =	vge.f32 v28, v12;
	v30 =	vadd.s32 s26, v20  }
0x2cc: {  	s1 =	sand.u32 $0xFF0, s10  }
0x2cd: {  	v22 =	vld [tilespmem:s1+$0xE100];
	_ =	sdelay $0x1  }
0x2ce: {  	v32 =	vld [tilespmem:s28+$0xFFFFFF80]  }
0x2cf: {  	v18 =	vld [tilespmem:s30+$0xFFFFFFF0];
	v19 =	vsub.f32 v29, v17;
	_ =	sdelay $0x1  }
0x2d0: {  	v21 =	vld [tilespmem:s0+$0xE100];
	v19 =	vmul.f32 v19, v22;
	_ =	sdelay $0x1  }
0x2d1: {  	v20 =	vld [tilespmem:s1+$0xD480];
	v19 =	vmax.f32 v19, $0.0e+00  }
0x2d2: {  	v33 =	vsub.f32 v32, v18;
	v19 =	vmin.f32 v19, $6.300000000e+01  }
0x2d3: {  	v19 =	vtrunc.f32 v19  }
0x2d4: {  	v52 =	vmul.f32 v33, v21;
	v34 =	vcvt.f32.s32 v19;
	v19 =	vld [tilespmem:s0+$0xD480];
	_ =	sdelay $0x1  }
0x2d5: {  	vm6 =	vge.f32 v29, v17;
	vm7 =	vle.f32 v29, v20;
	v29 =	vmax.f32 v52, $0.0e+00  }
0x2d6: {  	s29 =	sshll.u32 s29, $0x6;
	v29 =	vmin.f32 v29, $6.300000000e+01  }
0x2d7: {  	s31 =	sadd.s32 $0x40, s29;
	vm15 =	vge.f32 v32, v18;
	vm6 =	vmand vm6, vm7;
	v29 =	vtrunc.f32 v29  }
0x2d8: {  	v29 =	vcvt.f32.s32 v29;
	v53 =	vadd.s32 s31, v34;
	vm8 =	vle.f32 v32, v19  }
0x2d9: {  	vm7 =	vmand vm15, vm8  }
0x2da: {  	v29 =	vadd.s32 s29, v29;
	_ =	sdelay $0x2  }
0x2db: {  	[tilespmem:v53+s14+$0x0] =	vst.idx.add.f32.msk vm6, v1  }
0x2dc: {  	v54 =	vld [tilespmem:s28+$0x10]  }
0x2dd: {  	[tilespmem:v29+s14+$0x0] =	vst.idx.add.f32.msk vm7, v1  }
0x2de: {  	v56 =	vld [tilespmem:s28+$0xFFFFFF90];
	_ =	sdelay $0x2  }
0x2df: {  	v55 =	vsub.f32 v54, v17;
	_ =	sdelay $0x1  }
0x2e0: {  	v29 =	vmul.f32 v55, v22;
	v57 =	vsub.f32 v56, v18;
	_ =	sdelay $0x1  }
0x2e1: {  	v29 =	vmax.f32 v29, $0.0e+00;
	v58 =	vmul.f32 v57, v21  }
0x2e2: {  	v29 =	vmin.f32 v29, $6.300000000e+01  }
0x2e3: {  	vm11 =	vge.f32 v54, v17;
	v29 =	vtrunc.f32 v29;
	v32 =	vmax.f32 v58, $0.0e+00  }
0x2e4: {  	vm12 =	vle.f32 v54, v20;
	v29 =	vcvt.f32.s32 v29;
	v32 =	vmin.f32 v32, $6.300000000e+01  }
0x2e5: {  	vm6 =	vmand vm11, vm12;
	vm13 =	vge.f32 v56, v18;
	v32 =	vtrunc.f32 v32  }
0x2e6: {  	vm14 =	vle.f32 v56, v19;
	v29 =	vadd.s32 s31, v29;
	v32 =	vcvt.f32.s32 v32  }
0x2e7: {  	vm15 =	vmand vm13, vm14  }
0x2e8: {  	v32 =	vadd.s32 s29, v32;
	_ =	sdelay $0x2  }
0x2e9: {  	[tilespmem:v29+s14+$0x0] =	vst.idx.add.f32.msk vm6, v1  }
0x2ea: {  	v29 =	vld [tilespmem:s28+$0x20]  }
0x2eb: {  	v31 =	vmul.f32 v31, v13;
	[tilespmem:v32+s14+$0x0] =	vst.idx.add.f32.msk vm15, v1  }
0x2ec: {  	v60 =	vld [tilespmem:s28+$0xFFFFFFA0]  }
0x2ed: {  	v31 =	vmax.f32 v31, $0.0e+00  }
0x2ee: {  	v61 =	vmin.f32 v31, $6.300000000e+01  }
0x2ef: {  	[tilespmem:v30+s14+$0x0] =	vst.idx.add.f32.msk vm4, v1;
	v30 =	vtrunc.f32 v61;
	v59 =	vsub.f32 v29, v17  }
0x2f0: {  	v36 =	vcvt.f32.s32 v30;
	vm8 =	vle.f32 v28, v14  }
0x2f1: {  	vm4 =	vmand vm5, vm8;
	v62 =	vmul.f32 v59, v22;
	v38 =	vsub.f32 v60, v18  }
0x2f2: {  	v28 =	vadd.s32 s25, v36  }
0x2f3: {  	v37 =	vmax.f32 v62, $0.0e+00;
	v31 =	vmul.f32 v38, v21  }
0x2f4: {  	v30 =	vmin.f32 v37, $6.300000000e+01  }
0x2f5: {  	v63 =	vld [tilespmem:s24+$0x30];
	vm9 =	vge.f32 v29, v17;
	v30 =	vtrunc.f32 v30;
	v31 =	vmax.f32 v31, $0.0e+00  }
0x2f6: {  	vm10 =	vle.f32 v29, v20;
	v30 =	vcvt.f32.s32 v30;
	v40 =	vmin.f32 v31, $6.300000000e+01  }
0x2f7: {  	[tilespmem:v28+s14+$0x0] =	vst.idx.add.f32.msk vm4, v1;
	vm5 =	vmand vm9, vm10;
	vm11 =	vge.f32 v60, v18;
	v28 =	vtrunc.f32 v40  }
0x2f8: {  	vm12 =	vle.f32 v60, v19;
	v30 =	vadd.s32 s31, v30;
	v28 =	vcvt.f32.s32 v28  }
0x2f9: {  	v41 =	vld [tilespmem:s24+$0xFFFFFFB0];
	vm4 =	vmand vm11, vm12  }
0x2fa: {  	v39 =	vsub.f32 v63, v11;
	v28 =	vadd.s32 s29, v28;
	_ =	sdelay $0x1  }
0x2fb: {  	v29 =	vmul.f32 v39, v16  }
0x2fc: {  	[tilespmem:v30+s14+$0x0] =	vst.idx.add.f32.msk vm5, v1  }
0x2fd: {  	v42 =	vsub.f32 v41, v12;
	v29 =	vmax.f32 v29, $0.0e+00;
	v30 =	vld [tilespmem:s28+$0x30]  }
0x2fe: {  	v29 =	vmin.f32 v29, $6.300000000e+01;
	[tilespmem:v28+s14+$0x0] =	vst.idx.add.f32.msk vm4, v1  }
0x2ff: {  	v32 =	vmul.f32 v42, v13;
	v29 =	vtrunc.f32 v29;
	v45 =	vld [tilespmem:s28+$0xFFFFFFB0]  }
0x300: {  	vm13 =	vge.f32 v63, v11;
	vm14 =	vle.f32 v63, v15;
	v29 =	vcvt.f32.s32 v29  }
0x301: {  	v44 =	vmax.f32 v32, $0.0e+00;
	vm5 =	vmand vm13, vm14  }
0x302: {  	v29 =	vadd.s32 s26, v29;
	v28 =	vmin.f32 v44, $6.300000000e+01;
	v43 =	vsub.f32 v30, v17  }
0x303: {  	vm15 =	vge.f32 v41, v12;
	vm9 =	vle.f32 v41, v14;
	v28 =	vtrunc.f32 v28  }
0x304: {  	v28 =	vcvt.f32.s32 v28;
	v33 =	vmul.f32 v43, v22;
	v48 =	vsub.f32 v45, v18  }
0x305: {  	vm4 =	vmand vm15, vm9  }
0x306: {  	v28 =	vadd.s32 s25, v28;
	v46 =	vmax.f32 v33, $0.0e+00;
	v49 =	vmul.f32 v48, v21  }
0x307: {  	[tilespmem:v29+s14+$0x0] =	vst.idx.add.f32.msk vm5, v1;
	vm10 =	vge.f32 v30, v17;
	v29 =	vmin.f32 v46, $6.300000000e+01  }
0x308: {  	vm11 =	vle.f32 v30, v20;
	v47 =	vld [tilespmem:s24+$0x40];
	v29 =	vtrunc.f32 v29;
	v30 =	vmax.f32 v49, $0.0e+00  }
0x309: {  	v29 =	vcvt.f32.s32 v29;
	v30 =	vmin.f32 v30, $6.300000000e+01  }
0x30a: {  	vm5 =	vmand vm10, vm11;
	vm12 =	vge.f32 v45, v18;
	v51 =	vtrunc.f32 v30  }
0x30b: {  	vm13 =	vle.f32 v45, v19;
	[tilespmem:v28+s14+$0x0] =	vst.idx.add.f32.msk vm4, v1;
	v29 =	vadd.s32 s31, v29;
	v28 =	vcvt.f32.s32 v51  }
0x30c: {  	v27 =	vmax.f32 v27, $0.0e+00;
	vm4 =	vmand vm12, vm13  }
0x30d: {  	v26 =	vtrunc.f32 v26;
	v50 =	vsub.f32 v47, v11;
	v52 =	vld [tilespmem:s24+$0xFFFFFFC0];
	v28 =	vadd.s32 s29, v28  }
0x30e: {  	[tilespmem:v24+s14+$0x0] =	vst.idx.add.f32.msk vm3, v1;
	v27 =	vmin.f32 v27, $6.300000000e+01;
	v26 =	vcvt.f32.s32 v26  }
0x30f: {  	v27 =	vtrunc.f32 v27;
	v61 =	vld [tilespmem:s21+$0xFFFFFFD0];
	v33 =	vmul.f32 v50, v16  }
0x310: {  	v27 =	vcvt.f32.s32 v27;
	v26 =	vadd.s32 s19, v26;
	[tilespmem:v29+s14+$0x0] =	vst.idx.add.f32.msk vm5, v1  }
0x311: {  	vm14 =	vge.f32 v25, v5;
	vm15 =	vle.f32 v25, v7;
	v53 =	vmax.f32 v33, $0.0e+00;
	v54 =	vld [tilespmem:s28+$0x40]  }
0x312: {  	v29 =	vmin.f32 v53, $6.300000000e+01;
	vm5 =	vmand vm14, vm15;
	v56 =	vsub.f32 v52, v12;
	[tilespmem:v28+s14+$0x0] =	vst.idx.add.f32.msk vm4, v1  }
0x313: {  	v27 =	vadd.s32 s22, v27;
	vm9 =	vge.f32 v47, v11;
	v55 =	vtrunc.f32 v29;
	v59 =	vld [tilespmem:s28+$0xFFFFFFC0]  }
0x314: {  	vm10 =	vle.f32 v47, v15;
	v25 =	vcvt.f32.s32 v55;
	v58 =	vmul.f32 v56, v13  }
0x315: {  	v39 =	vsub.f32 v61, v6;
	vm6 =	vmand vm9, vm10  }
0x316: {  	v25 =	vadd.s32 s26, v25;
	v28 =	vmax.f32 v58, $0.0e+00;
	v57 =	vsub.f32 v54, v17  }
0x317: {  	vm0 =	vmand vm0, vm1;
	v32 =	vmul.f32 v39, v9;
	v62 =	vmin.f32 v28, $6.300000000e+01  }
0x318: {  	[tilespmem:v27+s14+$0x0] =	vst.idx.add.f32.msk vm5, v1;
	v27 =	vtrunc.f32 v62;
	v60 =	vmul.f32 v57, v22;
	v37 =	vsub.f32 v59, v18  }
0x319: {  	[tilespmem:v26+s14+$0x0] =	vst.idx.add.f32.msk vm2, v1;
	vm11 =	vge.f32 v52, v12;
	vm12 =	vle.f32 v52, v14;
	v36 =	vcvt.f32.s32 v27  }
0x31a: {  	vm3 =	vmand vm11, vm12;
	v58 =	vld [tilespmem:s20+$0xFFFFFFF0];
	v24 =	vmax.f32 v60, $0.0e+00;
	v27 =	vmul.f32 v37, v21  }
0x31b: {  	vm10 =	vge.f32 v61, v6;
	[tilespmem:v25+s14+$0x0] =	vst.idx.add.f32.msk vm6, v1;
	v25 =	vadd.s32 s25, v36;
	v24 =	vmin.f32 v24, $6.300000000e+01  }
0x31c: {  	vm13 =	vge.f32 v54, v17;
	v63 =	vld [tilespmem:s21+$0x60];
	v24 =	vtrunc.f32 v24;
	v27 =	vmax.f32 v27, $0.0e+00  }
0x31d: {  	vm14 =	vle.f32 v54, v20;
	v38 =	vld [tilespmem:s24+$0x50];
	v24 =	vcvt.f32.s32 v24;
	v27 =	vmin.f32 v27, $6.300000000e+01  }
0x31e: {  	vm4 =	vmand vm13, vm14;
	vm15 =	vge.f32 v59, v18;
	v27 =	vtrunc.f32 v27  }
0x31f: {  	vm9 =	vle.f32 v59, v19;
	v24 =	vadd.s32 s31, v24;
	v42 =	vcvt.f32.s32 v27  }
0x320: {  	vm11 =	vle.f32 v61, v8;
	v62 =	vsub.f32 v58, v3;
	[tilespmem:v25+s14+$0x0] =	vst.idx.add.f32.msk vm3, v1;
	vm3 =	vmand vm15, vm9  }
0x321: {  	vm1 =	vge.f32 v58, v3;
	v40 =	vsub.f32 v63, v5;
	v25 =	vadd.s32 s29, v42  }
0x322: {  	vm14 =	vge.f32 v63, v5;
	v3 =	vmul.f32 v62, v4;
	v41 =	vsub.f32 v38, v11  }
0x323: {  	v43 =	vmul.f32 v40, v10;
	vm12 =	vge.f32 v38, v11;
	vm13 =	vle.f32 v38, v15;
	v47 =	vld [tilespmem:s24+$0xFFFFFFD0]  }
0x324: {  	v44 =	vmax.f32 v32, $0.0e+00;
	vm15 =	vle.f32 v63, v7;
	v45 =	vmul.f32 v41, v16;
	[tilespmem:v24+s14+$0x0] =	vst.idx.add.f32.msk vm4, v1  }
0x325: {  	vm5 =	vmand vm14, vm15;
	v27 =	vmax.f32 v43, $0.0e+00;
	v24 =	vmin.f32 v44, $6.300000000e+01;
	v46 =	vld [tilespmem:s28+$0x50]  }
0x326: {  	v27 =	vmin.f32 v27, $6.300000000e+01;
	v29 =	vmax.f32 v45, $0.0e+00;
	v24 =	vtrunc.f32 v24;
	[tilespmem:v25+s14+$0x0] =	vst.idx.add.f32.msk vm3, v1  }
0x327: {  	v27 =	vtrunc.f32 v27;
	v29 =	vmin.f32 v29, $6.300000000e+01;
	v24 =	vcvt.f32.s32 v24;
	v50 =	vld [tilespmem:s28+$0xFFFFFFD0]  }
0x328: {  	vm4 =	vmand vm10, vm11;
	v29 =	vtrunc.f32 v29;
	v49 =	vsub.f32 v47, v12  }
0x329: {  	v27 =	vcvt.f32.s32 v27;
	v29 =	vcvt.f32.s32 v29;
	v24 =	vadd.s32 s23, v24  }
0x32a: {  	vm3 =	vmand vm12, vm13;
	v25 =	vmul.f32 v49, v13;
	v48 =	vsub.f32 v46, v17  }
0x32b: {  	vm9 =	vge.f32 v47, v12;
	v27 =	vadd.s32 s22, v27;
	v51 =	vadd.s32 s26, v29  }
0x32c: {  	v25 =	vmax.f32 v25, $0.0e+00;
	v33 =	vmul.f32 v48, v22;
	v56 =	vsub.f32 v50, v18  }
0x32d: {  	vm13 =	vle.f32 v47, v14;
	vm10 =	vge.f32 v46, v17;
	v54 =	vmin.f32 v25, $6.300000000e+01  }
0x32e: {  	[tilespmem:v24+s14+$0x0] =	vst.idx.add.f32.msk vm4, v1;
	v24 =	vtrunc.f32 v54;
	v52 =	vmax.f32 v33, $0.0e+00;
	v26 =	vmul.f32 v56, v21  }
0x32f: {  	vm11 =	vle.f32 v46, v20;
	v57 =	vld [tilespmem:s21+$0xFFFFFFE0];
	v24 =	vcvt.f32.s32 v24;
	v53 =	vmin.f32 v52, $6.300000000e+01  }
0x330: {  	vm2 =	vmand vm9, vm13;
	[tilespmem:v51+s14+$0x0] =	vst.idx.add.f32.msk vm3, v1;
	v55 =	vtrunc.f32 v53;
	v26 =	vmax.f32 v26, $0.0e+00  }
0x331: {  	v28 =	vld [tilespmem:s24+$0x60];
	v24 =	vadd.s32 s25, v24;
	v25 =	vcvt.f32.s32 v55;
	v26 =	vmin.f32 v26, $6.300000000e+01  }
0x332: {  	vm12 =	vmand vm10, vm11;
	[tilespmem:v27+s14+$0x0] =	vst.idx.add.f32.msk vm5, v1;
	vm14 =	vge.f32 v50, v18;
	v26 =	vtrunc.f32 v26  }
0x333: {  	v37 =	vld [tilespmem:s21+$0x70];
	vm15 =	vle.f32 v50, v19;
	v25 =	vadd.s32 s31, v25;
	v26 =	vcvt.f32.s32 v26  }
0x334: {  	vm8 =	vmand vm14, vm15;
	v59 =	vsub.f32 v57, v6  }
0x335: {  	v3 =	vmax.f32 v3, $0.0e+00;
	v26 =	vadd.s32 s29, v26  }
0x336: {  	v3 =	vmin.f32 v3, $6.300000000e+01;
	v60 =	vmul.f32 v59, v9;
	v61 =	vsub.f32 v28, v11;
	[tilespmem:v24+s14+$0x0] =	vst.idx.add.f32.msk vm2, v1  }
0x337: {  	v23 =	vcvt.f32.s32 v23;
	v3 =	vtrunc.f32 v3;
	vm3 =	vle.f32 v58, v2;
	v24 =	vld [tilespmem:s24+$0xFFFFFFE0]  }
0x338: {  	v43 =	vsub.f32 v37, v5;
	v27 =	vmax.f32 v60, $0.0e+00;
	v30 =	vmul.f32 v61, v16;
	[tilespmem:v25+s14+$0x0] =	vst.idx.add.f32.msk vm12, v1  }
0x339: {  	vm9 =	vge.f32 v57, v6;
	vm10 =	vle.f32 v57, v8;
	v36 =	vmin.f32 v27, $6.300000000e+01;
	v63 =	vld [tilespmem:s28+$0x60]  }
0x33a: {  	v2 =	vmul.f32 v43, v10;
	v4 =	vtrunc.f32 v36;
	v38 =	vmax.f32 v30, $0.0e+00;
	[tilespmem:v26+s14+$0x0] =	vst.idx.add.f32.msk vm8, v1  }
0x33b: {  	vm2 =	vmand vm9, vm10;
	v4 =	vcvt.f32.s32 v4;
	v27 =	vmin.f32 v38, $6.300000000e+01;
	v41 =	vld [tilespmem:s28+$0xFFFFFFE0]  }
0x33c: {  	vm11 =	vge.f32 v28, v11;
	v27 =	vtrunc.f32 v27;
	v42 =	vsub.f32 v24, v12  }
0x33d: {  	vm12 =	vle.f32 v28, v15;
	v4 =	vadd.s32 s23, v4;
	v40 =	vcvt.f32.s32 v27  }
0x33e: {  	vm4 =	vmand vm11, vm12;
	v28 =	vmul.f32 v42, v13;
	v39 =	vsub.f32 v63, v17  }
0x33f: {  	v2 =	vmax.f32 v2, $0.0e+00;
	vm15 =	vge.f32 v24, v12;
	v26 =	vadd.s32 s26, v40  }
0x340: {  	v28 =	vmax.f32 v28, $0.0e+00;
	v29 =	vmul.f32 v39, v22;
	v45 =	vsub.f32 v41, v18  }
0x341: {  	vm8 =	vle.f32 v24, v14;
	vm13 =	vge.f32 v63, v17;
	v46 =	vmin.f32 v28, $6.300000000e+01  }
0x342: {  	[tilespmem:v4+s14+$0x0] =	vst.idx.add.f32.msk vm2, v1;
	v4 =	vtrunc.f32 v46;
	v29 =	vmax.f32 v29, $0.0e+00;
	v47 =	vmul.f32 v45, v21  }
0x343: {  	vm14 =	vle.f32 v63, v20;
	v4 =	vcvt.f32.s32 v4;
	v44 =	vmin.f32 v29, $6.300000000e+01  }
0x344: {  	[tilespmem:v26+s14+$0x0] =	vst.idx.add.f32.msk vm4, v1;
	vm4 =	vmand vm15, vm8;
	v10 =	vtrunc.f32 v44;
	v28 =	vmax.f32 v47, $0.0e+00  }
0x345: {  	v48 =	vld [tilespmem:s21+$0xFFFFFFF0];
	v4 =	vadd.s32 s25, v4;
	v10 =	vcvt.f32.s32 v10;
	v49 =	vmin.f32 v28, $6.300000000e+01  }
0x346: {  	vm2 =	vmand vm13, vm14;
	vm9 =	vge.f32 v41, v18;
	v26 =	vld [tilespmem:s24+$0x70];
	v24 =	vtrunc.f32 v49  }
0x347: {  	vm10 =	vle.f32 v41, v19;
	v10 =	vadd.s32 s31, v10;
	v24 =	vcvt.f32.s32 v24  }
0x348: {  	v3 =	vcvt.f32.s32 v3;
	v2 =	vmin.f32 v2, $6.300000000e+01;
	vm5 =	vmand vm9, vm10  }
0x349: {  	v23 =	vadd.s32 s18, v23;
	v2 =	vtrunc.f32 v2;
	v51 =	vadd.s32 s29, v24  }
0x34a: {  	v3 =	vadd.s32 s19, v3;
	v2 =	vcvt.f32.s32 v2;
	v52 =	vsub.f32 v48, v6;
	[tilespmem:v4+s14+$0x0] =	vst.idx.add.f32.msk vm4, v1  }
0x34b: {  	vm1 =	vmand vm1, vm3;
	vm11 =	vge.f32 v37, v5;
	v50 =	vsub.f32 v26, v11;
	v56 =	vld [tilespmem:s24+$0xFFFFFFF0]  }
0x34c: {  	vm12 =	vle.f32 v37, v7;
	v2 =	vadd.s32 s22, v2;
	v5 =	vmul.f32 v52, v9;
	[tilespmem:v10+s14+$0x0] =	vst.idx.add.f32.msk vm2, v1  }
0x34d: {  	vm13 =	vge.f32 v48, v6;
	vm14 =	vle.f32 v48, v8;
	v54 =	vmul.f32 v50, v16;
	v53 =	vld [tilespmem:s28+$0x70]  }
0x34e: {  	vm15 =	vge.f32 v26, v11;
	vm9 =	vle.f32 v26, v15;
	v5 =	vmax.f32 v5, $0.0e+00;
	[tilespmem:v51+s14+$0x0] =	vst.idx.add.f32.msk vm5, v1  }
0x34f: {  	vm4 =	vmand vm13, vm14;
	v5 =	vmin.f32 v5, $6.300000000e+01;
	v55 =	vmax.f32 v54, $0.0e+00;
	v58 =	vld [tilespmem:s28+$0xFFFFFFF0]  }
0x350: {  	vm3 =	vmand vm15, vm9;
	v5 =	vtrunc.f32 v5;
	v4 =	vmin.f32 v55, $6.300000000e+01  }
0x351: {  	vm2 =	vmand vm11, vm12;
	v5 =	vcvt.f32.s32 v5;
	v4 =	vtrunc.f32 v4  }
0x352: {  	v59 =	vsub.f32 v56, v12;
	vm10 =	vge.f32 v56, v12;
	vm13 =	vle.f32 v56, v14  }
0x353: {  	v4 =	vcvt.f32.s32 v4;
	v5 =	vadd.s32 s23, v5;
	v57 =	vsub.f32 v53, v17  }
0x354: {  	v9 =	vmul.f32 v59, v13;
	vm5 =	vmand vm10, vm13;
	v60 =	vsub.f32 v58, v18  }
0x355: {  	v4 =	vadd.s32 s26, v4;
	vm11 =	vge.f32 v53, v17;
	v6 =	vmul.f32 v57, v22  }
0x356: {  	vm12 =	vle.f32 v53, v20;
	v9 =	vmax.f32 v9, $0.0e+00;
	v10 =	vmul.f32 v60, v21  }
0x357: {  	vm6 =	vmand vm11, vm12;
	v61 =	vmin.f32 v9, $6.300000000e+01;
	v6 =	vmax.f32 v6, $0.0e+00  }
0x358: {  	v7 =	vtrunc.f32 v61;
	v6 =	vmin.f32 v6, $6.300000000e+01;
	v62 =	vmax.f32 v10, $0.0e+00  }
0x359: {  	v7 =	vcvt.f32.s32 v7;
	v6 =	vtrunc.f32 v6;
	v9 =	vmin.f32 v62, $6.300000000e+01  }
0x35a: {  	vm14 =	vge.f32 v58, v18;
	v6 =	vcvt.f32.s32 v6;
	v9 =	vtrunc.f32 v9  }
0x35b: {  	[tilespmem:v2+s14+$0x0] =	vst.idx.add.f32.msk vm2, v1;
	vm15 =	vle.f32 v58, v19;
	v2 =	vadd.s32 s25, v7;
	v63 =	vcvt.f32.s32 v9  }
0x35c: {  	[tilespmem:v23+s14+$0x0] =	vst.idx.add.f32.msk vm0, v1;
	vm0 =	vmand vm14, vm15;
	v6 =	vadd.s32 s31, v6  }
0x35d: {  	[tilespmem:v3+s14+$0x0] =	vst.idx.add.f32.msk vm1, v1;
	v3 =	vadd.s32 s29, v63  }
0x35e: {  	[tilespmem:v5+s14+$0x0] =	vst.idx.add.f32.msk vm4, v1  }
0x35f: {  	[tilespmem:v4+s14+$0x0] =	vst.idx.add.f32.msk vm3, v1  }
0x360: {  	s17 =	sadd.s32 $0x1, s17;
	[tilespmem:v2+s14+$0x0] =	vst.idx.add.f32.msk vm5, v1  }
0x361: {  	p0 =	sne.s32 s17, s7;
	[tilespmem:v6+s14+$0x0] =	vst.idx.add.f32.msk vm6, v1  }
.Ltmp3:
0x362: {  	[tilespmem:v3+s14+$0x0] =	vst.idx.add.f32.msk vm0, v1;
	(pc) =	sbr.rel @p0 .LBB2_1-.Ltmp3, $4  }
0x363: {  	[hbm4b:s6+s16] =	stream.strided.scatter [tilespmem:s14], [sflag:$0x3], $0x3200, s8, s16, $0x38;
	[tilespmem:$0x11F80] =	vst v63  }
0x364: {  	_ =	swait.ge [sflag:s11], $0x3200  }
0x365: {  	[sflag:s11] =	ssyncset.done $0x0  }
0x366: {  	[sflag:s11] =	ssyncadd.s32 $0xFFFFCE00  }
0x367: {  	_ =	sfence.sel $0x180000  }
0x368: {  	[bflag:$0x0] =	sbarrier.arrive $0xFFFF  }
0x369: {  	_ =	strace $0x90000047  }
0x36a: {  	s0 =	stileid.u32;
	[bflag:$0x2] =	sbarrier.arrive $0xFFFF  }
0x36b: {  	p0 =	sne.s32 s0, $0x0;
	s0 =	rddreg [dreg:$0x1]  }
0x36c: {  	s0 =	sadd.s32 @!p0 $0x100000, s0  }
0x36d: {  	[sflag:s0] =	ssyncadd.tile.s32 @!p0 $0x1;
	_ =	shalt  }
.Lfunc_end2:
_tile_overlayer_lowered:
.L_overlay_start_2:
0x36e: {  	(tag) =	ssettag $0x2  }
0x36f: {  	s0 =	rddreg [dreg:$0x0];
	s2 =	stileid.u32  }
0x370: {  	s1 =	rddreg [dreg:$0x1];
	p0 =	sne.s32 s2, $0x0  }
0x371: {  	s3 =	rddreg [dreg:$0x2];
	[bflag:$0x3] =	sbarrier.arrive $0xFFFF;
	s2 =	simm.s32 @!p0 $0x1C03  }
0x372: {  	[timem:s3], [sflag:s2] =	dma.local @!p0 [hbm:s0], s1  }
0x373: {  	s0 =	simm.s32 @!p0 $0x3  }
0x374: {  	_ =	swait.ge @!p0 [sflag:s0], s1  }
0x375: {  	s1 =	ssub.s32 @!p0 $0x0, s1;
	[sflag:s0] =	ssyncset.done @!p0 $0x0  }
0x376: {  	[sflag:s0] =	ssyncadd.s32 @!p0 s1  }
0x377: {  	[bflag:$0x3] =	sbarrier.arrive $0xFFFF  }
0x378: {  	_ =	shalt  }

// kernel: kernel.8.cloned.1.call-start
scs
__scs_entry_jumppad:
0x0: {  	(pc) =	sbr.rel $0x88, $3  }
0x1: {  	(tag) =	ssettag $0x0;
	lr =	simm.s32 $0x1  }
0x2: {  	[smem:$0x3F9D] =	sst lr;
	_ =	strace $0xD0000000  }
0x3: {  	_ = 	snop  }
0x4: {  	_ = 	snop  }
0x5: {  	_ = 	snop  }
0x6: {  	_ = 	snop  }
0x7: {  	_ = 	snop  }
__scs_overlays_trampoline_lowered:
0x8: {  	[smem:$0x3FAC] =	sst s0  }
0x9: {  	[smem:$0x3FAD] =	sst s1  }
0xa: {  	[smem:$0x3FAE] =	sst s2  }
0xb: {  	[smem:$0x3FAF] =	sst s3  }
0xc: {  	[smem:$0x3FB0] =	sst s4  }
0xd: {  	[smem:$0x3FB1] =	sst s5  }
0xe: {  	[smem:$0x3FB2] =	sst s6  }
0xf: {  	[smem:$0x3FB3] =	sst s7  }
0x10: {  	[smem:$0x3FB4] =	sst s8  }
0x11: {  	[smem:$0x3FB5] =	sst s9;
	s0 =	simm.s32 @!p0 $0x0  }
0x12: {  	s1 =	sld [smem:$0x3F9B];
	s0 =	simm.s32 @p0 $0x1  }
0x13: {  	[smem:$0x3FB6] =	sst s0;
	s0 =	simm.s32 @!p1 $0x0  }
0x14: {  	s2 =	sld [smem:$0x3F9A];
	s0 =	simm.s32 @p1 $0x1  }
0x15: {  	[smem:$0x3FB7] =	sst s0;
	s0 =	simm.s32 @!p2 $0x0  }
0x16: {  	s3 =	sld [smem:$0x3FDB];
	s0 =	simm.s32 @p2 $0x1  }
0x17: {  	s4 =	simm.s32 $0x1BF5;
	[smem:$0x3FB9] =	sst s0  }
0x18: {  	s0 =	sld [smem:$0x3F9C];
	_ =	swait.ge [sflag:s4], $0x0  }
0x19: {  	s7 =	sld [smem:$0x3F9D]  }
0x1a: {  	s8 =	sadd.s32 $0xFFFFE003, lr  }
0x1b: {  	s9 =	sadd.s32 $0xFFFFFEF7, lr;
	s5 =	simm.s32 $0xFFFFFFFF;
	p2 =	slt.u32 s8, $0xFFFFF086  }
0x1c: {  	p1 =	slt.u32 s9, $0xF7A;
	s5 =	simm.s32 @!p2 $0x0  }
0x1d: {  	s5 =	simm.s32 @p1 $0x1;
	p0 =	seq.s32 s7, s2  }
0x1e: {  	s7 =	smul.u32 @!p0 $0xF7A, s2;
	p2 =	seq.s32 @!p0 s5, $0x0  }
0x1f: {  	s9 =	smul.u32 $0xF7A, s1;
	s8 =	simm.s32 @!p0 $0x1BF5;
	p2 =	por !p2, p0  }
0x20: {  	[sflag:s8] =	ssyncset.s32 @!p0 $0xFFFFF086;
	s6 =	sadd.s32 @!p0 s3, s7;
	s7 =	simm.s32 @!p0 $0x108  }
0x21: {  	s3 =	sadd.s32 s3, s9;
	s6 =	sadd.s32 @!p0 $0x88, s6;
	s7 =	simm.s32 @p2 $0x1082  }
0x22: {  	[simem:s7], [sflag:s8] =	dma.local @!p0 [hbm:s6], $0xF7A  }
0x23: {  	s9 =	sor.u32 $0xD0000000, s2;
	s6 =	simm.s32 $0x108;
	_ =	swait.ge @!p0 [sflag:s8], $0x0  }
0x24: {  	s3 =	sadd.s32 $0x88, s3;
	s6 =	simm.s32 @!p1 $0x1082;
	[sflag:s4] =	ssyncset.s32 $0xFFFFF086  }
0x25: {  	[simem:s6], [sflag:s4] =	dma.local [hbm:s3], $0xF7A  }
0x26: {  	[smem:$0x3F9D] =	sst s1;
	(tag) =	ssettag s2;
	_ =	strace s9  }
0x27: {  	s1 =	sld [smem:$0x3FAD]  }
0x28: {  	s2 =	sld [smem:$0x3FAE]  }
0x29: {  	s4 =	sld [smem:$0x3FB0]  }
0x2a: {  	p0 =	seq.s32 s5, $0x0;
	s5 =	sld [smem:$0x3FB1]  }
0x2b: {  	s6 =	sld [smem:$0x3FB2]  }
0x2c: {  	s7 =	sld [smem:$0x3FB3]  }
0x2d: {  	s3 =	simm.s32 $0x108;
	s8 =	sld [smem:$0x3FB4]  }
0x2e: {  	s3 =	simm.s32 @!p0 $0x1082;
	s9 =	sld [smem:$0x3FB5]  }
0x2f: {  	lr =	sadd.s32 s0, s3;
	s0 =	sld [smem:$0x3FAC]  }
0x30: {  	s3 =	sld [smem:$0x3FAF]  }
0x31: {  	[smem:$0x3FB8] =	sst s10  }
0x32: {  	s10 =	sld [smem:$0x3FB6];
	_ =	sdelay $0x3  }
0x33: {  	p0 =	seq.s32 s10, $0x1;
	s10 =	sld [smem:$0x3FB8];
	_ =	sdelay $0x3  }
0x34: {  	[smem:$0x3FB8] =	sst s10  }
0x35: {  	s10 =	sld [smem:$0x3FB7];
	_ =	sdelay $0x3  }
0x36: {  	p1 =	seq.s32 s10, $0x1;
	s10 =	sld [smem:$0x3FB8];
	_ =	sdelay $0x3  }
0x37: {  	[smem:$0x3FB8] =	sst s10  }
0x38: {  	s10 =	sld [smem:$0x3FB9]  }
0x39: {  	_ = 	snop;
	(pc) =	sbr.ind lr, $3  }
0x3a: {  	_ = 	snop  }
0x3b: {  	_ = 	snop  }
0x3c: {  	p2 =	seq.s32 s10, $0x1;
	s10 =	sld [smem:$0x3FB8]  }
0x3d: {  	_ =	shalt  }
0x3e: {  	_ =	shalt  }
0x3f: {  	_ =	shalt  }
0x40: {  	_ =	shalt  }
0x41: {  	_ =	shalt  }
0x42: {  	_ =	shalt  }
0x43: {  	_ =	shalt  }
0x44: {  	_ =	shalt  }
0x45: {  	_ =	shalt  }
0x46: {  	_ =	shalt  }
0x47: {  	_ =	shalt  }
0x48: {  	_ =	shalt  }
0x49: {  	_ =	shalt  }
0x4a: {  	_ =	shalt  }
0x4b: {  	_ =	shalt  }
0x4c: {  	_ =	shalt  }
0x4d: {  	_ =	shalt  }
0x4e: {  	_ =	shalt  }
0x4f: {  	_ =	shalt  }
0x50: {  	_ =	shalt  }
0x51: {  	_ =	shalt  }
0x52: {  	_ =	shalt  }
0x53: {  	_ =	shalt  }
0x54: {  	_ =	shalt  }
0x55: {  	_ =	shalt  }
0x56: {  	_ =	shalt  }
0x57: {  	_ =	shalt  }
0x58: {  	_ =	shalt  }
0x59: {  	_ =	shalt  }
0x5a: {  	_ =	shalt  }
0x5b: {  	_ =	shalt  }
0x5c: {  	_ =	shalt  }
0x5d: {  	_ =	shalt  }
0x5e: {  	_ =	shalt  }
0x5f: {  	_ =	shalt  }
0x60: {  	_ =	shalt  }
0x61: {  	_ =	shalt  }
0x62: {  	_ =	shalt  }
0x63: {  	_ =	shalt  }
0x64: {  	_ =	shalt  }
0x65: {  	_ =	shalt  }
0x66: {  	_ =	shalt  }
0x67: {  	_ =	shalt  }
0x68: {  	_ =	shalt  }
0x69: {  	_ =	shalt  }
0x6a: {  	_ =	shalt  }
0x6b: {  	_ =	shalt  }
0x6c: {  	_ =	shalt  }
0x6d: {  	_ =	shalt  }
0x6e: {  	_ =	shalt  }
0x6f: {  	_ =	shalt  }
0x70: {  	_ =	shalt  }
0x71: {  	_ =	shalt  }
0x72: {  	_ =	shalt  }
0x73: {  	_ =	shalt  }
0x74: {  	_ =	shalt  }
0x75: {  	_ =	shalt  }
0x76: {  	_ =	shalt  }
0x77: {  	_ =	shalt  }
0x78: {  	_ =	shalt  }
0x79: {  	_ =	shalt  }
0x7a: {  	_ =	shalt  }
0x7b: {  	_ =	shalt  }
0x7c: {  	_ =	shalt  }
0x7d: {  	_ =	shalt  }
0x7e: {  	_ =	shalt  }
0x7f: {  	_ =	shalt  }
0x80: {  	_ =	shalt  }
0x81: {  	_ =	shalt  }
0x82: {  	_ =	shalt  }
0x83: {  	_ =	shalt  }
0x84: {  	_ =	shalt  }
0x85: {  	_ =	shalt  }
0x86: {  	_ =	shalt  }
0x87: {  	_ =	shalt  }
.Lfunc_end0:
.L_simem_size_0:
called_computation.1_lowered:
.L_overlay_start_0:
0x88: {  	s2 =	sld [smem:$0x3FD9]  }
0x89: {  	s3 =	sld [smem:$0x3FFE];
	_ =	sdelay $0x1  }
0x8a: {  	s1 =	srdreg.scid  }
0x8b: {  	s0 =	sand.u32 $0x1, s1  }
0x8c: {  	s17 =	sshll.u32 s0, $0xA;
	s2 =	sadd.s32 s3, s2  }
0x8d: {  	s2 =	sadd.s32 s2, s17  }
0x8e: {  	[smem:$0x3FC4] =	sst s2  }
0x8f: {  	_ = 	snop  }
0x90: {  	(tm) =	ssettm $0x1  }
0x91: {  	s18 =	sld [smem:$0x3FFB];
	_ =	sdelay $0x3  }
0x92: {  	_ =	strace s18  }
0x93: {  	s2 =	sld [smem:$0x3FFC];
	_ =	sdelay $0x3  }
0x94: {  	_ =	strace s2  }
0x95: {  	s2 =	sld [smem:$0x3FFD];
	_ =	sdelay $0x3  }
0x96: {  	_ =	strace s2  }
0x97: {  	_ =	strace $0x8FFFFFFF  }
0x98: {  	s19 =	sld [smem:$0x3FDB];
	_ =	sdelay $0x1  }
0x99: {  	s20 =	simm.s32 $_scs_section_size  }
0x9a: {  	s4 =	simm.s32 $_size__tile_overlayer_lowered;
	s5 =	simm.s32 $_tile_overlayer_lowered  }
0x9b: {  	s6 =	simm.s32 $0x1BFF;
	s21 =	sshll.u32 s5, $0x1;
	s3 =	sadd.s32 s20, s19  }
0x9c: {  	s22 =	simm.s32 $0x0;
	s4 =	sshll.u32 s4, $0x1;
	s5 =	sadd.s32 s21, s3  }
0x9d: {  	[timem:s22], [sflag:s6] =	dma.local [hbm:s5], s4  }
0x9e: {  	_ =	swait.ge [sflag:s6], s4  }
0x9f: {  	s4 =	ssub.s32 $0x0, s4;
	[sflag:s6] =	ssyncset.done $0x0  }
0xa0: {  	[sflag:s6] =	ssyncadd.s32 s4;
	_ =	sdelay $0x1  }
0xa1: {  	s23 =	simm.s32 $0x1B8B  }
0xa2: {  	_ =	swait.ge [sflag:s23], $0x1  }
0xa3: {  	[sflag:s23] =	ssyncset.done $0x0  }
0xa4: {  	[sflag:s23] =	ssyncadd.s32 $0xFFFFFFFF  }
0xa5: {  	s4 =	sld [smem:$0x0]  }
0xa6: {  	s5 =	sand.u32 $0xFFFFFFFE, s1  }
0xa7: {  	p0 =	sne.s32 s1, s5  }
0xa8: {  	s5 =	sshll.u32 @p0 s5, $0xE  }
0xa9: {  	s5 =	sadd.s32 @p0 $0x11B8D, s5;
	s6 =	sshll.u32 @p0 s4, $0x11  }
0xaa: {  	s5 =	sor.u32 @p0 s6, s5  }
0xab: {  	[sflag:s5] =	ssyncadd.remote.s32 @p0 $0x1;
	_ =	sdelay $0x1  }
0xac: {  	s5 =	simm.s32 @p0 $0x1B8D  }
0xad: {  	_ =	swait.eq @p0 [sflag:s5], $0x1  }
0xae: {  	[sflag:s5] =	ssyncadd.s32 @p0 $0xFFFFFFFF  }
0xaf: {  	s6 =	sshll.u32 @!p0 s1, $0xE  }
0xb0: {  	s6 =	sor.u32 @!p0 $0x4000, s6;
	s5 =	simm.s32 @!p0 $0x1B8D  }
0xb1: {  	s4 =	sshll.u32 @!p0 s4, $0x11;
	s6 =	sadd.s32 @!p0 $0x11B8D, s6;
	_ =	swait.eq @!p0 [sflag:s5], $0x1  }
0xb2: {  	s4 =	sor.u32 @!p0 s4, s6;
	[sflag:s5] =	ssyncadd.s32 @!p0 $0xFFFFFFFF  }
0xb3: {  	s25 =	simm.s32 $0x1B8E;
	s24 =	sld [smem:$0x3FFE];
	[sflag:s4] =	ssyncadd.remote.s32 @!p0 $0x1  }
0xb4: {  	s26 =	simm.s32 $execute0_lowered;
	[smem:$0x3FD2] =	sst s25  }
0xb5: {  	s5 =	sshll.u32 s26, $0x1;
	_ =	strace $0x80000049;
	[dreg:$0x1] =	wrdreg $0xFFFFFFFF  }
0xb6: {  	s28 =	simm.s32 $_size_execute0_lowered;
	s3 =	sadd.s32 s3, s5;
	[dreg:$0x0] =	wrdreg $0x0  }
0xb7: {  	s5 =	sshll.u32 s28, $0x1;
	[dreg:$0x2] =	wrdreg s3  }
0xb8: {  	[dreg:$0x3] =	wrdreg s5  }
0xb9: {  	[dreg:$0x4] =	wrdreg $0xC0  }
0xba: {  	_ =	task [dreg:s22], $0x5FFFF  }
0xbb: {  	[dreg:$0x1] =	wrdreg $0xFFFFFFFF  }
0xbc: {  	[dreg:$0x0] =	wrdreg $0x60  }
0xbd: {  	[dreg:$0x2] =	wrdreg s24  }
0xbe: {  	[dreg:$0x3] =	wrdreg $0xA  }
0xbf: {  	_ =	task.clear_ibuf [dreg:s22], $0x4FFFF;
	_ =	strace $0x90000049  }
0xc0: {  	s29 =	simm.s32 $0xA;
	_ =	strace $0x8000004B  }
0xc1: {  	_ =	swait.ge [sflag:s29], $0x1  }
0xc2: {  	[sflag:s29] =	ssyncadd.s32 $0xFFFFFFFF  }
0xc3: {  	_ =	strace $0x9000004B  }
0xc4: {  	_ =	sfence  }
0xc5: {  	s30 =	sld [smem:$0x0];
	_ =	sdelay $0x2  }
0xc6: {  	s31 =	sshll.u32 s1, $0xD;
	s1 =	sshrl.u32 s1, $0x2  }
0xc7: {  	s4 =	sand.u32 $0x4000, s31;
	s1 =	sadd.s32 s1, s30  }
0xc8: {  	s0 =	sor.u32 s4, s0;
	s1 =	sshll.u32 s1, $0x11  }
0xc9: {  	s0 =	sor.u32 s1, s0  }
0xca: {  	s0 =	sadd.s32 $0x8F2B, s0  }
0xcb: {  	[sflag:s0] =	ssyncadd.remote.s32 $0x1  }
0xcc: {  	_ =	sfence.sel $0xFFFF  }
0xcd: {  	[dreg:$0x0] =	wrdreg $0xFFFFFFFF;
	(pc) =	sbr.abs _section_cstart, $3  }
0xce: {  	[dreg:$0x1] =	wrdreg $0xFFFFFFFF  }
0xcf: {  	_ =	task.clear_ibuf [dreg:s22], $0x2FFFF;
	_ =	strace $0x9FFFFFFF  }
0xd0: {  	(tm) =	ssettm $0x7FFFFFFF  }
0xd1: {  	_ =	shalt  }
tec
execute0_lowered:
.L_overlay_start_1:
0x0: {  	(tag) =	ssettag $0x1  }
0x1: {  	s0 =	srdreg.scid;
	s4 =	stileid.u32  }
0x2: {  	s1 =	rddreg [dreg:$0x0];
	s8 =	simm.s32 $0x400;
	s9 =	simm.s32 $0x10000  }
0x3: {  	s11 =	simm.s32 $0x3;
	s12 =	simm.s32 $0x6400;
	s13 =	simm.s32 $0x1  }
0x4: {  	s14 =	simm.s32 $0xED80;
	s15 =	simm.s32 $0x2;
	s16 =	simm.s32 $0x80  }
0x5: {  	s17 =	simm.s32 $0x0;
	s0 =	sand.u32 $0x1, s0;
	s2 =	sshll.u32 s4, $0x1  }
0x6: {  	s4 =	sshrl.u32 s4, $0x2;
	s3 =	sor.u32 s0, s2;
	s2 =	simm.s32 $0x0  }
0x7: {  	s4 =	smul.u32 $0x19000, s4;
	s0 =	ssub.s32 $0x2, s0;
	s5 =	sshll.u32 s3, $0x7  }
0x8: {  	[smem:$0x7FF] =	sst s2;
	s3 =	sshll.u32 s3, $0x8;
	s5 =	sand.u32 $0x380, s5  }
0x9: {  	s31 =	sshrl.u32 s0, $0x1;
	_ =	strace $0x8000004A;
	s4 =	sor.u32 s4, s5  }
0xa: {  	s30 =	sadd.s32 s3, s1;
	s3 =	sadd.s32 $0x33000, s1;
	s4 =	sshrl.u32 s4, $0x3  }
0xb: {  	s0 =	ssub.s32 s0, s31;
	s5 =	sadd.s32 $0x3FE80, s30;
	s1 =	sadd.s32 s4, s1  }
0xc: {  	v0 =	vimm.f32 $0.0e+00;
	v1 =	vimm.f32 $1.000000000e+00;
	s7 =	smax.u32 s0, $0x1;
	s4 =	sadd.s32 $0x3FE00, s30;
	s6 =	sadd.s32 $0x71E00, s1  }
.LBB2_1:
0xd: {  	[tilespmem:s2], [sflag:$0x1] =	stream.strided.gather [hbm4b:s4+s8], $0x6400, s9, s8, $0x38;
	[tilespmem:$0x11F80] =	vst v63  }
0xe: {  	s0 =	simm.s32 $0xC800  }
0xf: {  	[tilespmem:s0], [sflag:$0x3] =	stream.linear.gather [hbm4b:s3+s2], $0x2580, $0x38;
	[tilespmem:$0x11F80] =	vst v63  }
0x10: {  	_ =	swait.ge [sflag:s11], $0x2580  }
0x11: {  	[sflag:s11] =	ssyncset.done $0x0  }
0x12: {  	s0 =	simm.s32 $0xEDC0;
	[sflag:s11] =	ssyncadd.s32 $0xFFFFDA80  }
0x13: {  	[tilespmem:s0+$0xFFFFFFC0] =	vst v0  }
0x14: {  	[tilespmem:s0+$0x30] =	vst v0  }
0x15: {  	[tilespmem:s0+$0x20] =	vst v0  }
0x16: {  	[tilespmem:s0+$0x10] =	vst v0  }
0x17: {  	[tilespmem:s0+$0x0] =	vst v0  }
0x18: {  	[tilespmem:s0+$0xFFFFFFF0] =	vst v0  }
0x19: {  	s1 =	simm.s32 $0x0;
	[tilespmem:s0+$0xFFFFFFE0] =	vst v0  }
.LBB2_2:
0x1a: {  	s1 =	sadd.s32 $0x8, s1;
	[tilespmem:s0+$0xFFFFFFD0] =	vst v0;
	s0 =	sadd.s32 $0x80, s0  }
0x1b: {  	[tilespmem:s0+$0xFFFFFFC0] =	vst v0;
	p0 =	slt.u32 s1, $0x318  }
0x1c: {  	[tilespmem:s0+$0x30] =	vst v0  }
.Ltmp0:
0x1d: {  	[tilespmem:s0+$0x20] =	vst v0;
	(pc) =	sbr.rel @p0 .LBB2_2-.Ltmp0, $4  }
0x1e: {  	[tilespmem:s0+$0x10] =	vst v0  }
0x1f: {  	[tilespmem:s0+$0x0] =	vst v0  }
0x20: {  	[tilespmem:s0+$0xFFFFFFF0] =	vst v0  }
0x21: {  	[tilespmem:s0+$0xFFFFFFE0] =	vst v0  }
0x22: {  	[tilespmem:s0+$0xFFFFFFD0] =	vst v0  }
0x23: {  	[tilespmem:s12], [sflag:$0x2] =	stream.strided.gather [hbm4b:s5+s8], $0x6400, s9, s8, $0x38;
	[tilespmem:$0x11F80] =	vst v63  }
0x24: {  	_ =	swait.ge [sflag:s13], $0x6400  }
0x25: {  	[sflag:s13] =	ssyncset.done $0x0  }
0x26: {  	s22 =	simm.s32 $0xC810;
	[sflag:s13] =	ssyncadd.s32 $0xFFFF9C00  }
0x27: {  	s29 =	simm.s32 $0x80;
	v11 =	vld [tilespmem:s22+$0x0]  }
0x28: {  	s1 =	simm.s32 $0x10;
	v2 =	vld [tilespmem:s29+$0x0]  }
0x29: {  	s1 =	sand.u32 $0xFF0, s1  }
0x2a: {  	v13 =	vld [tilespmem:s1+$0xE100];
	_ =	sdelay $0x2  }
0x2b: {  	v3 =	vsub.f32 v2, v11;
	_ =	sdelay $0x1  }
0x2c: {  	v12 =	vld [tilespmem:s1+$0xD480];
	v3 =	vmul.f32 v3, v13;
	_ =	sdelay $0x1  }
0x2d: {  	v3 =	vmax.f32 v3, $0.0e+00  }
0x2e: {  	v3 =	vmin.f32 v3, $6.300000000e+01  }
0x2f: {  	v3 =	vtrunc.f32 v3  }
0x30: {  	vm0 =	vge.f32 v2, v11;
	vm1 =	vle.f32 v2, v12;
	v3 =	vcvt.f32.s32 v3  }
0x31: {  	s28 =	simm.s32 $0x40;
	vm0 =	vmand vm0, vm1  }
0x32: {  	v2 =	vadd.s32 s28, v3  }
0x33: {  	v18 =	vld [tilespmem:s22+$0xFFFFFFF0]  }
0x34: {  	s23 =	simm.s32 $0x0;
	v3 =	vld [tilespmem:s29+$0xFFFFFF80]  }
0x35: {  	s1 =	sand.u32 $0xFE0, s23  }
0x36: {  	v20 =	vld [tilespmem:s1+$0xE100]  }
0x37: {  	[tilespmem:v2+s14+$0x0] =	vst.idx.add.f32.msk vm0, v1  }
0x38: {  	v2 =	vld [tilespmem:s29+$0x10]  }
0x39: {  	v4 =	vsub.f32 v3, v18;
	_ =	sdelay $0x1  }
0x3a: {  	v17 =	vld [tilespmem:s1+$0xD480];
	v4 =	vmul.f32 v4, v20;
	_ =	sdelay $0x1  }
0x3b: {  	v4 =	vmax.f32 v4, $0.0e+00;
	v5 =	vsub.f32 v2, v11  }
0x3c: {  	v4 =	vmin.f32 v4, $6.300000000e+01  }
0x3d: {  	v4 =	vtrunc.f32 v4;
	v5 =	vmul.f32 v5, v13  }
0x3e: {  	vm0 =	vge.f32 v3, v18;
	vm1 =	vle.f32 v3, v17;
	v3 =	vcvt.f32.s32 v4  }
0x3f: {  	s18 =	simm.s32 $0x0;
	vm0 =	vmand vm0, vm1;
	v4 =	vmax.f32 v5, $0.0e+00  }
0x40: {  	v3 =	vadd.s32 s18, v3;
	v4 =	vmin.f32 v4, $6.300000000e+01  }
0x41: {  	v4 =	vtrunc.f32 v4  }
0x42: {  	vm1 =	vge.f32 v2, v11;
	vm2 =	vle.f32 v2, v12;
	v4 =	vcvt.f32.s32 v4  }
0x43: {  	vm1 =	vmand vm1, vm2  }
0x44: {  	v2 =	vadd.s32 s28, v4  }
0x45: {  	[tilespmem:v3+s14+$0x0] =	vst.idx.add.f32.msk vm0, v1  }
0x46: {  	v3 =	vld [tilespmem:s29+$0xFFFFFF90];
	_ =	sdelay $0x2  }
0x47: {  	[tilespmem:v2+s14+$0x0] =	vst.idx.add.f32.msk vm1, v1  }
0x48: {  	v2 =	vld [tilespmem:s29+$0x20]  }
0x49: {  	v4 =	vsub.f32 v3, v18;
	_ =	sdelay $0x1  }
0x4a: {  	v4 =	vmul.f32 v4, v20;
	_ =	sdelay $0x1  }
0x4b: {  	v4 =	vmax.f32 v4, $0.0e+00;
	v5 =	vsub.f32 v2, v11  }
0x4c: {  	v4 =	vmin.f32 v4, $6.300000000e+01  }
0x4d: {  	v4 =	vtrunc.f32 v4;
	v5 =	vmul.f32 v5, v13  }
0x4e: {  	vm0 =	vge.f32 v3, v18;
	vm1 =	vle.f32 v3, v17;
	v3 =	vcvt.f32.s32 v4  }
0x4f: {  	vm0 =	vmand vm0, vm1;
	v4 =	vmax.f32 v5, $0.0e+00  }
0x50: {  	s24 =	simm.s32 $0xC830;
	v3 =	vadd.s32 s18, v3;
	v4 =	vmin.f32 v4, $6.300000000e+01  }
0x51: {  	s20 =	simm.s32 $0x180;
	v19 =	vld [tilespmem:s24+$0x0];
	v4 =	vtrunc.f32 v4  }
0x52: {  	s25 =	simm.s32 $0x30;
	vm1 =	vge.f32 v2, v11;
	vm2 =	vle.f32 v2, v12;
	v2 =	vld [tilespmem:s20+$0x0];
	v4 =	vcvt.f32.s32 v4  }
0x53: {  	s1 =	sand.u32 $0xFF0, s25;
	vm1 =	vmand vm1, vm2  }
0x54: {  	v22 =	vld [tilespmem:s1+$0xE100];
	v4 =	vadd.s32 s28, v4  }
0x55: {  	[tilespmem:v3+s14+$0x0] =	vst.idx.add.f32.msk vm0, v1  }
0x56: {  	v5 =	vld [tilespmem:s29+$0xFFFFFFA0]  }
0x57: {  	v3 =	vsub.f32 v2, v19  }
0x58: {  	v21 =	vld [tilespmem:s1+$0xD480]  }
0x59: {  	[tilespmem:v4+s14+$0x0] =	vst.idx.add.f32.msk vm1, v1;
	v4 =	vmul.f32 v3, v22  }
0x5a: {  	v7 =	vld [tilespmem:s29+$0x30]  }
0x5b: {  	v6 =	vld [tilespmem:s20+$0xFFFFFF80];
	v8 =	vsub.f32 v5, v18;
	v4 =	vmax.f32 v4, $0.0e+00  }
0x5c: {  	s26 =	simm.s32 $0x20;
	v3 =	vld [tilespmem:s24+$0xFFFFFFF0];
	v9 =	vmin.f32 v4, $6.300000000e+01  }
0x5d: {  	s1 =	sand.u32 $0xFE0, s26;
	v8 =	vmul.f32 v8, v20;
	v9 =	vtrunc.f32 v9  }
0x5e: {  	vm0 =	vge.f32 v2, v19;
	vm1 =	vle.f32 v2, v21;
	v4 =	vld [tilespmem:s1+$0xE100];
	v9 =	vcvt.f32.s32 v9  }
0x5f: {  	s30 =	simm.s32 $0xC0;
	vm0 =	vmand vm0, vm1;
	v2 =	vmax.f32 v8, $0.0e+00;
	v8 =	vsub.f32 v7, v11  }
0x60: {  	v2 =	vmin.f32 v2, $6.300000000e+01;
	v9 =	vadd.s32 s30, v9  }
0x61: {  	v10 =	vsub.f32 v6, v3;
	v2 =	vtrunc.f32 v2;
	v8 =	vmul.f32 v8, v13  }
0x62: {  	vm2 =	vle.f32 v5, v17;
	vm1 =	vge.f32 v5, v18;
	v5 =	vcvt.f32.s32 v2  }
0x63: {  	vm1 =	vmand vm1, vm2;
	v2 =	vld [tilespmem:s1+$0xD480];
	v10 =	vmul.f32 v10, v4;
	v8 =	vmax.f32 v8, $0.0e+00  }
0x64: {  	v5 =	vadd.s32 s18, v5;
	v8 =	vmin.f32 v8, $6.300000000e+01  }
0x65: {  	vm2 =	vle.f32 v7, v12;
	v10 =	vmax.f32 v10, $0.0e+00;
	v8 =	vtrunc.f32 v8;
	[tilespmem:v9+s14+$0x0] =	vst.idx.add.f32.msk vm0, v1  }
0x66: {  	v10 =	vmin.f32 v10, $6.300000000e+01;
	vm0 =	vge.f32 v7, v11;
	v8 =	vcvt.f32.s32 v8;
	v7 =	vld [tilespmem:s20+$0x10]  }
0x67: {  	vm3 =	vge.f32 v6, v3;
	v9 =	vtrunc.f32 v10;
	vm0 =	vmand vm0, vm2  }
0x68: {  	vm2 =	vle.f32 v6, v2;
	v6 =	vcvt.f32.s32 v9;
	v8 =	vadd.s32 s28, v8  }
0x69: {  	s19 =	simm.s32 $0x80;
	vm2 =	vmand vm3, vm2;
	[tilespmem:v5+s14+$0x0] =	vst.idx.add.f32.msk vm1, v1  }
0x6a: {  	v5 =	vld [tilespmem:s29+$0xFFFFFFB0];
	v6 =	vadd.s32 s19, v6  }
0x6b: {  	v9 =	vsub.f32 v7, v19;
	_ =	sdelay $0x1  }
0x6c: {  	[tilespmem:v8+s14+$0x0] =	vst.idx.add.f32.msk vm0, v1;
	v8 =	vmul.f32 v9, v22  }
0x6d: {  	v9 =	vld [tilespmem:s29+$0x40]  }
0x6e: {  	v10 =	vsub.f32 v5, v18;
	[tilespmem:v6+s14+$0x0] =	vst.idx.add.f32.msk vm2, v1;
	v6 =	vmax.f32 v8, $0.0e+00  }
0x6f: {  	v6 =	vmin.f32 v6, $6.300000000e+01  }
0x70: {  	v8 =	vld [tilespmem:s20+$0xFFFFFF90];
	v10 =	vmul.f32 v10, v20;
	v6 =	vtrunc.f32 v6  }
0x71: {  	vm1 =	vle.f32 v7, v21;
	vm0 =	vge.f32 v7, v19;
	v6 =	vcvt.f32.s32 v6  }
0x72: {  	vm0 =	vmand vm0, vm1;
	v7 =	vmax.f32 v10, $0.0e+00;
	v10 =	vsub.f32 v9, v11  }
0x73: {  	v7 =	vmin.f32 v7, $6.300000000e+01;
	v6 =	vadd.s32 s30, v6  }
0x74: {  	vm2 =	vle.f32 v5, v17;
	v7 =	vtrunc.f32 v7;
	v10 =	vmul.f32 v10, v13  }
0x75: {  	vm1 =	vge.f32 v5, v18;
	v14 =	vsub.f32 v8, v3;
	v5 =	vcvt.f32.s32 v7  }
0x76: {  	vm1 =	vmand vm1, vm2;
	v10 =	vmax.f32 v10, $0.0e+00  }
0x77: {  	v7 =	vmul.f32 v14, v4;
	v5 =	vadd.s32 s18, v5;
	v10 =	vmin.f32 v10, $6.300000000e+01  }
0x78: {  	vm2 =	vle.f32 v9, v12;
	v10 =	vtrunc.f32 v10;
	[tilespmem:v6+s14+$0x0] =	vst.idx.add.f32.msk vm0, v1  }
0x79: {  	v7 =	vmax.f32 v7, $0.0e+00;
	vm0 =	vge.f32 v9, v11;
	v6 =	vcvt.f32.s32 v10;
	v9 =	vld [tilespmem:s20+$0x20]  }
0x7a: {  	v7 =	vmin.f32 v7, $6.300000000e+01;
	vm0 =	vmand vm0, vm2  }
0x7b: {  	v7 =	vtrunc.f32 v7;
	v6 =	vadd.s32 s28, v6  }
0x7c: {  	vm3 =	vle.f32 v8, v2;
	vm2 =	vge.f32 v8, v3;
	[tilespmem:v5+s14+$0x0] =	vst.idx.add.f32.msk vm1, v1;
	v5 =	vcvt.f32.s32 v7  }
0x7d: {  	vm1 =	vmand vm2, vm3;
	v7 =	vld [tilespmem:s29+$0xFFFFFFC0]  }
0x7e: {  	v5 =	vadd.s32 s19, v5;
	v8 =	vsub.f32 v9, v19;
	_ =	sdelay $0x1  }
0x7f: {  	[tilespmem:v6+s14+$0x0] =	vst.idx.add.f32.msk vm0, v1;
	v6 =	vmul.f32 v8, v22;
	_ =	sdelay $0x1  }
0x80: {  	v10 =	vsub.f32 v7, v18;
	v8 =	vld [tilespmem:s29+$0x50];
	v6 =	vmax.f32 v6, $0.0e+00  }
0x81: {  	[tilespmem:v5+s14+$0x0] =	vst.idx.add.f32.msk vm1, v1;
	v5 =	vmin.f32 v6, $6.300000000e+01  }
0x82: {  	v14 =	vld [tilespmem:s20+$0xFFFFFFA0];
	v6 =	vmul.f32 v10, v20;
	v5 =	vtrunc.f32 v5  }
0x83: {  	s21 =	simm.s32 $0x280;
	vm0 =	vge.f32 v9, v19;
	vm1 =	vle.f32 v9, v21;
	v10 =	vcvt.f32.s32 v5  }
0x84: {  	s10 =	simm.s32 $0xC850;
	v15 =	vld [tilespmem:s21+$0x0];
	vm1 =	vmand vm0, vm1;
	v6 =	vmax.f32 v6, $0.0e+00  }
0x85: {  	s22 =	simm.s32 $0x50;
	v5 =	vld [tilespmem:s10+$0x0];
	v9 =	vsub.f32 v8, v11;
	v6 =	vmin.f32 v6, $6.300000000e+01;
	v16 =	vadd.s32 s30, v10  }
0x86: {  	s1 =	sand.u32 $0xFF0, s22;
	vm2 =	vle.f32 v7, v17;
	vm0 =	vge.f32 v7, v18;
	v6 =	vtrunc.f32 v6  }
0x87: {  	v7 =	vsub.f32 v14, v3;
	v10 =	vld [tilespmem:s1+$0xE100];
	v9 =	vmul.f32 v9, v13;
	v6 =	vcvt.f32.s32 v6  }
0x88: {  	vm0 =	vmand vm0, vm2;
	vm3 =	vle.f32 v8, v12  }
0x89: {  	v9 =	vmax.f32 v9, $0.0e+00;
	v23 =	vadd.s32 s18, v6;
	v6 =	vmul.f32 v7, v4  }
0x8a: {  	vm2 =	vge.f32 v14, v3;
	v7 =	vmin.f32 v9, $6.300000000e+01;
	v9 =	vsub.f32 v15, v5;
	[tilespmem:v16+s14+$0x0] =	vst.idx.add.f32.msk vm1, v1  }
0x8b: {  	v7 =	vtrunc.f32 v7;
	vm1 =	vge.f32 v8, v11;
	v6 =	vmax.f32 v6, $0.0e+00;
	v8 =	vld [tilespmem:s1+$0xD480]  }
0x8c: {  	v7 =	vcvt.f32.s32 v7;
	v16 =	vld [tilespmem:s20+$0x30];
	v25 =	vmin.f32 v6, $6.300000000e+01;
	v9 =	vmul.f32 v9, v10  }
0x8d: {  	v24 =	vld [tilespmem:s21+$0xFFFFFF80];
	s23 =	simm.s32 $0x40;
	vm4 =	vle.f32 v14, v2;
	vm1 =	vmand vm1, vm3;
	v14 =	vtrunc.f32 v25  }
0x8e: {  	s24 =	sand.u32 $0xFE0, s23;
	v6 =	vld [tilespmem:s10+$0xFFFFFFF0];
	v25 =	vadd.s32 s28, v7;
	v14 =	vcvt.f32.s32 v14;
	v7 =	vmax.f32 v9, $0.0e+00  }
0x8f: {  	vm2 =	vmand vm2, vm4;
	v9 =	vld [tilespmem:s24+$0xE100];
	v26 =	vmin.f32 v7, $6.300000000e+01  }
0x90: {  	[tilespmem:v23+s14+$0x0] =	vst.idx.add.f32.msk vm0, v1;
	vm0 =	vge.f32 v15, v5;
	v14 =	vadd.s32 s19, v14;
	v26 =	vtrunc.f32 v26  }
0x91: {  	vm3 =	vle.f32 v15, v8;
	v27 =	vsub.f32 v16, v19;
	v23 =	vcvt.f32.s32 v26  }
0x92: {  	s23 =	simm.s32 $0x140;
	v7 =	vld [tilespmem:s24+$0xD480];
	vm0 =	vmand vm0, vm3  }
0x93: {  	v15 =	vsub.f32 v24, v6;
	v27 =	vmul.f32 v27, v22;
	[tilespmem:v25+s14+$0x0] =	vst.idx.add.f32.msk vm1, v1;
	v23 =	vadd.s32 s23, v23  }
0x94: {  	v25 =	vld [tilespmem:s29+$0x60]  }
0x95: {  	v15 =	vmul.f32 v15, v9;
	v27 =	vmax.f32 v27, $0.0e+00;
	[tilespmem:v14+s14+$0x0] =	vst.idx.add.f32.msk vm2, v1  }
0x96: {  	v14 =	vmin.f32 v27, $6.300000000e+01;
	v27 =	vld [tilespmem:s20+$0xFFFFFFB0]  }
0x97: {  	v26 =	vld [tilespmem:s29+$0xFFFFFFD0];
	vm1 =	vge.f32 v16, v19;
	v15 =	vmax.f32 v15, $0.0e+00;
	v14 =	vtrunc.f32 v14  }
0x98: {  	vm2 =	vle.f32 v16, v21;
	v15 =	vmin.f32 v15, $6.300000000e+01;
	v14 =	vcvt.f32.s32 v14;
	[tilespmem:v23+s14+$0x0] =	vst.idx.add.f32.msk vm0, v1  }
0x99: {  	v15 =	vtrunc.f32 v15;
	vm0 =	vmand vm1, vm2;
	v16 =	vsub.f32 v25, v11;
	v23 =	vld [tilespmem:s21+$0x10]  }
0x9a: {  	vm1 =	vge.f32 v24, v6;
	vm2 =	vle.f32 v24, v7;
	v14 =	vadd.s32 s30, v14  }
0x9b: {  	v15 =	vcvt.f32.s32 v15;
	v16 =	vmul.f32 v16, v13;
	v28 =	vsub.f32 v27, v3  }
0x9c: {  	s22 =	simm.s32 $0x100;
	v24 =	vsub.f32 v26, v18;
	vm1 =	vmand vm1, vm2;
	vm3 =	vge.f32 v25, v11  }
0x9d: {  	v15 =	vadd.s32 s22, v15;
	v16 =	vmax.f32 v16, $0.0e+00;
	v28 =	vmul.f32 v28, v4  }
0x9e: {  	v24 =	vmul.f32 v24, v20;
	v16 =	vmin.f32 v16, $6.300000000e+01;
	v29 =	vsub.f32 v23, v5  }
0x9f: {  	vm2 =	vge.f32 v27, v3;
	[tilespmem:v14+s14+$0x0] =	vst.idx.add.f32.msk vm0, v1;
	v14 =	vtrunc.f32 v16;
	v16 =	vmax.f32 v28, $0.0e+00  }
0xa0: {  	vm0 =	vle.f32 v27, v2;
	v27 =	vld [tilespmem:s20+$0x40];
	v16 =	vmin.f32 v16, $6.300000000e+01;
	v28 =	vmul.f32 v29, v10  }
0xa1: {  	vm4 =	vle.f32 v25, v12;
	v14 =	vcvt.f32.s32 v14;
	v16 =	vtrunc.f32 v16  }
0xa2: {  	[tilespmem:v15+s14+$0x0] =	vst.idx.add.f32.msk vm1, v1;
	vm1 =	vmand vm3, vm4;
	v15 =	vcvt.f32.s32 v16;
	v16 =	vmax.f32 v28, $0.0e+00  }
0xa3: {  	vm3 =	vle.f32 v23, v8;
	v25 =	vld [tilespmem:s21+$0xFFFFFF90];
	v14 =	vadd.s32 s28, v14;
	v16 =	vmin.f32 v16, $6.300000000e+01  }
0xa4: {  	vm0 =	vmand vm2, vm0;
	vm2 =	vge.f32 v23, v5;
	v16 =	vtrunc.f32 v16  }
0xa5: {  	v15 =	vadd.s32 s19, v15;
	v28 =	vsub.f32 v27, v19;
	v16 =	vcvt.f32.s32 v16  }
0xa6: {  	v24 =	vmax.f32 v24, $0.0e+00;
	vm2 =	vmand vm2, vm3  }
0xa7: {  	v24 =	vmin.f32 v24, $6.300000000e+01;
	v23 =	vmul.f32 v28, v22;
	v16 =	vadd.s32 s23, v16  }
0xa8: {  	v24 =	vtrunc.f32 v24;
	[tilespmem:v14+s14+$0x0] =	vst.idx.add.f32.msk vm1, v1;
	v14 =	vsub.f32 v25, v6  }
0xa9: {  	v24 =	vcvt.f32.s32 v24;
	vm3 =	vle.f32 v26, v17;
	v28 =	vld [tilespmem:s29+$0x70];
	v23 =	vmax.f32 v23, $0.0e+00  }
0xaa: {  	vm1 =	vge.f32 v26, v18;
	v14 =	vmul.f32 v14, v9;
	[tilespmem:v15+s14+$0x0] =	vst.idx.add.f32.msk vm0, v1;
	v23 =	vmin.f32 v23, $6.300000000e+01  }
0xab: {  	vm4 =	vle.f32 v27, v21;
	vm1 =	vmand vm1, vm3;
	v15 =	vtrunc.f32 v23;
	v23 =	vld [tilespmem:s20+$0xFFFFFFC0]  }
0xac: {  	vm0 =	vge.f32 v27, v19;
	v14 =	vmax.f32 v14, $0.0e+00;
	v15 =	vcvt.f32.s32 v15;
	[tilespmem:v16+s14+$0x0] =	vst.idx.add.f32.msk vm2, v1  }
0xad: {  	v24 =	vadd.s32 s18, v24;
	vm0 =	vmand vm0, vm4;
	v14 =	vmin.f32 v14, $6.300000000e+01;
	v16 =	vld [tilespmem:s21+$0x20]  }
0xae: {  	vm3 =	vle.f32 v25, v7;
	v14 =	vtrunc.f32 v14;
	v15 =	vadd.s32 s30, v15  }
0xaf: {  	vm2 =	vge.f32 v25, v6;
	v26 =	vsub.f32 v28, v11;
	v14 =	vcvt.f32.s32 v14  }
0xb0: {  	vm2 =	vmand vm2, vm3  }
0xb1: {  	v13 =	vmul.f32 v26, v13;
	v14 =	vadd.s32 s22, v14  }
0xb2: {  	[tilespmem:v24+s14+$0x0] =	vst.idx.add.f32.msk vm1, v1;
	v25 =	vsub.f32 v23, v3;
	v26 =	vsub.f32 v16, v5  }
0xb3: {  	vm1 =	vle.f32 v28, v12;
	vm3 =	vge.f32 v23, v3;
	v13 =	vmax.f32 v13, $0.0e+00;
	[tilespmem:v15+s14+$0x0] =	vst.idx.add.f32.msk vm0, v1  }
0xb4: {  	v13 =	vmin.f32 v13, $6.300000000e+01;
	v15 =	vmul.f32 v25, v4;
	v25 =	vld [tilespmem:s20+$0x50];
	v24 =	vmul.f32 v26, v10  }
0xb5: {  	vm4 =	vle.f32 v23, v2;
	v13 =	vtrunc.f32 v13;
	vm0 =	vge.f32 v28, v11;
	v26 =	vld [tilespmem:s29+$0xFFFFFFE0]  }
0xb6: {  	v23 =	vcvt.f32.s32 v13;
	v11 =	vmax.f32 v15, $0.0e+00;
	[tilespmem:v14+s14+$0x0] =	vst.idx.add.f32.msk vm2, v1;
	v13 =	vmax.f32 v24, $0.0e+00  }
0xb7: {  	vm2 =	vmand vm3, vm4;
	vm3 =	vge.f32 v16, v5;
	v14 =	vld [tilespmem:s21+$0xFFFFFFA0];
	v12 =	vmin.f32 v13, $6.300000000e+01  }
0xb8: {  	vm4 =	vle.f32 v16, v8;
	v11 =	vmin.f32 v11, $6.300000000e+01;
	v12 =	vtrunc.f32 v12  }
0xb9: {  	s24 =	simm.s32 $0x380;
	v15 =	vtrunc.f32 v11;
	v13 =	vsub.f32 v25, v19;
	v12 =	vcvt.f32.s32 v12  }
0xba: {  	s25 =	simm.s32 $0xC870;
	vm5 =	vmand vm3, vm4;
	v24 =	vld [tilespmem:s24+$0x0];
	v15 =	vcvt.f32.s32 v15  }
0xbb: {  	s26 =	simm.s32 $0x70;
	v11 =	vld [tilespmem:s25+$0x0];
	v16 =	vsub.f32 v26, v18;
	v13 =	vmul.f32 v13, v22;
	v27 =	vadd.s32 s23, v12  }
0xbc: {  	s1 =	sand.u32 $0xFF0, s26;
	v28 =	vld [tilespmem:s24+$0xFFFFFF80];
	vm3 =	vge.f32 v26, v18;
	vm4 =	vle.f32 v26, v17;
	v12 =	vsub.f32 v14, v6  }
0xbd: {  	s10 =	simm.s32 $0x60;
	vm6 =	vge.f32 v25, v19;
	v26 =	vmul.f32 v16, v20;
	v16 =	vld [tilespmem:s1+$0xE100];
	v13 =	vmax.f32 v13, $0.0e+00  }
0xbe: {  	s10 =	sand.u32 $0xFE0, s10;
	v29 =	vadd.s32 s19, v15;
	v15 =	vmul.f32 v12, v9;
	v12 =	vld [tilespmem:s25+$0xFFFFFFF0];
	v13 =	vmin.f32 v13, $6.300000000e+01  }
0xbf: {  	vm7 =	vle.f32 v25, v21;
	v25 =	vmax.f32 v26, $0.0e+00;
	v30 =	vtrunc.f32 v13;
	v13 =	vld [tilespmem:s10+$0xE100]  }
0xc0: {  	v26 =	vsub.f32 v24, v11;
	v15 =	vmax.f32 v15, $0.0e+00;
	v30 =	vcvt.f32.s32 v30;
	[tilespmem:v27+s14+$0x0] =	vst.idx.add.f32.msk vm5, v1  }
0xc1: {  	v25 =	vmin.f32 v25, $6.300000000e+01;
	vm5 =	vmand vm6, vm7;
	v31 =	vmin.f32 v15, $6.300000000e+01;
	v15 =	vld [tilespmem:s1+$0xD480]  }
0xc2: {  	vm6 =	vge.f32 v14, v6;
	v26 =	vmul.f32 v26, v16;
	v27 =	vld [tilespmem:s21+$0x30];
	v30 =	vadd.s32 s30, v30  }
0xc3: {  	vm7 =	vle.f32 v14, v7;
	v14 =	vtrunc.f32 v31;
	v31 =	vsub.f32 v28, v12  }
0xc4: {  	[tilespmem:v29+s14+$0x0] =	vst.idx.add.f32.msk vm2, v1;
	v25 =	vtrunc.f32 v25;
	v29 =	vcvt.f32.s32 v14;
	v26 =	vmax.f32 v26, $0.0e+00  }
0xc5: {  	vm6 =	vmand vm6, vm7;
	v14 =	vld [tilespmem:s10+$0xD480];
	v26 =	vmin.f32 v26, $6.300000000e+01;
	v31 =	vmul.f32 v31, v13  }
0xc6: {  	v29 =	vadd.s32 s22, v29;
	v26 =	vtrunc.f32 v26;
	vm7 =	vle.f32 v24, v15  }
0xc7: {  	v26 =	vcvt.f32.s32 v26;
	v32 =	vsub.f32 v27, v5;
	[tilespmem:v30+s14+$0x0] =	vst.idx.add.f32.msk vm5, v1;
	vm5 =	vge.f32 v24, v11  }
0xc8: {  	s26 =	simm.s32 $0x1C0;
	vm2 =	vmand vm3, vm4;
	v31 =	vmax.f32 v31, $0.0e+00;
	v30 =	vld [tilespmem:s20+$0xFFFFFFD0];
	vm3 =	vmand vm5, vm7  }
0xc9: {  	v24 =	vcvt.f32.s32 v25;
	v26 =	vadd.s32 s26, v26;
	v25 =	vld [tilespmem:s20+$0x60];
	v32 =	vmul.f32 v32, v10  }
0xca: {  	vm4 =	vge.f32 v28, v12;
	v31 =	vmin.f32 v31, $6.300000000e+01;
	vm5 =	vle.f32 v28, v14  }
0xcb: {  	v28 =	vtrunc.f32 v31;
	v24 =	vadd.s32 s18, v24;
	[tilespmem:v29+s14+$0x0] =	vst.idx.add.f32.msk vm6, v1;
	v29 =	vmax.f32 v32, $0.0e+00  }
0xcc: {  	vm5 =	vmand vm4, vm5;
	v28 =	vcvt.f32.s32 v28;
	v31 =	vld [tilespmem:s21+$0xFFFFFFB0];
	v29 =	vmin.f32 v29, $6.300000000e+01  }
0xcd: {  	vm4 =	vle.f32 v27, v8;
	v59 =	vsub.f32 v30, v3;
	v29 =	vtrunc.f32 v29  }
0xce: {  	s25 =	simm.s32 $0x180;
	v33 =	vsub.f32 v25, v19;
	v29 =	vcvt.f32.s32 v29;
	[tilespmem:v26+s14+$0x0] =	vst.idx.add.f32.msk vm3, v1;
	vm3 =	vge.f32 v27, v5  }
0xcf: {  	v63 =	vadd.s32 s28, v23;
	v26 =	vadd.s32 s25, v28;
	vm3 =	vmand vm3, vm4  }
0xd0: {  	v32 =	vmul.f32 v59, v4;
	v27 =	vmul.f32 v33, v22;
	v28 =	vld [tilespmem:s24+$0x10];
	v29 =	vadd.s32 s23, v29  }
0xd1: {  	vm4 =	vmand vm0, vm1;
	vm0 =	vge.f32 v30, v3;
	v60 =	vsub.f32 v31, v6  }
0xd2: {  	[tilespmem:v24+s14+$0x0] =	vst.idx.add.f32.msk vm2, v1;
	vm2 =	vge.f32 v31, v6;
	vm6 =	vle.f32 v31, v7;
	v27 =	vmax.f32 v27, $0.0e+00  }
0xd3: {  	vm1 =	vle.f32 v30, v2;
	vm6 =	vmand vm2, vm6;
	v24 =	vmin.f32 v27, $6.300000000e+01;
	v27 =	vld [tilespmem:s29+$0xFFFFFFF0]  }
0xd4: {  	v30 =	vmul.f32 v60, v9;
	v24 =	vtrunc.f32 v24;
	[tilespmem:v26+s14+$0x0] =	vst.idx.add.f32.msk vm5, v1;
	vm5 =	vle.f32 v25, v21  }
0xd5: {  	v24 =	vcvt.f32.s32 v24;
	v31 =	vsub.f32 v28, v11;
	[tilespmem:v29+s14+$0x0] =	vst.idx.add.f32.msk vm3, v1;
	vm3 =	vge.f32 v25, v19  }
0xd6: {  	v26 =	vmax.f32 v32, $0.0e+00;
	v25 =	vmax.f32 v30, $0.0e+00;
	vm5 =	vmand vm3, vm5;
	v29 =	vld [tilespmem:s21+$0x40]  }
0xd7: {  	v25 =	vmin.f32 v25, $6.300000000e+01;
	v30 =	vmul.f32 v31, v16;
	v24 =	vadd.s32 s30, v24;
	v31 =	vld [tilespmem:s24+$0xFFFFFF90]  }
0xd8: {  	v26 =	vmin.f32 v26, $6.300000000e+01;
	vm3 =	vmand vm0, vm1;
	v25 =	vtrunc.f32 v25  }
0xd9: {  	v61 =	vsub.f32 v27, v18;
	v25 =	vcvt.f32.s32 v25;
	v30 =	vmax.f32 v30, $0.0e+00  }
0xda: {  	vm0 =	vge.f32 v28, v11;
	vm1 =	vle.f32 v28, v15;
	v30 =	vmin.f32 v30, $6.300000000e+01  }
0xdb: {  	v20 =	vmul.f32 v61, v20;
	v25 =	vadd.s32 s22, v25;
	v30 =	vtrunc.f32 v30  }
0xdc: {  	v62 =	vsub.f32 v29, v5;
	[tilespmem:v24+s14+$0x0] =	vst.idx.add.f32.msk vm5, v1;
	vm5 =	vmand vm0, vm1;
	vm0 =	vge.f32 v31, v12  }
0xdd: {  	vm1 =	vle.f32 v31, v14;
	v24 =	vtrunc.f32 v26;
	v26 =	vcvt.f32.s32 v30  }
0xde: {  	v30 =	vsub.f32 v31, v12;
	v28 =	vld [tilespmem:s20+$0x70];
	v24 =	vcvt.f32.s32 v24;
	v31 =	vmul.f32 v62, v10  }
0xdf: {  	vm2 =	vmand vm0, vm1;
	vm0 =	vge.f32 v27, v18;
	v18 =	vadd.s32 s26, v26  }
0xe0: {  	v23 =	vadd.s32 s19, v24;
	v24 =	vmul.f32 v30, v13;
	[tilespmem:v25+s14+$0x0] =	vst.idx.add.f32.msk vm6, v1;
	v25 =	vmax.f32 v31, $0.0e+00  }
0xe1: {  	v20 =	vmax.f32 v20, $0.0e+00;
	vm7 =	vle.f32 v29, v8;
	v26 =	vld [tilespmem:s21+$0xFFFFFFC0];
	v25 =	vmin.f32 v25, $6.300000000e+01  }
0xe2: {  	vm1 =	vle.f32 v27, v17;
	v17 =	vmax.f32 v24, $0.0e+00;
	v24 =	vtrunc.f32 v25  }
0xe3: {  	vm6 =	vge.f32 v29, v5;
	v25 =	vsub.f32 v28, v19;
	v24 =	vcvt.f32.s32 v24  }
0xe4: {  	v20 =	vmin.f32 v20, $6.300000000e+01;
	v17 =	vmin.f32 v17, $6.300000000e+01;
	[tilespmem:v18+s14+$0x0] =	vst.idx.add.f32.msk vm5, v1;
	vm5 =	vmand vm6, vm7  }
0xe5: {  	v17 =	vtrunc.f32 v17;
	v18 =	vmul.f32 v25, v22;
	v22 =	vld [tilespmem:s24+$0x20];
	v24 =	vadd.s32 s23, v24  }
0xe6: {  	vm8 =	vle.f32 v28, v21;
	[tilespmem:v23+s14+$0x0] =	vst.idx.add.f32.msk vm3, v1;
	v17 =	vcvt.f32.s32 v17;
	v23 =	vsub.f32 v26, v6  }
0xe7: {  	v27 =	vld [tilespmem:s20+$0xFFFFFFE0];
	vm3 =	vge.f32 v26, v6;
	vm6 =	vle.f32 v26, v7;
	v18 =	vmax.f32 v18, $0.0e+00  }
0xe8: {  	v17 =	vadd.s32 s25, v17;
	v18 =	vmin.f32 v18, $6.300000000e+01;
	v23 =	vmul.f32 v23, v9  }
0xe9: {  	[tilespmem:v63+s14+$0x0] =	vst.idx.add.f32.msk vm4, v1;
	vm7 =	vge.f32 v28, v19;
	vm3 =	vmand vm3, vm6;
	v18 =	vtrunc.f32 v18  }
0xea: {  	v18 =	vcvt.f32.s32 v18;
	[tilespmem:v24+s14+$0x0] =	vst.idx.add.f32.msk vm5, v1;
	v19 =	vsub.f32 v22, v11;
	v21 =	vmax.f32 v23, $0.0e+00  }
0xeb: {  	vm5 =	vmand vm7, vm8;
	vm4 =	vge.f32 v22, v11;
	v21 =	vmin.f32 v21, $6.300000000e+01;
	v25 =	vld [tilespmem:s21+$0x50]  }
0xec: {  	v23 =	vsub.f32 v27, v3;
	v18 =	vadd.s32 s30, v18;
	v19 =	vmul.f32 v19, v16  }
0xed: {  	vm6 =	vle.f32 v27, v2;
	v21 =	vtrunc.f32 v21;
	[tilespmem:v17+s14+$0x0] =	vst.idx.add.f32.msk vm2, v1;
	vm2 =	vge.f32 v27, v3  }
0xee: {  	v17 =	vcvt.f32.s32 v21;
	v28 =	vld [tilespmem:s24+$0xFFFFFFA0];
	v21 =	vmul.f32 v23, v4;
	v19 =	vmax.f32 v19, $0.0e+00  }
0xef: {  	vm2 =	vmand vm2, vm6;
	v23 =	vtrunc.f32 v20;
	v19 =	vmin.f32 v19, $6.300000000e+01  }
0xf0: {  	v24 =	vadd.s32 s22, v17;
	v17 =	vtrunc.f32 v19;
	v19 =	vsub.f32 v25, v5  }
0xf1: {  	s31 =	simm.s32 $0x80;
	s28 =	simm.s32 $0x480;
	v20 =	vmax.f32 v21, $0.0e+00;
	[tilespmem:v18+s14+$0x0] =	vst.idx.add.f32.msk vm5, v1;
	v18 =	vcvt.f32.s32 v17;
	vm5 =	vle.f32 v22, v15  }
0xf2: {  	s0 =	sand.u32 $0xFE0, s31;
	v29 =	vld [tilespmem:s28+$0x0];
	s30 =	simm.s32 $0xC890;
	v26 =	vmin.f32 v20, $6.300000000e+01;
	vm4 =	vmand vm4, vm5;
	v27 =	vmul.f32 v19, v10  }
0xf3: {  	s1 =	simm.s32 $0xA;
	s10 =	simm.s32 $0x90;
	s29 =	simm.s32 $0x8;
	v17 =	vld [tilespmem:s30+$0x0];
	v31 =	vsub.f32 v28, v12;
	vm5 =	vge.f32 v28, v12;
	v30 =	vadd.s32 s26, v18  }
.LBB2_4:
0xf4: {  	p0 =	slt.u32 s1, $0xC6;
	v32 =	vld [tilespmem:s28+$0xFFFFFF80];
	s10 =	sand.u32 $0xFF0, s10;
	vm6 =	vle.f32 v28, v14;
	v19 =	vmax.f32 v27, $0.0e+00;
	v20 =	vtrunc.f32 v26  }
0xf5: {  	v18 =	vld [tilespmem:s10+$0xE100];
	v26 =	vmul.f32 v31, v13;
	vm5 =	vmand vm5, vm6;
	v19 =	vmin.f32 v19, $6.300000000e+01  }
0xf6: {  	vm0 =	vmand vm0, vm1;
	v20 =	vcvt.f32.s32 v20;
	v22 =	vld [tilespmem:s30+$0xFFFFFFF0];
	v19 =	vtrunc.f32 v19  }
0xf7: {  	vm1 =	vge.f32 v25, v5;
	vm6 =	vle.f32 v25, v8;
	v21 =	vld [tilespmem:s0+$0xE100];
	v19 =	vcvt.f32.s32 v19  }
0xf8: {  	v26 =	vmax.f32 v26, $0.0e+00;
	v25 =	vsub.f32 v29, v17;
	[tilespmem:v30+s14+$0x0] =	vst.idx.add.f32.msk vm4, v1;
	vm4 =	vmand vm1, vm6  }
0xf9: {  	v26 =	vmin.f32 v26, $6.300000000e+01;
	v30 =	vadd.s32 s19, v20;
	v27 =	vld [tilespmem:s24+$0x30];
	v28 =	vadd.s32 s23, v19  }
0xfa: {  	v26 =	vtrunc.f32 v26;
	v19 =	vld [tilespmem:s10+$0xD480];
	v25 =	vmul.f32 v25, v18  }
0xfb: {  	v26 =	vcvt.f32.s32 v26;
	v20 =	vld [tilespmem:s0+$0xD480];
	v31 =	vsub.f32 v32, v22;
	vm1 =	vge.f32 v32, v22  }
0xfc: {  	v23 =	vcvt.f32.s32 v23;
	v25 =	vmax.f32 v25, $0.0e+00;
	[tilespmem:v24+s14+$0x0] =	vst.idx.add.f32.msk vm3, v1  }
0xfd: {  	v26 =	vadd.s32 s25, v26;
	v24 =	vmul.f32 v31, v21;
	v25 =	vmin.f32 v25, $6.300000000e+01;
	v31 =	vld [tilespmem:s21+$0xFFFFFFD0]  }
0xfe: {  	v23 =	vadd.s32 s18, v23;
	s18 =	smov.u32 s19;
	s19 =	smov.u32 s22;
	s22 =	smov.u32 s25;
	v25 =	vtrunc.f32 v25;
	v33 =	vsub.f32 v27, v11;
	[tilespmem:v28+s14+$0x0] =	vst.idx.add.f32.msk vm4, v1  }
0xff: {  	s25 =	sshll.u32 s29, $0x6;
	vm3 =	vge.f32 v29, v17;
	s29 =	smov.u32 s1;
	v25 =	vcvt.f32.s32 v25;
	vm4 =	vle.f32 v29, v19;
	v28 =	vld [tilespmem:s21+$0x60]  }
0x100: {  	s0 =	sadd.s32 $0x40, s25;
	v24 =	vmax.f32 v24, $0.0e+00;
	vm4 =	vmand vm3, vm4;
	v29 =	vmul.f32 v33, v16;
	[tilespmem:v30+s14+$0x0] =	vst.idx.add.f32.msk vm2, v1  }
0x101: {  	v24 =	vmin.f32 v24, $6.300000000e+01;
	vm2 =	vle.f32 v32, v20;
	v25 =	vadd.s32 s0, v25;
	v30 =	vld [tilespmem:s20+$0xFFFFFFF0];
	s20 =	smov.u32 s21;
	s21 =	smov.u32 s24;
	s24 =	smov.u32 s28  }
0x102: {  	v24 =	vtrunc.f32 v24;
	vm3 =	vmand vm1, vm2;
	[tilespmem:v26+s14+$0x0] =	vst.idx.add.f32.msk vm5, v1;
	v26 =	vmax.f32 v29, $0.0e+00  }
0x103: {  	v24 =	vcvt.f32.s32 v24;
	v32 =	vsub.f32 v31, v6;
	v29 =	vld [tilespmem:s21+$0xFFFFFFB0];
	v26 =	vmin.f32 v26, $6.300000000e+01  }
0x104: {  	vm2 =	vge.f32 v31, v6;
	v26 =	vtrunc.f32 v26;
	v33 =	vsub.f32 v28, v5;
	[tilespmem:v23+s14+$0x0] =	vst.idx.add.f32.msk vm0, v1  }
0x105: {  	vm1 =	vle.f32 v27, v15;
	vm0 =	vge.f32 v27, v11;
	v23 =	vcvt.f32.s32 v26  }
0x106: {  	v24 =	vadd.s32 s25, v24;
	vm0 =	vmand vm0, vm1;
	[tilespmem:v25+s14+$0x0] =	vst.idx.add.f32.msk vm4, v1;
	v25 =	vmul.f32 v33, v10  }
0x107: {  	v27 =	vmul.f32 v32, v9;
	vm4 =	vle.f32 v31, v7;
	v26 =	vld [tilespmem:s28+$0x10];
	v23 =	vadd.s32 s26, v23  }
0x108: {  	v31 =	vsub.f32 v29, v12;
	vm1 =	vge.f32 v29, v12;
	v25 =	vmax.f32 v25, $0.0e+00  }
0x109: {  	v27 =	vmax.f32 v27, $0.0e+00;
	vm5 =	vle.f32 v29, v14;
	v25 =	vmin.f32 v25, $6.300000000e+01  }
0x10a: {  	vm1 =	vmand vm1, vm5;
	v29 =	vmul.f32 v31, v13;
	v25 =	vtrunc.f32 v25  }
0x10b: {  	vm5 =	vle.f32 v28, v8;
	[tilespmem:v24+s14+$0x0] =	vst.idx.add.f32.msk vm3, v1;
	v24 =	vcvt.f32.s32 v25;
	vm3 =	vge.f32 v28, v5  }
0x10c: {  	v25 =	vsub.f32 v26, v17;
	v28 =	vmax.f32 v29, $0.0e+00;
	[tilespmem:v23+s14+$0x0] =	vst.idx.add.f32.msk vm0, v1;
	vm5 =	vmand vm3, vm5  }
0x10d: {  	v27 =	vmin.f32 v27, $6.300000000e+01;
	v23 =	vmin.f32 v28, $6.300000000e+01;
	v28 =	vld [tilespmem:s21+$0x40];
	v24 =	vadd.s32 s23, v24  }
0x10e: {  	vm3 =	vmand vm2, vm4;
	v29 =	vld [tilespmem:s28+$0xFFFFFF90];
	v25 =	vmul.f32 v25, v18;
	v23 =	vtrunc.f32 v23  }
0x10f: {  	v27 =	vtrunc.f32 v27;
	v31 =	vsub.f32 v30, v3;
	v23 =	vcvt.f32.s32 v23  }
0x110: {  	v27 =	vcvt.f32.s32 v27;
	vm0 =	vge.f32 v30, v3;
	v3 =	vmovc v6;
	v6 =	vmovc v12;
	v25 =	vmax.f32 v25, $0.0e+00  }
0x111: {  	v31 =	vmul.f32 v31, v4;
	v12 =	vmovc v22;
	v4 =	vmovc v9;
	v25 =	vmin.f32 v25, $6.300000000e+01;
	v23 =	vadd.s32 s22, v23  }
0x112: {  	v27 =	vadd.s32 s19, v27;
	v9 =	vmovc v13;
	v22 =	vtrunc.f32 v25;
	v25 =	vsub.f32 v28, v11;
	[tilespmem:v24+s14+$0x0] =	vst.idx.add.f32.msk vm5, v1  }
0x113: {  	vm2 =	vge.f32 v26, v17;
	vm4 =	vle.f32 v26, v19;
	v13 =	vmovc v21;
	v22 =	vcvt.f32.s32 v22;
	v24 =	vld [tilespmem:s20+$0x70]  }
0x114: {  	vm4 =	vmand vm2, vm4;
	v21 =	vsub.f32 v29, v12;
	v25 =	vmul.f32 v25, v16  }
0x115: {  	vm2 =	vge.f32 v29, v12;
	vm5 =	vle.f32 v29, v20;
	v22 =	vadd.s32 s0, v22  }
0x116: {  	vm2 =	vmand vm2, vm5;
	v21 =	vmul.f32 v21, v13;
	[tilespmem:v23+s14+$0x0] =	vst.idx.add.f32.msk vm1, v1;
	v23 =	vmax.f32 v25, $0.0e+00  }
0x117: {  	v26 =	vmax.f32 v31, $0.0e+00;
	vm1 =	vle.f32 v30, v2;
	v2 =	vmovc v7;
	v7 =	vmovc v14;
	v25 =	vld [tilespmem:s21+$0xFFFFFFC0];
	v23 =	vmin.f32 v23, $6.300000000e+01  }
0x118: {  	v14 =	vmovc v20;
	v21 =	vmax.f32 v21, $0.0e+00;
	v23 =	vtrunc.f32 v23;
	[tilespmem:v27+s14+$0x0] =	vst.idx.add.f32.msk vm3, v1;
	v27 =	vsub.f32 v24, v5  }
0x119: {  	vm5 =	vle.f32 v28, v15;
	vm3 =	vge.f32 v28, v11;
	v20 =	vcvt.f32.s32 v23;
	v23 =	vld [tilespmem:s20+$0xFFFFFFE0]  }
0x11a: {  	v21 =	vmin.f32 v21, $6.300000000e+01;
	vm3 =	vmand vm3, vm5;
	[tilespmem:v22+s14+$0x0] =	vst.idx.add.f32.msk vm4, v1;
	v22 =	vmul.f32 v27, v10;
	v10 =	vmovc v16  }
0x11b: {  	v26 =	vmin.f32 v26, $6.300000000e+01;
	v21 =	vtrunc.f32 v21;
	v16 =	vmovc v18;
	v27 =	vld [tilespmem:s28+$0x20];
	v20 =	vadd.s32 s26, v20  }
0x11c: {  	v18 =	vcvt.f32.s32 v21;
	v21 =	vsub.f32 v25, v6;
	v22 =	vmax.f32 v22, $0.0e+00  }
0x11d: {  	vm4 =	vge.f32 v25, v6;
	vm5 =	vle.f32 v25, v7;
	v22 =	vmin.f32 v22, $6.300000000e+01  }
0x11e: {  	v18 =	vadd.s32 s25, v18;
	v21 =	vmul.f32 v21, v9;
	v22 =	vtrunc.f32 v22  }
0x11f: {  	vm6 =	vge.f32 v24, v5;
	vm7 =	vle.f32 v24, v8;
	v8 =	vmovc v15;
	v15 =	vmovc v19;
	v22 =	vcvt.f32.s32 v22  }
0x120: {  	v5 =	vmovc v11;
	vm6 =	vmand vm6, vm7;
	v19 =	vsub.f32 v27, v17;
	v21 =	vmax.f32 v21, $0.0e+00;
	[tilespmem:v20+s14+$0x0] =	vst.idx.add.f32.msk vm3, v1  }
0x121: {  	v11 =	vmovc v17;
	vm3 =	vmand vm4, vm5;
	v20 =	vmin.f32 v21, $6.300000000e+01;
	v25 =	vld [tilespmem:s21+$0x50];
	v21 =	vadd.s32 s23, v22;
	s23 =	smov.u32 s26;
	s26 =	smov.u32 s0  }
0x122: {  	v17 =	vmul.f32 v19, v16;
	v19 =	vtrunc.f32 v20;
	v20 =	vsub.f32 v23, v3  }
0x123: {  	vm4 =	vle.f32 v23, v2;
	[tilespmem:v18+s14+$0x0] =	vst.idx.add.f32.msk vm2, v1;
	v18 =	vcvt.f32.s32 v19;
	vm2 =	vge.f32 v23, v3  }
0x124: {  	v28 =	vld [tilespmem:s28+$0xFFFFFFA0];
	v17 =	vmax.f32 v17, $0.0e+00;
	v19 =	vmul.f32 v20, v4;
	vm2 =	vmand vm2, vm4  }
.Ltmp1:
0x125: {  	v23 =	vtrunc.f32 v26;
	v17 =	vmin.f32 v17, $6.300000000e+01;
	v24 =	vadd.s32 s22, v18;
	(pc) =	sbr.rel @p0 .LBB2_4-.Ltmp1, $4  }
0x126: {  	v17 =	vtrunc.f32 v17;
	v18 =	vsub.f32 v25, v5;
	v19 =	vmax.f32 v19, $0.0e+00;
	[tilespmem:v21+s14+$0x0] =	vst.idx.add.f32.msk vm6, v1  }
0x127: {  	s30 =	sadd.s32 $0x20, s30;
	vm5 =	vle.f32 v27, v15;
	vm4 =	vge.f32 v27, v11;
	v20 =	vcvt.f32.s32 v17  }
0x128: {  	s31 =	sadd.s32 $0x20, s31;
	s28 =	sadd.s32 $0x100, s28;
	vm4 =	vmand vm4, vm5;
	v26 =	vmin.f32 v19, $6.300000000e+01;
	v17 =	vld [tilespmem:s30+$0x0];
	v27 =	vmul.f32 v18, v10  }
0x129: {  	s10 =	sadd.s32 $0x10, s31;
	s1 =	sadd.s32 $0x2, s1;
	s0 =	sand.u32 $0xFE0, s31;
	v29 =	vld [tilespmem:s28+$0x0];
	v31 =	vsub.f32 v28, v12;
	vm5 =	vge.f32 v28, v12;
	v30 =	vadd.s32 s26, v20  }
0x12a: {  	s1 =	sand.u32 $0xFF0, s10  }
0x12b: {  	v22 =	vld [tilespmem:s1+$0xE100]  }
0x12c: {  	v32 =	vld [tilespmem:s28+$0xFFFFFF80]  }
0x12d: {  	v18 =	vld [tilespmem:s30+$0xFFFFFFF0]  }
0x12e: {  	v19 =	vsub.f32 v29, v17  }
0x12f: {  	v21 =	vld [tilespmem:s0+$0xE100]  }
0x130: {  	v20 =	vld [tilespmem:s1+$0xD480];
	v19 =	vmul.f32 v19, v22;
	_ =	sdelay $0x1  }
0x131: {  	v33 =	vsub.f32 v32, v18;
	v19 =	vmax.f32 v19, $0.0e+00  }
0x132: {  	v34 =	vmin.f32 v19, $6.300000000e+01  }
0x133: {  	v33 =	vmul.f32 v33, v21;
	v19 =	vld [tilespmem:s0+$0xD480];
	v34 =	vtrunc.f32 v34  }
0x134: {  	s29 =	sshll.u32 s29, $0x6;
	vm6 =	vge.f32 v29, v17;
	vm7 =	vle.f32 v29, v20;
	v34 =	vcvt.f32.s32 v34  }
0x135: {  	s30 =	sadd.s32 $0x40, s29;
	vm6 =	vmand vm6, vm7;
	v29 =	vmax.f32 v33, $0.0e+00  }
0x136: {  	v29 =	vmin.f32 v29, $6.300000000e+01;
	v63 =	vadd.s32 s30, v34  }
0x137: {  	v29 =	vtrunc.f32 v29  }
0x138: {  	vm7 =	vge.f32 v32, v18;
	v29 =	vcvt.f32.s32 v29;
	vm8 =	vle.f32 v32, v19  }
0x139: {  	vm7 =	vmand vm7, vm8  }
0x13a: {  	v29 =	vadd.s32 s29, v29  }
0x13b: {  	[tilespmem:v63+s14+$0x0] =	vst.idx.add.f32.msk vm6, v1  }
0x13c: {  	v36 =	vld [tilespmem:s28+$0x10];
	_ =	sdelay $0x2  }
0x13d: {  	[tilespmem:v29+s14+$0x0] =	vst.idx.add.f32.msk vm7, v1  }
0x13e: {  	v29 =	vld [tilespmem:s28+$0xFFFFFF90]  }
0x13f: {  	v37 =	vsub.f32 v36, v17;
	_ =	sdelay $0x1  }
0x140: {  	v33 =	vmul.f32 v37, v22;
	_ =	sdelay $0x1  }
0x141: {  	v38 =	vsub.f32 v29, v18;
	v33 =	vmax.f32 v33, $0.0e+00  }
0x142: {  	v33 =	vmin.f32 v33, $6.300000000e+01  }
0x143: {  	v34 =	vmul.f32 v38, v21;
	v33 =	vtrunc.f32 v33  }
0x144: {  	vm6 =	vge.f32 v36, v17;
	vm7 =	vle.f32 v36, v20;
	v33 =	vcvt.f32.s32 v33  }
0x145: {  	vm6 =	vmand vm6, vm7;
	v39 =	vmax.f32 v34, $0.0e+00  }
0x146: {  	v32 =	vmin.f32 v39, $6.300000000e+01;
	v33 =	vadd.s32 s30, v33  }
0x147: {  	v32 =	vtrunc.f32 v32  }
0x148: {  	vm7 =	vge.f32 v29, v18;
	vm13 =	vle.f32 v29, v19;
	v29 =	vcvt.f32.s32 v32  }
0x149: {  	vm7 =	vmand vm7, vm13  }
0x14a: {  	v29 =	vadd.s32 s29, v29  }
0x14b: {  	[tilespmem:v33+s14+$0x0] =	vst.idx.add.f32.msk vm6, v1  }
0x14c: {  	v40 =	vld [tilespmem:s28+$0x20];
	_ =	sdelay $0x2  }
0x14d: {  	[tilespmem:v29+s14+$0x0] =	vst.idx.add.f32.msk vm7, v1  }
0x14e: {  	v29 =	vmul.f32 v31, v13;
	v31 =	vld [tilespmem:s28+$0xFFFFFFA0]  }
0x14f: {  	v41 =	vsub.f32 v40, v17  }
0x150: {  	v29 =	vmax.f32 v29, $0.0e+00  }
0x151: {  	[tilespmem:v30+s14+$0x0] =	vst.idx.add.f32.msk vm4, v1;
	v29 =	vmin.f32 v29, $6.300000000e+01;
	v30 =	vmul.f32 v41, v22  }
0x152: {  	vm4 =	vle.f32 v28, v14;
	v28 =	vld [tilespmem:s24+$0x30];
	v29 =	vtrunc.f32 v29  }
0x153: {  	v29 =	vcvt.f32.s32 v29;
	v42 =	vsub.f32 v31, v18;
	v30 =	vmax.f32 v30, $0.0e+00  }
0x154: {  	vm4 =	vmand vm5, vm4;
	v30 =	vmin.f32 v30, $6.300000000e+01  }
0x155: {  	v29 =	vadd.s32 s25, v29;
	v33 =	vmul.f32 v42, v21;
	v30 =	vtrunc.f32 v30  }
0x156: {  	vm5 =	vge.f32 v40, v17;
	vm6 =	vle.f32 v40, v20;
	v30 =	vcvt.f32.s32 v30  }
0x157: {  	v43 =	vsub.f32 v28, v11;
	vm5 =	vmand vm5, vm6;
	v33 =	vmax.f32 v33, $0.0e+00  }
0x158: {  	v33 =	vmin.f32 v33, $6.300000000e+01;
	v30 =	vadd.s32 s30, v30  }
0x159: {  	v32 =	vmul.f32 v43, v16;
	v33 =	vtrunc.f32 v33  }
0x15a: {  	vm6 =	vle.f32 v31, v19;
	[tilespmem:v29+s14+$0x0] =	vst.idx.add.f32.msk vm4, v1;
	vm4 =	vge.f32 v31, v18;
	v29 =	vcvt.f32.s32 v33  }
0x15b: {  	v31 =	vmax.f32 v32, $0.0e+00;
	v44 =	vld [tilespmem:s24+$0xFFFFFFB0];
	vm4 =	vmand vm4, vm6  }
0x15c: {  	v31 =	vmin.f32 v31, $6.300000000e+01;
	v29 =	vadd.s32 s29, v29  }
0x15d: {  	v31 =	vtrunc.f32 v31;
	[tilespmem:v30+s14+$0x0] =	vst.idx.add.f32.msk vm5, v1  }
0x15e: {  	vm6 =	vle.f32 v28, v15;
	v30 =	vcvt.f32.s32 v31;
	vm5 =	vge.f32 v28, v11;
	v28 =	vld [tilespmem:s28+$0x30]  }
0x15f: {  	vm5 =	vmand vm5, vm6  }
0x160: {  	v31 =	vsub.f32 v44, v12;
	v30 =	vadd.s32 s26, v30  }
0x161: {  	[tilespmem:v29+s14+$0x0] =	vst.idx.add.f32.msk vm4, v1  }
0x162: {  	v29 =	vmul.f32 v31, v13;
	v31 =	vld [tilespmem:s28+$0xFFFFFFB0]  }
0x163: {  	v45 =	vsub.f32 v28, v17  }
0x164: {  	v29 =	vmax.f32 v29, $0.0e+00  }
0x165: {  	v29 =	vmin.f32 v29, $6.300000000e+01;
	[tilespmem:v30+s14+$0x0] =	vst.idx.add.f32.msk vm5, v1;
	v30 =	vmul.f32 v45, v22  }
0x166: {  	vm4 =	vge.f32 v44, v12;
	vm5 =	vle.f32 v44, v14;
	v29 =	vtrunc.f32 v29  }
0x167: {  	v46 =	vld [tilespmem:s24+$0x40];
	v29 =	vcvt.f32.s32 v29;
	v47 =	vsub.f32 v31, v18;
	v30 =	vmax.f32 v30, $0.0e+00  }
0x168: {  	vm4 =	vmand vm4, vm5;
	v30 =	vmin.f32 v30, $6.300000000e+01  }
0x169: {  	v29 =	vadd.s32 s25, v29;
	v33 =	vmul.f32 v47, v21;
	v30 =	vtrunc.f32 v30  }
0x16a: {  	vm6 =	vle.f32 v28, v20;
	vm5 =	vge.f32 v28, v17;
	v30 =	vcvt.f32.s32 v30  }
0x16b: {  	vm5 =	vmand vm5, vm6;
	v33 =	vmax.f32 v33, $0.0e+00  }
0x16c: {  	v28 =	vsub.f32 v46, v11;
	v33 =	vmin.f32 v33, $6.300000000e+01;
	v30 =	vadd.s32 s30, v30  }
0x16d: {  	v27 =	vmax.f32 v27, $0.0e+00;
	vm6 =	vle.f32 v31, v19;
	v33 =	vtrunc.f32 v33  }
0x16e: {  	v28 =	vmul.f32 v28, v16;
	[tilespmem:v29+s14+$0x0] =	vst.idx.add.f32.msk vm4, v1;
	vm4 =	vge.f32 v31, v18;
	v29 =	vcvt.f32.s32 v33  }
0x16f: {  	v27 =	vmin.f32 v27, $6.300000000e+01;
	v31 =	vld [tilespmem:s24+$0xFFFFFFC0];
	vm4 =	vmand vm4, vm6  }
0x170: {  	v27 =	vtrunc.f32 v27;
	v28 =	vmax.f32 v28, $0.0e+00;
	v29 =	vadd.s32 s29, v29  }
0x171: {  	v27 =	vcvt.f32.s32 v27;
	v28 =	vmin.f32 v28, $6.300000000e+01;
	[tilespmem:v30+s14+$0x0] =	vst.idx.add.f32.msk vm5, v1  }
0x172: {  	vm6 =	vle.f32 v25, v8;
	vm5 =	vge.f32 v25, v5;
	v25 =	vtrunc.f32 v28;
	v28 =	vld [tilespmem:s28+$0x40]  }
0x173: {  	v27 =	vadd.s32 s23, v27;
	vm7 =	vle.f32 v46, v15;
	vm5 =	vmand vm5, vm6  }
0x174: {  	v25 =	vcvt.f32.s32 v25;
	vm6 =	vge.f32 v46, v11;
	v30 =	vsub.f32 v31, v12  }
0x175: {  	vm6 =	vmand vm6, vm7;
	[tilespmem:v29+s14+$0x0] =	vst.idx.add.f32.msk vm4, v1  }
0x176: {  	v25 =	vadd.s32 s26, v25;
	v29 =	vmul.f32 v30, v13;
	v30 =	vld [tilespmem:s28+$0xFFFFFFC0]  }
0x177: {  	[tilespmem:v24+s14+$0x0] =	vst.idx.add.f32.msk vm3, v1;
	v24 =	vsub.f32 v28, v17  }
0x178: {  	v26 =	vtrunc.f32 v26;
	v48 =	vld [tilespmem:s21+$0xFFFFFFD0];
	v29 =	vmax.f32 v29, $0.0e+00  }
0x179: {  	v26 =	vcvt.f32.s32 v26;
	[tilespmem:v27+s14+$0x0] =	vst.idx.add.f32.msk vm5, v1;
	v27 =	vmin.f32 v29, $6.300000000e+01;
	v24 =	vmul.f32 v24, v22  }
0x17a: {  	vm3 =	vge.f32 v31, v12;
	vm4 =	vle.f32 v31, v14;
	v27 =	vtrunc.f32 v27  }
0x17b: {  	[tilespmem:v25+s14+$0x0] =	vst.idx.add.f32.msk vm6, v1;
	v25 =	vcvt.f32.s32 v27;
	v27 =	vsub.f32 v30, v18;
	v24 =	vmax.f32 v24, $0.0e+00  }
0x17c: {  	vm3 =	vmand vm3, vm4;
	vm4 =	vge.f32 v28, v17;
	v29 =	vld [tilespmem:s21+$0x60];
	v24 =	vmin.f32 v24, $6.300000000e+01  }
0x17d: {  	v31 =	vld [tilespmem:s24+$0x50];
	v25 =	vadd.s32 s25, v25;
	v27 =	vmul.f32 v27, v21;
	v24 =	vtrunc.f32 v24  }
0x17e: {  	vm5 =	vle.f32 v28, v20;
	v28 =	vsub.f32 v48, v6;
	v24 =	vcvt.f32.s32 v24  }
0x17f: {  	v26 =	vadd.s32 s19, v26;
	vm4 =	vmand vm4, vm5;
	v27 =	vmax.f32 v27, $0.0e+00  }
0x180: {  	v28 =	vmul.f32 v28, v9;
	v27 =	vmin.f32 v27, $6.300000000e+01;
	v24 =	vadd.s32 s30, v24  }
0x181: {  	vm5 =	vle.f32 v30, v19;
	v49 =	vsub.f32 v29, v5;
	v27 =	vtrunc.f32 v27  }
0x182: {  	v50 =	vsub.f32 v31, v11;
	[tilespmem:v25+s14+$0x0] =	vst.idx.add.f32.msk vm3, v1;
	vm3 =	vge.f32 v30, v18;
	v25 =	vcvt.f32.s32 v27  }
0x183: {  	vm6 =	vge.f32 v48, v6;
	v27 =	vmul.f32 v49, v10;
	vm3 =	vmand vm3, vm5  }
0x184: {  	v28 =	vmax.f32 v28, $0.0e+00;
	v51 =	vmul.f32 v50, v16;
	v30 =	vld [tilespmem:s24+$0xFFFFFFD0];
	v25 =	vadd.s32 s29, v25  }
0x185: {  	v28 =	vmin.f32 v28, $6.300000000e+01;
	vm5 =	vle.f32 v48, v7;
	v27 =	vmax.f32 v27, $0.0e+00;
	[tilespmem:v24+s14+$0x0] =	vst.idx.add.f32.msk vm4, v1  }
0x186: {  	v24 =	vmin.f32 v27, $6.300000000e+01;
	v27 =	vtrunc.f32 v28;
	v28 =	vmax.f32 v51, $0.0e+00;
	v52 =	vld [tilespmem:s28+$0x50]  }
0x187: {  	vm4 =	vmand vm6, vm5;
	vm5 =	vle.f32 v31, v15;
	vm6 =	vge.f32 v29, v5  }
0x188: {  	v24 =	vtrunc.f32 v24;
	v27 =	vcvt.f32.s32 v27;
	v28 =	vmin.f32 v28, $6.300000000e+01  }
0x189: {  	v24 =	vcvt.f32.s32 v24;
	v28 =	vtrunc.f32 v28;
	v53 =	vsub.f32 v30, v12;
	[tilespmem:v25+s14+$0x0] =	vst.idx.add.f32.msk vm3, v1  }
0x18a: {  	v27 =	vadd.s32 s22, v27;
	v28 =	vcvt.f32.s32 v28;
	vm3 =	vge.f32 v31, v11;
	v31 =	vld [tilespmem:s28+$0xFFFFFFD0]  }
0x18b: {  	v25 =	vmul.f32 v53, v13;
	vm3 =	vmand vm3, vm5;
	v54 =	vsub.f32 v52, v17  }
0x18c: {  	vm5 =	vle.f32 v29, v8;
	v24 =	vadd.s32 s23, v24;
	v28 =	vadd.s32 s26, v28  }
0x18d: {  	[tilespmem:v26+s14+$0x0] =	vst.idx.add.f32.msk vm2, v1;
	vm2 =	vmand vm6, vm5;
	v25 =	vmax.f32 v25, $0.0e+00;
	v26 =	vmul.f32 v54, v22  }
0x18e: {  	v29 =	vld [tilespmem:s20+$0xFFFFFFF0];
	vm5 =	vge.f32 v30, v12;
	vm6 =	vle.f32 v30, v14;
	v25 =	vmin.f32 v25, $6.300000000e+01  }
0x18f: {  	v25 =	vtrunc.f32 v25;
	[tilespmem:v27+s14+$0x0] =	vst.idx.add.f32.msk vm4, v1;
	v27 =	vsub.f32 v31, v18;
	v26 =	vmax.f32 v26, $0.0e+00  }
0x190: {  	vm4 =	vmand vm5, vm6;
	v25 =	vcvt.f32.s32 v25;
	v30 =	vld [tilespmem:s21+$0xFFFFFFE0];
	v26 =	vmin.f32 v26, $6.300000000e+01  }
0x191: {  	vm5 =	vle.f32 v52, v20;
	[tilespmem:v28+s14+$0x0] =	vst.idx.add.f32.msk vm3, v1;
	v27 =	vmul.f32 v27, v21;
	v26 =	vtrunc.f32 v26  }
0x192: {  	vm3 =	vge.f32 v52, v17;
	v25 =	vadd.s32 s25, v25;
	v28 =	vld [tilespmem:s24+$0x60];
	v26 =	vcvt.f32.s32 v26  }
0x193: {  	vm3 =	vmand vm3, vm5;
	v27 =	vmax.f32 v27, $0.0e+00  }
0x194: {  	v55 =	vsub.f32 v29, v3;
	v27 =	vmin.f32 v27, $6.300000000e+01;
	v26 =	vadd.s32 s30, v26  }
0x195: {  	vm0 =	vmand vm0, vm1;
	[tilespmem:v24+s14+$0x0] =	vst.idx.add.f32.msk vm2, v1;
	vm2 =	vge.f32 v31, v18;
	v27 =	vtrunc.f32 v27  }
0x196: {  	vm5 =	vle.f32 v31, v19;
	v4 =	vmul.f32 v55, v4;
	v24 =	vcvt.f32.s32 v27  }
0x197: {  	vm2 =	vmand vm2, vm5;
	v27 =	vsub.f32 v30, v6;
	v31 =	vsub.f32 v28, v11;
	[tilespmem:v25+s14+$0x0] =	vst.idx.add.f32.msk vm4, v1  }
0x198: {  	vm1 =	vge.f32 v29, v3;
	v3 =	vmax.f32 v4, $0.0e+00;
	v25 =	vld [tilespmem:s24+$0xFFFFFFE0];
	v24 =	vadd.s32 s29, v24  }
0x199: {  	v3 =	vmin.f32 v3, $6.300000000e+01;
	v27 =	vmul.f32 v27, v9;
	v31 =	vmul.f32 v31, v16;
	[tilespmem:v26+s14+$0x0] =	vst.idx.add.f32.msk vm3, v1  }
0x19a: {  	v23 =	vcvt.f32.s32 v23;
	v3 =	vtrunc.f32 v3;
	vm4 =	vle.f32 v30, v7;
	v4 =	vld [tilespmem:s28+$0x60]  }
0x19b: {  	vm3 =	vge.f32 v30, v6;
	v26 =	vld [tilespmem:s21+$0x70];
	v27 =	vmax.f32 v27, $0.0e+00;
	v30 =	vmax.f32 v31, $0.0e+00  }
0x19c: {  	vm3 =	vmand vm3, vm4;
	v27 =	vmin.f32 v27, $6.300000000e+01;
	v30 =	vmin.f32 v30, $6.300000000e+01  }
0x19d: {  	v27 =	vtrunc.f32 v27;
	v30 =	vtrunc.f32 v30;
	v31 =	vsub.f32 v25, v12;
	[tilespmem:v24+s14+$0x0] =	vst.idx.add.f32.msk vm2, v1  }
0x19e: {  	vm4 =	vle.f32 v28, v15;
	v24 =	vcvt.f32.s32 v27;
	v27 =	vcvt.f32.s32 v30;
	v30 =	vld [tilespmem:s28+$0xFFFFFFE0]  }
0x19f: {  	vm2 =	vge.f32 v28, v11;
	v28 =	vmul.f32 v31, v13;
	v31 =	vsub.f32 v4, v17  }
0x1a0: {  	vm2 =	vmand vm2, vm4;
	v56 =	vsub.f32 v26, v5;
	v24 =	vadd.s32 s22, v24  }
0x1a1: {  	v27 =	vadd.s32 s26, v27;
	v28 =	vmax.f32 v28, $0.0e+00;
	v31 =	vmul.f32 v31, v22  }
0x1a2: {  	vm5 =	vle.f32 v25, v14;
	v10 =	vmul.f32 v56, v10;
	v28 =	vmin.f32 v28, $6.300000000e+01  }
0x1a3: {  	v28 =	vtrunc.f32 v28;
	v57 =	vsub.f32 v30, v18;
	v31 =	vmax.f32 v31, $0.0e+00  }
0x1a4: {  	vm4 =	vge.f32 v25, v12;
	v25 =	vcvt.f32.s32 v28;
	v28 =	vmin.f32 v31, $6.300000000e+01  }
0x1a5: {  	v10 =	vmax.f32 v10, $0.0e+00;
	[tilespmem:v24+s14+$0x0] =	vst.idx.add.f32.msk vm3, v1;
	v24 =	vtrunc.f32 v28;
	v28 =	vmul.f32 v57, v21  }
0x1a6: {  	vm3 =	vmand vm4, vm5;
	[tilespmem:v27+s14+$0x0] =	vst.idx.add.f32.msk vm2, v1;
	vm2 =	vge.f32 v4, v17;
	vm4 =	vle.f32 v4, v20  }
0x1a7: {  	v25 =	vadd.s32 s25, v25;
	v24 =	vcvt.f32.s32 v24;
	v27 =	vmax.f32 v28, $0.0e+00  }
0x1a8: {  	v4 =	vld [tilespmem:s24+$0x70];
	vm2 =	vmand vm2, vm4;
	vm4 =	vle.f32 v29, v2;
	v27 =	vmin.f32 v27, $6.300000000e+01  }
0x1a9: {  	v2 =	vmin.f32 v10, $6.300000000e+01;
	v28 =	vld [tilespmem:s21+$0xFFFFFFF0];
	v24 =	vadd.s32 s30, v24;
	v10 =	vtrunc.f32 v27  }
0x1aa: {  	vm6 =	vle.f32 v30, v19;
	vm5 =	vge.f32 v30, v18;
	v10 =	vcvt.f32.s32 v10  }
0x1ab: {  	v3 =	vcvt.f32.s32 v3;
	vm5 =	vmand vm5, vm6  }
0x1ac: {  	v23 =	vadd.s32 s18, v23;
	v2 =	vtrunc.f32 v2;
	v10 =	vadd.s32 s29, v10  }
0x1ad: {  	v3 =	vadd.s32 s19, v3;
	v2 =	vcvt.f32.s32 v2;
	v27 =	vsub.f32 v4, v11;
	[tilespmem:v25+s14+$0x0] =	vst.idx.add.f32.msk vm3, v1  }
0x1ae: {  	vm1 =	vmand vm1, vm4;
	vm3 =	vge.f32 v26, v5;
	v5 =	vsub.f32 v28, v6;
	[tilespmem:v24+s14+$0x0] =	vst.idx.add.f32.msk vm2, v1  }
0x1af: {  	v2 =	vadd.s32 s23, v2;
	vm2 =	vle.f32 v26, v8;
	v8 =	vmul.f32 v27, v16;
	v16 =	vld [tilespmem:s28+$0x70]  }
0x1b0: {  	vm6 =	vle.f32 v4, v15;
	vm4 =	vge.f32 v28, v6;
	v5 =	vmul.f32 v5, v9;
	v9 =	vld [tilespmem:s24+$0xFFFFFFF0]  }
0x1b1: {  	vm2 =	vmand vm3, vm2;
	vm3 =	vge.f32 v4, v11;
	v8 =	vmax.f32 v8, $0.0e+00;
	[tilespmem:v10+s14+$0x0] =	vst.idx.add.f32.msk vm5, v1  }
0x1b2: {  	v5 =	vmax.f32 v5, $0.0e+00;
	v6 =	vmin.f32 v8, $6.300000000e+01;
	vm5 =	vle.f32 v28, v7;
	v7 =	vld [tilespmem:s28+$0xFFFFFFF0]  }
0x1b3: {  	vm3 =	vmand vm3, vm6;
	v5 =	vmin.f32 v5, $6.300000000e+01;
	v6 =	vtrunc.f32 v6  }
0x1b4: {  	v6 =	vcvt.f32.s32 v6;
	v4 =	vtrunc.f32 v5;
	vm4 =	vmand vm4, vm5  }
0x1b5: {  	v8 =	vsub.f32 v16, v17;
	v5 =	vsub.f32 v9, v12;
	v4 =	vcvt.f32.s32 v4  }
0x1b6: {  	vm5 =	vge.f32 v9, v12;
	vm6 =	vle.f32 v9, v14;
	vm7 =	vge.f32 v16, v17  }
0x1b7: {  	vm14 =	vle.f32 v16, v20;
	v8 =	vmul.f32 v8, v22;
	v10 =	vsub.f32 v7, v18  }
0x1b8: {  	v6 =	vadd.s32 s26, v6;
	vm7 =	vmand vm7, vm14;
	v5 =	vmul.f32 v5, v13  }
0x1b9: {  	vm5 =	vmand vm5, vm6;
	v8 =	vmax.f32 v8, $0.0e+00;
	v9 =	vmul.f32 v10, v21  }
0x1ba: {  	v4 =	vadd.s32 s22, v4;
	v5 =	vmax.f32 v5, $0.0e+00;
	v8 =	vmin.f32 v8, $6.300000000e+01  }
0x1bb: {  	v5 =	vmin.f32 v5, $6.300000000e+01;
	v8 =	vtrunc.f32 v8;
	v9 =	vmax.f32 v9, $0.0e+00  }
0x1bc: {  	v5 =	vtrunc.f32 v5;
	v8 =	vcvt.f32.s32 v8;
	v9 =	vmin.f32 v9, $6.300000000e+01  }
0x1bd: {  	[tilespmem:v23+s14+$0x0] =	vst.idx.add.f32.msk vm0, v1;
	vm0 =	vge.f32 v7, v18;
	v5 =	vcvt.f32.s32 v5;
	v9 =	vtrunc.f32 v9  }
0x1be: {  	vm6 =	vle.f32 v7, v19;
	v8 =	vadd.s32 s30, v8;
	v7 =	vcvt.f32.s32 v9  }
0x1bf: {  	[tilespmem:v2+s14+$0x0] =	vst.idx.add.f32.msk vm2, v1;
	vm0 =	vmand vm0, vm6;
	v2 =	vadd.s32 s25, v5  }
0x1c0: {  	[tilespmem:v3+s14+$0x0] =	vst.idx.add.f32.msk vm1, v1;
	v3 =	vadd.s32 s29, v7  }
0x1c1: {  	[tilespmem:v6+s14+$0x0] =	vst.idx.add.f32.msk vm3, v1  }
0x1c2: {  	[tilespmem:v4+s14+$0x0] =	vst.idx.add.f32.msk vm4, v1  }
0x1c3: {  	[tilespmem:v8+s14+$0x0] =	vst.idx.add.f32.msk vm7, v1  }
0x1c4: {  	[tilespmem:v2+s14+$0x0] =	vst.idx.add.f32.msk vm5, v1  }
0x1c5: {  	[tilespmem:v3+s14+$0x0] =	vst.idx.add.f32.msk vm0, v1  }
0x1c6: {  	_ =	swait.ge [sflag:s15], $0x6400  }
0x1c7: {  	[sflag:s15] =	ssyncset.done $0x0  }
0x1c8: {  	s10 =	simm.s32 $0xC810;
	[sflag:s15] =	ssyncadd.s32 $0xFFFF9C00  }
0x1c9: {  	s28 =	simm.s32 $0x6480;
	v11 =	vld [tilespmem:s10+$0x0]  }
0x1ca: {  	s18 =	simm.s32 $0x10;
	v2 =	vld [tilespmem:s28+$0x0]  }
0x1cb: {  	s1 =	sand.u32 $0xFF0, s18  }
0x1cc: {  	v13 =	vld [tilespmem:s1+$0xE100];
	_ =	sdelay $0x2  }
0x1cd: {  	v3 =	vsub.f32 v2, v11;
	_ =	sdelay $0x1  }
0x1ce: {  	v12 =	vld [tilespmem:s1+$0xD480];
	v3 =	vmul.f32 v3, v13;
	_ =	sdelay $0x1  }
0x1cf: {  	v3 =	vmax.f32 v3, $0.0e+00  }
0x1d0: {  	v3 =	vmin.f32 v3, $6.300000000e+01  }
0x1d1: {  	v3 =	vtrunc.f32 v3  }
0x1d2: {  	v4 =	vld [tilespmem:s28+$0xFFFFFF80];
	vm0 =	vge.f32 v2, v11;
	vm1 =	vle.f32 v2, v12;
	v3 =	vcvt.f32.s32 v3  }
0x1d3: {  	s19 =	simm.s32 $0x0;
	s24 =	simm.s32 $0x40;
	v18 =	vld [tilespmem:s10+$0xFFFFFFF0];
	vm0 =	vmand vm0, vm1  }
0x1d4: {  	s20 =	sand.u32 $0xFE0, s19;
	v2 =	vadd.s32 s24, v3  }
0x1d5: {  	v19 =	vld [tilespmem:s20+$0xE100];
	_ =	sdelay $0x2  }
0x1d6: {  	v17 =	vld [tilespmem:s20+$0xD480];
	v3 =	vsub.f32 v4, v18  }
0x1d7: {  	[tilespmem:v2+s14+$0x0] =	vst.idx.add.f32.msk vm0, v1  }
0x1d8: {  	v2 =	vmul.f32 v3, v19;
	v3 =	vld [tilespmem:s28+$0x10];
	_ =	sdelay $0x1  }
0x1d9: {  	v2 =	vmax.f32 v2, $0.0e+00  }
0x1da: {  	v2 =	vmin.f32 v2, $6.300000000e+01  }
0x1db: {  	vm1 =	vle.f32 v4, v17;
	v2 =	vtrunc.f32 v2  }
0x1dc: {  	vm0 =	vge.f32 v4, v18;
	v2 =	vcvt.f32.s32 v2;
	v4 =	vsub.f32 v3, v11  }
0x1dd: {  	s18 =	simm.s32 $0x0;
	vm0 =	vmand vm0, vm1  }
0x1de: {  	v2 =	vadd.s32 s18, v2;
	v4 =	vmul.f32 v4, v13;
	_ =	sdelay $0x1  }
0x1df: {  	v4 =	vmax.f32 v4, $0.0e+00  }
0x1e0: {  	v4 =	vmin.f32 v4, $6.300000000e+01  }
0x1e1: {  	v4 =	vtrunc.f32 v4  }
0x1e2: {  	vm1 =	vle.f32 v3, v12;
	[tilespmem:v2+s14+$0x0] =	vst.idx.add.f32.msk vm0, v1;
	vm0 =	vge.f32 v3, v11;
	v2 =	vcvt.f32.s32 v4  }
0x1e3: {  	v3 =	vld [tilespmem:s28+$0xFFFFFF90];
	vm0 =	vmand vm0, vm1  }
0x1e4: {  	v2 =	vadd.s32 s24, v2;
	_ =	sdelay $0x3  }
0x1e5: {  	v4 =	vsub.f32 v3, v18  }
0x1e6: {  	[tilespmem:v2+s14+$0x0] =	vst.idx.add.f32.msk vm0, v1  }
0x1e7: {  	v2 =	vmul.f32 v4, v19;
	v4 =	vld [tilespmem:s28+$0x20];
	_ =	sdelay $0x1  }
0x1e8: {  	v2 =	vmax.f32 v2, $0.0e+00  }
0x1e9: {  	v2 =	vmin.f32 v2, $6.300000000e+01  }
0x1ea: {  	vm1 =	vle.f32 v3, v17;
	v2 =	vtrunc.f32 v2  }
0x1eb: {  	vm0 =	vge.f32 v3, v18;
	v2 =	vcvt.f32.s32 v2;
	v3 =	vsub.f32 v4, v11  }
0x1ec: {  	vm0 =	vmand vm0, vm1  }
0x1ed: {  	v2 =	vadd.s32 s18, v2;
	v3 =	vmul.f32 v3, v13;
	_ =	sdelay $0x1  }
0x1ee: {  	v3 =	vmax.f32 v3, $0.0e+00  }
0x1ef: {  	v3 =	vmin.f32 v3, $6.300000000e+01  }
0x1f0: {  	v3 =	vtrunc.f32 v3  }
0x1f1: {  	s21 =	simm.s32 $0xC830;
	vm1 =	vle.f32 v4, v12;
	[tilespmem:v2+s14+$0x0] =	vst.idx.add.f32.msk vm0, v1;
	vm0 =	vge.f32 v4, v11;
	v2 =	vcvt.f32.s32 v3  }
0x1f2: {  	v20 =	vld [tilespmem:s21+$0x0];
	s20 =	simm.s32 $0x6580;
	vm0 =	vmand vm0, vm1  }
0x1f3: {  	s22 =	simm.s32 $0x30;
	v5 =	vld [tilespmem:s20+$0x0];
	v2 =	vadd.s32 s24, v2  }
0x1f4: {  	s1 =	sand.u32 $0xFF0, s22  }
0x1f5: {  	v22 =	vld [tilespmem:s1+$0xE100]  }
0x1f6: {  	v6 =	vld [tilespmem:s28+$0xFFFFFFA0]  }
0x1f7: {  	v21 =	vld [tilespmem:s1+$0xD480]  }
0x1f8: {  	v3 =	vsub.f32 v5, v20;
	[tilespmem:v2+s14+$0x0] =	vst.idx.add.f32.msk vm0, v1  }
0x1f9: {  	v7 =	vld [tilespmem:s28+$0x30]  }
0x1fa: {  	v3 =	vmul.f32 v3, v22  }
0x1fb: {  	v2 =	vsub.f32 v6, v18  }
0x1fc: {  	v8 =	vld [tilespmem:s20+$0xFFFFFF80];
	v4 =	vmax.f32 v3, $0.0e+00  }
0x1fd: {  	s23 =	simm.s32 $0x20;
	vm2 =	vle.f32 v5, v21;
	v3 =	vld [tilespmem:s21+$0xFFFFFFF0];
	v4 =	vmin.f32 v4, $6.300000000e+01;
	v2 =	vmul.f32 v2, v19  }
0x1fe: {  	s25 =	sand.u32 $0xFE0, s23;
	vm1 =	vge.f32 v5, v20;
	v9 =	vtrunc.f32 v4;
	v10 =	vsub.f32 v7, v11  }
0x1ff: {  	vm1 =	vmand vm1, vm2;
	v4 =	vld [tilespmem:s25+$0xE100];
	v9 =	vcvt.f32.s32 v9;
	v2 =	vmax.f32 v2, $0.0e+00  }
0x200: {  	s29 =	simm.s32 $0xC0;
	vm2 =	vle.f32 v6, v17;
	v2 =	vmin.f32 v2, $6.300000000e+01;
	v5 =	vmul.f32 v10, v13  }
0x201: {  	vm0 =	vge.f32 v6, v18;
	v6 =	vadd.s32 s29, v9;
	v2 =	vtrunc.f32 v2  }
0x202: {  	v9 =	vsub.f32 v8, v3;
	v10 =	vcvt.f32.s32 v2;
	v2 =	vmax.f32 v5, $0.0e+00  }
0x203: {  	vm0 =	vmand vm0, vm2;
	v5 =	vmin.f32 v2, $6.300000000e+01  }
0x204: {  	v9 =	vmul.f32 v9, v4;
	vm2 =	vge.f32 v7, v11;
	v2 =	vld [tilespmem:s25+$0xD480];
	v5 =	vtrunc.f32 v5  }
0x205: {  	vm3 =	vle.f32 v7, v12;
	v10 =	vadd.s32 s18, v10;
	v5 =	vcvt.f32.s32 v5  }
0x206: {  	v7 =	vmax.f32 v9, $0.0e+00;
	[tilespmem:v6+s14+$0x0] =	vst.idx.add.f32.msk vm1, v1;
	vm1 =	vmand vm2, vm3  }
0x207: {  	v6 =	vmin.f32 v7, $6.300000000e+01;
	v7 =	vld [tilespmem:s20+$0x10];
	v5 =	vadd.s32 s24, v5  }
0x208: {  	v6 =	vtrunc.f32 v6  }
0x209: {  	vm2 =	vge.f32 v8, v3;
	v6 =	vcvt.f32.s32 v6;
	vm3 =	vle.f32 v8, v2  }
0x20a: {  	s19 =	simm.s32 $0x80;
	[tilespmem:v10+s14+$0x0] =	vst.idx.add.f32.msk vm0, v1;
	vm2 =	vmand vm2, vm3  }
0x20b: {  	v6 =	vadd.s32 s19, v6;
	v8 =	vld [tilespmem:s28+$0xFFFFFFB0]  }
0x20c: {  	v9 =	vsub.f32 v7, v20;
	[tilespmem:v5+s14+$0x0] =	vst.idx.add.f32.msk vm1, v1  }
0x20d: {  	v5 =	vld [tilespmem:s28+$0x40]  }
0x20e: {  	v9 =	vmul.f32 v9, v22;
	_ =	sdelay $0x1  }
0x20f: {  	[tilespmem:v6+s14+$0x0] =	vst.idx.add.f32.msk vm2, v1;
	v6 =	vmax.f32 v9, $0.0e+00  }
0x210: {  	v10 =	vsub.f32 v8, v18;
	v9 =	vld [tilespmem:s20+$0xFFFFFF90];
	v6 =	vmin.f32 v6, $6.300000000e+01  }
0x211: {  	vm0 =	vge.f32 v7, v20;
	v6 =	vtrunc.f32 v6;
	v14 =	vsub.f32 v5, v11  }
0x212: {  	vm1 =	vle.f32 v7, v21;
	v10 =	vmul.f32 v10, v19;
	v6 =	vcvt.f32.s32 v6  }
0x213: {  	vm0 =	vmand vm0, vm1;
	v7 =	vmul.f32 v14, v13  }
0x214: {  	v10 =	vmax.f32 v10, $0.0e+00;
	v6 =	vadd.s32 s29, v6  }
0x215: {  	v10 =	vmin.f32 v10, $6.300000000e+01;
	v14 =	vsub.f32 v9, v3;
	v7 =	vmax.f32 v7, $0.0e+00  }
0x216: {  	vm1 =	vge.f32 v8, v18;
	v10 =	vtrunc.f32 v10;
	v7 =	vmin.f32 v7, $6.300000000e+01  }
0x217: {  	vm2 =	vge.f32 v5, v11;
	v14 =	vmul.f32 v14, v4;
	v7 =	vtrunc.f32 v7  }
0x218: {  	vm3 =	vle.f32 v5, v12;
	v5 =	vcvt.f32.s32 v10;
	v7 =	vcvt.f32.s32 v7  }
0x219: {  	v10 =	vmax.f32 v14, $0.0e+00;
	[tilespmem:v6+s14+$0x0] =	vst.idx.add.f32.msk vm0, v1;
	vm0 =	vmand vm2, vm3;
	vm2 =	vle.f32 v8, v17  }
0x21a: {  	v6 =	vmin.f32 v10, $6.300000000e+01;
	v8 =	vld [tilespmem:s20+$0x20];
	vm1 =	vmand vm1, vm2;
	v7 =	vadd.s32 s24, v7  }
0x21b: {  	v5 =	vadd.s32 s18, v5;
	v6 =	vtrunc.f32 v6  }
0x21c: {  	vm3 =	vle.f32 v9, v2;
	vm2 =	vge.f32 v9, v3;
	v6 =	vcvt.f32.s32 v6  }
0x21d: {  	vm2 =	vmand vm2, vm3  }
0x21e: {  	v6 =	vadd.s32 s19, v6  }
0x21f: {  	v9 =	vsub.f32 v8, v20;
	[tilespmem:v7+s14+$0x0] =	vst.idx.add.f32.msk vm0, v1  }
0x220: {  	[tilespmem:v5+s14+$0x0] =	vst.idx.add.f32.msk vm1, v1  }
0x221: {  	v7 =	vld [tilespmem:s28+$0x50];
	v5 =	vmul.f32 v9, v22  }
0x222: {  	v9 =	vld [tilespmem:s28+$0xFFFFFFC0]  }
0x223: {  	[tilespmem:v6+s14+$0x0] =	vst.idx.add.f32.msk vm2, v1;
	v5 =	vmax.f32 v5, $0.0e+00  }
0x224: {  	v14 =	vld [tilespmem:s20+$0xFFFFFFA0];
	v5 =	vmin.f32 v5, $6.300000000e+01  }
0x225: {  	s21 =	simm.s32 $0x6680;
	vm0 =	vge.f32 v8, v20;
	v5 =	vtrunc.f32 v5  }
0x226: {  	s26 =	simm.s32 $0xC850;
	v15 =	vld [tilespmem:s21+$0x0];
	vm1 =	vle.f32 v8, v21;
	v6 =	vsub.f32 v7, v11;
	v10 =	vcvt.f32.s32 v5  }
0x227: {  	s10 =	simm.s32 $0x50;
	vm0 =	vmand vm0, vm1;
	v8 =	vsub.f32 v9, v18;
	v5 =	vld [tilespmem:s26+$0x0]  }
0x228: {  	s1 =	sand.u32 $0xFF0, s10;
	vm1 =	vge.f32 v9, v18;
	v6 =	vmul.f32 v6, v13;
	v16 =	vadd.s32 s29, v10  }
0x229: {  	vm2 =	vle.f32 v9, v17;
	v8 =	vmul.f32 v8, v19;
	v10 =	vld [tilespmem:s1+$0xE100];
	v23 =	vsub.f32 v14, v3  }
0x22a: {  	vm3 =	vge.f32 v7, v11;
	vm4 =	vle.f32 v7, v12;
	v6 =	vmax.f32 v6, $0.0e+00  }
0x22b: {  	v8 =	vmax.f32 v8, $0.0e+00;
	v6 =	vmin.f32 v6, $6.300000000e+01;
	v9 =	vmul.f32 v23, v4  }
0x22c: {  	v7 =	vmin.f32 v8, $6.300000000e+01;
	v8 =	vsub.f32 v15, v5;
	v6 =	vtrunc.f32 v6  }
0x22d: {  	vm3 =	vmand vm3, vm4;
	v6 =	vcvt.f32.s32 v6;
	[tilespmem:v16+s14+$0x0] =	vst.idx.add.f32.msk vm0, v1  }
0x22e: {  	vm0 =	vmand vm1, vm2;
	v9 =	vmax.f32 v9, $0.0e+00;
	v8 =	vmul.f32 v8, v10;
	v16 =	vld [tilespmem:s20+$0x30]  }
0x22f: {  	v9 =	vmin.f32 v9, $6.300000000e+01;
	v24 =	vadd.s32 s24, v6;
	v6 =	vtrunc.f32 v7;
	v7 =	vld [tilespmem:s1+$0xD480]  }
0x230: {  	vm1 =	vge.f32 v14, v3;
	v9 =	vtrunc.f32 v9;
	v25 =	vcvt.f32.s32 v6  }
0x231: {  	s22 =	simm.s32 $0x40;
	v23 =	vld [tilespmem:s21+$0xFFFFFF80];
	vm2 =	vle.f32 v14, v2;
	v8 =	vmax.f32 v8, $0.0e+00;
	v14 =	vcvt.f32.s32 v9  }
0x232: {  	s23 =	sand.u32 $0xFE0, s22;
	vm1 =	vmand vm1, vm2;
	v6 =	vld [tilespmem:s26+$0xFFFFFFF0];
	v8 =	vmin.f32 v8, $6.300000000e+01;
	v25 =	vadd.s32 s18, v25  }
0x233: {  	vm2 =	vge.f32 v15, v5;
	v9 =	vld [tilespmem:s23+$0xE100];
	v8 =	vtrunc.f32 v8;
	v14 =	vadd.s32 s19, v14  }
0x234: {  	v26 =	vsub.f32 v16, v20;
	[tilespmem:v24+s14+$0x0] =	vst.idx.add.f32.msk vm3, v1;
	v24 =	vcvt.f32.s32 v8;
	vm3 =	vle.f32 v15, v7  }
0x235: {  	s22 =	simm.s32 $0x140;
	v8 =	vld [tilespmem:s23+$0xD480];
	vm2 =	vmand vm2, vm3  }
0x236: {  	v15 =	vld [tilespmem:s28+$0x60];
	v26 =	vmul.f32 v26, v22;
	v24 =	vadd.s32 s22, v24  }
0x237: {  	v27 =	vsub.f32 v23, v6;
	[tilespmem:v25+s14+$0x0] =	vst.idx.add.f32.msk vm0, v1  }
0x238: {  	v26 =	vmax.f32 v26, $0.0e+00;
	[tilespmem:v14+s14+$0x0] =	vst.idx.add.f32.msk vm1, v1  }
0x239: {  	vm3 =	vge.f32 v23, v6;
	v25 =	vmul.f32 v27, v9;
	v14 =	vmin.f32 v26, $6.300000000e+01;
	v26 =	vld [tilespmem:s20+$0xFFFFFFB0]  }
0x23a: {  	vm0 =	vge.f32 v16, v20;
	vm1 =	vle.f32 v16, v21;
	v28 =	vld [tilespmem:s28+$0xFFFFFFD0];
	v14 =	vtrunc.f32 v14  }
0x23b: {  	v25 =	vmax.f32 v25, $0.0e+00;
	v27 =	vsub.f32 v15, v11;
	v14 =	vcvt.f32.s32 v14;
	[tilespmem:v24+s14+$0x0] =	vst.idx.add.f32.msk vm2, v1  }
0x23c: {  	vm1 =	vmand vm0, vm1;
	vm0 =	vle.f32 v23, v8;
	v16 =	vmin.f32 v25, $6.300000000e+01;
	v24 =	vld [tilespmem:s21+$0x10]  }
0x23d: {  	v16 =	vtrunc.f32 v16;
	v23 =	vmul.f32 v27, v13;
	v14 =	vadd.s32 s29, v14  }
0x23e: {  	vm2 =	vmand vm3, vm0;
	vm3 =	vle.f32 v15, v12;
	v16 =	vcvt.f32.s32 v16  }
0x23f: {  	s23 =	simm.s32 $0x100;
	v25 =	vsub.f32 v26, v3;
	v27 =	vsub.f32 v28, v18;
	v23 =	vmax.f32 v23, $0.0e+00  }
0x240: {  	vm4 =	vle.f32 v26, v2;
	v16 =	vadd.s32 s23, v16;
	v23 =	vmin.f32 v23, $6.300000000e+01  }
0x241: {  	v25 =	vmul.f32 v25, v4;
	v23 =	vtrunc.f32 v23;
	v29 =	vsub.f32 v24, v5  }
0x242: {  	v27 =	vmul.f32 v27, v19;
	v23 =	vcvt.f32.s32 v23;
	[tilespmem:v14+s14+$0x0] =	vst.idx.add.f32.msk vm1, v1;
	vm1 =	vge.f32 v15, v11  }
0x243: {  	v14 =	vmax.f32 v25, $0.0e+00;
	v15 =	vld [tilespmem:s20+$0x40];
	vm1 =	vmand vm1, vm3;
	v25 =	vmul.f32 v29, v10  }
0x244: {  	v14 =	vmin.f32 v14, $6.300000000e+01;
	vm3 =	vge.f32 v26, v3;
	v23 =	vadd.s32 s24, v23  }
0x245: {  	v14 =	vtrunc.f32 v14;
	[tilespmem:v16+s14+$0x0] =	vst.idx.add.f32.msk vm2, v1;
	vm2 =	vmand vm3, vm4;
	v16 =	vmax.f32 v25, $0.0e+00  }
0x246: {  	vm3 =	vge.f32 v24, v5;
	v14 =	vcvt.f32.s32 v14;
	v26 =	vld [tilespmem:s21+$0xFFFFFF90];
	v16 =	vmin.f32 v16, $6.300000000e+01  }
0x247: {  	vm4 =	vle.f32 v24, v7;
	v25 =	vmax.f32 v27, $0.0e+00;
	v16 =	vtrunc.f32 v16  }
0x248: {  	v14 =	vadd.s32 s19, v14;
	v27 =	vsub.f32 v15, v20;
	v16 =	vcvt.f32.s32 v16  }
0x249: {  	vm0 =	vge.f32 v28, v18;
	v24 =	vmin.f32 v25, $6.300000000e+01;
	[tilespmem:v23+s14+$0x0] =	vst.idx.add.f32.msk vm1, v1;
	vm1 =	vmand vm3, vm4  }
0x24a: {  	v24 =	vtrunc.f32 v24;
	v23 =	vmul.f32 v27, v22;
	v16 =	vadd.s32 s22, v16  }
0x24b: {  	vm3 =	vle.f32 v28, v17;
	v24 =	vcvt.f32.s32 v24;
	v25 =	vld [tilespmem:s28+$0x70];
	v27 =	vsub.f32 v26, v6  }
0x24c: {  	vm0 =	vmand vm0, vm3;
	v23 =	vmax.f32 v23, $0.0e+00  }
0x24d: {  	v24 =	vadd.s32 s18, v24;
	v27 =	vmul.f32 v27, v9;
	[tilespmem:v14+s14+$0x0] =	vst.idx.add.f32.msk vm2, v1;
	v23 =	vmin.f32 v23, $6.300000000e+01  }
0x24e: {  	vm3 =	vle.f32 v15, v21;
	v14 =	vtrunc.f32 v23;
	v23 =	vld [tilespmem:s20+$0xFFFFFFC0]  }
0x24f: {  	vm2 =	vge.f32 v15, v20;
	v15 =	vmax.f32 v27, $0.0e+00;
	v14 =	vcvt.f32.s32 v14;
	[tilespmem:v16+s14+$0x0] =	vst.idx.add.f32.msk vm1, v1  }
0x250: {  	v27 =	vsub.f32 v25, v11;
	v15 =	vmin.f32 v15, $6.300000000e+01;
	vm1 =	vmand vm2, vm3;
	v16 =	vld [tilespmem:s21+$0x20]  }
0x251: {  	v15 =	vtrunc.f32 v15;
	vm2 =	vge.f32 v26, v6;
	v14 =	vadd.s32 s29, v14  }
0x252: {  	vm3 =	vle.f32 v26, v8;
	[tilespmem:v24+s14+$0x0] =	vst.idx.add.f32.msk vm0, v1;
	v13 =	vmul.f32 v27, v13;
	v15 =	vcvt.f32.s32 v15  }
0x253: {  	vm4 =	vle.f32 v25, v12;
	vm2 =	vmand vm2, vm3;
	v27 =	vld [tilespmem:s28+$0xFFFFFFE0];
	v24 =	vsub.f32 v23, v3  }
0x254: {  	vm3 =	vge.f32 v25, v11;
	v13 =	vmax.f32 v13, $0.0e+00;
	v15 =	vadd.s32 s23, v15  }
0x255: {  	v13 =	vmin.f32 v13, $6.300000000e+01;
	v24 =	vmul.f32 v24, v4;
	v26 =	vsub.f32 v16, v5  }
0x256: {  	vm4 =	vmand vm3, vm4;
	vm0 =	vge.f32 v23, v3;
	v13 =	vtrunc.f32 v13;
	[tilespmem:v14+s14+$0x0] =	vst.idx.add.f32.msk vm1, v1  }
0x257: {  	vm1 =	vle.f32 v23, v2;
	v14 =	vld [tilespmem:s20+$0x50];
	v11 =	vmax.f32 v24, $0.0e+00;
	v12 =	vmul.f32 v26, v10  }
0x258: {  	v13 =	vcvt.f32.s32 v13;
	v23 =	vsub.f32 v27, v18;
	v11 =	vmin.f32 v11, $6.300000000e+01  }
0x259: {  	vm3 =	vle.f32 v16, v7;
	[tilespmem:v15+s14+$0x0] =	vst.idx.add.f32.msk vm2, v1;
	v11 =	vtrunc.f32 v11;
	v12 =	vmax.f32 v12, $0.0e+00  }
0x25a: {  	v26 =	vadd.s32 s24, v13;
	v15 =	vld [tilespmem:s21+$0xFFFFFFA0];
	v13 =	vcvt.f32.s32 v11;
	v11 =	vmin.f32 v12, $6.300000000e+01  }
0x25b: {  	vm0 =	vmand vm0, vm1;
	vm2 =	vge.f32 v16, v5;
	v11 =	vtrunc.f32 v11  }
0x25c: {  	s24 =	simm.s32 $0x6780;
	v12 =	vmul.f32 v23, v19;
	v23 =	vsub.f32 v14, v20;
	v24 =	vcvt.f32.s32 v11  }
0x25d: {  	s0 =	simm.s32 $0xC870;
	vm1 =	vge.f32 v27, v18;
	vm3 =	vmand vm2, vm3;
	vm2 =	vle.f32 v27, v17;
	v27 =	vld [tilespmem:s24+$0xFFFFFF80]  }
0x25e: {  	v11 =	vld [tilespmem:s0+$0x0];
	v12 =	vmax.f32 v12, $0.0e+00;
	v16 =	vmul.f32 v23, v22;
	v24 =	vadd.s32 s22, v24  }
0x25f: {  	s25 =	simm.s32 $0x70;
	v23 =	vld [tilespmem:s24+$0x0];
	v12 =	vmin.f32 v12, $6.300000000e+01;
	v25 =	vsub.f32 v15, v6  }
0x260: {  	s1 =	sand.u32 $0xFF0, s25;
	s26 =	simm.s32 $0x60;
	v30 =	vtrunc.f32 v12;
	v12 =	vld [tilespmem:s0+$0xFFFFFFF0];
	v28 =	vmax.f32 v16, $0.0e+00  }
0x261: {  	s10 =	sand.u32 $0xFE0, s26;
	v29 =	vadd.s32 s19, v13;
	v16 =	vld [tilespmem:s1+$0xE100];
	v25 =	vmul.f32 v25, v9;
	v13 =	vmin.f32 v28, $6.300000000e+01  }
0x262: {  	vm6 =	vge.f32 v14, v20;
	vm7 =	vle.f32 v14, v21;
	v28 =	vtrunc.f32 v13;
	v13 =	vld [tilespmem:s10+$0xE100]  }
0x263: {  	vm5 =	vge.f32 v15, v6;
	v25 =	vmax.f32 v25, $0.0e+00;
	v28 =	vcvt.f32.s32 v28;
	[tilespmem:v24+s14+$0x0] =	vst.idx.add.f32.msk vm3, v1  }
0x264: {  	v14 =	vsub.f32 v23, v11;
	vm3 =	vmand vm6, vm7;
	vm6 =	vle.f32 v15, v8;
	v15 =	vld [tilespmem:s1+$0xD480]  }
0x265: {  	vm1 =	vmand vm1, vm2;
	v25 =	vmin.f32 v25, $6.300000000e+01;
	v24 =	vcvt.f32.s32 v30;
	v30 =	vld [tilespmem:s21+$0x30]  }
0x266: {  	v25 =	vtrunc.f32 v25;
	v28 =	vadd.s32 s29, v28;
	v31 =	vmul.f32 v14, v16  }
0x267: {  	[tilespmem:v29+s14+$0x0] =	vst.idx.add.f32.msk vm0, v1;
	v58 =	vsub.f32 v27, v12;
	vm0 =	vge.f32 v27, v12;
	v25 =	vcvt.f32.s32 v25  }
0x268: {  	vm2 =	vmand vm5, vm6;
	v14 =	vld [tilespmem:s10+$0xD480];
	v24 =	vadd.s32 s18, v24;
	v31 =	vmax.f32 v31, $0.0e+00  }
0x269: {  	v25 =	vadd.s32 s23, v25;
	v32 =	vmul.f32 v58, v13;
	v29 =	vmin.f32 v31, $6.300000000e+01  }
0x26a: {  	v31 =	vld [tilespmem:s20+$0xFFFFFFD0];
	v29 =	vtrunc.f32 v29;
	vm5 =	vle.f32 v23, v15;
	v59 =	vsub.f32 v30, v5  }
0x26b: {  	[tilespmem:v28+s14+$0x0] =	vst.idx.add.f32.msk vm3, v1;
	v28 =	vcvt.f32.s32 v29;
	vm3 =	vge.f32 v23, v11;
	v29 =	vmax.f32 v32, $0.0e+00  }
0x26c: {  	s26 =	simm.s32 $0x1C0;
	vm6 =	vle.f32 v30, v7;
	v23 =	vld [tilespmem:s20+$0x60];
	vm3 =	vmand vm3, vm5;
	v60 =	vmul.f32 v59, v10  }
0x26d: {  	v29 =	vmin.f32 v29, $6.300000000e+01;
	vm5 =	vle.f32 v27, v14;
	v27 =	vadd.s32 s26, v28  }
0x26e: {  	v28 =	vtrunc.f32 v29;
	vm0 =	vmand vm0, vm5;
	[tilespmem:v25+s14+$0x0] =	vst.idx.add.f32.msk vm2, v1;
	v25 =	vmax.f32 v60, $0.0e+00  }
0x26f: {  	vm5 =	vge.f32 v30, v5;
	v28 =	vcvt.f32.s32 v28;
	v29 =	vld [tilespmem:s21+$0xFFFFFFB0];
	v25 =	vmin.f32 v25, $6.300000000e+01  }
0x270: {  	s25 =	simm.s32 $0x180;
	v61 =	vsub.f32 v31, v3;
	vm2 =	vge.f32 v31, v3;
	v25 =	vtrunc.f32 v25  }
0x271: {  	v28 =	vadd.s32 s25, v28;
	v62 =	vsub.f32 v23, v20;
	v25 =	vcvt.f32.s32 v25  }
0x272: {  	v32 =	vmul.f32 v61, v4;
	vm7 =	vle.f32 v23, v21;
	[tilespmem:v27+s14+$0x0] =	vst.idx.add.f32.msk vm3, v1;
	vm3 =	vmand vm5, vm6  }
0x273: {  	vm5 =	vle.f32 v31, v2;
	v27 =	vmul.f32 v62, v22;
	v30 =	vld [tilespmem:s24+$0x10];
	v25 =	vadd.s32 s22, v25  }
0x274: {  	[tilespmem:v24+s14+$0x0] =	vst.idx.add.f32.msk vm1, v1;
	v24 =	vmax.f32 v32, $0.0e+00;
	v31 =	vsub.f32 v29, v6;
	vm6 =	vge.f32 v29, v6  }
0x275: {  	vm1 =	vle.f32 v29, v8;
	v24 =	vmin.f32 v24, $6.300000000e+01;
	v27 =	vmax.f32 v27, $0.0e+00  }
0x276: {  	vm1 =	vmand vm6, vm1;
	v31 =	vmul.f32 v31, v9;
	v27 =	vmin.f32 v27, $6.300000000e+01  }
0x277: {  	v29 =	vld [tilespmem:s28+$0xFFFFFFF0];
	vm6 =	vge.f32 v23, v20;
	v24 =	vtrunc.f32 v24;
	v27 =	vtrunc.f32 v27  }
0x278: {  	v27 =	vcvt.f32.s32 v27;
	v23 =	vsub.f32 v30, v11;
	[tilespmem:v25+s14+$0x0] =	vst.idx.add.f32.msk vm3, v1;
	v25 =	vmax.f32 v31, $0.0e+00  }
0x279: {  	v24 =	vcvt.f32.s32 v24;
	vm3 =	vmand vm6, vm7;
	v25 =	vmin.f32 v25, $6.300000000e+01;
	v31 =	vld [tilespmem:s21+$0x40]  }
0x27a: {  	[tilespmem:v28+s14+$0x0] =	vst.idx.add.f32.msk vm0, v1;
	v27 =	vadd.s32 s29, v27;
	v23 =	vmul.f32 v23, v16;
	v25 =	vtrunc.f32 v25  }
0x27b: {  	vm2 =	vmand vm2, vm5;
	v28 =	vld [tilespmem:s24+$0xFFFFFF90];
	v25 =	vcvt.f32.s32 v25  }
0x27c: {  	v24 =	vadd.s32 s19, v24;
	v63 =	vsub.f32 v29, v18;
	v23 =	vmax.f32 v23, $0.0e+00  }
0x27d: {  	vm0 =	vge.f32 v29, v18;
	v18 =	vmin.f32 v23, $6.300000000e+01;
	v23 =	vadd.s32 s23, v25  }
0x27e: {  	vm5 =	vle.f32 v30, v15;
	v18 =	vtrunc.f32 v18;
	v25 =	vsub.f32 v31, v5  }
0x27f: {  	v19 =	vmul.f32 v63, v19;
	[tilespmem:v27+s14+$0x0] =	vst.idx.add.f32.msk vm3, v1;
	v18 =	vcvt.f32.s32 v18;
	vm3 =	vge.f32 v30, v11  }
0x280: {  	vm6 =	vle.f32 v28, v14;
	v27 =	vld [tilespmem:s20+$0x70];
	vm3 =	vmand vm3, vm5;
	v25 =	vmul.f32 v25, v10  }
0x281: {  	v19 =	vmax.f32 v19, $0.0e+00;
	v30 =	vsub.f32 v28, v12;
	v18 =	vadd.s32 s26, v18  }
0x282: {  	vm7 =	vle.f32 v31, v7;
	vm5 =	vge.f32 v28, v12;
	[tilespmem:v23+s14+$0x0] =	vst.idx.add.f32.msk vm1, v1;
	v23 =	vmax.f32 v25, $0.0e+00  }
0x283: {  	v28 =	vmul.f32 v30, v13;
	vm5 =	vmand vm5, vm6;
	v23 =	vmin.f32 v23, $6.300000000e+01  }
0x284: {  	vm6 =	vge.f32 v31, v5;
	vm1 =	vle.f32 v29, v17;
	v25 =	vld [tilespmem:s21+$0xFFFFFFC0];
	v23 =	vtrunc.f32 v23  }
0x285: {  	[tilespmem:v24+s14+$0x0] =	vst.idx.add.f32.msk vm2, v1;
	v17 =	vmax.f32 v28, $0.0e+00;
	v28 =	vsub.f32 v27, v20;
	v23 =	vcvt.f32.s32 v23  }
0x286: {  	v19 =	vmin.f32 v19, $6.300000000e+01;
	v17 =	vmin.f32 v17, $6.300000000e+01;
	[tilespmem:v18+s14+$0x0] =	vst.idx.add.f32.msk vm3, v1;
	vm3 =	vmand vm6, vm7  }
0x287: {  	v17 =	vtrunc.f32 v17;
	v18 =	vmul.f32 v28, v22;
	v22 =	vld [tilespmem:s24+$0x20];
	v23 =	vadd.s32 s22, v23  }
0x288: {  	vm15 =	vle.f32 v27, v21;
	v17 =	vcvt.f32.s32 v17;
	vm7 =	vge.f32 v27, v20;
	v28 =	vld [tilespmem:s20+$0xFFFFFFE0]  }
0x289: {  	vm7 =	vmand vm7, vm15;
	v24 =	vsub.f32 v25, v6;
	v18 =	vmax.f32 v18, $0.0e+00  }
0x28a: {  	v17 =	vadd.s32 s25, v17;
	vm2 =	vge.f32 v25, v6;
	v18 =	vmin.f32 v18, $6.300000000e+01  }
0x28b: {  	[tilespmem:v26+s14+$0x0] =	vst.idx.add.f32.msk vm4, v1;
	vm6 =	vle.f32 v25, v8;
	v24 =	vmul.f32 v24, v9;
	v18 =	vtrunc.f32 v18  }
0x28c: {  	v18 =	vcvt.f32.s32 v18;
	v20 =	vsub.f32 v22, v11;
	vm4 =	vge.f32 v22, v11;
	[tilespmem:v23+s14+$0x0] =	vst.idx.add.f32.msk vm3, v1  }
0x28d: {  	v21 =	vmax.f32 v24, $0.0e+00;
	vm3 =	vmand vm2, vm6;
	v23 =	vsub.f32 v28, v3;
	v25 =	vld [tilespmem:s21+$0x50]  }
0x28e: {  	v21 =	vmin.f32 v21, $6.300000000e+01;
	v18 =	vadd.s32 s29, v18;
	v20 =	vmul.f32 v20, v16  }
0x28f: {  	[tilespmem:v17+s14+$0x0] =	vst.idx.add.f32.msk vm5, v1;
	vm2 =	vge.f32 v28, v3;
	vm5 =	vle.f32 v28, v2;
	v21 =	vtrunc.f32 v21  }
0x290: {  	v28 =	vld [tilespmem:s24+$0xFFFFFFA0];
	vm2 =	vmand vm2, vm5;
	v17 =	vcvt.f32.s32 v21;
	v20 =	vmax.f32 v20, $0.0e+00  }
0x291: {  	v21 =	vmul.f32 v23, v4;
	v23 =	vtrunc.f32 v19;
	v20 =	vmin.f32 v20, $6.300000000e+01  }
0x292: {  	v24 =	vadd.s32 s23, v17;
	v17 =	vtrunc.f32 v20;
	v19 =	vsub.f32 v25, v5  }
0x293: {  	s31 =	simm.s32 $0x80;
	s28 =	simm.s32 $0x6880;
	vm5 =	vle.f32 v22, v15;
	v20 =	vmax.f32 v21, $0.0e+00;
	[tilespmem:v18+s14+$0x0] =	vst.idx.add.f32.msk vm7, v1;
	v18 =	vcvt.f32.s32 v17  }
0x294: {  	s30 =	simm.s32 $0xC890;
	s0 =	sand.u32 $0xFE0, s31;
	v29 =	vld [tilespmem:s28+$0x0];
	vm4 =	vmand vm4, vm5;
	v26 =	vmin.f32 v20, $6.300000000e+01;
	v27 =	vmul.f32 v19, v10  }
0x295: {  	s1 =	simm.s32 $0xA;
	s10 =	simm.s32 $0x90;
	s29 =	simm.s32 $0x8;
	v17 =	vld [tilespmem:s30+$0x0];
	v31 =	vsub.f32 v28, v12;
	vm5 =	vge.f32 v28, v12;
	v30 =	vadd.s32 s26, v18  }
.LBB2_6:
0x296: {  	p0 =	slt.u32 s1, $0xC6;
	v32 =	vld [tilespmem:s28+$0xFFFFFF80];
	s10 =	sand.u32 $0xFF0, s10;
	vm6 =	vle.f32 v28, v14;
	v19 =	vmax.f32 v27, $0.0e+00;
	v20 =	vtrunc.f32 v26  }
0x297: {  	v18 =	vld [tilespmem:s10+$0xE100];
	v26 =	vmul.f32 v31, v13;
	vm5 =	vmand vm5, vm6;
	v19 =	vmin.f32 v19, $6.300000000e+01  }
0x298: {  	vm0 =	vmand vm0, vm1;
	v20 =	vcvt.f32.s32 v20;
	v22 =	vld [tilespmem:s30+$0xFFFFFFF0];
	v19 =	vtrunc.f32 v19  }
0x299: {  	vm1 =	vge.f32 v25, v5;
	vm6 =	vle.f32 v25, v7;
	v21 =	vld [tilespmem:s0+$0xE100];
	v19 =	vcvt.f32.s32 v19  }
0x29a: {  	v26 =	vmax.f32 v26, $0.0e+00;
	v25 =	vsub.f32 v29, v17;
	[tilespmem:v30+s14+$0x0] =	vst.idx.add.f32.msk vm4, v1;
	vm4 =	vmand vm1, vm6  }
0x29b: {  	v26 =	vmin.f32 v26, $6.300000000e+01;
	v30 =	vadd.s32 s19, v20;
	v27 =	vld [tilespmem:s24+$0x30];
	v28 =	vadd.s32 s22, v19  }
0x29c: {  	v26 =	vtrunc.f32 v26;
	v19 =	vld [tilespmem:s10+$0xD480];
	v25 =	vmul.f32 v25, v18  }
0x29d: {  	v26 =	vcvt.f32.s32 v26;
	v20 =	vld [tilespmem:s0+$0xD480];
	v31 =	vsub.f32 v32, v22;
	vm1 =	vge.f32 v32, v22  }
0x29e: {  	v23 =	vcvt.f32.s32 v23;
	v25 =	vmax.f32 v25, $0.0e+00;
	[tilespmem:v24+s14+$0x0] =	vst.idx.add.f32.msk vm3, v1  }
0x29f: {  	v26 =	vadd.s32 s25, v26;
	v24 =	vmul.f32 v31, v21;
	v25 =	vmin.f32 v25, $6.300000000e+01;
	v31 =	vld [tilespmem:s21+$0xFFFFFFD0]  }
0x2a0: {  	v23 =	vadd.s32 s18, v23;
	s18 =	smov.u32 s19;
	s19 =	smov.u32 s23;
	s23 =	smov.u32 s25;
	v25 =	vtrunc.f32 v25;
	v33 =	vsub.f32 v27, v11;
	[tilespmem:v28+s14+$0x0] =	vst.idx.add.f32.msk vm4, v1  }
0x2a1: {  	s25 =	sshll.u32 s29, $0x6;
	vm3 =	vge.f32 v29, v17;
	s29 =	smov.u32 s1;
	v25 =	vcvt.f32.s32 v25;
	vm4 =	vle.f32 v29, v19;
	v28 =	vld [tilespmem:s21+$0x60]  }
0x2a2: {  	s0 =	sadd.s32 $0x40, s25;
	v24 =	vmax.f32 v24, $0.0e+00;
	vm4 =	vmand vm3, vm4;
	v29 =	vmul.f32 v33, v16;
	[tilespmem:v30+s14+$0x0] =	vst.idx.add.f32.msk vm2, v1  }
0x2a3: {  	v24 =	vmin.f32 v24, $6.300000000e+01;
	vm2 =	vle.f32 v32, v20;
	v25 =	vadd.s32 s0, v25;
	v30 =	vld [tilespmem:s20+$0xFFFFFFF0];
	s20 =	smov.u32 s21;
	s21 =	smov.u32 s24;
	s24 =	smov.u32 s28  }
0x2a4: {  	v24 =	vtrunc.f32 v24;
	vm3 =	vmand vm1, vm2;
	[tilespmem:v26+s14+$0x0] =	vst.idx.add.f32.msk vm5, v1;
	v26 =	vmax.f32 v29, $0.0e+00  }
0x2a5: {  	v24 =	vcvt.f32.s32 v24;
	v32 =	vsub.f32 v31, v6;
	v29 =	vld [tilespmem:s21+$0xFFFFFFB0];
	v26 =	vmin.f32 v26, $6.300000000e+01  }
0x2a6: {  	vm2 =	vge.f32 v31, v6;
	v26 =	vtrunc.f32 v26;
	v33 =	vsub.f32 v28, v5;
	[tilespmem:v23+s14+$0x0] =	vst.idx.add.f32.msk vm0, v1  }
0x2a7: {  	vm1 =	vle.f32 v27, v15;
	vm0 =	vge.f32 v27, v11;
	v23 =	vcvt.f32.s32 v26  }
0x2a8: {  	v24 =	vadd.s32 s25, v24;
	vm0 =	vmand vm0, vm1;
	[tilespmem:v25+s14+$0x0] =	vst.idx.add.f32.msk vm4, v1;
	v25 =	vmul.f32 v33, v10  }
0x2a9: {  	v27 =	vmul.f32 v32, v9;
	vm4 =	vle.f32 v31, v8;
	v26 =	vld [tilespmem:s28+$0x10];
	v23 =	vadd.s32 s26, v23  }
0x2aa: {  	v31 =	vsub.f32 v29, v12;
	vm1 =	vge.f32 v29, v12;
	v25 =	vmax.f32 v25, $0.0e+00  }
0x2ab: {  	v27 =	vmax.f32 v27, $0.0e+00;
	vm5 =	vle.f32 v29, v14;
	v25 =	vmin.f32 v25, $6.300000000e+01  }
0x2ac: {  	vm1 =	vmand vm1, vm5;
	v29 =	vmul.f32 v31, v13;
	v25 =	vtrunc.f32 v25  }
0x2ad: {  	vm5 =	vle.f32 v28, v7;
	[tilespmem:v24+s14+$0x0] =	vst.idx.add.f32.msk vm3, v1;
	v24 =	vcvt.f32.s32 v25;
	vm3 =	vge.f32 v28, v5  }
0x2ae: {  	v25 =	vsub.f32 v26, v17;
	v28 =	vmax.f32 v29, $0.0e+00;
	[tilespmem:v23+s14+$0x0] =	vst.idx.add.f32.msk vm0, v1;
	vm5 =	vmand vm3, vm5  }
0x2af: {  	v27 =	vmin.f32 v27, $6.300000000e+01;
	v23 =	vmin.f32 v28, $6.300000000e+01;
	v28 =	vld [tilespmem:s21+$0x40];
	v24 =	vadd.s32 s22, v24  }
0x2b0: {  	vm3 =	vmand vm2, vm4;
	v29 =	vld [tilespmem:s28+$0xFFFFFF90];
	v25 =	vmul.f32 v25, v18;
	v23 =	vtrunc.f32 v23  }
0x2b1: {  	v27 =	vtrunc.f32 v27;
	v31 =	vsub.f32 v30, v3;
	v23 =	vcvt.f32.s32 v23  }
0x2b2: {  	v27 =	vcvt.f32.s32 v27;
	vm0 =	vge.f32 v30, v3;
	v3 =	vmovc v6;
	v6 =	vmovc v12;
	v25 =	vmax.f32 v25, $0.0e+00  }
0x2b3: {  	v31 =	vmul.f32 v31, v4;
	v12 =	vmovc v22;
	v4 =	vmovc v9;
	v25 =	vmin.f32 v25, $6.300000000e+01;
	v23 =	vadd.s32 s23, v23  }
0x2b4: {  	v27 =	vadd.s32 s19, v27;
	v9 =	vmovc v13;
	v22 =	vtrunc.f32 v25;
	v25 =	vsub.f32 v28, v11;
	[tilespmem:v24+s14+$0x0] =	vst.idx.add.f32.msk vm5, v1  }
0x2b5: {  	vm2 =	vge.f32 v26, v17;
	vm4 =	vle.f32 v26, v19;
	v13 =	vmovc v21;
	v22 =	vcvt.f32.s32 v22;
	v24 =	vld [tilespmem:s20+$0x70]  }
0x2b6: {  	vm4 =	vmand vm2, vm4;
	v21 =	vsub.f32 v29, v12;
	v25 =	vmul.f32 v25, v16  }
0x2b7: {  	vm2 =	vge.f32 v29, v12;
	vm5 =	vle.f32 v29, v20;
	v22 =	vadd.s32 s0, v22  }
0x2b8: {  	vm2 =	vmand vm2, vm5;
	v21 =	vmul.f32 v21, v13;
	[tilespmem:v23+s14+$0x0] =	vst.idx.add.f32.msk vm1, v1;
	v23 =	vmax.f32 v25, $0.0e+00  }
0x2b9: {  	v26 =	vmax.f32 v31, $0.0e+00;
	vm1 =	vle.f32 v30, v2;
	v2 =	vmovc v8;
	v8 =	vmovc v14;
	v25 =	vld [tilespmem:s21+$0xFFFFFFC0];
	v23 =	vmin.f32 v23, $6.300000000e+01  }
0x2ba: {  	v14 =	vmovc v20;
	v21 =	vmax.f32 v21, $0.0e+00;
	v23 =	vtrunc.f32 v23;
	[tilespmem:v27+s14+$0x0] =	vst.idx.add.f32.msk vm3, v1;
	v27 =	vsub.f32 v24, v5  }
0x2bb: {  	vm5 =	vle.f32 v28, v15;
	vm3 =	vge.f32 v28, v11;
	v20 =	vcvt.f32.s32 v23;
	v23 =	vld [tilespmem:s20+$0xFFFFFFE0]  }
0x2bc: {  	v21 =	vmin.f32 v21, $6.300000000e+01;
	vm3 =	vmand vm3, vm5;
	[tilespmem:v22+s14+$0x0] =	vst.idx.add.f32.msk vm4, v1;
	v22 =	vmul.f32 v27, v10;
	v10 =	vmovc v16  }
0x2bd: {  	v26 =	vmin.f32 v26, $6.300000000e+01;
	v21 =	vtrunc.f32 v21;
	v16 =	vmovc v18;
	v27 =	vld [tilespmem:s28+$0x20];
	v20 =	vadd.s32 s26, v20  }
0x2be: {  	v18 =	vcvt.f32.s32 v21;
	v21 =	vsub.f32 v25, v6;
	v22 =	vmax.f32 v22, $0.0e+00  }
0x2bf: {  	vm4 =	vge.f32 v25, v6;
	vm5 =	vle.f32 v25, v8;
	v22 =	vmin.f32 v22, $6.300000000e+01  }
0x2c0: {  	v18 =	vadd.s32 s25, v18;
	v21 =	vmul.f32 v21, v9;
	v22 =	vtrunc.f32 v22  }
0x2c1: {  	vm6 =	vge.f32 v24, v5;
	vm7 =	vle.f32 v24, v7;
	v7 =	vmovc v15;
	v15 =	vmovc v19;
	v22 =	vcvt.f32.s32 v22  }
0x2c2: {  	v5 =	vmovc v11;
	vm6 =	vmand vm6, vm7;
	v19 =	vsub.f32 v27, v17;
	v21 =	vmax.f32 v21, $0.0e+00;
	[tilespmem:v20+s14+$0x0] =	vst.idx.add.f32.msk vm3, v1  }
0x2c3: {  	v11 =	vmovc v17;
	vm3 =	vmand vm4, vm5;
	v20 =	vmin.f32 v21, $6.300000000e+01;
	v25 =	vld [tilespmem:s21+$0x50];
	v21 =	vadd.s32 s22, v22;
	s22 =	smov.u32 s26;
	s26 =	smov.u32 s0  }
0x2c4: {  	v17 =	vmul.f32 v19, v16;
	v19 =	vtrunc.f32 v20;
	v20 =	vsub.f32 v23, v3  }
0x2c5: {  	vm4 =	vle.f32 v23, v2;
	[tilespmem:v18+s14+$0x0] =	vst.idx.add.f32.msk vm2, v1;
	v18 =	vcvt.f32.s32 v19;
	vm2 =	vge.f32 v23, v3  }
0x2c6: {  	v28 =	vld [tilespmem:s28+$0xFFFFFFA0];
	v17 =	vmax.f32 v17, $0.0e+00;
	v19 =	vmul.f32 v20, v4;
	vm2 =	vmand vm2, vm4  }
.Ltmp2:
0x2c7: {  	v23 =	vtrunc.f32 v26;
	v17 =	vmin.f32 v17, $6.300000000e+01;
	v24 =	vadd.s32 s23, v18;
	(pc) =	sbr.rel @p0 .LBB2_6-.Ltmp2, $4  }
0x2c8: {  	v17 =	vtrunc.f32 v17;
	v18 =	vsub.f32 v25, v5;
	v19 =	vmax.f32 v19, $0.0e+00;
	[tilespmem:v21+s14+$0x0] =	vst.idx.add.f32.msk vm6, v1  }
0x2c9: {  	s30 =	sadd.s32 $0x20, s30;
	vm5 =	vle.f32 v27, v15;
	vm4 =	vge.f32 v27, v11;
	v20 =	vcvt.f32.s32 v17  }
0x2ca: {  	s31 =	sadd.s32 $0x20, s31;
	s28 =	sadd.s32 $0x100, s28;
	vm4 =	vmand vm4, vm5;
	v26 =	vmin.f32 v19, $6.300000000e+01;
	v17 =	vld [tilespmem:s30+$0x0];
	v27 =	vmul.f32 v18, v10  }
0x2cb: {  	s10 =	sadd.s32 $0x10, s31;
	s1 =	sadd.s32 $0x2, s1;
	s0 =	sand.u32 $0xFE0, s31;
	v29 =	vld [tilespmem:s28+$0x0];
	v31 =	vsub.f32 v28, v12;
	vm5 =	vge.f32 v28, v12;
	v30 =	vadd.s32 s26, v20  }
0x2cc: {  	s1 =	sand.u32 $0xFF0, s10  }
0x2cd: {  	v22 =	vld [tilespmem:s1+$0xE100];
	_ =	sdelay $0x1  }
0x2ce: {  	v32 =	vld [tilespmem:s28+$0xFFFFFF80]  }
0x2cf: {  	v18 =	vld [tilespmem:s30+$0xFFFFFFF0];
	v19 =	vsub.f32 v29, v17;
	_ =	sdelay $0x1  }
0x2d0: {  	v21 =	vld [tilespmem:s0+$0xE100];
	v19 =	vmul.f32 v19, v22;
	_ =	sdelay $0x1  }
0x2d1: {  	v20 =	vld [tilespmem:s1+$0xD480];
	v19 =	vmax.f32 v19, $0.0e+00  }
0x2d2: {  	v33 =	vsub.f32 v32, v18;
	v19 =	vmin.f32 v19, $6.300000000e+01  }
0x2d3: {  	v19 =	vtrunc.f32 v19  }
0x2d4: {  	v52 =	vmul.f32 v33, v21;
	v34 =	vcvt.f32.s32 v19;
	v19 =	vld [tilespmem:s0+$0xD480];
	_ =	sdelay $0x1  }
0x2d5: {  	vm6 =	vge.f32 v29, v17;
	vm7 =	vle.f32 v29, v20;
	v29 =	vmax.f32 v52, $0.0e+00  }
0x2d6: {  	s29 =	sshll.u32 s29, $0x6;
	v29 =	vmin.f32 v29, $6.300000000e+01  }
0x2d7: {  	s31 =	sadd.s32 $0x40, s29;
	vm15 =	vge.f32 v32, v18;
	vm6 =	vmand vm6, vm7;
	v29 =	vtrunc.f32 v29  }
0x2d8: {  	v29 =	vcvt.f32.s32 v29;
	v53 =	vadd.s32 s31, v34;
	vm8 =	vle.f32 v32, v19  }
0x2d9: {  	vm7 =	vmand vm15, vm8  }
0x2da: {  	v29 =	vadd.s32 s29, v29;
	_ =	sdelay $0x2  }
0x2db: {  	[tilespmem:v53+s14+$0x0] =	vst.idx.add.f32.msk vm6, v1  }
0x2dc: {  	v54 =	vld [tilespmem:s28+$0x10]  }
0x2dd: {  	[tilespmem:v29+s14+$0x0] =	vst.idx.add.f32.msk vm7, v1  }
0x2de: {  	v56 =	vld [tilespmem:s28+$0xFFFFFF90];
	_ =	sdelay $0x2  }
0x2df: {  	v55 =	vsub.f32 v54, v17;
	_ =	sdelay $0x1  }
0x2e0: {  	v29 =	vmul.f32 v55, v22;
	v57 =	vsub.f32 v56, v18;
	_ =	sdelay $0x1  }
0x2e1: {  	v29 =	vmax.f32 v29, $0.0e+00;
	v58 =	vmul.f32 v57, v21  }
0x2e2: {  	v29 =	vmin.f32 v29, $6.300000000e+01  }
0x2e3: {  	vm11 =	vge.f32 v54, v17;
	v29 =	vtrunc.f32 v29;
	v32 =	vmax.f32 v58, $0.0e+00  }
0x2e4: {  	vm12 =	vle.f32 v54, v20;
	v29 =	vcvt.f32.s32 v29;
	v32 =	vmin.f32 v32, $6.300000000e+01  }
0x2e5: {  	vm6 =	vmand vm11, vm12;
	vm13 =	vge.f32 v56, v18;
	v32 =	vtrunc.f32 v32  }
0x2e6: {  	vm14 =	vle.f32 v56, v19;
	v29 =	vadd.s32 s31, v29;
	v32 =	vcvt.f32.s32 v32  }
0x2e7: {  	vm15 =	vmand vm13, vm14  }
0x2e8: {  	v32 =	vadd.s32 s29, v32;
	_ =	sdelay $0x2  }
0x2e9: {  	[tilespmem:v29+s14+$0x0] =	vst.idx.add.f32.msk vm6, v1  }
0x2ea: {  	v29 =	vld [tilespmem:s28+$0x20]  }
0x2eb: {  	v31 =	vmul.f32 v31, v13;
	[tilespmem:v32+s14+$0x0] =	vst.idx.add.f32.msk vm15, v1  }
0x2ec: {  	v60 =	vld [tilespmem:s28+$0xFFFFFFA0]  }
0x2ed: {  	v31 =	vmax.f32 v31, $0.0e+00  }
0x2ee: {  	v61 =	vmin.f32 v31, $6.300000000e+01  }
0x2ef: {  	[tilespmem:v30+s14+$0x0] =	vst.idx.add.f32.msk vm4, v1;
	v30 =	vtrunc.f32 v61;
	v59 =	vsub.f32 v29, v17  }
0x2f0: {  	v36 =	vcvt.f32.s32 v30;
	vm8 =	vle.f32 v28, v14  }
0x2f1: {  	vm4 =	vmand vm5, vm8;
	v62 =	vmul.f32 v59, v22;
	v38 =	vsub.f32 v60, v18  }
0x2f2: {  	v28 =	vadd.s32 s25, v36  }
0x2f3: {  	v37 =	vmax.f32 v62, $0.0e+00;
	v31 =	vmul.f32 v38, v21  }
0x2f4: {  	v30 =	vmin.f32 v37, $6.300000000e+01  }
0x2f5: {  	v63 =	vld [tilespmem:s24+$0x30];
	vm9 =	vge.f32 v29, v17;
	v30 =	vtrunc.f32 v30;
	v31 =	vmax.f32 v31, $0.0e+00  }
0x2f6: {  	vm10 =	vle.f32 v29, v20;
	v30 =	vcvt.f32.s32 v30;
	v40 =	vmin.f32 v31, $6.300000000e+01  }
0x2f7: {  	[tilespmem:v28+s14+$0x0] =	vst.idx.add.f32.msk vm4, v1;
	vm5 =	vmand vm9, vm10;
	vm11 =	vge.f32 v60, v18;
	v28 =	vtrunc.f32 v40  }
0x2f8: {  	vm12 =	vle.f32 v60, v19;
	v30 =	vadd.s32 s31, v30;
	v28 =	vcvt.f32.s32 v28  }
0x2f9: {  	v41 =	vld [tilespmem:s24+$0xFFFFFFB0];
	vm4 =	vmand vm11, vm12  }
0x2fa: {  	v39 =	vsub.f32 v63, v11;
	v28 =	vadd.s32 s29, v28;
	_ =	sdelay $0x1  }
0x2fb: {  	v29 =	vmul.f32 v39, v16  }
0x2fc: {  	[tilespmem:v30+s14+$0x0] =	vst.idx.add.f32.msk vm5, v1  }
0x2fd: {  	v42 =	vsub.f32 v41, v12;
	v29 =	vmax.f32 v29, $0.0e+00;
	v30 =	vld [tilespmem:s28+$0x30]  }
0x2fe: {  	v29 =	vmin.f32 v29, $6.300000000e+01;
	[tilespmem:v28+s14+$0x0] =	vst.idx.add.f32.msk vm4, v1  }
0x2ff: {  	v32 =	vmul.f32 v42, v13;
	v29 =	vtrunc.f32 v29;
	v45 =	vld [tilespmem:s28+$0xFFFFFFB0]  }
0x300: {  	vm13 =	vge.f32 v63, v11;
	vm14 =	vle.f32 v63, v15;
	v29 =	vcvt.f32.s32 v29  }
0x301: {  	v44 =	vmax.f32 v32, $0.0e+00;
	vm5 =	vmand vm13, vm14  }
0x302: {  	v29 =	vadd.s32 s26, v29;
	v28 =	vmin.f32 v44, $6.300000000e+01;
	v43 =	vsub.f32 v30, v17  }
0x303: {  	vm15 =	vge.f32 v41, v12;
	vm9 =	vle.f32 v41, v14;
	v28 =	vtrunc.f32 v28  }
0x304: {  	v28 =	vcvt.f32.s32 v28;
	v33 =	vmul.f32 v43, v22;
	v48 =	vsub.f32 v45, v18  }
0x305: {  	vm4 =	vmand vm15, vm9  }
0x306: {  	v28 =	vadd.s32 s25, v28;
	v46 =	vmax.f32 v33, $0.0e+00;
	v49 =	vmul.f32 v48, v21  }
0x307: {  	[tilespmem:v29+s14+$0x0] =	vst.idx.add.f32.msk vm5, v1;
	vm10 =	vge.f32 v30, v17;
	v29 =	vmin.f32 v46, $6.300000000e+01  }
0x308: {  	vm11 =	vle.f32 v30, v20;
	v47 =	vld [tilespmem:s24+$0x40];
	v29 =	vtrunc.f32 v29;
	v30 =	vmax.f32 v49, $0.0e+00  }
0x309: {  	v29 =	vcvt.f32.s32 v29;
	v30 =	vmin.f32 v30, $6.300000000e+01  }
0x30a: {  	vm5 =	vmand vm10, vm11;
	vm12 =	vge.f32 v45, v18;
	v51 =	vtrunc.f32 v30  }
0x30b: {  	vm13 =	vle.f32 v45, v19;
	[tilespmem:v28+s14+$0x0] =	vst.idx.add.f32.msk vm4, v1;
	v29 =	vadd.s32 s31, v29;
	v28 =	vcvt.f32.s32 v51  }
0x30c: {  	v27 =	vmax.f32 v27, $0.0e+00;
	vm4 =	vmand vm12, vm13  }
0x30d: {  	v26 =	vtrunc.f32 v26;
	v50 =	vsub.f32 v47, v11;
	v52 =	vld [tilespmem:s24+$0xFFFFFFC0];
	v28 =	vadd.s32 s29, v28  }
0x30e: {  	[tilespmem:v24+s14+$0x0] =	vst.idx.add.f32.msk vm3, v1;
	v27 =	vmin.f32 v27, $6.300000000e+01;
	v26 =	vcvt.f32.s32 v26  }
0x30f: {  	v27 =	vtrunc.f32 v27;
	v61 =	vld [tilespmem:s21+$0xFFFFFFD0];
	v33 =	vmul.f32 v50, v16  }
0x310: {  	v27 =	vcvt.f32.s32 v27;
	v26 =	vadd.s32 s19, v26;
	[tilespmem:v29+s14+$0x0] =	vst.idx.add.f32.msk vm5, v1  }
0x311: {  	vm14 =	vge.f32 v25, v5;
	vm15 =	vle.f32 v25, v7;
	v53 =	vmax.f32 v33, $0.0e+00;
	v54 =	vld [tilespmem:s28+$0x40]  }
0x312: {  	v29 =	vmin.f32 v53, $6.300000000e+01;
	vm5 =	vmand vm14, vm15;
	v56 =	vsub.f32 v52, v12;
	[tilespmem:v28+s14+$0x0] =	vst.idx.add.f32.msk vm4, v1  }
0x313: {  	v27 =	vadd.s32 s22, v27;
	vm9 =	vge.f32 v47, v11;
	v55 =	vtrunc.f32 v29;
	v59 =	vld [tilespmem:s28+$0xFFFFFFC0]  }
0x314: {  	vm10 =	vle.f32 v47, v15;
	v25 =	vcvt.f32.s32 v55;
	v58 =	vmul.f32 v56, v13  }
0x315: {  	v39 =	vsub.f32 v61, v6;
	vm6 =	vmand vm9, vm10  }
0x316: {  	v25 =	vadd.s32 s26, v25;
	v28 =	vmax.f32 v58, $0.0e+00;
	v57 =	vsub.f32 v54, v17  }
0x317: {  	vm0 =	vmand vm0, vm1;
	v32 =	vmul.f32 v39, v9;
	v62 =	vmin.f32 v28, $6.300000000e+01  }
0x318: {  	[tilespmem:v27+s14+$0x0] =	vst.idx.add.f32.msk vm5, v1;
	v27 =	vtrunc.f32 v62;
	v60 =	vmul.f32 v57, v22;
	v37 =	vsub.f32 v59, v18  }
0x319: {  	[tilespmem:v26+s14+$0x0] =	vst.idx.add.f32.msk vm2, v1;
	vm11 =	vge.f32 v52, v12;
	vm12 =	vle.f32 v52, v14;
	v36 =	vcvt.f32.s32 v27  }
0x31a: {  	vm3 =	vmand vm11, vm12;
	v58 =	vld [tilespmem:s20+$0xFFFFFFF0];
	v24 =	vmax.f32 v60, $0.0e+00;
	v27 =	vmul.f32 v37, v21  }
0x31b: {  	vm10 =	vge.f32 v61, v6;
	[tilespmem:v25+s14+$0x0] =	vst.idx.add.f32.msk vm6, v1;
	v25 =	vadd.s32 s25, v36;
	v24 =	vmin.f32 v24, $6.300000000e+01  }
0x31c: {  	vm13 =	vge.f32 v54, v17;
	v63 =	vld [tilespmem:s21+$0x60];
	v24 =	vtrunc.f32 v24;
	v27 =	vmax.f32 v27, $0.0e+00  }
0x31d: {  	vm14 =	vle.f32 v54, v20;
	v38 =	vld [tilespmem:s24+$0x50];
	v24 =	vcvt.f32.s32 v24;
	v27 =	vmin.f32 v27, $6.300000000e+01  }
0x31e: {  	vm4 =	vmand vm13, vm14;
	vm15 =	vge.f32 v59, v18;
	v27 =	vtrunc.f32 v27  }
0x31f: {  	vm9 =	vle.f32 v59, v19;
	v24 =	vadd.s32 s31, v24;
	v42 =	vcvt.f32.s32 v27  }
0x320: {  	vm11 =	vle.f32 v61, v8;
	v62 =	vsub.f32 v58, v3;
	[tilespmem:v25+s14+$0x0] =	vst.idx.add.f32.msk vm3, v1;
	vm3 =	vmand vm15, vm9  }
0x321: {  	vm1 =	vge.f32 v58, v3;
	v40 =	vsub.f32 v63, v5;
	v25 =	vadd.s32 s29, v42  }
0x322: {  	vm14 =	vge.f32 v63, v5;
	v3 =	vmul.f32 v62, v4;
	v41 =	vsub.f32 v38, v11  }
0x323: {  	v43 =	vmul.f32 v40, v10;
	vm12 =	vge.f32 v38, v11;
	vm13 =	vle.f32 v38, v15;
	v47 =	vld [tilespmem:s24+$0xFFFFFFD0]  }
0x324: {  	v44 =	vmax.f32 v32, $0.0e+00;
	vm15 =	vle.f32 v63, v7;
	v45 =	vmul.f32 v41, v16;
	[tilespmem:v24+s14+$0x0] =	vst.idx.add.f32.msk vm4, v1  }
0x325: {  	vm5 =	vmand vm14, vm15;
	v27 =	vmax.f32 v43, $0.0e+00;
	v24 =	vmin.f32 v44, $6.300000000e+01;
	v46 =	vld [tilespmem:s28+$0x50]  }
0x326: {  	v27 =	vmin.f32 v27, $6.300000000e+01;
	v29 =	vmax.f32 v45, $0.0e+00;
	v24 =	vtrunc.f32 v24;
	[tilespmem:v25+s14+$0x0] =	vst.idx.add.f32.msk vm3, v1  }
0x327: {  	v27 =	vtrunc.f32 v27;
	v29 =	vmin.f32 v29, $6.300000000e+01;
	v24 =	vcvt.f32.s32 v24;
	v50 =	vld [tilespmem:s28+$0xFFFFFFD0]  }
0x328: {  	vm4 =	vmand vm10, vm11;
	v29 =	vtrunc.f32 v29;
	v49 =	vsub.f32 v47, v12  }
0x329: {  	v27 =	vcvt.f32.s32 v27;
	v29 =	vcvt.f32.s32 v29;
	v24 =	vadd.s32 s23, v24  }
0x32a: {  	vm3 =	vmand vm12, vm13;
	v25 =	vmul.f32 v49, v13;
	v48 =	vsub.f32 v46, v17  }
0x32b: {  	vm9 =	vge.f32 v47, v12;
	v27 =	vadd.s32 s22, v27;
	v51 =	vadd.s32 s26, v29  }
0x32c: {  	v25 =	vmax.f32 v25, $0.0e+00;
	v33 =	vmul.f32 v48, v22;
	v56 =	vsub.f32 v50, v18  }
0x32d: {  	vm13 =	vle.f32 v47, v14;
	vm10 =	vge.f32 v46, v17;
	v54 =	vmin.f32 v25, $6.300000000e+01  }
0x32e: {  	[tilespmem:v24+s14+$0x0] =	vst.idx.add.f32.msk vm4, v1;
	v24 =	vtrunc.f32 v54;
	v52 =	vmax.f32 v33, $0.0e+00;
	v26 =	vmul.f32 v56, v21  }
0x32f: {  	vm11 =	vle.f32 v46, v20;
	v57 =	vld [tilespmem:s21+$0xFFFFFFE0];
	v24 =	vcvt.f32.s32 v24;
	v53 =	vmin.f32 v52, $6.300000000e+01  }
0x330: {  	vm2 =	vmand vm9, vm13;
	[tilespmem:v51+s14+$0x0] =	vst.idx.add.f32.msk vm3, v1;
	v55 =	vtrunc.f32 v53;
	v26 =	vmax.f32 v26, $0.0e+00  }
0x331: {  	v28 =	vld [tilespmem:s24+$0x60];
	v24 =	vadd.s32 s25, v24;
	v25 =	vcvt.f32.s32 v55;
	v26 =	vmin.f32 v26, $6.300000000e+01  }
0x332: {  	vm12 =	vmand vm10, vm11;
	[tilespmem:v27+s14+$0x0] =	vst.idx.add.f32.msk vm5, v1;
	vm14 =	vge.f32 v50, v18;
	v26 =	vtrunc.f32 v26  }
0x333: {  	v37 =	vld [tilespmem:s21+$0x70];
	vm15 =	vle.f32 v50, v19;
	v25 =	vadd.s32 s31, v25;
	v26 =	vcvt.f32.s32 v26  }
0x334: {  	vm8 =	vmand vm14, vm15;
	v59 =	vsub.f32 v57, v6  }
0x335: {  	v3 =	vmax.f32 v3, $0.0e+00;
	v26 =	vadd.s32 s29, v26  }
0x336: {  	v3 =	vmin.f32 v3, $6.300000000e+01;
	v60 =	vmul.f32 v59, v9;
	v61 =	vsub.f32 v28, v11;
	[tilespmem:v24+s14+$0x0] =	vst.idx.add.f32.msk vm2, v1  }
0x337: {  	v23 =	vcvt.f32.s32 v23;
	v3 =	vtrunc.f32 v3;
	vm3 =	vle.f32 v58, v2;
	v24 =	vld [tilespmem:s24+$0xFFFFFFE0]  }
0x338: {  	v43 =	vsub.f32 v37, v5;
	v27 =	vmax.f32 v60, $0.0e+00;
	v30 =	vmul.f32 v61, v16;
	[tilespmem:v25+s14+$0x0] =	vst.idx.add.f32.msk vm12, v1  }
0x339: {  	vm9 =	vge.f32 v57, v6;
	vm10 =	vle.f32 v57, v8;
	v36 =	vmin.f32 v27, $6.300000000e+01;
	v63 =	vld [tilespmem:s28+$0x60]  }
0x33a: {  	v2 =	vmul.f32 v43, v10;
	v4 =	vtrunc.f32 v36;
	v38 =	vmax.f32 v30, $0.0e+00;
	[tilespmem:v26+s14+$0x0] =	vst.idx.add.f32.msk vm8, v1  }
0x33b: {  	vm2 =	vmand vm9, vm10;
	v4 =	vcvt.f32.s32 v4;
	v27 =	vmin.f32 v38, $6.300000000e+01;
	v41 =	vld [tilespmem:s28+$0xFFFFFFE0]  }
0x33c: {  	vm11 =	vge.f32 v28, v11;
	v27 =	vtrunc.f32 v27;
	v42 =	vsub.f32 v24, v12  }
0x33d: {  	vm12 =	vle.f32 v28, v15;
	v4 =	vadd.s32 s23, v4;
	v40 =	vcvt.f32.s32 v27  }
0x33e: {  	vm4 =	vmand vm11, vm12;
	v28 =	vmul.f32 v42, v13;
	v39 =	vsub.f32 v63, v17  }
0x33f: {  	v2 =	vmax.f32 v2, $0.0e+00;
	vm15 =	vge.f32 v24, v12;
	v26 =	vadd.s32 s26, v40  }
0x340: {  	v28 =	vmax.f32 v28, $0.0e+00;
	v29 =	vmul.f32 v39, v22;
	v45 =	vsub.f32 v41, v18  }
0x341: {  	vm8 =	vle.f32 v24, v14;
	vm13 =	vge.f32 v63, v17;
	v46 =	vmin.f32 v28, $6.300000000e+01  }
0x342: {  	[tilespmem:v4+s14+$0x0] =	vst.idx.add.f32.msk vm2, v1;
	v4 =	vtrunc.f32 v46;
	v29 =	vmax.f32 v29, $0.0e+00;
	v47 =	vmul.f32 v45, v21  }
0x343: {  	vm14 =	vle.f32 v63, v20;
	v4 =	vcvt.f32.s32 v4;
	v44 =	vmin.f32 v29, $6.300000000e+01  }
0x344: {  	[tilespmem:v26+s14+$0x0] =	vst.idx.add.f32.msk vm4, v1;
	vm4 =	vmand vm15, vm8;
	v10 =	vtrunc.f32 v44;
	v28 =	vmax.f32 v47, $0.0e+00  }
0x345: {  	v48 =	vld [tilespmem:s21+$0xFFFFFFF0];
	v4 =	vadd.s32 s25, v4;
	v10 =	vcvt.f32.s32 v10;
	v49 =	vmin.f32 v28, $6.300000000e+01  }
0x346: {  	vm2 =	vmand vm13, vm14;
	vm9 =	vge.f32 v41, v18;
	v26 =	vld [tilespmem:s24+$0x70];
	v24 =	vtrunc.f32 v49  }
0x347: {  	vm10 =	vle.f32 v41, v19;
	v10 =	vadd.s32 s31, v10;
	v24 =	vcvt.f32.s32 v24  }
0x348: {  	v3 =	vcvt.f32.s32 v3;
	v2 =	vmin.f32 v2, $6.300000000e+01;
	vm5 =	vmand vm9, vm10  }
0x349: {  	v23 =	vadd.s32 s18, v23;
	v2 =	vtrunc.f32 v2;
	v51 =	vadd.s32 s29, v24  }
0x34a: {  	v3 =	vadd.s32 s19, v3;
	v2 =	vcvt.f32.s32 v2;
	v52 =	vsub.f32 v48, v6;
	[tilespmem:v4+s14+$0x0] =	vst.idx.add.f32.msk vm4, v1  }
0x34b: {  	vm1 =	vmand vm1, vm3;
	vm11 =	vge.f32 v37, v5;
	v50 =	vsub.f32 v26, v11;
	v56 =	vld [tilespmem:s24+$0xFFFFFFF0]  }
0x34c: {  	vm12 =	vle.f32 v37, v7;
	v2 =	vadd.s32 s22, v2;
	v5 =	vmul.f32 v52, v9;
	[tilespmem:v10+s14+$0x0] =	vst.idx.add.f32.msk vm2, v1  }
0x34d: {  	vm13 =	vge.f32 v48, v6;
	vm14 =	vle.f32 v48, v8;
	v54 =	vmul.f32 v50, v16;
	v53 =	vld [tilespmem:s28+$0x70]  }
0x34e: {  	vm15 =	vge.f32 v26, v11;
	vm9 =	vle.f32 v26, v15;
	v5 =	vmax.f32 v5, $0.0e+00;
	[tilespmem:v51+s14+$0x0] =	vst.idx.add.f32.msk vm5, v1  }
0x34f: {  	vm4 =	vmand vm13, vm14;
	v5 =	vmin.f32 v5, $6.300000000e+01;
	v55 =	vmax.f32 v54, $0.0e+00;
	v58 =	vld [tilespmem:s28+$0xFFFFFFF0]  }
0x350: {  	vm3 =	vmand vm15, vm9;
	v5 =	vtrunc.f32 v5;
	v4 =	vmin.f32 v55, $6.300000000e+01  }
0x351: {  	vm2 =	vmand vm11, vm12;
	v5 =	vcvt.f32.s32 v5;
	v4 =	vtrunc.f32 v4  }
0x352: {  	v59 =	vsub.f32 v56, v12;
	vm10 =	vge.f32 v56, v12;
	vm13 =	vle.f32 v56, v14  }
0x353: {  	v4 =	vcvt.f32.s32 v4;
	v5 =	vadd.s32 s23, v5;
	v57 =	vsub.f32 v53, v17  }
0x354: {  	v9 =	vmul.f32 v59, v13;
	vm5 =	vmand vm10, vm13;
	v60 =	vsub.f32 v58, v18  }
0x355: {  	v4 =	vadd.s32 s26, v4;
	vm11 =	vge.f32 v53, v17;
	v6 =	vmul.f32 v57, v22  }
0x356: {  	vm12 =	vle.f32 v53, v20;
	v9 =	vmax.f32 v9, $0.0e+00;
	v10 =	vmul.f32 v60, v21  }
0x357: {  	vm6 =	vmand vm11, vm12;
	v61 =	vmin.f32 v9, $6.300000000e+01;
	v6 =	vmax.f32 v6, $0.0e+00  }
0x358: {  	v7 =	vtrunc.f32 v61;
	v6 =	vmin.f32 v6, $6.300000000e+01;
	v62 =	vmax.f32 v10, $0.0e+00  }
0x359: {  	v7 =	vcvt.f32.s32 v7;
	v6 =	vtrunc.f32 v6;
	v9 =	vmin.f32 v62, $6.300000000e+01  }
0x35a: {  	vm14 =	vge.f32 v58, v18;
	v6 =	vcvt.f32.s32 v6;
	v9 =	vtrunc.f32 v9  }
0x35b: {  	[tilespmem:v2+s14+$0x0] =	vst.idx.add.f32.msk vm2, v1;
	vm15 =	vle.f32 v58, v19;
	v2 =	vadd.s32 s25, v7;
	v63 =	vcvt.f32.s32 v9  }
0x35c: {  	[tilespmem:v23+s14+$0x0] =	vst.idx.add.f32.msk vm0, v1;
	vm0 =	vmand vm14, vm15;
	v6 =	vadd.s32 s31, v6  }
0x35d: {  	[tilespmem:v3+s14+$0x0] =	vst.idx.add.f32.msk vm1, v1;
	v3 =	vadd.s32 s29, v63  }
0x35e: {  	[tilespmem:v5+s14+$0x0] =	vst.idx.add.f32.msk vm4, v1  }
0x35f: {  	[tilespmem:v4+s14+$0x0] =	vst.idx.add.f32.msk vm3, v1  }
0x360: {  	s17 =	sadd.s32 $0x1, s17;
	[tilespmem:v2+s14+$0x0] =	vst.idx.add.f32.msk vm5, v1  }
0x361: {  	p0 =	sne.s32 s17, s7;
	[tilespmem:v6+s14+$0x0] =	vst.idx.add.f32.msk vm6, v1  }
.Ltmp3:
0x362: {  	[tilespmem:v3+s14+$0x0] =	vst.idx.add.f32.msk vm0, v1;
	(pc) =	sbr.rel @p0 .LBB2_1-.Ltmp3, $4  }
0x363: {  	[hbm4b:s6+s16] =	stream.strided.scatter [tilespmem:s14], [sflag:$0x3], $0x3200, s8, s16, $0x38;
	[tilespmem:$0x11F80] =	vst v63  }
0x364: {  	_ =	swait.ge [sflag:s11], $0x3200  }
0x365: {  	[sflag:s11] =	ssyncset.done $0x0  }
0x366: {  	[sflag:s11] =	ssyncadd.s32 $0xFFFFCE00  }
0x367: {  	_ =	sfence.sel $0x180000  }
0x368: {  	[bflag:$0x0] =	sbarrier.arrive $0xFFFF  }
0x369: {  	_ =	strace $0x9000004A  }
0x36a: {  	s0 =	stileid.u32;
	[bflag:$0x2] =	sbarrier.arrive $0xFFFF  }
0x36b: {  	p0 =	sne.s32 s0, $0x0;
	s0 =	rddreg [dreg:$0x1]  }
0x36c: {  	s0 =	sadd.s32 @!p0 $0x100000, s0  }
0x36d: {  	[sflag:s0] =	ssyncadd.tile.s32 @!p0 $0x1;
	_ =	shalt  }
.Lfunc_end2:
_tile_overlayer_lowered:
.L_overlay_start_2:
0x36e: {  	(tag) =	ssettag $0x2  }
0x36f: {  	s0 =	rddreg [dreg:$0x0];
	s2 =	stileid.u32  }
0x370: {  	s1 =	rddreg [dreg:$0x1];
	p0 =	sne.s32 s2, $0x0  }
0x371: {  	s3 =	rddreg [dreg:$0x2];
	[bflag:$0x3] =	sbarrier.arrive $0xFFFF;
	s2 =	simm.s32 @!p0 $0x1C03  }
0x372: {  	[timem:s3], [sflag:s2] =	dma.local @!p0 [hbm:s0], s1  }
0x373: {  	s0 =	simm.s32 @!p0 $0x3  }
0x374: {  	_ =	swait.ge @!p0 [sflag:s0], s1  }
0x375: {  	s1 =	ssub.s32 @!p0 $0x0, s1;
	[sflag:s0] =	ssyncset.done @!p0 $0x0  }
0x376: {  	[sflag:s0] =	ssyncadd.s32 @!p0 s1  }
0x377: {  	[bflag:$0x3] =	sbarrier.arrive $0xFFFF  }
0x378: {  	_ =	shalt  }

</sc_bundles>
